<compile_context>
chip_gen: v7x
topology: tpu7x:2x2x1
jax: 0.10.2.dev20260603
libtpu: 0.0.44.dev20260713+nightly
codegen_flags: <defaults>
</compile_context>

<pallas_src>
import functools

import jax
import jax.numpy as jnp
from jax import lax
from jax.experimental import pallas as pl
from jax.experimental.pallas import tpu as pltpu
from jax.experimental.pallas import tpu_sc as plsc

B = 16
N = 512 * 512
LANES = 16
SHIFT = 18
NB = 1 << (32 - SHIFT)
CHUNK = 2048
NVEC = CHUNK // LANES
NHCHUNK = (N // 2) // CHUNK
UNROLL = 4
NBVEC = NB // LANES
PB = 2048
NRING = 4


def _body(logits_hbm, labels_hbm, out_hbm, lbuf, ybuf, hc, ha, obuf,
          pbuf, shared, sem0, sem1, sem2, sem3):
    cid = lax.axis_index("c")
    sid = lax.axis_index("s")
    wid = cid * 16 + sid
    img = wid // 2
    half = wid % 2

    zeros = jnp.zeros((LANES,), jnp.float32)
    ones = jnp.ones((LANES,), jnp.float32)

    sems = (sem0, sem1, sem2, sem3)

    HC = CHUNK // 2

    def _start(c, slot):
        base = img * N + half * (N // 2) + c * CHUNK
        for hh in range(2):
            pltpu.async_copy(logits_hbm.at[pl.ds(base + hh * HC, HC)],
                             lbuf.at[slot, pl.ds(hh * HC, HC)], sems[slot])
            pltpu.async_copy(labels_hbm.at[pl.ds(base + hh * HC, HC)],
                             ybuf.at[slot, pl.ds(hh * HC, HC)], sems[slot])

    def _drain(slot):
        for hh in range(2):
            pltpu.make_async_copy(logits_hbm.at[pl.ds(0, HC)],
                                  lbuf.at[slot, pl.ds(hh * HC, HC)],
                                  sems[slot]).wait()
            pltpu.make_async_copy(labels_hbm.at[pl.ds(0, HC)],
                                  ybuf.at[slot, pl.ds(hh * HC, HC)],
                                  sems[slot]).wait()

    def _process(slot):
        def _vec(i):
            off = i * LANES
            l = lbuf[slot, pl.ds(off, LANES)]
            y = ybuf[slot, pl.ds(off, LANES)]
            yf = y.astype(jnp.float32)
            e = 1.0 - l * (2.0 * yf - 1.0)
            act = jnp.where(e > 0.0, e + 1.0, jnp.exp(e))
            bits = lax.bitcast_convert_type(e, jnp.int32)
            xm = (bits >> 31) | jnp.int32(-(2**31))
            key = bits ^ xm
            bin_ = lax.shift_right_logical(key, SHIFT) + (y << 14)
            plsc.addupdate_scatter(hc, [bin_], ones)
            plsc.addupdate_scatter(ha, [bin_], act)

        plsc.parallel_loop(0, NVEC, unroll=UNROLL)(_vec)

    _start(0, 0)
    _start(1, 1)

    def _zero(i):
        hc[pl.ds(i * LANES, LANES)] = zeros
        ha[pl.ds(i * LANES, LANES)] = zeros

    plsc.parallel_loop(0, 2 * NBVEC, unroll=4)(_zero)
    _start(2, 2)

    def _chunk4(c4, _):
        for b in range(NRING):
            _drain(b)
            nxt = c4 * NRING + b + (NRING - 1)

            @pl.when(nxt < NHCHUNK)
            def _():
                _start(nxt, (b + NRING - 1) % NRING)

            _process(b)
        return 0

    lax.fori_loop(0, NHCHUNK // NRING, _chunk4, 0)

    pair = sid // 2

    @pl.when(half == 1)
    def _():
        pltpu.sync_copy(hc, shared.at[pl.ds((pair * 2 + 0) * 2 * NB, 2 * NB)])
        pltpu.sync_copy(ha, shared.at[pl.ds((pair * 2 + 1) * 2 * NB, 2 * NB)])

    plsc.subcore_barrier()

    @pl.when(half == 0)
    def _():
        for k, h in enumerate((hc, ha)):
            for j in range(2 * NB // PB):
                pltpu.sync_copy(
                    shared.at[pl.ds((pair * 2 + k) * 2 * NB + j * PB, PB)],
                    pbuf)

                def _merge(i):
                    sl = pl.ds(j * PB + i * LANES, LANES)
                    h[sl] = h[sl] + pbuf[pl.ds(i * LANES, LANES)]

                plsc.parallel_loop(0, PB // LANES, unroll=4)(_merge)

        def _gsum(i, gv):
            return gv + hc[pl.ds(NB + i * LANES, LANES)]

        gvec = plsc.parallel_loop(0, NBVEC, unroll=4,
                                  carry=zeros)(_gsum)
        g = jnp.sum(gvec)
        totn = jnp.float32(N)
        idx15 = jnp.full((LANES,), 15, jnp.int32)

        def _scan(i, carry):
            accn, accp, accl = carry
            cneg = hc[pl.ds(i * LANES, LANES)]
            cpos = hc[pl.ds(NB + i * LANES, LANES)]
            sneg = ha[pl.ds(i * LANES, LANES)]
            spos = ha[pl.ds(NB + i * LANES, LANES)]
            n = cneg + cpos
            p = cpos
            s = sneg + spos
            cn = plsc.cumsum(n) + accn
            cp = plsc.cumsum(p) + accp
            n_excl = totn - cn
            p_excl = g - cp
            n_incl = n_excl + n
            p_incl = p_excl + p
            jb = 1.0 - (g - p_incl) / jnp.maximum(g + n_incl - p_incl, 1.0)
            ja = 1.0 - (g - p_excl) / jnp.maximum(g + n_excl - p_excl, 1.0)
            accl = accl + s * (jb - ja) / jnp.maximum(n, 1.0)
            return (jnp.take(cn, idx15), jnp.take(cp, idx15), accl)

        _, _, accl = plsc.parallel_loop(
            0, NBVEC, unroll=2,
            carry=(zeros, zeros, zeros))(lambda i, c: _scan(i, c))

        loss = jnp.sum(accl)
        obuf[...] = jnp.broadcast_to(loss, (LANES,))
        pltpu.sync_copy(obuf, out_hbm.at[img])


@jax.jit
def _lovasz_sc(logits_flat, labels_flat):
    mesh = plsc.VectorSubcoreMesh(core_axis_name="c", subcore_axis_name="s")
    return pl.kernel(
        _body,
        out_type=jax.ShapeDtypeStruct((B, LANES), jnp.float32),
        mesh=mesh,
        compiler_params=pltpu.CompilerParams(needs_layout_passes=False),
        scratch_types=[
            pltpu.VMEM((NRING, CHUNK), jnp.float32),
            pltpu.VMEM((NRING, CHUNK), jnp.int32),
            pltpu.VMEM((2 * NB,), jnp.float32),
            pltpu.VMEM((2 * NB,), jnp.float32),
            pltpu.VMEM((LANES,), jnp.float32),
            pltpu.VMEM((PB,), jnp.float32),
            pltpu.VMEM_SHARED((8 * 2 * 2 * NB,), jnp.float32),
            pltpu.SemaphoreType.DMA,
            pltpu.SemaphoreType.DMA,
            pltpu.SemaphoreType.DMA,
            pltpu.SemaphoreType.DMA,
        ],
    )(logits_flat, labels_flat)


def kernel(logits, labels):
    out = _lovasz_sc(logits.reshape(-1), labels.reshape(-1))
    return jnp.mean(out[:, 0])

# --- scband reference (transcript-rebuilt; emitter-appended) ---
"""Pipeline reference for scband-lovasz-hinge-1580547968527 (READ-ONLY COPY).

The authoritative reference and input builder live on the scoring server;
editing this copy changes nothing except your own understanding.
"""

import jax, jax.numpy as jnp
import numpy as np


def setup_inputs(seed: int = 0) -> dict:
    key = jax.random.key(seed)
    k1, k2 = jax.random.split(key)
    logits = jax.random.normal(k1, (16, 512, 512), dtype=jnp.float32)
    labels = jax.random.randint(k2, (16, 512, 512), 0, 2, dtype=jnp.int32)
    return {"logits": logits, "labels": labels}


def _lovasz_hinge_flat(logits, labels):
    # logits: [H, W] float, labels: [H, W] int (0/1)
    logits = logits.reshape(-1)
    labels_f = labels.reshape(-1).astype(jnp.float32)
    signs = 2.0 * labels_f - 1.0
    errors = 1.0 - logits * signs
    # torch.sort(errors, descending=True)
    perm = jnp.argsort(-errors)
    errors_sorted = errors[perm]
    gt_sorted = labels_f[perm]
    # lovasz_grad
    gts = gt_sorted.sum()
    intersection = gts - jnp.cumsum(gt_sorted)
    union = gts + jnp.cumsum(1.0 - gt_sorted)
    jaccard = 1.0 - intersection / union
    jaccard = jnp.concatenate([jaccard[:1], jaccard[1:] - jaccard[:-1]])
    # activation: elu(x) + 1.0
    act = jax.nn.elu(errors_sorted) + 1.0
    return jnp.dot(act, jaccard)


def reference(logits, labels):
    # per_image=True, ignore=None: loop (vmap) over batch, nanmean of per-image losses.
    losses = jax.vmap(_lovasz_hinge_flat)(logits, labels)
    return jnp.mean(losses)

if __name__ == "__main__":
    import jax
    _d = setup_inputs()
    print(jax.jit(kernel)(*tuple(_d.values())))

</pallas_src>

<mosaic_0001>
#map = affine_map<(d0, d1) -> (0)>
#map1 = affine_map<(d0, d1) -> (0, 0)>
module attributes {stable_mosaic.version = 14 : i64} {
  func.func @_body(%arg0: i32, %arg1: i32, %arg2: memref<4194304xf32, #tpu.memory_space<hbm>>, %arg3: memref<4194304xi32, #tpu.memory_space<hbm>>, %arg4: memref<16x16xf32, #tpu.memory_space<hbm>>, %arg5: memref<4x2048xf32, #tpu.memory_space<vmem>>, %arg6: memref<4x2048xi32, #tpu.memory_space<vmem>>, %arg7: memref<32768xf32, #tpu.memory_space<vmem>>, %arg8: memref<32768xf32, #tpu.memory_space<vmem>>, %arg9: memref<16xf32, #tpu.memory_space<vmem>>, %arg10: memref<2048xf32, #tpu.memory_space<vmem>>, %arg11: memref<524288xf32, #tpu.memory_space<vmem_shared>>, %arg12: memref<!tpu.dma_semaphore, #tpu.memory_space<semaphore_mem>>, %arg13: memref<!tpu.dma_semaphore, #tpu.memory_space<semaphore_mem>>, %arg14: memref<!tpu.dma_semaphore, #tpu.memory_space<semaphore_mem>>, %arg15: memref<!tpu.dma_semaphore, #tpu.memory_space<semaphore_mem>>) attributes {dimension_semantics = [#tpu.dimension_semantics<core_parallel>, #tpu.dimension_semantics<subcore_parallel>], iteration_bounds = array<i64: 2, 16>, scalar_prefetch = 0 : i64, scratch_operands = 11 : i64, tpu.core_type = #tpu.core_type<sc_vector_subcore>, window_params = [{transform_indices = #map}, {transform_indices = #map}, {transform_indices = #map1}]} {
    %mul3A = arith.constant 16 : i32
    %mul3A_0 = arith.muli %arg0, %mul3A : i32
    %add3A = arith.addi %mul3A_0, %arg1 : i32
    %jit3A = arith.constant 2 : i32
    %div3A = arith.divsi %add3A, %jit3A : i32
    %sign3A = arith.constant 0 : i32
    %sign3A_1 = arith.cmpi sgt, %add3A, %sign3A : i32
    %sign3A_2 = arith.extui %sign3A_1 : i1 to i32
    %sign3A_3 = arith.constant 0 : i32
    %sign3A_4 = arith.cmpi slt, %add3A, %sign3A_3 : i32
    %sign3A_5 = arith.extui %sign3A_4 : i1 to i32
    %sign3A_6 = arith.subi %sign3A_2, %sign3A_5 : i32
    %sign3A_7 = arith.constant 0 : i32
    %sign3A_8 = arith.cmpi sgt, %jit3A, %sign3A_7 : i32
    %sign3A_9 = arith.extui %sign3A_8 : i1 to i32
    %sign3A_10 = arith.constant 0 : i32
    %sign3A_11 = arith.cmpi slt, %jit3A, %sign3A_10 : i32
    %sign3A_12 = arith.extui %sign3A_11 : i1 to i32
    %sign3A_13 = arith.subi %sign3A_9, %sign3A_12 : i32
    %ne3A = arith.cmpi ne, %sign3A_6, %sign3A_13 : i32
    %rem3A = arith.remsi %add3A, %jit3A : i32
    %ne3A_14 = arith.constant 0 : i32
    %ne3A_15 = arith.cmpi ne, %rem3A, %ne3A_14 : i32
    %and3A = arith.andi %ne3A, %ne3A_15 : i1
    %sub3A = arith.constant 1 : i32
    %sub3A_16 = arith.subi %div3A, %sub3A : i32
    %select_n3A = arith.select %and3A, %sub3A_16, %div3A : i32
    %jit3A_17 = arith.constant 2 : i32
    %eq3A = arith.constant 0 : i32
    %eq3A_18 = arith.cmpi eq, %jit3A_17, %eq3A : i32
    %jit3A_19 = arith.constant 1 : i32
    %select_n3A_20 = arith.select %eq3A_18, %jit3A_19, %jit3A_17 : i32
    %rem3A_21 = arith.remsi %add3A, %select_n3A_20 : i32
    %ne3A_22 = arith.constant 0 : i32
    %ne3A_23 = arith.cmpi ne, %rem3A_21, %ne3A_22 : i32
    %lt3A = arith.constant 0 : i32
    %lt3A_24 = arith.cmpi slt, %rem3A_21, %lt3A : i32
    %lt3A_25 = arith.constant 0 : i32
    %lt3A_26 = arith.cmpi slt, %select_n3A_20, %lt3A_25 : i32
    %ne3A_27 = arith.xori %lt3A_24, %lt3A_26 : i1
    %and3A_28 = arith.andi %ne3A_27, %ne3A_23 : i1
    %add3A_29 = arith.addi %rem3A_21, %select_n3A_20 : i32
    %select_n3A_30 = arith.select %and3A_28, %add3A_29, %rem3A_21 : i32
    %broadcast_in_dim3A = arith.constant 0.000000e+00 : f32
    %broadcast_in_dim3A_31 = vector.broadcast %broadcast_in_dim3A : f32 to vector<16xf32>
    %broadcast_in_dim3A_32 = arith.constant 1.000000e+00 : f32
    %broadcast_in_dim3A_33 = vector.broadcast %broadcast_in_dim3A_32 : f32 to vector<16xf32>
    %mul3A_34 = arith.constant 262144 : i32
    %mul3A_35 = arith.muli %select_n3A, %mul3A_34 : i32
    %mul3A_36 = arith.constant 131072 : i32
    %mul3A_37 = arith.muli %select_n3A_30, %mul3A_36 : i32
    %add3A_38 = arith.addi %mul3A_35, %mul3A_37 : i32
    %add3A_39 = arith.constant 0 : i32
    %add3A_40 = arith.addi %add3A_38, %add3A_39 : i32
    %add3A_41 = arith.constant 0 : i32
    %add3A_42 = arith.addi %add3A_40, %add3A_41 : i32
    %dma_start3A = arith.constant 0 : i32
    %dma_start3A_43 = arith.constant 0 : i32
    %dma_start3A_44 = tpu.memref_slice %arg5[%dma_start3A, %dma_start3A_43] : memref<4x2048xf32, #tpu.memory_space<vmem>> -> memref<1x1024xf32, #tpu.memory_space<vmem>>
    %dma_start3A_45 = tpu.memref_squeeze %dma_start3A_44 : memref<1x1024xf32, #tpu.memory_space<vmem>> -> memref<1024xf32, #tpu.memory_space<vmem>>
    %dma_start3A_46 = tpu.memref_slice %arg2[%add3A_42] : memref<4194304xf32, #tpu.memory_space<hbm>> -> memref<1024xf32, #tpu.memory_space<hbm>>
    %dma_start3A_47 = arith.constant 0 : i32
    %dma_start3A_48 = tpu.memref_slice %arg5[%dma_start3A, %dma_start3A_47] : memref<4x2048xf32, #tpu.memory_space<vmem>> -> memref<1x1024xf32, #tpu.memory_space<vmem>>
    %dma_start3A_49 = tpu.memref_squeeze %dma_start3A_48 : memref<1x1024xf32, #tpu.memory_space<vmem>> -> memref<1024xf32, #tpu.memory_space<vmem>>
    %dma_start3A_50 = tpu.memref_slice %arg2[%add3A_42] : memref<4194304xf32, #tpu.memory_space<hbm>> -> memref<1024xf32, #tpu.memory_space<hbm>>
    tpu.enqueue_dma source(%dma_start3A_50 : memref<1024xf32, #tpu.memory_space<hbm>>) target(%dma_start3A_49 : memref<1024xf32, #tpu.memory_space<vmem>>) target_semaphore(%arg12 : memref<!tpu.dma_semaphore, #tpu.memory_space<semaphore_mem>>)
    %add3A_51 = arith.constant 0 : i32
    %add3A_52 = arith.addi %add3A_40, %add3A_51 : i32
    %dma_start3A_53 = arith.constant 0 : i32
    %dma_start3A_54 = arith.constant 0 : i32
    %dma_start3A_55 = tpu.memref_slice %arg6[%dma_start3A_53, %dma_start3A_54] : memref<4x2048xi32, #tpu.memory_space<vmem>> -> memref<1x1024xi32, #tpu.memory_space<vmem>>
    %dma_start3A_56 = tpu.memref_squeeze %dma_start3A_55 : memref<1x1024xi32, #tpu.memory_space<vmem>> -> memref<1024xi32, #tpu.memory_space<vmem>>
    %dma_start3A_57 = tpu.memref_slice %arg3[%add3A_52] : memref<4194304xi32, #tpu.memory_space<hbm>> -> memref<1024xi32, #tpu.memory_space<hbm>>
    %dma_start3A_58 = arith.constant 0 : i32
    %dma_start3A_59 = tpu.memref_slice %arg6[%dma_start3A_53, %dma_start3A_58] : memref<4x2048xi32, #tpu.memory_space<vmem>> -> memref<1x1024xi32, #tpu.memory_space<vmem>>
    %dma_start3A_60 = tpu.memref_squeeze %dma_start3A_59 : memref<1x1024xi32, #tpu.memory_space<vmem>> -> memref<1024xi32, #tpu.memory_space<vmem>>
    %dma_start3A_61 = tpu.memref_slice %arg3[%add3A_52] : memref<4194304xi32, #tpu.memory_space<hbm>> -> memref<1024xi32, #tpu.memory_space<hbm>>
    tpu.enqueue_dma source(%dma_start3A_61 : memref<1024xi32, #tpu.memory_space<hbm>>) target(%dma_start3A_60 : memref<1024xi32, #tpu.memory_space<vmem>>) target_semaphore(%arg12 : memref<!tpu.dma_semaphore, #tpu.memory_space<semaphore_mem>>)
    %add3A_62 = arith.constant 1024 : i32
    %add3A_63 = arith.addi %add3A_40, %add3A_62 : i32
    %dma_start3A_64 = arith.constant 0 : i32
    %dma_start3A_65 = arith.constant 1024 : i32
    %dma_start3A_66 = tpu.memref_slice %arg5[%dma_start3A_64, %dma_start3A_65] : memref<4x2048xf32, #tpu.memory_space<vmem>> -> memref<1x1024xf32, #tpu.memory_space<vmem>>
    %dma_start3A_67 = tpu.memref_squeeze %dma_start3A_66 : memref<1x1024xf32, #tpu.memory_space<vmem>> -> memref<1024xf32, #tpu.memory_space<vmem>>
    %dma_start3A_68 = tpu.memref_slice %arg2[%add3A_63] : memref<4194304xf32, #tpu.memory_space<hbm>> -> memref<1024xf32, #tpu.memory_space<hbm>>
    %dma_start3A_69 = arith.constant 1024 : i32
    %dma_start3A_70 = tpu.memref_slice %arg5[%dma_start3A_64, %dma_start3A_69] : memref<4x2048xf32, #tpu.memory_space<vmem>> -> memref<1x1024xf32, #tpu.memory_space<vmem>>
    %dma_start3A_71 = tpu.memref_squeeze %dma_start3A_70 : memref<1x1024xf32, #tpu.memory_space<vmem>> -> memref<1024xf32, #tpu.memory_space<vmem>>
    %dma_start3A_72 = tpu.memref_slice %arg2[%add3A_63] : memref<4194304xf32, #tpu.memory_space<hbm>> -> memref<1024xf32, #tpu.memory_space<hbm>>
    tpu.enqueue_dma source(%dma_start3A_72 : memref<1024xf32, #tpu.memory_space<hbm>>) target(%dma_start3A_71 : memref<1024xf32, #tpu.memory_space<vmem>>) target_semaphore(%arg12 : memref<!tpu.dma_semaphore, #tpu.memory_space<semaphore_mem>>)
    %add3A_73 = arith.constant 1024 : i32
    %add3A_74 = arith.addi %add3A_40, %add3A_73 : i32
    %dma_start3A_75 = arith.constant 0 : i32
    %dma_start3A_76 = arith.constant 1024 : i32
    %dma_start3A_77 = tpu.memref_slice %arg6[%dma_start3A_75, %dma_start3A_76] : memref<4x2048xi32, #tpu.memory_space<vmem>> -> memref<1x1024xi32, #tpu.memory_space<vmem>>
    %dma_start3A_78 = tpu.memref_squeeze %dma_start3A_77 : memref<1x1024xi32, #tpu.memory_space<vmem>> -> memref<1024xi32, #tpu.memory_space<vmem>>
    %dma_start3A_79 = tpu.memref_slice %arg3[%add3A_74] : memref<4194304xi32, #tpu.memory_space<hbm>> -> memref<1024xi32, #tpu.memory_space<hbm>>
    %dma_start3A_80 = arith.constant 1024 : i32
    %dma_start3A_81 = tpu.memref_slice %arg6[%dma_start3A_75, %dma_start3A_80] : memref<4x2048xi32, #tpu.memory_space<vmem>> -> memref<1x1024xi32, #tpu.memory_space<vmem>>
    %dma_start3A_82 = tpu.memref_squeeze %dma_start3A_81 : memref<1x1024xi32, #tpu.memory_space<vmem>> -> memref<1024xi32, #tpu.memory_space<vmem>>
    %dma_start3A_83 = tpu.memref_slice %arg3[%add3A_74] : memref<4194304xi32, #tpu.memory_space<hbm>> -> memref<1024xi32, #tpu.memory_space<hbm>>
    tpu.enqueue_dma source(%dma_start3A_83 : memref<1024xi32, #tpu.memory_space<hbm>>) target(%dma_start3A_82 : memref<1024xi32, #tpu.memory_space<vmem>>) target_semaphore(%arg12 : memref<!tpu.dma_semaphore, #tpu.memory_space<semaphore_mem>>)
    %mul3A_84 = arith.constant 262144 : i32
    %mul3A_85 = arith.muli %select_n3A, %mul3A_84 : i32
    %mul3A_86 = arith.constant 131072 : i32
    %mul3A_87 = arith.muli %select_n3A_30, %mul3A_86 : i32
    %add3A_88 = arith.addi %mul3A_85, %mul3A_87 : i32
    %add3A_89 = arith.constant 2048 : i32
    %add3A_90 = arith.addi %add3A_88, %add3A_89 : i32
    %add3A_91 = arith.constant 0 : i32
    %add3A_92 = arith.addi %add3A_90, %add3A_91 : i32
    %dma_start3A_93 = arith.constant 1 : i32
    %dma_start3A_94 = arith.constant 0 : i32
    %dma_start3A_95 = tpu.memref_slice %arg5[%dma_start3A_93, %dma_start3A_94] : memref<4x2048xf32, #tpu.memory_space<vmem>> -> memref<1x1024xf32, #tpu.memory_space<vmem>>
    %dma_start3A_96 = tpu.memref_squeeze %dma_start3A_95 : memref<1x1024xf32, #tpu.memory_space<vmem>> -> memref<1024xf32, #tpu.memory_space<vmem>>
    %dma_start3A_97 = tpu.memref_slice %arg2[%add3A_92] : memref<4194304xf32, #tpu.memory_space<hbm>> -> memref<1024xf32, #tpu.memory_space<hbm>>
    %dma_start3A_98 = arith.constant 0 : i32
    %dma_start3A_99 = tpu.memref_slice %arg5[%dma_start3A_93, %dma_start3A_98] : memref<4x2048xf32, #tpu.memory_space<vmem>> -> memref<1x1024xf32, #tpu.memory_space<vmem>>
    %dma_start3A_100 = tpu.memref_squeeze %dma_start3A_99 : memref<1x1024xf32, #tpu.memory_space<vmem>> -> memref<1024xf32, #tpu.memory_space<vmem>>
    %dma_start3A_101 = tpu.memref_slice %arg2[%add3A_92] : memref<4194304xf32, #tpu.memory_space<hbm>> -> memref<1024xf32, #tpu.memory_space<hbm>>
    tpu.enqueue_dma source(%dma_start3A_101 : memref<1024xf32, #tpu.memory_space<hbm>>) target(%dma_start3A_100 : memref<1024xf32, #tpu.memory_space<vmem>>) target_semaphore(%arg13 : memref<!tpu.dma_semaphore, #tpu.memory_space<semaphore_mem>>)
    %add3A_102 = arith.constant 0 : i32
    %add3A_103 = arith.addi %add3A_90, %add3A_102 : i32
    %dma_start3A_104 = arith.constant 1 : i32
    %dma_start3A_105 = arith.constant 0 : i32
    %dma_start3A_106 = tpu.memref_slice %arg6[%dma_start3A_104, %dma_start3A_105] : memref<4x2048xi32, #tpu.memory_space<vmem>> -> memref<1x1024xi32, #tpu.memory_space<vmem>>
    %dma_start3A_107 = tpu.memref_squeeze %dma_start3A_106 : memref<1x1024xi32, #tpu.memory_space<vmem>> -> memref<1024xi32, #tpu.memory_space<vmem>>
    %dma_start3A_108 = tpu.memref_slice %arg3[%add3A_103] : memref<4194304xi32, #tpu.memory_space<hbm>> -> memref<1024xi32, #tpu.memory_space<hbm>>
    %dma_start3A_109 = arith.constant 0 : i32
    %dma_start3A_110 = tpu.memref_slice %arg6[%dma_start3A_104, %dma_start3A_109] : memref<4x2048xi32, #tpu.memory_space<vmem>> -> memref<1x1024xi32, #tpu.memory_space<vmem>>
    %dma_start3A_111 = tpu.memref_squeeze %dma_start3A_110 : memref<1x1024xi32, #tpu.memory_space<vmem>> -> memref<1024xi32, #tpu.memory_space<vmem>>
    %dma_start3A_112 = tpu.memref_slice %arg3[%add3A_103] : memref<4194304xi32, #tpu.memory_space<hbm>> -> memref<1024xi32, #tpu.memory_space<hbm>>
    tpu.enqueue_dma source(%dma_start3A_112 : memref<1024xi32, #tpu.memory_space<hbm>>) target(%dma_start3A_111 : memref<1024xi32, #tpu.memory_space<vmem>>) target_semaphore(%arg13 : memref<!tpu.dma_semaphore, #tpu.memory_space<semaphore_mem>>)
    %add3A_113 = arith.constant 1024 : i32
    %add3A_114 = arith.addi %add3A_90, %add3A_113 : i32
    %dma_start3A_115 = arith.constant 1 : i32
    %dma_start3A_116 = arith.constant 1024 : i32
    %dma_start3A_117 = tpu.memref_slice %arg5[%dma_start3A_115, %dma_start3A_116] : memref<4x2048xf32, #tpu.memory_space<vmem>> -> memref<1x1024xf32, #tpu.memory_space<vmem>>
    %dma_start3A_118 = tpu.memref_squeeze %dma_start3A_117 : memref<1x1024xf32, #tpu.memory_space<vmem>> -> memref<1024xf32, #tpu.memory_space<vmem>>
    %dma_start3A_119 = tpu.memref_slice %arg2[%add3A_114] : memref<4194304xf32, #tpu.memory_space<hbm>> -> memref<1024xf32, #tpu.memory_space<hbm>>
    %dma_start3A_120 = arith.constant 1024 : i32
    %dma_start3A_121 = tpu.memref_slice %arg5[%dma_start3A_115, %dma_start3A_120] : memref<4x2048xf32, #tpu.memory_space<vmem>> -> memref<1x1024xf32, #tpu.memory_space<vmem>>
    %dma_start3A_122 = tpu.memref_squeeze %dma_start3A_121 : memref<1x1024xf32, #tpu.memory_space<vmem>> -> memref<1024xf32, #tpu.memory_space<vmem>>
    %dma_start3A_123 = tpu.memref_slice %arg2[%add3A_114] : memref<4194304xf32, #tpu.memory_space<hbm>> -> memref<1024xf32, #tpu.memory_space<hbm>>
    tpu.enqueue_dma source(%dma_start3A_123 : memref<1024xf32, #tpu.memory_space<hbm>>) target(%dma_start3A_122 : memref<1024xf32, #tpu.memory_space<vmem>>) target_semaphore(%arg13 : memref<!tpu.dma_semaphore, #tpu.memory_space<semaphore_mem>>)
    %add3A_124 = arith.constant 1024 : i32
    %add3A_125 = arith.addi %add3A_90, %add3A_124 : i32
    %dma_start3A_126 = arith.constant 1 : i32
    %dma_start3A_127 = arith.constant 1024 : i32
    %dma_start3A_128 = tpu.memref_slice %arg6[%dma_start3A_126, %dma_start3A_127] : memref<4x2048xi32, #tpu.memory_space<vmem>> -> memref<1x1024xi32, #tpu.memory_space<vmem>>
    %dma_start3A_129 = tpu.memref_squeeze %dma_start3A_128 : memref<1x1024xi32, #tpu.memory_space<vmem>> -> memref<1024xi32, #tpu.memory_space<vmem>>
    %dma_start3A_130 = tpu.memref_slice %arg3[%add3A_125] : memref<4194304xi32, #tpu.memory_space<hbm>> -> memref<1024xi32, #tpu.memory_space<hbm>>
    %dma_start3A_131 = arith.constant 1024 : i32
    %dma_start3A_132 = tpu.memref_slice %arg6[%dma_start3A_126, %dma_start3A_131] : memref<4x2048xi32, #tpu.memory_space<vmem>> -> memref<1x1024xi32, #tpu.memory_space<vmem>>
    %dma_start3A_133 = tpu.memref_squeeze %dma_start3A_132 : memref<1x1024xi32, #tpu.memory_space<vmem>> -> memref<1024xi32, #tpu.memory_space<vmem>>
    %dma_start3A_134 = tpu.memref_slice %arg3[%add3A_125] : memref<4194304xi32, #tpu.memory_space<hbm>> -> memref<1024xi32, #tpu.memory_space<hbm>>
    tpu.enqueue_dma source(%dma_start3A_134 : memref<1024xi32, #tpu.memory_space<hbm>>) target(%dma_start3A_133 : memref<1024xi32, #tpu.memory_space<vmem>>) target_semaphore(%arg13 : memref<!tpu.dma_semaphore, #tpu.memory_space<semaphore_mem>>)
    %parallel_loop3A = arith.constant 0 : i32
    %parallel_loop3A_135 = arith.constant 2048 : i32
    %parallel_loop3A_136 = arith.constant 1 : i32
    scf.for %parallel_loop3A_226 = %parallel_loop3A to %parallel_loop3A_135 step %parallel_loop3A_136  : i32 {
      %parallel_loop3A_227 = arith.constant 16 : i32
      %parallel_loop3A_228 = arith.muli %parallel_loop3A_226, %parallel_loop3A_227 : i32
      %parallel_loop3A_229 = arith.index_cast %parallel_loop3A_228 : i32 to index
      %parallel_loop3A_230 = tpu.vector_load %arg7[%parallel_loop3A_229] {strides = array<i32>} : memref<32768xf32, #tpu.memory_space<vmem>>, vector<16xf32>,
      tpu.vector_store %arg7[%parallel_loop3A_229], %broadcast_in_dim3A_31 {strides = array<i32>} : memref<32768xf32, #tpu.memory_space<vmem>>, vector<16xf32>,
      %parallel_loop3A_231 = arith.constant 16 : i32
      %parallel_loop3A_232 = arith.muli %parallel_loop3A_226, %parallel_loop3A_231 : i32
      %parallel_loop3A_233 = arith.index_cast %parallel_loop3A_232 : i32 to index
      %parallel_loop3A_234 = tpu.vector_load %arg8[%parallel_loop3A_233] {strides = array<i32>} : memref<32768xf32, #tpu.memory_space<vmem>>, vector<16xf32>,
      tpu.vector_store %arg8[%parallel_loop3A_233], %broadcast_in_dim3A_31 {strides = array<i32>} : memref<32768xf32, #tpu.memory_space<vmem>>, vector<16xf32>,
    } {sc.loop_unroll_factor = 4 : i64, sc.parallel_access}
    %mul3A_137 = arith.constant 262144 : i32
    %mul3A_138 = arith.muli %select_n3A, %mul3A_137 : i32
    %mul3A_139 = arith.constant 131072 : i32
    %mul3A_140 = arith.muli %select_n3A_30, %mul3A_139 : i32
    %add3A_141 = arith.addi %mul3A_138, %mul3A_140 : i32
    %add3A_142 = arith.constant 4096 : i32
    %add3A_143 = arith.addi %add3A_141, %add3A_142 : i32
    %add3A_144 = arith.constant 0 : i32
    %add3A_145 = arith.addi %add3A_143, %add3A_144 : i32
    %dma_start3A_146 = arith.constant 2 : i32
    %dma_start3A_147 = arith.constant 0 : i32
    %dma_start3A_148 = tpu.memref_slice %arg5[%dma_start3A_146, %dma_start3A_147] : memref<4x2048xf32, #tpu.memory_space<vmem>> -> memref<1x1024xf32, #tpu.memory_space<vmem>>
    %dma_start3A_149 = tpu.memref_squeeze %dma_start3A_148 : memref<1x1024xf32, #tpu.memory_space<vmem>> -> memref<1024xf32, #tpu.memory_space<vmem>>
    %dma_start3A_150 = tpu.memref_slice %arg2[%add3A_145] : memref<4194304xf32, #tpu.memory_space<hbm>> -> memref<1024xf32, #tpu.memory_space<hbm>>
    %dma_start3A_151 = arith.constant 0 : i32
    %dma_start3A_152 = tpu.memref_slice %arg5[%dma_start3A_146, %dma_start3A_151] : memref<4x2048xf32, #tpu.memory_space<vmem>> -> memref<1x1024xf32, #tpu.memory_space<vmem>>
    %dma_start3A_153 = tpu.memref_squeeze %dma_start3A_152 : memref<1x1024xf32, #tpu.memory_space<vmem>> -> memref<1024xf32, #tpu.memory_space<vmem>>
    %dma_start3A_154 = tpu.memref_slice %arg2[%add3A_145] : memref<4194304xf32, #tpu.memory_space<hbm>> -> memref<1024xf32, #tpu.memory_space<hbm>>
    tpu.enqueue_dma source(%dma_start3A_154 : memref<1024xf32, #tpu.memory_space<hbm>>) target(%dma_start3A_153 : memref<1024xf32, #tpu.memory_space<vmem>>) target_semaphore(%arg14 : memref<!tpu.dma_semaphore, #tpu.memory_space<semaphore_mem>>)
    %add3A_155 = arith.constant 0 : i32
    %add3A_156 = arith.addi %add3A_143, %add3A_155 : i32
    %dma_start3A_157 = arith.constant 2 : i32
    %dma_start3A_158 = arith.constant 0 : i32
    %dma_start3A_159 = tpu.memref_slice %arg6[%dma_start3A_157, %dma_start3A_158] : memref<4x2048xi32, #tpu.memory_space<vmem>> -> memref<1x1024xi32, #tpu.memory_space<vmem>>
    %dma_start3A_160 = tpu.memref_squeeze %dma_start3A_159 : memref<1x1024xi32, #tpu.memory_space<vmem>> -> memref<1024xi32, #tpu.memory_space<vmem>>
    %dma_start3A_161 = tpu.memref_slice %arg3[%add3A_156] : memref<4194304xi32, #tpu.memory_space<hbm>> -> memref<1024xi32, #tpu.memory_space<hbm>>
    %dma_start3A_162 = arith.constant 0 : i32
    %dma_start3A_163 = tpu.memref_slice %arg6[%dma_start3A_157, %dma_start3A_162] : memref<4x2048xi32, #tpu.memory_space<vmem>> -> memref<1x1024xi32, #tpu.memory_space<vmem>>
    %dma_start3A_164 = tpu.memref_squeeze %dma_start3A_163 : memref<1x1024xi32, #tpu.memory_space<vmem>> -> memref<1024xi32, #tpu.memory_space<vmem>>
    %dma_start3A_165 = tpu.memref_slice %arg3[%add3A_156] : memref<4194304xi32, #tpu.memory_space<hbm>> -> memref<1024xi32, #tpu.memory_space<hbm>>
    tpu.enqueue_dma source(%dma_start3A_165 : memref<1024xi32, #tpu.memory_space<hbm>>) target(%dma_start3A_164 : memref<1024xi32, #tpu.memory_space<vmem>>) target_semaphore(%arg14 : memref<!tpu.dma_semaphore, #tpu.memory_space<semaphore_mem>>)
    %add3A_166 = arith.constant 1024 : i32
    %add3A_167 = arith.addi %add3A_143, %add3A_166 : i32
    %dma_start3A_168 = arith.constant 2 : i32
    %dma_start3A_169 = arith.constant 1024 : i32
    %dma_start3A_170 = tpu.memref_slice %arg5[%dma_start3A_168, %dma_start3A_169] : memref<4x2048xf32, #tpu.memory_space<vmem>> -> memref<1x1024xf32, #tpu.memory_space<vmem>>
    %dma_start3A_171 = tpu.memref_squeeze %dma_start3A_170 : memref<1x1024xf32, #tpu.memory_space<vmem>> -> memref<1024xf32, #tpu.memory_space<vmem>>
    %dma_start3A_172 = tpu.memref_slice %arg2[%add3A_167] : memref<4194304xf32, #tpu.memory_space<hbm>> -> memref<1024xf32, #tpu.memory_space<hbm>>
    %dma_start3A_173 = arith.constant 1024 : i32
    %dma_start3A_174 = tpu.memref_slice %arg5[%dma_start3A_168, %dma_start3A_173] : memref<4x2048xf32, #tpu.memory_space<vmem>> -> memref<1x1024xf32, #tpu.memory_space<vmem>>
    %dma_start3A_175 = tpu.memref_squeeze %dma_start3A_174 : memref<1x1024xf32, #tpu.memory_space<vmem>> -> memref<1024xf32, #tpu.memory_space<vmem>>
    %dma_start3A_176 = tpu.memref_slice %arg2[%add3A_167] : memref<4194304xf32, #tpu.memory_space<hbm>> -> memref<1024xf32, #tpu.memory_space<hbm>>
    tpu.enqueue_dma source(%dma_start3A_176 : memref<1024xf32, #tpu.memory_space<hbm>>) target(%dma_start3A_175 : memref<1024xf32, #tpu.memory_space<vmem>>) target_semaphore(%arg14 : memref<!tpu.dma_semaphore, #tpu.memory_space<semaphore_mem>>)
    %add3A_177 = arith.constant 1024 : i32
    %add3A_178 = arith.addi %add3A_143, %add3A_177 : i32
    %dma_start3A_179 = arith.constant 2 : i32
    %dma_start3A_180 = arith.constant 1024 : i32
    %dma_start3A_181 = tpu.memref_slice %arg6[%dma_start3A_179, %dma_start3A_180] : memref<4x2048xi32, #tpu.memory_space<vmem>> -> memref<1x1024xi32, #tpu.memory_space<vmem>>
    %dma_start3A_182 = tpu.memref_squeeze %dma_start3A_181 : memref<1x1024xi32, #tpu.memory_space<vmem>> -> memref<1024xi32, #tpu.memory_space<vmem>>
    %dma_start3A_183 = tpu.memref_slice %arg3[%add3A_178] : memref<4194304xi32, #tpu.memory_space<hbm>> -> memref<1024xi32, #tpu.memory_space<hbm>>
    %dma_start3A_184 = arith.constant 1024 : i32
    %dma_start3A_185 = tpu.memref_slice %arg6[%dma_start3A_179, %dma_start3A_184] : memref<4x2048xi32, #tpu.memory_space<vmem>> -> memref<1x1024xi32, #tpu.memory_space<vmem>>
    %dma_start3A_186 = tpu.memref_squeeze %dma_start3A_185 : memref<1x1024xi32, #tpu.memory_space<vmem>> -> memref<1024xi32, #tpu.memory_space<vmem>>
    %dma_start3A_187 = tpu.memref_slice %arg3[%add3A_178] : memref<4194304xi32, #tpu.memory_space<hbm>> -> memref<1024xi32, #tpu.memory_space<hbm>>
    tpu.enqueue_dma source(%dma_start3A_187 : memref<1024xi32, #tpu.memory_space<hbm>>) target(%dma_start3A_186 : memref<1024xi32, #tpu.memory_space<vmem>>) target_semaphore(%arg14 : memref<!tpu.dma_semaphore, #tpu.memory_space<semaphore_mem>>)
    %scan3A = arith.constant 0 : i32
    %scan3A_188 = arith.constant 0 : i32
    %scan3A_189 = arith.constant 16 : i32
    %scan3A_190 = arith.addi %scan3A_188, %scan3A_189 : i32
    %scan3A_191 = arith.constant 1 : i32
    %scan3A_192 = scf.for %scan3A_226 = %scan3A_188 to %scan3A_190 step %scan3A_191 iter_args(%scan3A_227 = %scan3A) -> (i32)  : i32 {
      %dma_wait3A = arith.constant 0 : i32
      %dma_wait3A_228 = arith.constant 0 : i32
      %dma_wait3A_229 = tpu.memref_slice %arg5[%dma_wait3A, %dma_wait3A_228] : memref<4x2048xf32, #tpu.memory_space<vmem>> -> memref<1x1024xf32, #tpu.memory_space<vmem>>
      %dma_wait3A_230 = tpu.memref_squeeze %dma_wait3A_229 : memref<1x1024xf32, #tpu.memory_space<vmem>> -> memref<1024xf32, #tpu.memory_space<vmem>>
      %dma_wait3A_231 = arith.constant 0 : i32
      %dma_wait3A_232 = tpu.memref_slice %arg2[%dma_wait3A_231] : memref<4194304xf32, #tpu.memory_space<hbm>> -> memref<1024xf32, #tpu.memory_space<hbm>>
      %dma_wait3A_233 = arith.constant 0 : i32
      %dma_wait3A_234 = tpu.memref_slice %arg5[%dma_wait3A, %dma_wait3A_233] : memref<4x2048xf32, #tpu.memory_space<vmem>> -> memref<1x1024xf32, #tpu.memory_space<vmem>>
      %dma_wait3A_235 = tpu.memref_squeeze %dma_wait3A_234 : memref<1x1024xf32, #tpu.memory_space<vmem>> -> memref<1024xf32, #tpu.memory_space<vmem>>
      %dma_wait3A_236 = arith.constant 0 : i32
      %dma_wait3A_237 = tpu.memref_slice %arg2[%dma_wait3A_236] : memref<4194304xf32, #tpu.memory_space<hbm>> -> memref<1024xf32, #tpu.memory_space<hbm>>
      tpu.wait_dma2 semaphore(%arg12 : memref<!tpu.dma_semaphore, #tpu.memory_space<semaphore_mem>>) src(%dma_wait3A_237 : memref<1024xf32, #tpu.memory_space<hbm>>) dst(%dma_wait3A_235 : memref<1024xf32, #tpu.memory_space<vmem>>)
      %dma_wait3A_238 = arith.constant 0 : i32
      %dma_wait3A_239 = arith.constant 0 : i32
      %dma_wait3A_240 = tpu.memref_slice %arg6[%dma_wait3A_238, %dma_wait3A_239] : memref<4x2048xi32, #tpu.memory_space<vmem>> -> memref<1x1024xi32, #tpu.memory_space<vmem>>
      %dma_wait3A_241 = tpu.memref_squeeze %dma_wait3A_240 : memref<1x1024xi32, #tpu.memory_space<vmem>> -> memref<1024xi32, #tpu.memory_space<vmem>>
      %dma_wait3A_242 = arith.constant 0 : i32
      %dma_wait3A_243 = tpu.memref_slice %arg3[%dma_wait3A_242] : memref<4194304xi32, #tpu.memory_space<hbm>> -> memref<1024xi32, #tpu.memory_space<hbm>>
      %dma_wait3A_244 = arith.constant 0 : i32
      %dma_wait3A_245 = tpu.memref_slice %arg6[%dma_wait3A_238, %dma_wait3A_244] : memref<4x2048xi32, #tpu.memory_space<vmem>> -> memref<1x1024xi32, #tpu.memory_space<vmem>>
      %dma_wait3A_246 = tpu.memref_squeeze %dma_wait3A_245 : memref<1x1024xi32, #tpu.memory_space<vmem>> -> memref<1024xi32, #tpu.memory_space<vmem>>
      %dma_wait3A_247 = arith.constant 0 : i32
      %dma_wait3A_248 = tpu.memref_slice %arg3[%dma_wait3A_247] : memref<4194304xi32, #tpu.memory_space<hbm>> -> memref<1024xi32, #tpu.memory_space<hbm>>
      tpu.wait_dma2 semaphore(%arg12 : memref<!tpu.dma_semaphore, #tpu.memory_space<semaphore_mem>>) src(%dma_wait3A_248 : memref<1024xi32, #tpu.memory_space<hbm>>) dst(%dma_wait3A_246 : memref<1024xi32, #tpu.memory_space<vmem>>)
      %dma_wait3A_249 = arith.constant 0 : i32
      %dma_wait3A_250 = arith.constant 1024 : i32
      %dma_wait3A_251 = tpu.memref_slice %arg5[%dma_wait3A_249, %dma_wait3A_250] : memref<4x2048xf32, #tpu.memory_space<vmem>> -> memref<1x1024xf32, #tpu.memory_space<vmem>>
      %dma_wait3A_252 = tpu.memref_squeeze %dma_wait3A_251 : memref<1x1024xf32, #tpu.memory_space<vmem>> -> memref<1024xf32, #tpu.memory_space<vmem>>
      %dma_wait3A_253 = arith.constant 0 : i32
      %dma_wait3A_254 = tpu.memref_slice %arg2[%dma_wait3A_253] : memref<4194304xf32, #tpu.memory_space<hbm>> -> memref<1024xf32, #tpu.memory_space<hbm>>
      %dma_wait3A_255 = arith.constant 1024 : i32
      %dma_wait3A_256 = tpu.memref_slice %arg5[%dma_wait3A_249, %dma_wait3A_255] : memref<4x2048xf32, #tpu.memory_space<vmem>> -> memref<1x1024xf32, #tpu.memory_space<vmem>>
      %dma_wait3A_257 = tpu.memref_squeeze %dma_wait3A_256 : memref<1x1024xf32, #tpu.memory_space<vmem>> -> memref<1024xf32, #tpu.memory_space<vmem>>
      %dma_wait3A_258 = arith.constant 0 : i32
      %dma_wait3A_259 = tpu.memref_slice %arg2[%dma_wait3A_258] : memref<4194304xf32, #tpu.memory_space<hbm>> -> memref<1024xf32, #tpu.memory_space<hbm>>
      tpu.wait_dma2 semaphore(%arg12 : memref<!tpu.dma_semaphore, #tpu.memory_space<semaphore_mem>>) src(%dma_wait3A_259 : memref<1024xf32, #tpu.memory_space<hbm>>) dst(%dma_wait3A_257 : memref<1024xf32, #tpu.memory_space<vmem>>)
      %dma_wait3A_260 = arith.constant 0 : i32
      %dma_wait3A_261 = arith.constant 1024 : i32
      %dma_wait3A_262 = tpu.memref_slice %arg6[%dma_wait3A_260, %dma_wait3A_261] : memref<4x2048xi32, #tpu.memory_space<vmem>> -> memref<1x1024xi32, #tpu.memory_space<vmem>>
      %dma_wait3A_263 = tpu.memref_squeeze %dma_wait3A_262 : memref<1x1024xi32, #tpu.memory_space<vmem>> -> memref<1024xi32, #tpu.memory_space<vmem>>
      %dma_wait3A_264 = arith.constant 0 : i32
      %dma_wait3A_265 = tpu.memref_slice %arg3[%dma_wait3A_264] : memref<4194304xi32, #tpu.memory_space<hbm>> -> memref<1024xi32, #tpu.memory_space<hbm>>
      %dma_wait3A_266 = arith.constant 1024 : i32
      %dma_wait3A_267 = tpu.memref_slice %arg6[%dma_wait3A_260, %dma_wait3A_266] : memref<4x2048xi32, #tpu.memory_space<vmem>> -> memref<1x1024xi32, #tpu.memory_space<vmem>>
      %dma_wait3A_268 = tpu.memref_squeeze %dma_wait3A_267 : memref<1x1024xi32, #tpu.memory_space<vmem>> -> memref<1024xi32, #tpu.memory_space<vmem>>
      %dma_wait3A_269 = arith.constant 0 : i32
      %dma_wait3A_270 = tpu.memref_slice %arg3[%dma_wait3A_269] : memref<4194304xi32, #tpu.memory_space<hbm>> -> memref<1024xi32, #tpu.memory_space<hbm>>
      tpu.wait_dma2 semaphore(%arg12 : memref<!tpu.dma_semaphore, #tpu.memory_space<semaphore_mem>>) src(%dma_wait3A_270 : memref<1024xi32, #tpu.memory_space<hbm>>) dst(%dma_wait3A_268 : memref<1024xi32, #tpu.memory_space<vmem>>)
      %mul3A_271 = arith.constant 4 : i32
      %mul3A_272 = arith.muli %scan3A_226, %mul3A_271 : i32
      %add3A_273 = arith.constant 0 : i32
      %add3A_274 = arith.addi %mul3A_272, %add3A_273 : i32
      %add3A_275 = arith.constant 3 : i32
      %add3A_276 = arith.addi %add3A_274, %add3A_275 : i32
      %lt3A_277 = arith.constant 64 : i32
      %lt3A_278 = arith.cmpi slt, %add3A_276, %lt3A_277 : i32
      %convert_element_type3A_279 = arith.extui %lt3A_278 : i1 to i32
      %cond3A_280 = arith.constant 0 : i32
      %cond3A_281 = arith.cmpi ne, %convert_element_type3A_279, %cond3A_280 : i32
      scf.if %cond3A_281 {
        %mul3A_460 = arith.constant 262144 : i32
        %mul3A_461 = arith.muli %select_n3A, %mul3A_460 : i32
        %mul3A_462 = arith.constant 131072 : i32
        %mul3A_463 = arith.muli %select_n3A_30, %mul3A_462 : i32
        %add3A_464 = arith.addi %mul3A_461, %mul3A_463 : i32
        %mul3A_465 = arith.constant 2048 : i32
        %mul3A_466 = arith.muli %add3A_276, %mul3A_465 : i32
        %add3A_467 = arith.addi %add3A_464, %mul3A_466 : i32
        %add3A_468 = arith.constant 0 : i32
        %add3A_469 = arith.addi %add3A_467, %add3A_468 : i32
        %dma_start3A_470 = arith.constant 3 : i32
        %dma_start3A_471 = arith.constant 0 : i32
        %dma_start3A_472 = tpu.memref_slice %arg5[%dma_start3A_470, %dma_start3A_471] : memref<4x2048xf32, #tpu.memory_space<vmem>> -> memref<1x1024xf32, #tpu.memory_space<vmem>>
        %dma_start3A_473 = tpu.memref_squeeze %dma_start3A_472 : memref<1x1024xf32, #tpu.memory_space<vmem>> -> memref<1024xf32, #tpu.memory_space<vmem>>
        %dma_start3A_474 = tpu.memref_slice %arg2[%add3A_469] : memref<4194304xf32, #tpu.memory_space<hbm>> -> memref<1024xf32, #tpu.memory_space<hbm>>
        %dma_start3A_475 = arith.constant 0 : i32
        %dma_start3A_476 = tpu.memref_slice %arg5[%dma_start3A_470, %dma_start3A_475] : memref<4x2048xf32, #tpu.memory_space<vmem>> -> memref<1x1024xf32, #tpu.memory_space<vmem>>
        %dma_start3A_477 = tpu.memref_squeeze %dma_start3A_476 : memref<1x1024xf32, #tpu.memory_space<vmem>> -> memref<1024xf32, #tpu.memory_space<vmem>>
        %dma_start3A_478 = tpu.memref_slice %arg2[%add3A_469] : memref<4194304xf32, #tpu.memory_space<hbm>> -> memref<1024xf32, #tpu.memory_space<hbm>>
        tpu.enqueue_dma source(%dma_start3A_478 : memref<1024xf32, #tpu.memory_space<hbm>>) target(%dma_start3A_477 : memref<1024xf32, #tpu.memory_space<vmem>>) target_semaphore(%arg15 : memref<!tpu.dma_semaphore, #tpu.memory_space<semaphore_mem>>)
        %add3A_479 = arith.constant 0 : i32
        %add3A_480 = arith.addi %add3A_467, %add3A_479 : i32
        %dma_start3A_481 = arith.constant 3 : i32
        %dma_start3A_482 = arith.constant 0 : i32
        %dma_start3A_483 = tpu.memref_slice %arg6[%dma_start3A_481, %dma_start3A_482] : memref<4x2048xi32, #tpu.memory_space<vmem>> -> memref<1x1024xi32, #tpu.memory_space<vmem>>
        %dma_start3A_484 = tpu.memref_squeeze %dma_start3A_483 : memref<1x1024xi32, #tpu.memory_space<vmem>> -> memref<1024xi32, #tpu.memory_space<vmem>>
        %dma_start3A_485 = tpu.memref_slice %arg3[%add3A_480] : memref<4194304xi32, #tpu.memory_space<hbm>> -> memref<1024xi32, #tpu.memory_space<hbm>>
        %dma_start3A_486 = arith.constant 0 : i32
        %dma_start3A_487 = tpu.memref_slice %arg6[%dma_start3A_481, %dma_start3A_486] : memref<4x2048xi32, #tpu.memory_space<vmem>> -> memref<1x1024xi32, #tpu.memory_space<vmem>>
        %dma_start3A_488 = tpu.memref_squeeze %dma_start3A_487 : memref<1x1024xi32, #tpu.memory_space<vmem>> -> memref<1024xi32, #tpu.memory_space<vmem>>
        %dma_start3A_489 = tpu.memref_slice %arg3[%add3A_480] : memref<4194304xi32, #tpu.memory_space<hbm>> -> memref<1024xi32, #tpu.memory_space<hbm>>
        tpu.enqueue_dma source(%dma_start3A_489 : memref<1024xi32, #tpu.memory_space<hbm>>) target(%dma_start3A_488 : memref<1024xi32, #tpu.memory_space<vmem>>) target_semaphore(%arg15 : memref<!tpu.dma_semaphore, #tpu.memory_space<semaphore_mem>>)
        %add3A_490 = arith.constant 1024 : i32
        %add3A_491 = arith.addi %add3A_467, %add3A_490 : i32
        %dma_start3A_492 = arith.constant 3 : i32
        %dma_start3A_493 = arith.constant 1024 : i32
        %dma_start3A_494 = tpu.memref_slice %arg5[%dma_start3A_492, %dma_start3A_493] : memref<4x2048xf32, #tpu.memory_space<vmem>> -> memref<1x1024xf32, #tpu.memory_space<vmem>>
        %dma_start3A_495 = tpu.memref_squeeze %dma_start3A_494 : memref<1x1024xf32, #tpu.memory_space<vmem>> -> memref<1024xf32, #tpu.memory_space<vmem>>
        %dma_start3A_496 = tpu.memref_slice %arg2[%add3A_491] : memref<4194304xf32, #tpu.memory_space<hbm>> -> memref<1024xf32, #tpu.memory_space<hbm>>
        %dma_start3A_497 = arith.constant 1024 : i32
        %dma_start3A_498 = tpu.memref_slice %arg5[%dma_start3A_492, %dma_start3A_497] : memref<4x2048xf32, #tpu.memory_space<vmem>> -> memref<1x1024xf32, #tpu.memory_space<vmem>>
        %dma_start3A_499 = tpu.memref_squeeze %dma_start3A_498 : memref<1x1024xf32, #tpu.memory_space<vmem>> -> memref<1024xf32, #tpu.memory_space<vmem>>
        %dma_start3A_500 = tpu.memref_slice %arg2[%add3A_491] : memref<4194304xf32, #tpu.memory_space<hbm>> -> memref<1024xf32, #tpu.memory_space<hbm>>
        tpu.enqueue_dma source(%dma_start3A_500 : memref<1024xf32, #tpu.memory_space<hbm>>) target(%dma_start3A_499 : memref<1024xf32, #tpu.memory_space<vmem>>) target_semaphore(%arg15 : memref<!tpu.dma_semaphore, #tpu.memory_space<semaphore_mem>>)
        %add3A_501 = arith.constant 1024 : i32
        %add3A_502 = arith.addi %add3A_467, %add3A_501 : i32
        %dma_start3A_503 = arith.constant 3 : i32
        %dma_start3A_504 = arith.constant 1024 : i32
        %dma_start3A_505 = tpu.memref_slice %arg6[%dma_start3A_503, %dma_start3A_504] : memref<4x2048xi32, #tpu.memory_space<vmem>> -> memref<1x1024xi32, #tpu.memory_space<vmem>>
        %dma_start3A_506 = tpu.memref_squeeze %dma_start3A_505 : memref<1x1024xi32, #tpu.memory_space<vmem>> -> memref<1024xi32, #tpu.memory_space<vmem>>
        %dma_start3A_507 = tpu.memref_slice %arg3[%add3A_502] : memref<4194304xi32, #tpu.memory_space<hbm>> -> memref<1024xi32, #tpu.memory_space<hbm>>
        %dma_start3A_508 = arith.constant 1024 : i32
        %dma_start3A_509 = tpu.memref_slice %arg6[%dma_start3A_503, %dma_start3A_508] : memref<4x2048xi32, #tpu.memory_space<vmem>> -> memref<1x1024xi32, #tpu.memory_space<vmem>>
        %dma_start3A_510 = tpu.memref_squeeze %dma_start3A_509 : memref<1x1024xi32, #tpu.memory_space<vmem>> -> memref<1024xi32, #tpu.memory_space<vmem>>
        %dma_start3A_511 = tpu.memref_slice %arg3[%add3A_502] : memref<4194304xi32, #tpu.memory_space<hbm>> -> memref<1024xi32, #tpu.memory_space<hbm>>
        tpu.enqueue_dma source(%dma_start3A_511 : memref<1024xi32, #tpu.memory_space<hbm>>) target(%dma_start3A_510 : memref<1024xi32, #tpu.memory_space<vmem>>) target_semaphore(%arg15 : memref<!tpu.dma_semaphore, #tpu.memory_space<semaphore_mem>>)
      } else {
      }
      %parallel_loop3A_282 = arith.constant 0 : i32
      %parallel_loop3A_283 = arith.constant 128 : i32
      %parallel_loop3A_284 = arith.constant 1 : i32
      scf.for %parallel_loop3A_460 = %parallel_loop3A_282 to %parallel_loop3A_283 step %parallel_loop3A_284  : i32 {
        %parallel_loop3A_461 = arith.constant 16 : i32
        %parallel_loop3A_462 = arith.muli %parallel_loop3A_460, %parallel_loop3A_461 : i32
        %parallel_loop3A_463 = arith.constant 0 : i32
        %parallel_loop3A_464 = arith.index_cast %parallel_loop3A_463 : i32 to index
        %parallel_loop3A_465 = arith.index_cast %parallel_loop3A_462 : i32 to index
        %parallel_loop3A_466 = tpu.vector_load %arg5[%parallel_loop3A_464, %parallel_loop3A_465] {strides = array<i32>} : memref<4x2048xf32, #tpu.memory_space<vmem>>, vector<16xf32>,
        %parallel_loop3A_467 = arith.constant 0 : i32
        %parallel_loop3A_468 = arith.index_cast %parallel_loop3A_467 : i32 to index
        %parallel_loop3A_469 = arith.index_cast %parallel_loop3A_462 : i32 to index
        %parallel_loop3A_470 = tpu.vector_load %arg6[%parallel_loop3A_468, %parallel_loop3A_469] {strides = array<i32>} : memref<4x2048xi32, #tpu.memory_space<vmem>>, vector<16xi32>,
        %parallel_loop3A_471 = arith.sitofp %parallel_loop3A_470 : vector<16xi32> to vector<16xf32>
        %parallel_loop3A_472 = arith.constant 2.000000e+00 : f32
        %parallel_loop3A_473 = vector.broadcast %parallel_loop3A_472 : f32 to vector<16xf32>
        %parallel_loop3A_474 = arith.mulf %parallel_loop3A_473, %parallel_loop3A_471 : vector<16xf32>
        %parallel_loop3A_475 = arith.constant 1.000000e+00 : f32
        %parallel_loop3A_476 = vector.broadcast %parallel_loop3A_475 : f32 to vector<16xf32>
        %parallel_loop3A_477 = arith.subf %parallel_loop3A_474, %parallel_loop3A_476 : vector<16xf32>
        %parallel_loop3A_478 = arith.mulf %parallel_loop3A_466, %parallel_loop3A_477 : vector<16xf32>
        %parallel_loop3A_479 = arith.constant 1.000000e+00 : f32
        %parallel_loop3A_480 = vector.broadcast %parallel_loop3A_479 : f32 to vector<16xf32>
        %parallel_loop3A_481 = arith.subf %parallel_loop3A_480, %parallel_loop3A_478 : vector<16xf32>
        %parallel_loop3A_482 = arith.constant 0.000000e+00 : f32
        %parallel_loop3A_483 = vector.broadcast %parallel_loop3A_482 : f32 to vector<16xf32>
        %parallel_loop3A_484 = arith.cmpf ogt, %parallel_loop3A_481, %parallel_loop3A_483 : vector<16xf32>
        %parallel_loop3A_485 = arith.constant 1.000000e+00 : f32
        %parallel_loop3A_486 = vector.broadcast %parallel_loop3A_485 : f32 to vector<16xf32>
        %parallel_loop3A_487 = arith.addf %parallel_loop3A_481, %parallel_loop3A_486 : vector<16xf32>
        %parallel_loop3A_488 = math.exp %parallel_loop3A_481 : vector<16xf32>
        %parallel_loop3A_489 = arith.select %parallel_loop3A_484, %parallel_loop3A_487, %parallel_loop3A_488 : vector<16xi1>, vector<16xf32>
        %parallel_loop3A_490 = tpu.bitcast %parallel_loop3A_481 : vector<16xf32> -> vector<16xi32>
        %parallel_loop3A_491 = arith.constant 31 : i32
        %parallel_loop3A_492 = vector.broadcast %parallel_loop3A_491 : i32 to vector<16xi32>
        %parallel_loop3A_493 = arith.shrsi %parallel_loop3A_490, %parallel_loop3A_492 : vector<16xi32>
        %parallel_loop3A_494 = arith.constant -2147483648 : i32
        %parallel_loop3A_495 = vector.broadcast %parallel_loop3A_494 : i32 to vector<16xi32>
        %parallel_loop3A_496 = arith.ori %parallel_loop3A_493, %parallel_loop3A_495 : vector<16xi32>
        %parallel_loop3A_497 = arith.xori %parallel_loop3A_490, %parallel_loop3A_496 : vector<16xi32>
        %parallel_loop3A_498 = arith.constant 18 : i32
        %parallel_loop3A_499 = vector.broadcast %parallel_loop3A_498 : i32 to vector<16xi32>
        %parallel_loop3A_500 = arith.shrui %parallel_loop3A_497, %parallel_loop3A_499 : vector<16xi32>
        %parallel_loop3A_501 = arith.constant 14 : i32
        %parallel_loop3A_502 = vector.broadcast %parallel_loop3A_501 : i32 to vector<16xi32>
        %parallel_loop3A_503 = arith.shli %parallel_loop3A_470, %parallel_loop3A_502 : vector<16xi32>
        %parallel_loop3A_504 = arith.addi %parallel_loop3A_500, %parallel_loop3A_503 : vector<16xi32>
        tpu.vector_store_idx %arg7[%parallel_loop3A_504], %broadcast_in_dim3A_33 {add = true} : memref<32768xf32, #tpu.memory_space<vmem>>[vector<16xi32>], vector<16xf32>,
        tpu.vector_store_idx %arg8[%parallel_loop3A_504], %parallel_loop3A_489 {add = true} : memref<32768xf32, #tpu.memory_space<vmem>>[vector<16xi32>], vector<16xf32>,
      } {sc.loop_unroll_factor = 4 : i64, sc.parallel_access}
      %dma_wait3A_285 = arith.constant 1 : i32
      %dma_wait3A_286 = arith.constant 0 : i32
      %dma_wait3A_287 = tpu.memref_slice %arg5[%dma_wait3A_285, %dma_wait3A_286] : memref<4x2048xf32, #tpu.memory_space<vmem>> -> memref<1x1024xf32, #tpu.memory_space<vmem>>
      %dma_wait3A_288 = tpu.memref_squeeze %dma_wait3A_287 : memref<1x1024xf32, #tpu.memory_space<vmem>> -> memref<1024xf32, #tpu.memory_space<vmem>>
      %dma_wait3A_289 = arith.constant 0 : i32
      %dma_wait3A_290 = tpu.memref_slice %arg2[%dma_wait3A_289] : memref<4194304xf32, #tpu.memory_space<hbm>> -> memref<1024xf32, #tpu.memory_space<hbm>>
      %dma_wait3A_291 = arith.constant 0 : i32
      %dma_wait3A_292 = tpu.memref_slice %arg5[%dma_wait3A_285, %dma_wait3A_291] : memref<4x2048xf32, #tpu.memory_space<vmem>> -> memref<1x1024xf32, #tpu.memory_space<vmem>>
      %dma_wait3A_293 = tpu.memref_squeeze %dma_wait3A_292 : memref<1x1024xf32, #tpu.memory_space<vmem>> -> memref<1024xf32, #tpu.memory_space<vmem>>
      %dma_wait3A_294 = arith.constant 0 : i32
      %dma_wait3A_295 = tpu.memref_slice %arg2[%dma_wait3A_294] : memref<4194304xf32, #tpu.memory_space<hbm>> -> memref<1024xf32, #tpu.memory_space<hbm>>
      tpu.wait_dma2 semaphore(%arg13 : memref<!tpu.dma_semaphore, #tpu.memory_space<semaphore_mem>>) src(%dma_wait3A_295 : memref<1024xf32, #tpu.memory_space<hbm>>) dst(%dma_wait3A_293 : memref<1024xf32, #tpu.memory_space<vmem>>)
      %dma_wait3A_296 = arith.constant 1 : i32
      %dma_wait3A_297 = arith.constant 0 : i32
      %dma_wait3A_298 = tpu.memref_slice %arg6[%dma_wait3A_296, %dma_wait3A_297] : memref<4x2048xi32, #tpu.memory_space<vmem>> -> memref<1x1024xi32, #tpu.memory_space<vmem>>
      %dma_wait3A_299 = tpu.memref_squeeze %dma_wait3A_298 : memref<1x1024xi32, #tpu.memory_space<vmem>> -> memref<1024xi32, #tpu.memory_space<vmem>>
      %dma_wait3A_300 = arith.constant 0 : i32
      %dma_wait3A_301 = tpu.memref_slice %arg3[%dma_wait3A_300] : memref<4194304xi32, #tpu.memory_space<hbm>> -> memref<1024xi32, #tpu.memory_space<hbm>>
      %dma_wait3A_302 = arith.constant 0 : i32
      %dma_wait3A_303 = tpu.memref_slice %arg6[%dma_wait3A_296, %dma_wait3A_302] : memref<4x2048xi32, #tpu.memory_space<vmem>> -> memref<1x1024xi32, #tpu.memory_space<vmem>>
      %dma_wait3A_304 = tpu.memref_squeeze %dma_wait3A_303 : memref<1x1024xi32, #tpu.memory_space<vmem>> -> memref<1024xi32, #tpu.memory_space<vmem>>
      %dma_wait3A_305 = arith.constant 0 : i32
      %dma_wait3A_306 = tpu.memref_slice %arg3[%dma_wait3A_305] : memref<4194304xi32, #tpu.memory_space<hbm>> -> memref<1024xi32, #tpu.memory_space<hbm>>
      tpu.wait_dma2 semaphore(%arg13 : memref<!tpu.dma_semaphore, #tpu.memory_space<semaphore_mem>>) src(%dma_wait3A_306 : memref<1024xi32, #tpu.memory_space<hbm>>) dst(%dma_wait3A_304 : memref<1024xi32, #tpu.memory_space<vmem>>)
      %dma_wait3A_307 = arith.constant 1 : i32
      %dma_wait3A_308 = arith.constant 1024 : i32
      %dma_wait3A_309 = tpu.memref_slice %arg5[%dma_wait3A_307, %dma_wait3A_308] : memref<4x2048xf32, #tpu.memory_space<vmem>> -> memref<1x1024xf32, #tpu.memory_space<vmem>>
      %dma_wait3A_310 = tpu.memref_squeeze %dma_wait3A_309 : memref<1x1024xf32, #tpu.memory_space<vmem>> -> memref<1024xf32, #tpu.memory_space<vmem>>
      %dma_wait3A_311 = arith.constant 0 : i32
      %dma_wait3A_312 = tpu.memref_slice %arg2[%dma_wait3A_311] : memref<4194304xf32, #tpu.memory_space<hbm>> -> memref<1024xf32, #tpu.memory_space<hbm>>
      %dma_wait3A_313 = arith.constant 1024 : i32
      %dma_wait3A_314 = tpu.memref_slice %arg5[%dma_wait3A_307, %dma_wait3A_313] : memref<4x2048xf32, #tpu.memory_space<vmem>> -> memref<1x1024xf32, #tpu.memory_space<vmem>>
      %dma_wait3A_315 = tpu.memref_squeeze %dma_wait3A_314 : memref<1x1024xf32, #tpu.memory_space<vmem>> -> memref<1024xf32, #tpu.memory_space<vmem>>
      %dma_wait3A_316 = arith.constant 0 : i32
      %dma_wait3A_317 = tpu.memref_slice %arg2[%dma_wait3A_316] : memref<4194304xf32, #tpu.memory_space<hbm>> -> memref<1024xf32, #tpu.memory_space<hbm>>
      tpu.wait_dma2 semaphore(%arg13 : memref<!tpu.dma_semaphore, #tpu.memory_space<semaphore_mem>>) src(%dma_wait3A_317 : memref<1024xf32, #tpu.memory_space<hbm>>) dst(%dma_wait3A_315 : memref<1024xf32, #tpu.memory_space<vmem>>)
      %dma_wait3A_318 = arith.constant 1 : i32
      %dma_wait3A_319 = arith.constant 1024 : i32
      %dma_wait3A_320 = tpu.memref_slice %arg6[%dma_wait3A_318, %dma_wait3A_319] : memref<4x2048xi32, #tpu.memory_space<vmem>> -> memref<1x1024xi32, #tpu.memory_space<vmem>>
      %dma_wait3A_321 = tpu.memref_squeeze %dma_wait3A_320 : memref<1x1024xi32, #tpu.memory_space<vmem>> -> memref<1024xi32, #tpu.memory_space<vmem>>
      %dma_wait3A_322 = arith.constant 0 : i32
      %dma_wait3A_323 = tpu.memref_slice %arg3[%dma_wait3A_322] : memref<4194304xi32, #tpu.memory_space<hbm>> -> memref<1024xi32, #tpu.memory_space<hbm>>
      %dma_wait3A_324 = arith.constant 1024 : i32
      %dma_wait3A_325 = tpu.memref_slice %arg6[%dma_wait3A_318, %dma_wait3A_324] : memref<4x2048xi32, #tpu.memory_space<vmem>> -> memref<1x1024xi32, #tpu.memory_space<vmem>>
      %dma_wait3A_326 = tpu.memref_squeeze %dma_wait3A_325 : memref<1x1024xi32, #tpu.memory_space<vmem>> -> memref<1024xi32, #tpu.memory_space<vmem>>
      %dma_wait3A_327 = arith.constant 0 : i32
      %dma_wait3A_328 = tpu.memref_slice %arg3[%dma_wait3A_327] : memref<4194304xi32, #tpu.memory_space<hbm>> -> memref<1024xi32, #tpu.memory_space<hbm>>
      tpu.wait_dma2 semaphore(%arg13 : memref<!tpu.dma_semaphore, #tpu.memory_space<semaphore_mem>>) src(%dma_wait3A_328 : memref<1024xi32, #tpu.memory_space<hbm>>) dst(%dma_wait3A_326 : memref<1024xi32, #tpu.memory_space<vmem>>)
      %mul3A_329 = arith.constant 4 : i32
      %mul3A_330 = arith.muli %scan3A_226, %mul3A_329 : i32
      %add3A_331 = arith.constant 1 : i32
      %add3A_332 = arith.addi %mul3A_330, %add3A_331 : i32
      %add3A_333 = arith.constant 3 : i32
      %add3A_334 = arith.addi %add3A_332, %add3A_333 : i32
      %lt3A_335 = arith.constant 64 : i32
      %lt3A_336 = arith.cmpi slt, %add3A_334, %lt3A_335 : i32
      %convert_element_type3A_337 = arith.extui %lt3A_336 : i1 to i32
      %cond3A_338 = arith.constant 0 : i32
      %cond3A_339 = arith.cmpi ne, %convert_element_type3A_337, %cond3A_338 : i32
      scf.if %cond3A_339 {
        %mul3A_460 = arith.constant 262144 : i32
        %mul3A_461 = arith.muli %select_n3A, %mul3A_460 : i32
        %mul3A_462 = arith.constant 131072 : i32
        %mul3A_463 = arith.muli %select_n3A_30, %mul3A_462 : i32
        %add3A_464 = arith.addi %mul3A_461, %mul3A_463 : i32
        %mul3A_465 = arith.constant 2048 : i32
        %mul3A_466 = arith.muli %add3A_334, %mul3A_465 : i32
        %add3A_467 = arith.addi %add3A_464, %mul3A_466 : i32
        %add3A_468 = arith.constant 0 : i32
        %add3A_469 = arith.addi %add3A_467, %add3A_468 : i32
        %dma_start3A_470 = arith.constant 0 : i32
        %dma_start3A_471 = arith.constant 0 : i32
        %dma_start3A_472 = tpu.memref_slice %arg5[%dma_start3A_470, %dma_start3A_471] : memref<4x2048xf32, #tpu.memory_space<vmem>> -> memref<1x1024xf32, #tpu.memory_space<vmem>>
        %dma_start3A_473 = tpu.memref_squeeze %dma_start3A_472 : memref<1x1024xf32, #tpu.memory_space<vmem>> -> memref<1024xf32, #tpu.memory_space<vmem>>
        %dma_start3A_474 = tpu.memref_slice %arg2[%add3A_469] : memref<4194304xf32, #tpu.memory_space<hbm>> -> memref<1024xf32, #tpu.memory_space<hbm>>
        %dma_start3A_475 = arith.constant 0 : i32
        %dma_start3A_476 = tpu.memref_slice %arg5[%dma_start3A_470, %dma_start3A_475] : memref<4x2048xf32, #tpu.memory_space<vmem>> -> memref<1x1024xf32, #tpu.memory_space<vmem>>
        %dma_start3A_477 = tpu.memref_squeeze %dma_start3A_476 : memref<1x1024xf32, #tpu.memory_space<vmem>> -> memref<1024xf32, #tpu.memory_space<vmem>>
        %dma_start3A_478 = tpu.memref_slice %arg2[%add3A_469] : memref<4194304xf32, #tpu.memory_space<hbm>> -> memref<1024xf32, #tpu.memory_space<hbm>>
        tpu.enqueue_dma source(%dma_start3A_478 : memref<1024xf32, #tpu.memory_space<hbm>>) target(%dma_start3A_477 : memref<1024xf32, #tpu.memory_space<vmem>>) target_semaphore(%arg12 : memref<!tpu.dma_semaphore, #tpu.memory_space<semaphore_mem>>)
        %add3A_479 = arith.constant 0 : i32
        %add3A_480 = arith.addi %add3A_467, %add3A_479 : i32
        %dma_start3A_481 = arith.constant 0 : i32
        %dma_start3A_482 = arith.constant 0 : i32
        %dma_start3A_483 = tpu.memref_slice %arg6[%dma_start3A_481, %dma_start3A_482] : memref<4x2048xi32, #tpu.memory_space<vmem>> -> memref<1x1024xi32, #tpu.memory_space<vmem>>
        %dma_start3A_484 = tpu.memref_squeeze %dma_start3A_483 : memref<1x1024xi32, #tpu.memory_space<vmem>> -> memref<1024xi32, #tpu.memory_space<vmem>>
        %dma_start3A_485 = tpu.memref_slice %arg3[%add3A_480] : memref<4194304xi32, #tpu.memory_space<hbm>> -> memref<1024xi32, #tpu.memory_space<hbm>>
        %dma_start3A_486 = arith.constant 0 : i32
        %dma_start3A_487 = tpu.memref_slice %arg6[%dma_start3A_481, %dma_start3A_486] : memref<4x2048xi32, #tpu.memory_space<vmem>> -> memref<1x1024xi32, #tpu.memory_space<vmem>>
        %dma_start3A_488 = tpu.memref_squeeze %dma_start3A_487 : memref<1x1024xi32, #tpu.memory_space<vmem>> -> memref<1024xi32, #tpu.memory_space<vmem>>
        %dma_start3A_489 = tpu.memref_slice %arg3[%add3A_480] : memref<4194304xi32, #tpu.memory_space<hbm>> -> memref<1024xi32, #tpu.memory_space<hbm>>
        tpu.enqueue_dma source(%dma_start3A_489 : memref<1024xi32, #tpu.memory_space<hbm>>) target(%dma_start3A_488 : memref<1024xi32, #tpu.memory_space<vmem>>) target_semaphore(%arg12 : memref<!tpu.dma_semaphore, #tpu.memory_space<semaphore_mem>>)
        %add3A_490 = arith.constant 1024 : i32
        %add3A_491 = arith.addi %add3A_467, %add3A_490 : i32
        %dma_start3A_492 = arith.constant 0 : i32
        %dma_start3A_493 = arith.constant 1024 : i32
        %dma_start3A_494 = tpu.memref_slice %arg5[%dma_start3A_492, %dma_start3A_493] : memref<4x2048xf32, #tpu.memory_space<vmem>> -> memref<1x1024xf32, #tpu.memory_space<vmem>>
        %dma_start3A_495 = tpu.memref_squeeze %dma_start3A_494 : memref<1x1024xf32, #tpu.memory_space<vmem>> -> memref<1024xf32, #tpu.memory_space<vmem>>
        %dma_start3A_496 = tpu.memref_slice %arg2[%add3A_491] : memref<4194304xf32, #tpu.memory_space<hbm>> -> memref<1024xf32, #tpu.memory_space<hbm>>
        %dma_start3A_497 = arith.constant 1024 : i32
        %dma_start3A_498 = tpu.memref_slice %arg5[%dma_start3A_492, %dma_start3A_497] : memref<4x2048xf32, #tpu.memory_space<vmem>> -> memref<1x1024xf32, #tpu.memory_space<vmem>>
        %dma_start3A_499 = tpu.memref_squeeze %dma_start3A_498 : memref<1x1024xf32, #tpu.memory_space<vmem>> -> memref<1024xf32, #tpu.memory_space<vmem>>
        %dma_start3A_500 = tpu.memref_slice %arg2[%add3A_491] : memref<4194304xf32, #tpu.memory_space<hbm>> -> memref<1024xf32, #tpu.memory_space<hbm>>
        tpu.enqueue_dma source(%dma_start3A_500 : memref<1024xf32, #tpu.memory_space<hbm>>) target(%dma_start3A_499 : memref<1024xf32, #tpu.memory_space<vmem>>) target_semaphore(%arg12 : memref<!tpu.dma_semaphore, #tpu.memory_space<semaphore_mem>>)
        %add3A_501 = arith.constant 1024 : i32
        %add3A_502 = arith.addi %add3A_467, %add3A_501 : i32
        %dma_start3A_503 = arith.constant 0 : i32
        %dma_start3A_504 = arith.constant 1024 : i32
        %dma_start3A_505 = tpu.memref_slice %arg6[%dma_start3A_503, %dma_start3A_504] : memref<4x2048xi32, #tpu.memory_space<vmem>> -> memref<1x1024xi32, #tpu.memory_space<vmem>>
        %dma_start3A_506 = tpu.memref_squeeze %dma_start3A_505 : memref<1x1024xi32, #tpu.memory_space<vmem>> -> memref<1024xi32, #tpu.memory_space<vmem>>
        %dma_start3A_507 = tpu.memref_slice %arg3[%add3A_502] : memref<4194304xi32, #tpu.memory_space<hbm>> -> memref<1024xi32, #tpu.memory_space<hbm>>
        %dma_start3A_508 = arith.constant 1024 : i32
        %dma_start3A_509 = tpu.memref_slice %arg6[%dma_start3A_503, %dma_start3A_508] : memref<4x2048xi32, #tpu.memory_space<vmem>> -> memref<1x1024xi32, #tpu.memory_space<vmem>>
        %dma_start3A_510 = tpu.memref_squeeze %dma_start3A_509 : memref<1x1024xi32, #tpu.memory_space<vmem>> -> memref<1024xi32, #tpu.memory_space<vmem>>
        %dma_start3A_511 = tpu.memref_slice %arg3[%add3A_502] : memref<4194304xi32, #tpu.memory_space<hbm>> -> memref<1024xi32, #tpu.memory_space<hbm>>
        tpu.enqueue_dma source(%dma_start3A_511 : memref<1024xi32, #tpu.memory_space<hbm>>) target(%dma_start3A_510 : memref<1024xi32, #tpu.memory_space<vmem>>) target_semaphore(%arg12 : memref<!tpu.dma_semaphore, #tpu.memory_space<semaphore_mem>>)
      } else {
      }
      %parallel_loop3A_340 = arith.constant 0 : i32
      %parallel_loop3A_341 = arith.constant 128 : i32
      %parallel_loop3A_342 = arith.constant 1 : i32
      scf.for %parallel_loop3A_460 = %parallel_loop3A_340 to %parallel_loop3A_341 step %parallel_loop3A_342  : i32 {
        %parallel_loop3A_461 = arith.constant 16 : i32
        %parallel_loop3A_462 = arith.muli %parallel_loop3A_460, %parallel_loop3A_461 : i32
        %parallel_loop3A_463 = arith.constant 1 : i32
        %parallel_loop3A_464 = arith.index_cast %parallel_loop3A_463 : i32 to index
        %parallel_loop3A_465 = arith.index_cast %parallel_loop3A_462 : i32 to index
        %parallel_loop3A_466 = tpu.vector_load %arg5[%parallel_loop3A_464, %parallel_loop3A_465] {strides = array<i32>} : memref<4x2048xf32, #tpu.memory_space<vmem>>, vector<16xf32>,
        %parallel_loop3A_467 = arith.constant 1 : i32
        %parallel_loop3A_468 = arith.index_cast %parallel_loop3A_467 : i32 to index
        %parallel_loop3A_469 = arith.index_cast %parallel_loop3A_462 : i32 to index
        %parallel_loop3A_470 = tpu.vector_load %arg6[%parallel_loop3A_468, %parallel_loop3A_469] {strides = array<i32>} : memref<4x2048xi32, #tpu.memory_space<vmem>>, vector<16xi32>,
        %parallel_loop3A_471 = arith.sitofp %parallel_loop3A_470 : vector<16xi32> to vector<16xf32>
        %parallel_loop3A_472 = arith.constant 2.000000e+00 : f32
        %parallel_loop3A_473 = vector.broadcast %parallel_loop3A_472 : f32 to vector<16xf32>
        %parallel_loop3A_474 = arith.mulf %parallel_loop3A_473, %parallel_loop3A_471 : vector<16xf32>
        %parallel_loop3A_475 = arith.constant 1.000000e+00 : f32
        %parallel_loop3A_476 = vector.broadcast %parallel_loop3A_475 : f32 to vector<16xf32>
        %parallel_loop3A_477 = arith.subf %parallel_loop3A_474, %parallel_loop3A_476 : vector<16xf32>
        %parallel_loop3A_478 = arith.mulf %parallel_loop3A_466, %parallel_loop3A_477 : vector<16xf32>
        %parallel_loop3A_479 = arith.constant 1.000000e+00 : f32
        %parallel_loop3A_480 = vector.broadcast %parallel_loop3A_479 : f32 to vector<16xf32>
        %parallel_loop3A_481 = arith.subf %parallel_loop3A_480, %parallel_loop3A_478 : vector<16xf32>
        %parallel_loop3A_482 = arith.constant 0.000000e+00 : f32
        %parallel_loop3A_483 = vector.broadcast %parallel_loop3A_482 : f32 to vector<16xf32>
        %parallel_loop3A_484 = arith.cmpf ogt, %parallel_loop3A_481, %parallel_loop3A_483 : vector<16xf32>
        %parallel_loop3A_485 = arith.constant 1.000000e+00 : f32
        %parallel_loop3A_486 = vector.broadcast %parallel_loop3A_485 : f32 to vector<16xf32>
        %parallel_loop3A_487 = arith.addf %parallel_loop3A_481, %parallel_loop3A_486 : vector<16xf32>
        %parallel_loop3A_488 = math.exp %parallel_loop3A_481 : vector<16xf32>
        %parallel_loop3A_489 = arith.select %parallel_loop3A_484, %parallel_loop3A_487, %parallel_loop3A_488 : vector<16xi1>, vector<16xf32>
        %parallel_loop3A_490 = tpu.bitcast %parallel_loop3A_481 : vector<16xf32> -> vector<16xi32>
        %parallel_loop3A_491 = arith.constant 31 : i32
        %parallel_loop3A_492 = vector.broadcast %parallel_loop3A_491 : i32 to vector<16xi32>
        %parallel_loop3A_493 = arith.shrsi %parallel_loop3A_490, %parallel_loop3A_492 : vector<16xi32>
        %parallel_loop3A_494 = arith.constant -2147483648 : i32
        %parallel_loop3A_495 = vector.broadcast %parallel_loop3A_494 : i32 to vector<16xi32>
        %parallel_loop3A_496 = arith.ori %parallel_loop3A_493, %parallel_loop3A_495 : vector<16xi32>
        %parallel_loop3A_497 = arith.xori %parallel_loop3A_490, %parallel_loop3A_496 : vector<16xi32>
        %parallel_loop3A_498 = arith.constant 18 : i32
        %parallel_loop3A_499 = vector.broadcast %parallel_loop3A_498 : i32 to vector<16xi32>
        %parallel_loop3A_500 = arith.shrui %parallel_loop3A_497, %parallel_loop3A_499 : vector<16xi32>
        %parallel_loop3A_501 = arith.constant 14 : i32
        %parallel_loop3A_502 = vector.broadcast %parallel_loop3A_501 : i32 to vector<16xi32>
        %parallel_loop3A_503 = arith.shli %parallel_loop3A_470, %parallel_loop3A_502 : vector<16xi32>
        %parallel_loop3A_504 = arith.addi %parallel_loop3A_500, %parallel_loop3A_503 : vector<16xi32>
        tpu.vector_store_idx %arg7[%parallel_loop3A_504], %broadcast_in_dim3A_33 {add = true} : memref<32768xf32, #tpu.memory_space<vmem>>[vector<16xi32>], vector<16xf32>,
        tpu.vector_store_idx %arg8[%parallel_loop3A_504], %parallel_loop3A_489 {add = true} : memref<32768xf32, #tpu.memory_space<vmem>>[vector<16xi32>], vector<16xf32>,
      } {sc.loop_unroll_factor = 4 : i64, sc.parallel_access}
      %dma_wait3A_343 = arith.constant 2 : i32
      %dma_wait3A_344 = arith.constant 0 : i32
      %dma_wait3A_345 = tpu.memref_slice %arg5[%dma_wait3A_343, %dma_wait3A_344] : memref<4x2048xf32, #tpu.memory_space<vmem>> -> memref<1x1024xf32, #tpu.memory_space<vmem>>
      %dma_wait3A_346 = tpu.memref_squeeze %dma_wait3A_345 : memref<1x1024xf32, #tpu.memory_space<vmem>> -> memref<1024xf32, #tpu.memory_space<vmem>>
      %dma_wait3A_347 = arith.constant 0 : i32
      %dma_wait3A_348 = tpu.memref_slice %arg2[%dma_wait3A_347] : memref<4194304xf32, #tpu.memory_space<hbm>> -> memref<1024xf32, #tpu.memory_space<hbm>>
      %dma_wait3A_349 = arith.constant 0 : i32
      %dma_wait3A_350 = tpu.memref_slice %arg5[%dma_wait3A_343, %dma_wait3A_349] : memref<4x2048xf32, #tpu.memory_space<vmem>> -> memref<1x1024xf32, #tpu.memory_space<vmem>>
      %dma_wait3A_351 = tpu.memref_squeeze %dma_wait3A_350 : memref<1x1024xf32, #tpu.memory_space<vmem>> -> memref<1024xf32, #tpu.memory_space<vmem>>
      %dma_wait3A_352 = arith.constant 0 : i32
      %dma_wait3A_353 = tpu.memref_slice %arg2[%dma_wait3A_352] : memref<4194304xf32, #tpu.memory_space<hbm>> -> memref<1024xf32, #tpu.memory_space<hbm>>
      tpu.wait_dma2 semaphore(%arg14 : memref<!tpu.dma_semaphore, #tpu.memory_space<semaphore_mem>>) src(%dma_wait3A_353 : memref<1024xf32, #tpu.memory_space<hbm>>) dst(%dma_wait3A_351 : memref<1024xf32, #tpu.memory_space<vmem>>)
      %dma_wait3A_354 = arith.constant 2 : i32
      %dma_wait3A_355 = arith.constant 0 : i32
      %dma_wait3A_356 = tpu.memref_slice %arg6[%dma_wait3A_354, %dma_wait3A_355] : memref<4x2048xi32, #tpu.memory_space<vmem>> -> memref<1x1024xi32, #tpu.memory_space<vmem>>
      %dma_wait3A_357 = tpu.memref_squeeze %dma_wait3A_356 : memref<1x1024xi32, #tpu.memory_space<vmem>> -> memref<1024xi32, #tpu.memory_space<vmem>>
      %dma_wait3A_358 = arith.constant 0 : i32
      %dma_wait3A_359 = tpu.memref_slice %arg3[%dma_wait3A_358] : memref<4194304xi32, #tpu.memory_space<hbm>> -> memref<1024xi32, #tpu.memory_space<hbm>>
      %dma_wait3A_360 = arith.constant 0 : i32
      %dma_wait3A_361 = tpu.memref_slice %arg6[%dma_wait3A_354, %dma_wait3A_360] : memref<4x2048xi32, #tpu.memory_space<vmem>> -> memref<1x1024xi32, #tpu.memory_space<vmem>>
      %dma_wait3A_362 = tpu.memref_squeeze %dma_wait3A_361 : memref<1x1024xi32, #tpu.memory_space<vmem>> -> memref<1024xi32, #tpu.memory_space<vmem>>
      %dma_wait3A_363 = arith.constant 0 : i32
      %dma_wait3A_364 = tpu.memref_slice %arg3[%dma_wait3A_363] : memref<4194304xi32, #tpu.memory_space<hbm>> -> memref<1024xi32, #tpu.memory_space<hbm>>
      tpu.wait_dma2 semaphore(%arg14 : memref<!tpu.dma_semaphore, #tpu.memory_space<semaphore_mem>>) src(%dma_wait3A_364 : memref<1024xi32, #tpu.memory_space<hbm>>) dst(%dma_wait3A_362 : memref<1024xi32, #tpu.memory_space<vmem>>)
      %dma_wait3A_365 = arith.constant 2 : i32
      %dma_wait3A_366 = arith.constant 1024 : i32
      %dma_wait3A_367 = tpu.memref_slice %arg5[%dma_wait3A_365, %dma_wait3A_366] : memref<4x2048xf32, #tpu.memory_space<vmem>> -> memref<1x1024xf32, #tpu.memory_space<vmem>>
      %dma_wait3A_368 = tpu.memref_squeeze %dma_wait3A_367 : memref<1x1024xf32, #tpu.memory_space<vmem>> -> memref<1024xf32, #tpu.memory_space<vmem>>
      %dma_wait3A_369 = arith.constant 0 : i32
      %dma_wait3A_370 = tpu.memref_slice %arg2[%dma_wait3A_369] : memref<4194304xf32, #tpu.memory_space<hbm>> -> memref<1024xf32, #tpu.memory_space<hbm>>
      %dma_wait3A_371 = arith.constant 1024 : i32
      %dma_wait3A_372 = tpu.memref_slice %arg5[%dma_wait3A_365, %dma_wait3A_371] : memref<4x2048xf32, #tpu.memory_space<vmem>> -> memref<1x1024xf32, #tpu.memory_space<vmem>>
      %dma_wait3A_373 = tpu.memref_squeeze %dma_wait3A_372 : memref<1x1024xf32, #tpu.memory_space<vmem>> -> memref<1024xf32, #tpu.memory_space<vmem>>
      %dma_wait3A_374 = arith.constant 0 : i32
      %dma_wait3A_375 = tpu.memref_slice %arg2[%dma_wait3A_374] : memref<4194304xf32, #tpu.memory_space<hbm>> -> memref<1024xf32, #tpu.memory_space<hbm>>
      tpu.wait_dma2 semaphore(%arg14 : memref<!tpu.dma_semaphore, #tpu.memory_space<semaphore_mem>>) src(%dma_wait3A_375 : memref<1024xf32, #tpu.memory_space<hbm>>) dst(%dma_wait3A_373 : memref<1024xf32, #tpu.memory_space<vmem>>)
      %dma_wait3A_376 = arith.constant 2 : i32
      %dma_wait3A_377 = arith.constant 1024 : i32
      %dma_wait3A_378 = tpu.memref_slice %arg6[%dma_wait3A_376, %dma_wait3A_377] : memref<4x2048xi32, #tpu.memory_space<vmem>> -> memref<1x1024xi32, #tpu.memory_space<vmem>>
      %dma_wait3A_379 = tpu.memref_squeeze %dma_wait3A_378 : memref<1x1024xi32, #tpu.memory_space<vmem>> -> memref<1024xi32, #tpu.memory_space<vmem>>
      %dma_wait3A_380 = arith.constant 0 : i32
      %dma_wait3A_381 = tpu.memref_slice %arg3[%dma_wait3A_380] : memref<4194304xi32, #tpu.memory_space<hbm>> -> memref<1024xi32, #tpu.memory_space<hbm>>
      %dma_wait3A_382 = arith.constant 1024 : i32
      %dma_wait3A_383 = tpu.memref_slice %arg6[%dma_wait3A_376, %dma_wait3A_382] : memref<4x2048xi32, #tpu.memory_space<vmem>> -> memref<1x1024xi32, #tpu.memory_space<vmem>>
      %dma_wait3A_384 = tpu.memref_squeeze %dma_wait3A_383 : memref<1x1024xi32, #tpu.memory_space<vmem>> -> memref<1024xi32, #tpu.memory_space<vmem>>
      %dma_wait3A_385 = arith.constant 0 : i32
      %dma_wait3A_386 = tpu.memref_slice %arg3[%dma_wait3A_385] : memref<4194304xi32, #tpu.memory_space<hbm>> -> memref<1024xi32, #tpu.memory_space<hbm>>
      tpu.wait_dma2 semaphore(%arg14 : memref<!tpu.dma_semaphore, #tpu.memory_space<semaphore_mem>>) src(%dma_wait3A_386 : memref<1024xi32, #tpu.memory_space<hbm>>) dst(%dma_wait3A_384 : memref<1024xi32, #tpu.memory_space<vmem>>)
      %mul3A_387 = arith.constant 4 : i32
      %mul3A_388 = arith.muli %scan3A_226, %mul3A_387 : i32
      %add3A_389 = arith.constant 2 : i32
      %add3A_390 = arith.addi %mul3A_388, %add3A_389 : i32
      %add3A_391 = arith.constant 3 : i32
      %add3A_392 = arith.addi %add3A_390, %add3A_391 : i32
      %lt3A_393 = arith.constant 64 : i32
      %lt3A_394 = arith.cmpi slt, %add3A_392, %lt3A_393 : i32
      %convert_element_type3A_395 = arith.extui %lt3A_394 : i1 to i32
      %cond3A_396 = arith.constant 0 : i32
      %cond3A_397 = arith.cmpi ne, %convert_element_type3A_395, %cond3A_396 : i32
      scf.if %cond3A_397 {
        %mul3A_460 = arith.constant 262144 : i32
        %mul3A_461 = arith.muli %select_n3A, %mul3A_460 : i32
        %mul3A_462 = arith.constant 131072 : i32
        %mul3A_463 = arith.muli %select_n3A_30, %mul3A_462 : i32
        %add3A_464 = arith.addi %mul3A_461, %mul3A_463 : i32
        %mul3A_465 = arith.constant 2048 : i32
        %mul3A_466 = arith.muli %add3A_392, %mul3A_465 : i32
        %add3A_467 = arith.addi %add3A_464, %mul3A_466 : i32
        %add3A_468 = arith.constant 0 : i32
        %add3A_469 = arith.addi %add3A_467, %add3A_468 : i32
        %dma_start3A_470 = arith.constant 1 : i32
        %dma_start3A_471 = arith.constant 0 : i32
        %dma_start3A_472 = tpu.memref_slice %arg5[%dma_start3A_470, %dma_start3A_471] : memref<4x2048xf32, #tpu.memory_space<vmem>> -> memref<1x1024xf32, #tpu.memory_space<vmem>>
        %dma_start3A_473 = tpu.memref_squeeze %dma_start3A_472 : memref<1x1024xf32, #tpu.memory_space<vmem>> -> memref<1024xf32, #tpu.memory_space<vmem>>
        %dma_start3A_474 = tpu.memref_slice %arg2[%add3A_469] : memref<4194304xf32, #tpu.memory_space<hbm>> -> memref<1024xf32, #tpu.memory_space<hbm>>
        %dma_start3A_475 = arith.constant 0 : i32
        %dma_start3A_476 = tpu.memref_slice %arg5[%dma_start3A_470, %dma_start3A_475] : memref<4x2048xf32, #tpu.memory_space<vmem>> -> memref<1x1024xf32, #tpu.memory_space<vmem>>
        %dma_start3A_477 = tpu.memref_squeeze %dma_start3A_476 : memref<1x1024xf32, #tpu.memory_space<vmem>> -> memref<1024xf32, #tpu.memory_space<vmem>>
        %dma_start3A_478 = tpu.memref_slice %arg2[%add3A_469] : memref<4194304xf32, #tpu.memory_space<hbm>> -> memref<1024xf32, #tpu.memory_space<hbm>>
        tpu.enqueue_dma source(%dma_start3A_478 : memref<1024xf32, #tpu.memory_space<hbm>>) target(%dma_start3A_477 : memref<1024xf32, #tpu.memory_space<vmem>>) target_semaphore(%arg13 : memref<!tpu.dma_semaphore, #tpu.memory_space<semaphore_mem>>)
        %add3A_479 = arith.constant 0 : i32
        %add3A_480 = arith.addi %add3A_467, %add3A_479 : i32
        %dma_start3A_481 = arith.constant 1 : i32
        %dma_start3A_482 = arith.constant 0 : i32
        %dma_start3A_483 = tpu.memref_slice %arg6[%dma_start3A_481, %dma_start3A_482] : memref<4x2048xi32, #tpu.memory_space<vmem>> -> memref<1x1024xi32, #tpu.memory_space<vmem>>
        %dma_start3A_484 = tpu.memref_squeeze %dma_start3A_483 : memref<1x1024xi32, #tpu.memory_space<vmem>> -> memref<1024xi32, #tpu.memory_space<vmem>>
        %dma_start3A_485 = tpu.memref_slice %arg3[%add3A_480] : memref<4194304xi32, #tpu.memory_space<hbm>> -> memref<1024xi32, #tpu.memory_space<hbm>>
        %dma_start3A_486 = arith.constant 0 : i32
        %dma_start3A_487 = tpu.memref_slice %arg6[%dma_start3A_481, %dma_start3A_486] : memref<4x2048xi32, #tpu.memory_space<vmem>> -> memref<1x1024xi32, #tpu.memory_space<vmem>>
        %dma_start3A_488 = tpu.memref_squeeze %dma_start3A_487 : memref<1x1024xi32, #tpu.memory_space<vmem>> -> memref<1024xi32, #tpu.memory_space<vmem>>
        %dma_start3A_489 = tpu.memref_slice %arg3[%add3A_480] : memref<4194304xi32, #tpu.memory_space<hbm>> -> memref<1024xi32, #tpu.memory_space<hbm>>
        tpu.enqueue_dma source(%dma_start3A_489 : memref<1024xi32, #tpu.memory_space<hbm>>) target(%dma_start3A_488 : memref<1024xi32, #tpu.memory_space<vmem>>) target_semaphore(%arg13 : memref<!tpu.dma_semaphore, #tpu.memory_space<semaphore_mem>>)
        %add3A_490 = arith.constant 1024 : i32
        %add3A_491 = arith.addi %add3A_467, %add3A_490 : i32
        %dma_start3A_492 = arith.constant 1 : i32
        %dma_start3A_493 = arith.constant 1024 : i32
        %dma_start3A_494 = tpu.memref_slice %arg5[%dma_start3A_492, %dma_start3A_493] : memref<4x2048xf32, #tpu.memory_space<vmem>> -> memref<1x1024xf32, #tpu.memory_space<vmem>>
        %dma_start3A_495 = tpu.memref_squeeze %dma_start3A_494 : memref<1x1024xf32, #tpu.memory_space<vmem>> -> memref<1024xf32, #tpu.memory_space<vmem>>
        %dma_start3A_496 = tpu.memref_slice %arg2[%add3A_491] : memref<4194304xf32, #tpu.memory_space<hbm>> -> memref<1024xf32, #tpu.memory_space<hbm>>
        %dma_start3A_497 = arith.constant 1024 : i32
        %dma_start3A_498 = tpu.memref_slice %arg5[%dma_start3A_492, %dma_start3A_497] : memref<4x2048xf32, #tpu.memory_space<vmem>> -> memref<1x1024xf32, #tpu.memory_space<vmem>>
        %dma_start3A_499 = tpu.memref_squeeze %dma_start3A_498 : memref<1x1024xf32, #tpu.memory_space<vmem>> -> memref<1024xf32, #tpu.memory_space<vmem>>
        %dma_start3A_500 = tpu.memref_slice %arg2[%add3A_491] : memref<4194304xf32, #tpu.memory_space<hbm>> -> memref<1024xf32, #tpu.memory_space<hbm>>
        tpu.enqueue_dma source(%dma_start3A_500 : memref<1024xf32, #tpu.memory_space<hbm>>) target(%dma_start3A_499 : memref<1024xf32, #tpu.memory_space<vmem>>) target_semaphore(%arg13 : memref<!tpu.dma_semaphore, #tpu.memory_space<semaphore_mem>>)
        %add3A_501 = arith.constant 1024 : i32
        %add3A_502 = arith.addi %add3A_467, %add3A_501 : i32
        %dma_start3A_503 = arith.constant 1 : i32
        %dma_start3A_504 = arith.constant 1024 : i32
        %dma_start3A_505 = tpu.memref_slice %arg6[%dma_start3A_503, %dma_start3A_504] : memref<4x2048xi32, #tpu.memory_space<vmem>> -> memref<1x1024xi32, #tpu.memory_space<vmem>>
        %dma_start3A_506 = tpu.memref_squeeze %dma_start3A_505 : memref<1x1024xi32, #tpu.memory_space<vmem>> -> memref<1024xi32, #tpu.memory_space<vmem>>
        %dma_start3A_507 = tpu.memref_slice %arg3[%add3A_502] : memref<4194304xi32, #tpu.memory_space<hbm>> -> memref<1024xi32, #tpu.memory_space<hbm>>
        %dma_start3A_508 = arith.constant 1024 : i32
        %dma_start3A_509 = tpu.memref_slice %arg6[%dma_start3A_503, %dma_start3A_508] : memref<4x2048xi32, #tpu.memory_space<vmem>> -> memref<1x1024xi32, #tpu.memory_space<vmem>>
        %dma_start3A_510 = tpu.memref_squeeze %dma_start3A_509 : memref<1x1024xi32, #tpu.memory_space<vmem>> -> memref<1024xi32, #tpu.memory_space<vmem>>
        %dma_start3A_511 = tpu.memref_slice %arg3[%add3A_502] : memref<4194304xi32, #tpu.memory_space<hbm>> -> memref<1024xi32, #tpu.memory_space<hbm>>
        tpu.enqueue_dma source(%dma_start3A_511 : memref<1024xi32, #tpu.memory_space<hbm>>) target(%dma_start3A_510 : memref<1024xi32, #tpu.memory_space<vmem>>) target_semaphore(%arg13 : memref<!tpu.dma_semaphore, #tpu.memory_space<semaphore_mem>>)
      } else {
      }
      %parallel_loop3A_398 = arith.constant 0 : i32
      %parallel_loop3A_399 = arith.constant 128 : i32
      %parallel_loop3A_400 = arith.constant 1 : i32
      scf.for %parallel_loop3A_460 = %parallel_loop3A_398 to %parallel_loop3A_399 step %parallel_loop3A_400  : i32 {
        %parallel_loop3A_461 = arith.constant 16 : i32
        %parallel_loop3A_462 = arith.muli %parallel_loop3A_460, %parallel_loop3A_461 : i32
        %parallel_loop3A_463 = arith.constant 2 : i32
        %parallel_loop3A_464 = arith.index_cast %parallel_loop3A_463 : i32 to index
        %parallel_loop3A_465 = arith.index_cast %parallel_loop3A_462 : i32 to index
        %parallel_loop3A_466 = tpu.vector_load %arg5[%parallel_loop3A_464, %parallel_loop3A_465] {strides = array<i32>} : memref<4x2048xf32, #tpu.memory_space<vmem>>, vector<16xf32>,
        %parallel_loop3A_467 = arith.constant 2 : i32
        %parallel_loop3A_468 = arith.index_cast %parallel_loop3A_467 : i32 to index
        %parallel_loop3A_469 = arith.index_cast %parallel_loop3A_462 : i32 to index
        %parallel_loop3A_470 = tpu.vector_load %arg6[%parallel_loop3A_468, %parallel_loop3A_469] {strides = array<i32>} : memref<4x2048xi32, #tpu.memory_space<vmem>>, vector<16xi32>,
        %parallel_loop3A_471 = arith.sitofp %parallel_loop3A_470 : vector<16xi32> to vector<16xf32>
        %parallel_loop3A_472 = arith.constant 2.000000e+00 : f32
        %parallel_loop3A_473 = vector.broadcast %parallel_loop3A_472 : f32 to vector<16xf32>
        %parallel_loop3A_474 = arith.mulf %parallel_loop3A_473, %parallel_loop3A_471 : vector<16xf32>
        %parallel_loop3A_475 = arith.constant 1.000000e+00 : f32
        %parallel_loop3A_476 = vector.broadcast %parallel_loop3A_475 : f32 to vector<16xf32>
        %parallel_loop3A_477 = arith.subf %parallel_loop3A_474, %parallel_loop3A_476 : vector<16xf32>
        %parallel_loop3A_478 = arith.mulf %parallel_loop3A_466, %parallel_loop3A_477 : vector<16xf32>
        %parallel_loop3A_479 = arith.constant 1.000000e+00 : f32
        %parallel_loop3A_480 = vector.broadcast %parallel_loop3A_479 : f32 to vector<16xf32>
        %parallel_loop3A_481 = arith.subf %parallel_loop3A_480, %parallel_loop3A_478 : vector<16xf32>
        %parallel_loop3A_482 = arith.constant 0.000000e+00 : f32
        %parallel_loop3A_483 = vector.broadcast %parallel_loop3A_482 : f32 to vector<16xf32>
        %parallel_loop3A_484 = arith.cmpf ogt, %parallel_loop3A_481, %parallel_loop3A_483 : vector<16xf32>
        %parallel_loop3A_485 = arith.constant 1.000000e+00 : f32
        %parallel_loop3A_486 = vector.broadcast %parallel_loop3A_485 : f32 to vector<16xf32>
        %parallel_loop3A_487 = arith.addf %parallel_loop3A_481, %parallel_loop3A_486 : vector<16xf32>
        %parallel_loop3A_488 = math.exp %parallel_loop3A_481 : vector<16xf32>
        %parallel_loop3A_489 = arith.select %parallel_loop3A_484, %parallel_loop3A_487, %parallel_loop3A_488 : vector<16xi1>, vector<16xf32>
        %parallel_loop3A_490 = tpu.bitcast %parallel_loop3A_481 : vector<16xf32> -> vector<16xi32>
        %parallel_loop3A_491 = arith.constant 31 : i32
        %parallel_loop3A_492 = vector.broadcast %parallel_loop3A_491 : i32 to vector<16xi32>
        %parallel_loop3A_493 = arith.shrsi %parallel_loop3A_490, %parallel_loop3A_492 : vector<16xi32>
        %parallel_loop3A_494 = arith.constant -2147483648 : i32
        %parallel_loop3A_495 = vector.broadcast %parallel_loop3A_494 : i32 to vector<16xi32>
        %parallel_loop3A_496 = arith.ori %parallel_loop3A_493, %parallel_loop3A_495 : vector<16xi32>
        %parallel_loop3A_497 = arith.xori %parallel_loop3A_490, %parallel_loop3A_496 : vector<16xi32>
        %parallel_loop3A_498 = arith.constant 18 : i32
        %parallel_loop3A_499 = vector.broadcast %parallel_loop3A_498 : i32 to vector<16xi32>
        %parallel_loop3A_500 = arith.shrui %parallel_loop3A_497, %parallel_loop3A_499 : vector<16xi32>
        %parallel_loop3A_501 = arith.constant 14 : i32
        %parallel_loop3A_502 = vector.broadcast %parallel_loop3A_501 : i32 to vector<16xi32>
        %parallel_loop3A_503 = arith.shli %parallel_loop3A_470, %parallel_loop3A_502 : vector<16xi32>
        %parallel_loop3A_504 = arith.addi %parallel_loop3A_500, %parallel_loop3A_503 : vector<16xi32>
        tpu.vector_store_idx %arg7[%parallel_loop3A_504], %broadcast_in_dim3A_33 {add = true} : memref<32768xf32, #tpu.memory_space<vmem>>[vector<16xi32>], vector<16xf32>,
        tpu.vector_store_idx %arg8[%parallel_loop3A_504], %parallel_loop3A_489 {add = true} : memref<32768xf32, #tpu.memory_space<vmem>>[vector<16xi32>], vector<16xf32>,
      } {sc.loop_unroll_factor = 4 : i64, sc.parallel_access}
      %dma_wait3A_401 = arith.constant 3 : i32
      %dma_wait3A_402 = arith.constant 0 : i32
      %dma_wait3A_403 = tpu.memref_slice %arg5[%dma_wait3A_401, %dma_wait3A_402] : memref<4x2048xf32, #tpu.memory_space<vmem>> -> memref<1x1024xf32, #tpu.memory_space<vmem>>
      %dma_wait3A_404 = tpu.memref_squeeze %dma_wait3A_403 : memref<1x1024xf32, #tpu.memory_space<vmem>> -> memref<1024xf32, #tpu.memory_space<vmem>>
      %dma_wait3A_405 = arith.constant 0 : i32
      %dma_wait3A_406 = tpu.memref_slice %arg2[%dma_wait3A_405] : memref<4194304xf32, #tpu.memory_space<hbm>> -> memref<1024xf32, #tpu.memory_space<hbm>>
      %dma_wait3A_407 = arith.constant 0 : i32
      %dma_wait3A_408 = tpu.memref_slice %arg5[%dma_wait3A_401, %dma_wait3A_407] : memref<4x2048xf32, #tpu.memory_space<vmem>> -> memref<1x1024xf32, #tpu.memory_space<vmem>>
      %dma_wait3A_409 = tpu.memref_squeeze %dma_wait3A_408 : memref<1x1024xf32, #tpu.memory_space<vmem>> -> memref<1024xf32, #tpu.memory_space<vmem>>
      %dma_wait3A_410 = arith.constant 0 : i32
      %dma_wait3A_411 = tpu.memref_slice %arg2[%dma_wait3A_410] : memref<4194304xf32, #tpu.memory_space<hbm>> -> memref<1024xf32, #tpu.memory_space<hbm>>
      tpu.wait_dma2 semaphore(%arg15 : memref<!tpu.dma_semaphore, #tpu.memory_space<semaphore_mem>>) src(%dma_wait3A_411 : memref<1024xf32, #tpu.memory_space<hbm>>) dst(%dma_wait3A_409 : memref<1024xf32, #tpu.memory_space<vmem>>)
      %dma_wait3A_412 = arith.constant 3 : i32
      %dma_wait3A_413 = arith.constant 0 : i32
      %dma_wait3A_414 = tpu.memref_slice %arg6[%dma_wait3A_412, %dma_wait3A_413] : memref<4x2048xi32, #tpu.memory_space<vmem>> -> memref<1x1024xi32, #tpu.memory_space<vmem>>
      %dma_wait3A_415 = tpu.memref_squeeze %dma_wait3A_414 : memref<1x1024xi32, #tpu.memory_space<vmem>> -> memref<1024xi32, #tpu.memory_space<vmem>>
      %dma_wait3A_416 = arith.constant 0 : i32
      %dma_wait3A_417 = tpu.memref_slice %arg3[%dma_wait3A_416] : memref<4194304xi32, #tpu.memory_space<hbm>> -> memref<1024xi32, #tpu.memory_space<hbm>>
      %dma_wait3A_418 = arith.constant 0 : i32
      %dma_wait3A_419 = tpu.memref_slice %arg6[%dma_wait3A_412, %dma_wait3A_418] : memref<4x2048xi32, #tpu.memory_space<vmem>> -> memref<1x1024xi32, #tpu.memory_space<vmem>>
      %dma_wait3A_420 = tpu.memref_squeeze %dma_wait3A_419 : memref<1x1024xi32, #tpu.memory_space<vmem>> -> memref<1024xi32, #tpu.memory_space<vmem>>
      %dma_wait3A_421 = arith.constant 0 : i32
      %dma_wait3A_422 = tpu.memref_slice %arg3[%dma_wait3A_421] : memref<4194304xi32, #tpu.memory_space<hbm>> -> memref<1024xi32, #tpu.memory_space<hbm>>
      tpu.wait_dma2 semaphore(%arg15 : memref<!tpu.dma_semaphore, #tpu.memory_space<semaphore_mem>>) src(%dma_wait3A_422 : memref<1024xi32, #tpu.memory_space<hbm>>) dst(%dma_wait3A_420 : memref<1024xi32, #tpu.memory_space<vmem>>)
      %dma_wait3A_423 = arith.constant 3 : i32
      %dma_wait3A_424 = arith.constant 1024 : i32
      %dma_wait3A_425 = tpu.memref_slice %arg5[%dma_wait3A_423, %dma_wait3A_424] : memref<4x2048xf32, #tpu.memory_space<vmem>> -> memref<1x1024xf32, #tpu.memory_space<vmem>>
      %dma_wait3A_426 = tpu.memref_squeeze %dma_wait3A_425 : memref<1x1024xf32, #tpu.memory_space<vmem>> -> memref<1024xf32, #tpu.memory_space<vmem>>
      %dma_wait3A_427 = arith.constant 0 : i32
      %dma_wait3A_428 = tpu.memref_slice %arg2[%dma_wait3A_427] : memref<4194304xf32, #tpu.memory_space<hbm>> -> memref<1024xf32, #tpu.memory_space<hbm>>
      %dma_wait3A_429 = arith.constant 1024 : i32
      %dma_wait3A_430 = tpu.memref_slice %arg5[%dma_wait3A_423, %dma_wait3A_429] : memref<4x2048xf32, #tpu.memory_space<vmem>> -> memref<1x1024xf32, #tpu.memory_space<vmem>>
      %dma_wait3A_431 = tpu.memref_squeeze %dma_wait3A_430 : memref<1x1024xf32, #tpu.memory_space<vmem>> -> memref<1024xf32, #tpu.memory_space<vmem>>
      %dma_wait3A_432 = arith.constant 0 : i32
      %dma_wait3A_433 = tpu.memref_slice %arg2[%dma_wait3A_432] : memref<4194304xf32, #tpu.memory_space<hbm>> -> memref<1024xf32, #tpu.memory_space<hbm>>
      tpu.wait_dma2 semaphore(%arg15 : memref<!tpu.dma_semaphore, #tpu.memory_space<semaphore_mem>>) src(%dma_wait3A_433 : memref<1024xf32, #tpu.memory_space<hbm>>) dst(%dma_wait3A_431 : memref<1024xf32, #tpu.memory_space<vmem>>)
      %dma_wait3A_434 = arith.constant 3 : i32
      %dma_wait3A_435 = arith.constant 1024 : i32
      %dma_wait3A_436 = tpu.memref_slice %arg6[%dma_wait3A_434, %dma_wait3A_435] : memref<4x2048xi32, #tpu.memory_space<vmem>> -> memref<1x1024xi32, #tpu.memory_space<vmem>>
      %dma_wait3A_437 = tpu.memref_squeeze %dma_wait3A_436 : memref<1x1024xi32, #tpu.memory_space<vmem>> -> memref<1024xi32, #tpu.memory_space<vmem>>
      %dma_wait3A_438 = arith.constant 0 : i32
      %dma_wait3A_439 = tpu.memref_slice %arg3[%dma_wait3A_438] : memref<4194304xi32, #tpu.memory_space<hbm>> -> memref<1024xi32, #tpu.memory_space<hbm>>
      %dma_wait3A_440 = arith.constant 1024 : i32
      %dma_wait3A_441 = tpu.memref_slice %arg6[%dma_wait3A_434, %dma_wait3A_440] : memref<4x2048xi32, #tpu.memory_space<vmem>> -> memref<1x1024xi32, #tpu.memory_space<vmem>>
      %dma_wait3A_442 = tpu.memref_squeeze %dma_wait3A_441 : memref<1x1024xi32, #tpu.memory_space<vmem>> -> memref<1024xi32, #tpu.memory_space<vmem>>
      %dma_wait3A_443 = arith.constant 0 : i32
      %dma_wait3A_444 = tpu.memref_slice %arg3[%dma_wait3A_443] : memref<4194304xi32, #tpu.memory_space<hbm>> -> memref<1024xi32, #tpu.memory_space<hbm>>
      tpu.wait_dma2 semaphore(%arg15 : memref<!tpu.dma_semaphore, #tpu.memory_space<semaphore_mem>>) src(%dma_wait3A_444 : memref<1024xi32, #tpu.memory_space<hbm>>) dst(%dma_wait3A_442 : memref<1024xi32, #tpu.memory_space<vmem>>)
      %mul3A_445 = arith.constant 4 : i32
      %mul3A_446 = arith.muli %scan3A_226, %mul3A_445 : i32
      %add3A_447 = arith.constant 3 : i32
      %add3A_448 = arith.addi %mul3A_446, %add3A_447 : i32
      %add3A_449 = arith.constant 3 : i32
      %add3A_450 = arith.addi %add3A_448, %add3A_449 : i32
      %lt3A_451 = arith.constant 64 : i32
      %lt3A_452 = arith.cmpi slt, %add3A_450, %lt3A_451 : i32
      %convert_element_type3A_453 = arith.extui %lt3A_452 : i1 to i32
      %cond3A_454 = arith.constant 0 : i32
      %cond3A_455 = arith.cmpi ne, %convert_element_type3A_453, %cond3A_454 : i32
      scf.if %cond3A_455 {
        %mul3A_460 = arith.constant 262144 : i32
        %mul3A_461 = arith.muli %select_n3A, %mul3A_460 : i32
        %mul3A_462 = arith.constant 131072 : i32
        %mul3A_463 = arith.muli %select_n3A_30, %mul3A_462 : i32
        %add3A_464 = arith.addi %mul3A_461, %mul3A_463 : i32
        %mul3A_465 = arith.constant 2048 : i32
        %mul3A_466 = arith.muli %add3A_450, %mul3A_465 : i32
        %add3A_467 = arith.addi %add3A_464, %mul3A_466 : i32
        %add3A_468 = arith.constant 0 : i32
        %add3A_469 = arith.addi %add3A_467, %add3A_468 : i32
        %dma_start3A_470 = arith.constant 2 : i32
        %dma_start3A_471 = arith.constant 0 : i32
        %dma_start3A_472 = tpu.memref_slice %arg5[%dma_start3A_470, %dma_start3A_471] : memref<4x2048xf32, #tpu.memory_space<vmem>> -> memref<1x1024xf32, #tpu.memory_space<vmem>>
        %dma_start3A_473 = tpu.memref_squeeze %dma_start3A_472 : memref<1x1024xf32, #tpu.memory_space<vmem>> -> memref<1024xf32, #tpu.memory_space<vmem>>
        %dma_start3A_474 = tpu.memref_slice %arg2[%add3A_469] : memref<4194304xf32, #tpu.memory_space<hbm>> -> memref<1024xf32, #tpu.memory_space<hbm>>
        %dma_start3A_475 = arith.constant 0 : i32
        %dma_start3A_476 = tpu.memref_slice %arg5[%dma_start3A_470, %dma_start3A_475] : memref<4x2048xf32, #tpu.memory_space<vmem>> -> memref<1x1024xf32, #tpu.memory_space<vmem>>
        %dma_start3A_477 = tpu.memref_squeeze %dma_start3A_476 : memref<1x1024xf32, #tpu.memory_space<vmem>> -> memref<1024xf32, #tpu.memory_space<vmem>>
        %dma_start3A_478 = tpu.memref_slice %arg2[%add3A_469] : memref<4194304xf32, #tpu.memory_space<hbm>> -> memref<1024xf32, #tpu.memory_space<hbm>>
        tpu.enqueue_dma source(%dma_start3A_478 : memref<1024xf32, #tpu.memory_space<hbm>>) target(%dma_start3A_477 : memref<1024xf32, #tpu.memory_space<vmem>>) target_semaphore(%arg14 : memref<!tpu.dma_semaphore, #tpu.memory_space<semaphore_mem>>)
        %add3A_479 = arith.constant 0 : i32
        %add3A_480 = arith.addi %add3A_467, %add3A_479 : i32
        %dma_start3A_481 = arith.constant 2 : i32
        %dma_start3A_482 = arith.constant 0 : i32
        %dma_start3A_483 = tpu.memref_slice %arg6[%dma_start3A_481, %dma_start3A_482] : memref<4x2048xi32, #tpu.memory_space<vmem>> -> memref<1x1024xi32, #tpu.memory_space<vmem>>
        %dma_start3A_484 = tpu.memref_squeeze %dma_start3A_483 : memref<1x1024xi32, #tpu.memory_space<vmem>> -> memref<1024xi32, #tpu.memory_space<vmem>>
        %dma_start3A_485 = tpu.memref_slice %arg3[%add3A_480] : memref<4194304xi32, #tpu.memory_space<hbm>> -> memref<1024xi32, #tpu.memory_space<hbm>>
        %dma_start3A_486 = arith.constant 0 : i32
        %dma_start3A_487 = tpu.memref_slice %arg6[%dma_start3A_481, %dma_start3A_486] : memref<4x2048xi32, #tpu.memory_space<vmem>> -> memref<1x1024xi32, #tpu.memory_space<vmem>>
        %dma_start3A_488 = tpu.memref_squeeze %dma_start3A_487 : memref<1x1024xi32, #tpu.memory_space<vmem>> -> memref<1024xi32, #tpu.memory_space<vmem>>
        %dma_start3A_489 = tpu.memref_slice %arg3[%add3A_480] : memref<4194304xi32, #tpu.memory_space<hbm>> -> memref<1024xi32, #tpu.memory_space<hbm>>
        tpu.enqueue_dma source(%dma_start3A_489 : memref<1024xi32, #tpu.memory_space<hbm>>) target(%dma_start3A_488 : memref<1024xi32, #tpu.memory_space<vmem>>) target_semaphore(%arg14 : memref<!tpu.dma_semaphore, #tpu.memory_space<semaphore_mem>>)
        %add3A_490 = arith.constant 1024 : i32
        %add3A_491 = arith.addi %add3A_467, %add3A_490 : i32
        %dma_start3A_492 = arith.constant 2 : i32
        %dma_start3A_493 = arith.constant 1024 : i32
        %dma_start3A_494 = tpu.memref_slice %arg5[%dma_start3A_492, %dma_start3A_493] : memref<4x2048xf32, #tpu.memory_space<vmem>> -> memref<1x1024xf32, #tpu.memory_space<vmem>>
        %dma_start3A_495 = tpu.memref_squeeze %dma_start3A_494 : memref<1x1024xf32, #tpu.memory_space<vmem>> -> memref<1024xf32, #tpu.memory_space<vmem>>
        %dma_start3A_496 = tpu.memref_slice %arg2[%add3A_491] : memref<4194304xf32, #tpu.memory_space<hbm>> -> memref<1024xf32, #tpu.memory_space<hbm>>
        %dma_start3A_497 = arith.constant 1024 : i32
        %dma_start3A_498 = tpu.memref_slice %arg5[%dma_start3A_492, %dma_start3A_497] : memref<4x2048xf32, #tpu.memory_space<vmem>> -> memref<1x1024xf32, #tpu.memory_space<vmem>>
        %dma_start3A_499 = tpu.memref_squeeze %dma_start3A_498 : memref<1x1024xf32, #tpu.memory_space<vmem>> -> memref<1024xf32, #tpu.memory_space<vmem>>
        %dma_start3A_500 = tpu.memref_slice %arg2[%add3A_491] : memref<4194304xf32, #tpu.memory_space<hbm>> -> memref<1024xf32, #tpu.memory_space<hbm>>
        tpu.enqueue_dma source(%dma_start3A_500 : memref<1024xf32, #tpu.memory_space<hbm>>) target(%dma_start3A_499 : memref<1024xf32, #tpu.memory_space<vmem>>) target_semaphore(%arg14 : memref<!tpu.dma_semaphore, #tpu.memory_space<semaphore_mem>>)
        %add3A_501 = arith.constant 1024 : i32
        %add3A_502 = arith.addi %add3A_467, %add3A_501 : i32
        %dma_start3A_503 = arith.constant 2 : i32
        %dma_start3A_504 = arith.constant 1024 : i32
        %dma_start3A_505 = tpu.memref_slice %arg6[%dma_start3A_503, %dma_start3A_504] : memref<4x2048xi32, #tpu.memory_space<vmem>> -> memref<1x1024xi32, #tpu.memory_space<vmem>>
        %dma_start3A_506 = tpu.memref_squeeze %dma_start3A_505 : memref<1x1024xi32, #tpu.memory_space<vmem>> -> memref<1024xi32, #tpu.memory_space<vmem>>
        %dma_start3A_507 = tpu.memref_slice %arg3[%add3A_502] : memref<4194304xi32, #tpu.memory_space<hbm>> -> memref<1024xi32, #tpu.memory_space<hbm>>
        %dma_start3A_508 = arith.constant 1024 : i32
        %dma_start3A_509 = tpu.memref_slice %arg6[%dma_start3A_503, %dma_start3A_508] : memref<4x2048xi32, #tpu.memory_space<vmem>> -> memref<1x1024xi32, #tpu.memory_space<vmem>>
        %dma_start3A_510 = tpu.memref_squeeze %dma_start3A_509 : memref<1x1024xi32, #tpu.memory_space<vmem>> -> memref<1024xi32, #tpu.memory_space<vmem>>
        %dma_start3A_511 = tpu.memref_slice %arg3[%add3A_502] : memref<4194304xi32, #tpu.memory_space<hbm>> -> memref<1024xi32, #tpu.memory_space<hbm>>
        tpu.enqueue_dma source(%dma_start3A_511 : memref<1024xi32, #tpu.memory_space<hbm>>) target(%dma_start3A_510 : memref<1024xi32, #tpu.memory_space<vmem>>) target_semaphore(%arg14 : memref<!tpu.dma_semaphore, #tpu.memory_space<semaphore_mem>>)
      } else {
      }
      %parallel_loop3A_456 = arith.constant 0 : i32
      %parallel_loop3A_457 = arith.constant 128 : i32
      %parallel_loop3A_458 = arith.constant 1 : i32
      scf.for %parallel_loop3A_460 = %parallel_loop3A_456 to %parallel_loop3A_457 step %parallel_loop3A_458  : i32 {
        %parallel_loop3A_461 = arith.constant 16 : i32
        %parallel_loop3A_462 = arith.muli %parallel_loop3A_460, %parallel_loop3A_461 : i32
        %parallel_loop3A_463 = arith.constant 3 : i32
        %parallel_loop3A_464 = arith.index_cast %parallel_loop3A_463 : i32 to index
        %parallel_loop3A_465 = arith.index_cast %parallel_loop3A_462 : i32 to index
        %parallel_loop3A_466 = tpu.vector_load %arg5[%parallel_loop3A_464, %parallel_loop3A_465] {strides = array<i32>} : memref<4x2048xf32, #tpu.memory_space<vmem>>, vector<16xf32>,
        %parallel_loop3A_467 = arith.constant 3 : i32
        %parallel_loop3A_468 = arith.index_cast %parallel_loop3A_467 : i32 to index
        %parallel_loop3A_469 = arith.index_cast %parallel_loop3A_462 : i32 to index
        %parallel_loop3A_470 = tpu.vector_load %arg6[%parallel_loop3A_468, %parallel_loop3A_469] {strides = array<i32>} : memref<4x2048xi32, #tpu.memory_space<vmem>>, vector<16xi32>,
        %parallel_loop3A_471 = arith.sitofp %parallel_loop3A_470 : vector<16xi32> to vector<16xf32>
        %parallel_loop3A_472 = arith.constant 2.000000e+00 : f32
        %parallel_loop3A_473 = vector.broadcast %parallel_loop3A_472 : f32 to vector<16xf32>
        %parallel_loop3A_474 = arith.mulf %parallel_loop3A_473, %parallel_loop3A_471 : vector<16xf32>
        %parallel_loop3A_475 = arith.constant 1.000000e+00 : f32
        %parallel_loop3A_476 = vector.broadcast %parallel_loop3A_475 : f32 to vector<16xf32>
        %parallel_loop3A_477 = arith.subf %parallel_loop3A_474, %parallel_loop3A_476 : vector<16xf32>
        %parallel_loop3A_478 = arith.mulf %parallel_loop3A_466, %parallel_loop3A_477 : vector<16xf32>
        %parallel_loop3A_479 = arith.constant 1.000000e+00 : f32
        %parallel_loop3A_480 = vector.broadcast %parallel_loop3A_479 : f32 to vector<16xf32>
        %parallel_loop3A_481 = arith.subf %parallel_loop3A_480, %parallel_loop3A_478 : vector<16xf32>
        %parallel_loop3A_482 = arith.constant 0.000000e+00 : f32
        %parallel_loop3A_483 = vector.broadcast %parallel_loop3A_482 : f32 to vector<16xf32>
        %parallel_loop3A_484 = arith.cmpf ogt, %parallel_loop3A_481, %parallel_loop3A_483 : vector<16xf32>
        %parallel_loop3A_485 = arith.constant 1.000000e+00 : f32
        %parallel_loop3A_486 = vector.broadcast %parallel_loop3A_485 : f32 to vector<16xf32>
        %parallel_loop3A_487 = arith.addf %parallel_loop3A_481, %parallel_loop3A_486 : vector<16xf32>
        %parallel_loop3A_488 = math.exp %parallel_loop3A_481 : vector<16xf32>
        %parallel_loop3A_489 = arith.select %parallel_loop3A_484, %parallel_loop3A_487, %parallel_loop3A_488 : vector<16xi1>, vector<16xf32>
        %parallel_loop3A_490 = tpu.bitcast %parallel_loop3A_481 : vector<16xf32> -> vector<16xi32>
        %parallel_loop3A_491 = arith.constant 31 : i32
        %parallel_loop3A_492 = vector.broadcast %parallel_loop3A_491 : i32 to vector<16xi32>
        %parallel_loop3A_493 = arith.shrsi %parallel_loop3A_490, %parallel_loop3A_492 : vector<16xi32>
        %parallel_loop3A_494 = arith.constant -2147483648 : i32
        %parallel_loop3A_495 = vector.broadcast %parallel_loop3A_494 : i32 to vector<16xi32>
        %parallel_loop3A_496 = arith.ori %parallel_loop3A_493, %parallel_loop3A_495 : vector<16xi32>
        %parallel_loop3A_497 = arith.xori %parallel_loop3A_490, %parallel_loop3A_496 : vector<16xi32>
        %parallel_loop3A_498 = arith.constant 18 : i32
        %parallel_loop3A_499 = vector.broadcast %parallel_loop3A_498 : i32 to vector<16xi32>
        %parallel_loop3A_500 = arith.shrui %parallel_loop3A_497, %parallel_loop3A_499 : vector<16xi32>
        %parallel_loop3A_501 = arith.constant 14 : i32
        %parallel_loop3A_502 = vector.broadcast %parallel_loop3A_501 : i32 to vector<16xi32>
        %parallel_loop3A_503 = arith.shli %parallel_loop3A_470, %parallel_loop3A_502 : vector<16xi32>
        %parallel_loop3A_504 = arith.addi %parallel_loop3A_500, %parallel_loop3A_503 : vector<16xi32>
        tpu.vector_store_idx %arg7[%parallel_loop3A_504], %broadcast_in_dim3A_33 {add = true} : memref<32768xf32, #tpu.memory_space<vmem>>[vector<16xi32>], vector<16xf32>,
        tpu.vector_store_idx %arg8[%parallel_loop3A_504], %parallel_loop3A_489 {add = true} : memref<32768xf32, #tpu.memory_space<vmem>>[vector<16xi32>], vector<16xf32>,
      } {sc.loop_unroll_factor = 4 : i64, sc.parallel_access}
      %scan3A_459 = arith.constant 0 : i32
      scf.yield %scan3A_459 : i32
    }
    %scan3A_193 = arith.constant 16 : i32
    %jit3A_194 = arith.constant 2 : i32
    %div3A_195 = arith.divsi %arg1, %jit3A_194 : i32
    %sign3A_196 = arith.constant 0 : i32
    %sign3A_197 = arith.cmpi sgt, %arg1, %sign3A_196 : i32
    %sign3A_198 = arith.extui %sign3A_197 : i1 to i32
    %sign3A_199 = arith.constant 0 : i32
    %sign3A_200 = arith.cmpi slt, %arg1, %sign3A_199 : i32
    %sign3A_201 = arith.extui %sign3A_200 : i1 to i32
    %sign3A_202 = arith.subi %sign3A_198, %sign3A_201 : i32
    %sign3A_203 = arith.constant 0 : i32
    %sign3A_204 = arith.cmpi sgt, %jit3A_194, %sign3A_203 : i32
    %sign3A_205 = arith.extui %sign3A_204 : i1 to i32
    %sign3A_206 = arith.constant 0 : i32
    %sign3A_207 = arith.cmpi slt, %jit3A_194, %sign3A_206 : i32
    %sign3A_208 = arith.extui %sign3A_207 : i1 to i32
    %sign3A_209 = arith.subi %sign3A_205, %sign3A_208 : i32
    %ne3A_210 = arith.cmpi ne, %sign3A_202, %sign3A_209 : i32
    %rem3A_211 = arith.remsi %arg1, %jit3A_194 : i32
    %ne3A_212 = arith.constant 0 : i32
    %ne3A_213 = arith.cmpi ne, %rem3A_211, %ne3A_212 : i32
    %and3A_214 = arith.andi %ne3A_210, %ne3A_213 : i1
    %sub3A_215 = arith.constant 1 : i32
    %sub3A_216 = arith.subi %div3A_195, %sub3A_215 : i32
    %select_n3A_217 = arith.select %and3A_214, %sub3A_216, %div3A_195 : i32
    %eq3A_218 = arith.constant 1 : i32
    %eq3A_219 = arith.cmpi eq, %select_n3A_30, %eq3A_218 : i32
    %convert_element_type3A = arith.extui %eq3A_219 : i1 to i32
    %cond3A = arith.constant 0 : i32
    %cond3A_220 = arith.cmpi ne, %convert_element_type3A, %cond3A : i32
    scf.if %cond3A_220 {
      %mul3A_226 = arith.constant 2 : i32
      %mul3A_227 = arith.muli %select_n3A_217, %mul3A_226 : i32
      %add3A_228 = arith.constant 0 : i32
      %add3A_229 = arith.addi %mul3A_227, %add3A_228 : i32
      %mul3A_230 = arith.constant 2 : i32
      %mul3A_231 = arith.muli %add3A_229, %mul3A_230 : i32
      %mul3A_232 = arith.constant 16384 : i32
      %mul3A_233 = arith.muli %mul3A_231, %mul3A_232 : i32
      "tpu.region"() ({
        %run_scoped3A = tpu.sem_alloc : memref<!tpu.dma_semaphore, #tpu.memory_space<semaphore_mem>>
        %dma_start3A_242 = tpu.memref_slice %arg11[%mul3A_233] : memref<524288xf32, #tpu.memory_space<vmem_shared>> -> memref<32768xf32, #tpu.memory_space<vmem_shared>>
        %dma_start3A_243 = tpu.memref_slice %arg11[%mul3A_233] : memref<524288xf32, #tpu.memory_space<vmem_shared>> -> memref<32768xf32, #tpu.memory_space<vmem_shared>>
        tpu.enqueue_dma source(%arg7 : memref<32768xf32, #tpu.memory_space<vmem>>) target(%dma_start3A_243 : memref<32768xf32, #tpu.memory_space<vmem_shared>>) target_semaphore(%run_scoped3A : memref<!tpu.dma_semaphore, #tpu.memory_space<semaphore_mem>>)
        %dma_wait3A = tpu.memref_slice %arg11[%mul3A_233] : memref<524288xf32, #tpu.memory_space<vmem_shared>> -> memref<32768xf32, #tpu.memory_space<vmem_shared>>
        %dma_wait3A_244 = tpu.memref_slice %arg11[%mul3A_233] : memref<524288xf32, #tpu.memory_space<vmem_shared>> -> memref<32768xf32, #tpu.memory_space<vmem_shared>>
        tpu.wait_dma2 semaphore(%run_scoped3A : memref<!tpu.dma_semaphore, #tpu.memory_space<semaphore_mem>>) src(%arg7 : memref<32768xf32, #tpu.memory_space<vmem>>) dst(%dma_wait3A_244 : memref<32768xf32, #tpu.memory_space<vmem_shared>>)
        tpu.yield
      }) : () -> ()
      %mul3A_234 = arith.constant 2 : i32
      %mul3A_235 = arith.muli %select_n3A_217, %mul3A_234 : i32
      %add3A_236 = arith.constant 1 : i32
      %add3A_237 = arith.addi %mul3A_235, %add3A_236 : i32
      %mul3A_238 = arith.constant 2 : i32
      %mul3A_239 = arith.muli %add3A_237, %mul3A_238 : i32
      %mul3A_240 = arith.constant 16384 : i32
      %mul3A_241 = arith.muli %mul3A_239, %mul3A_240 : i32
      "tpu.region"() ({
        %run_scoped3A = tpu.sem_alloc : memref<!tpu.dma_semaphore, #tpu.memory_space<semaphore_mem>>
        %dma_start3A_242 = tpu.memref_slice %arg11[%mul3A_241] : memref<524288xf32, #tpu.memory_space<vmem_shared>> -> memref<32768xf32, #tpu.memory_space<vmem_shared>>
        %dma_start3A_243 = tpu.memref_slice %arg11[%mul3A_241] : memref<524288xf32, #tpu.memory_space<vmem_shared>> -> memref<32768xf32, #tpu.memory_space<vmem_shared>>
        tpu.enqueue_dma source(%arg8 : memref<32768xf32, #tpu.memory_space<vmem>>) target(%dma_start3A_243 : memref<32768xf32, #tpu.memory_space<vmem_shared>>) target_semaphore(%run_scoped3A : memref<!tpu.dma_semaphore, #tpu.memory_space<semaphore_mem>>)
        %dma_wait3A = tpu.memref_slice %arg11[%mul3A_241] : memref<524288xf32, #tpu.memory_space<vmem_shared>> -> memref<32768xf32, #tpu.memory_space<vmem_shared>>
        %dma_wait3A_244 = tpu.memref_slice %arg11[%mul3A_241] : memref<524288xf32, #tpu.memory_space<vmem_shared>> -> memref<32768xf32, #tpu.memory_space<vmem_shared>>
        tpu.wait_dma2 semaphore(%run_scoped3A : memref<!tpu.dma_semaphore, #tpu.memory_space<semaphore_mem>>) src(%arg8 : memref<32768xf32, #tpu.memory_space<vmem>>) dst(%dma_wait3A_244 : memref<32768xf32, #tpu.memory_space<vmem_shared>>)
        tpu.yield
      }) : () -> ()
    } else {
    }
    %barrier3A = arith.constant 0 : index
    tpu.barrier barrier_id(%barrier3A)
    %eq3A_221 = arith.constant 0 : i32
    %eq3A_222 = arith.cmpi eq, %select_n3A_30, %eq3A_221 : i32
    %convert_element_type3A_223 = arith.extui %eq3A_222 : i1 to i32
    %cond3A_224 = arith.constant 0 : i32
    %cond3A_225 = arith.cmpi ne, %convert_element_type3A_223, %cond3A_224 : i32
    scf.if %cond3A_225 {
      %mul3A_226 = arith.constant 2 : i32
      %mul3A_227 = arith.muli %select_n3A_217, %mul3A_226 : i32
      %add3A_228 = arith.constant 0 : i32
      %add3A_229 = arith.addi %mul3A_227, %add3A_228 : i32
      %mul3A_230 = arith.constant 2 : i32
      %mul3A_231 = arith.muli %add3A_229, %mul3A_230 : i32
      %mul3A_232 = arith.constant 16384 : i32
      %mul3A_233 = arith.muli %mul3A_231, %mul3A_232 : i32
      %add3A_234 = arith.constant 0 : i32
      %add3A_235 = arith.addi %mul3A_233, %add3A_234 : i32
      "tpu.region"() ({
        %run_scoped3A = tpu.sem_alloc : memref<!tpu.dma_semaphore, #tpu.memory_space<semaphore_mem>>
        %dma_start3A_662 = tpu.memref_slice %arg11[%add3A_235] : memref<524288xf32, #tpu.memory_space<vmem_shared>> -> memref<2048xf32, #tpu.memory_space<vmem_shared>>
        %dma_start3A_663 = tpu.memref_slice %arg11[%add3A_235] : memref<524288xf32, #tpu.memory_space<vmem_shared>> -> memref<2048xf32, #tpu.memory_space<vmem_shared>>
        tpu.enqueue_dma source(%dma_start3A_663 : memref<2048xf32, #tpu.memory_space<vmem_shared>>) target(%arg10 : memref<2048xf32, #tpu.memory_space<vmem>>) target_semaphore(%run_scoped3A : memref<!tpu.dma_semaphore, #tpu.memory_space<semaphore_mem>>)
        %dma_wait3A = tpu.memref_slice %arg11[%add3A_235] : memref<524288xf32, #tpu.memory_space<vmem_shared>> -> memref<2048xf32, #tpu.memory_space<vmem_shared>>
        %dma_wait3A_664 = tpu.memref_slice %arg11[%add3A_235] : memref<524288xf32, #tpu.memory_space<vmem_shared>> -> memref<2048xf32, #tpu.memory_space<vmem_shared>>
        tpu.wait_dma2 semaphore(%run_scoped3A : memref<!tpu.dma_semaphore, #tpu.memory_space<semaphore_mem>>) src(%dma_wait3A_664 : memref<2048xf32, #tpu.memory_space<vmem_shared>>) dst(%arg10 : memref<2048xf32, #tpu.memory_space<vmem>>)
        tpu.yield
      }) : () -> ()
      %parallel_loop3A_236 = arith.constant 0 : i32
      %parallel_loop3A_237 = arith.constant 128 : i32
      %parallel_loop3A_238 = arith.constant 1 : i32
      scf.for %parallel_loop3A_662 = %parallel_loop3A_236 to %parallel_loop3A_237 step %parallel_loop3A_238  : i32 {
        %parallel_loop3A_663 = arith.constant 16 : i32
        %parallel_loop3A_664 = arith.muli %parallel_loop3A_662, %parallel_loop3A_663 : i32
        %parallel_loop3A_665 = arith.constant 0 : i32
        %parallel_loop3A_666 = arith.addi %parallel_loop3A_665, %parallel_loop3A_664 : i32
        %parallel_loop3A_667 = arith.index_cast %parallel_loop3A_666 : i32 to index
        %parallel_loop3A_668 = tpu.vector_load %arg7[%parallel_loop3A_667] {strides = array<i32>} : memref<32768xf32, #tpu.memory_space<vmem>>, vector<16xf32>,
        %parallel_loop3A_669 = arith.constant 16 : i32
        %parallel_loop3A_670 = arith.muli %parallel_loop3A_662, %parallel_loop3A_669 : i32
        %parallel_loop3A_671 = arith.index_cast %parallel_loop3A_670 : i32 to index
        %parallel_loop3A_672 = tpu.vector_load %arg10[%parallel_loop3A_671] {strides = array<i32>} : memref<2048xf32, #tpu.memory_space<vmem>>, vector<16xf32>,
        %parallel_loop3A_673 = arith.addf %parallel_loop3A_668, %parallel_loop3A_672 : vector<16xf32>
        %parallel_loop3A_674 = arith.index_cast %parallel_loop3A_666 : i32 to index
        %parallel_loop3A_675 = tpu.vector_load %arg7[%parallel_loop3A_674] {strides = array<i32>} : memref<32768xf32, #tpu.memory_space<vmem>>, vector<16xf32>,
        tpu.vector_store %arg7[%parallel_loop3A_674], %parallel_loop3A_673 {strides = array<i32>} : memref<32768xf32, #tpu.memory_space<vmem>>, vector<16xf32>,
      } {sc.loop_unroll_factor = 4 : i64, sc.parallel_access}
      %mul3A_239 = arith.constant 2 : i32
      %mul3A_240 = arith.muli %select_n3A_217, %mul3A_239 : i32
      %add3A_241 = arith.constant 0 : i32
      %add3A_242 = arith.addi %mul3A_240, %add3A_241 : i32
      %mul3A_243 = arith.constant 2 : i32
      %mul3A_244 = arith.muli %add3A_242, %mul3A_243 : i32
      %mul3A_245 = arith.constant 16384 : i32
      %mul3A_246 = arith.muli %mul3A_244, %mul3A_245 : i32
      %add3A_247 = arith.constant 2048 : i32
      %add3A_248 = arith.addi %mul3A_246, %add3A_247 : i32
      "tpu.region"() ({
        %run_scoped3A = tpu.sem_alloc : memref<!tpu.dma_semaphore, #tpu.memory_space<semaphore_mem>>
        %dma_start3A_662 = tpu.memref_slice %arg11[%add3A_248] : memref<524288xf32, #tpu.memory_space<vmem_shared>> -> memref<2048xf32, #tpu.memory_space<vmem_shared>>
        %dma_start3A_663 = tpu.memref_slice %arg11[%add3A_248] : memref<524288xf32, #tpu.memory_space<vmem_shared>> -> memref<2048xf32, #tpu.memory_space<vmem_shared>>
        tpu.enqueue_dma source(%dma_start3A_663 : memref<2048xf32, #tpu.memory_space<vmem_shared>>) target(%arg10 : memref<2048xf32, #tpu.memory_space<vmem>>) target_semaphore(%run_scoped3A : memref<!tpu.dma_semaphore, #tpu.memory_space<semaphore_mem>>)
        %dma_wait3A = tpu.memref_slice %arg11[%add3A_248] : memref<524288xf32, #tpu.memory_space<vmem_shared>> -> memref<2048xf32, #tpu.memory_space<vmem_shared>>
        %dma_wait3A_664 = tpu.memref_slice %arg11[%add3A_248] : memref<524288xf32, #tpu.memory_space<vmem_shared>> -> memref<2048xf32, #tpu.memory_space<vmem_shared>>
        tpu.wait_dma2 semaphore(%run_scoped3A : memref<!tpu.dma_semaphore, #tpu.memory_space<semaphore_mem>>) src(%dma_wait3A_664 : memref<2048xf32, #tpu.memory_space<vmem_shared>>) dst(%arg10 : memref<2048xf32, #tpu.memory_space<vmem>>)
        tpu.yield
      }) : () -> ()
      %parallel_loop3A_249 = arith.constant 0 : i32
      %parallel_loop3A_250 = arith.constant 128 : i32
      %parallel_loop3A_251 = arith.constant 1 : i32
      scf.for %parallel_loop3A_662 = %parallel_loop3A_249 to %parallel_loop3A_250 step %parallel_loop3A_251  : i32 {
        %parallel_loop3A_663 = arith.constant 16 : i32
        %parallel_loop3A_664 = arith.muli %parallel_loop3A_662, %parallel_loop3A_663 : i32
        %parallel_loop3A_665 = arith.constant 2048 : i32
        %parallel_loop3A_666 = arith.addi %parallel_loop3A_665, %parallel_loop3A_664 : i32
        %parallel_loop3A_667 = arith.index_cast %parallel_loop3A_666 : i32 to index
        %parallel_loop3A_668 = tpu.vector_load %arg7[%parallel_loop3A_667] {strides = array<i32>} : memref<32768xf32, #tpu.memory_space<vmem>>, vector<16xf32>,
        %parallel_loop3A_669 = arith.constant 16 : i32
        %parallel_loop3A_670 = arith.muli %parallel_loop3A_662, %parallel_loop3A_669 : i32
        %parallel_loop3A_671 = arith.index_cast %parallel_loop3A_670 : i32 to index
        %parallel_loop3A_672 = tpu.vector_load %arg10[%parallel_loop3A_671] {strides = array<i32>} : memref<2048xf32, #tpu.memory_space<vmem>>, vector<16xf32>,
        %parallel_loop3A_673 = arith.addf %parallel_loop3A_668, %parallel_loop3A_672 : vector<16xf32>
        %parallel_loop3A_674 = arith.index_cast %parallel_loop3A_666 : i32 to index
        %parallel_loop3A_675 = tpu.vector_load %arg7[%parallel_loop3A_674] {strides = array<i32>} : memref<32768xf32, #tpu.memory_space<vmem>>, vector<16xf32>,
        tpu.vector_store %arg7[%parallel_loop3A_674], %parallel_loop3A_673 {strides = array<i32>} : memref<32768xf32, #tpu.memory_space<vmem>>, vector<16xf32>,
      } {sc.loop_unroll_factor = 4 : i64, sc.parallel_access}
      %mul3A_252 = arith.constant 2 : i32
      %mul3A_253 = arith.muli %select_n3A_217, %mul3A_252 : i32
      %add3A_254 = arith.constant 0 : i32
      %add3A_255 = arith.addi %mul3A_253, %add3A_254 : i32
      %mul3A_256 = arith.constant 2 : i32
      %mul3A_257 = arith.muli %add3A_255, %mul3A_256 : i32
      %mul3A_258 = arith.constant 16384 : i32
      %mul3A_259 = arith.muli %mul3A_257, %mul3A_258 : i32
      %add3A_260 = arith.constant 4096 : i32
      %add3A_261 = arith.addi %mul3A_259, %add3A_260 : i32
      "tpu.region"() ({
        %run_scoped3A = tpu.sem_alloc : memref<!tpu.dma_semaphore, #tpu.memory_space<semaphore_mem>>
        %dma_start3A_662 = tpu.memref_slice %arg11[%add3A_261] : memref<524288xf32, #tpu.memory_space<vmem_shared>> -> memref<2048xf32, #tpu.memory_space<vmem_shared>>
        %dma_start3A_663 = tpu.memref_slice %arg11[%add3A_261] : memref<524288xf32, #tpu.memory_space<vmem_shared>> -> memref<2048xf32, #tpu.memory_space<vmem_shared>>
        tpu.enqueue_dma source(%dma_start3A_663 : memref<2048xf32, #tpu.memory_space<vmem_shared>>) target(%arg10 : memref<2048xf32, #tpu.memory_space<vmem>>) target_semaphore(%run_scoped3A : memref<!tpu.dma_semaphore, #tpu.memory_space<semaphore_mem>>)
        %dma_wait3A = tpu.memref_slice %arg11[%add3A_261] : memref<524288xf32, #tpu.memory_space<vmem_shared>> -> memref<2048xf32, #tpu.memory_space<vmem_shared>>
        %dma_wait3A_664 = tpu.memref_slice %arg11[%add3A_261] : memref<524288xf32, #tpu.memory_space<vmem_shared>> -> memref<2048xf32, #tpu.memory_space<vmem_shared>>
        tpu.wait_dma2 semaphore(%run_scoped3A : memref<!tpu.dma_semaphore, #tpu.memory_space<semaphore_mem>>) src(%dma_wait3A_664 : memref<2048xf32, #tpu.memory_space<vmem_shared>>) dst(%arg10 : memref<2048xf32, #tpu.memory_space<vmem>>)
        tpu.yield
      }) : () -> ()
      %parallel_loop3A_262 = arith.constant 0 : i32
      %parallel_loop3A_263 = arith.constant 128 : i32
      %parallel_loop3A_264 = arith.constant 1 : i32
      scf.for %parallel_loop3A_662 = %parallel_loop3A_262 to %parallel_loop3A_263 step %parallel_loop3A_264  : i32 {
        %parallel_loop3A_663 = arith.constant 16 : i32
        %parallel_loop3A_664 = arith.muli %parallel_loop3A_662, %parallel_loop3A_663 : i32
        %parallel_loop3A_665 = arith.constant 4096 : i32
        %parallel_loop3A_666 = arith.addi %parallel_loop3A_665, %parallel_loop3A_664 : i32
        %parallel_loop3A_667 = arith.index_cast %parallel_loop3A_666 : i32 to index
        %parallel_loop3A_668 = tpu.vector_load %arg7[%parallel_loop3A_667] {strides = array<i32>} : memref<32768xf32, #tpu.memory_space<vmem>>, vector<16xf32>,
        %parallel_loop3A_669 = arith.constant 16 : i32
        %parallel_loop3A_670 = arith.muli %parallel_loop3A_662, %parallel_loop3A_669 : i32
        %parallel_loop3A_671 = arith.index_cast %parallel_loop3A_670 : i32 to index
        %parallel_loop3A_672 = tpu.vector_load %arg10[%parallel_loop3A_671] {strides = array<i32>} : memref<2048xf32, #tpu.memory_space<vmem>>, vector<16xf32>,
        %parallel_loop3A_673 = arith.addf %parallel_loop3A_668, %parallel_loop3A_672 : vector<16xf32>
        %parallel_loop3A_674 = arith.index_cast %parallel_loop3A_666 : i32 to index
        %parallel_loop3A_675 = tpu.vector_load %arg7[%parallel_loop3A_674] {strides = array<i32>} : memref<32768xf32, #tpu.memory_space<vmem>>, vector<16xf32>,
        tpu.vector_store %arg7[%parallel_loop3A_674], %parallel_loop3A_673 {strides = array<i32>} : memref<32768xf32, #tpu.memory_space<vmem>>, vector<16xf32>,
      } {sc.loop_unroll_factor = 4 : i64, sc.parallel_access}
      %mul3A_265 = arith.constant 2 : i32
      %mul3A_266 = arith.muli %select_n3A_217, %mul3A_265 : i32
      %add3A_267 = arith.constant 0 : i32
      %add3A_268 = arith.addi %mul3A_266, %add3A_267 : i32
      %mul3A_269 = arith.constant 2 : i32
      %mul3A_270 = arith.muli %add3A_268, %mul3A_269 : i32
      %mul3A_271 = arith.constant 16384 : i32
      %mul3A_272 = arith.muli %mul3A_270, %mul3A_271 : i32
      %add3A_273 = arith.constant 6144 : i32
      %add3A_274 = arith.addi %mul3A_272, %add3A_273 : i32
      "tpu.region"() ({
        %run_scoped3A = tpu.sem_alloc : memref<!tpu.dma_semaphore, #tpu.memory_space<semaphore_mem>>
        %dma_start3A_662 = tpu.memref_slice %arg11[%add3A_274] : memref<524288xf32, #tpu.memory_space<vmem_shared>> -> memref<2048xf32, #tpu.memory_space<vmem_shared>>
        %dma_start3A_663 = tpu.memref_slice %arg11[%add3A_274] : memref<524288xf32, #tpu.memory_space<vmem_shared>> -> memref<2048xf32, #tpu.memory_space<vmem_shared>>
        tpu.enqueue_dma source(%dma_start3A_663 : memref<2048xf32, #tpu.memory_space<vmem_shared>>) target(%arg10 : memref<2048xf32, #tpu.memory_space<vmem>>) target_semaphore(%run_scoped3A : memref<!tpu.dma_semaphore, #tpu.memory_space<semaphore_mem>>)
        %dma_wait3A = tpu.memref_slice %arg11[%add3A_274] : memref<524288xf32, #tpu.memory_space<vmem_shared>> -> memref<2048xf32, #tpu.memory_space<vmem_shared>>
        %dma_wait3A_664 = tpu.memref_slice %arg11[%add3A_274] : memref<524288xf32, #tpu.memory_space<vmem_shared>> -> memref<2048xf32, #tpu.memory_space<vmem_shared>>
        tpu.wait_dma2 semaphore(%run_scoped3A : memref<!tpu.dma_semaphore, #tpu.memory_space<semaphore_mem>>) src(%dma_wait3A_664 : memref<2048xf32, #tpu.memory_space<vmem_shared>>) dst(%arg10 : memref<2048xf32, #tpu.memory_space<vmem>>)
        tpu.yield
      }) : () -> ()
      %parallel_loop3A_275 = arith.constant 0 : i32
      %parallel_loop3A_276 = arith.constant 128 : i32
      %parallel_loop3A_277 = arith.constant 1 : i32
      scf.for %parallel_loop3A_662 = %parallel_loop3A_275 to %parallel_loop3A_276 step %parallel_loop3A_277  : i32 {
        %parallel_loop3A_663 = arith.constant 16 : i32
        %parallel_loop3A_664 = arith.muli %parallel_loop3A_662, %parallel_loop3A_663 : i32
        %parallel_loop3A_665 = arith.constant 6144 : i32
        %parallel_loop3A_666 = arith.addi %parallel_loop3A_665, %parallel_loop3A_664 : i32
        %parallel_loop3A_667 = arith.index_cast %parallel_loop3A_666 : i32 to index
        %parallel_loop3A_668 = tpu.vector_load %arg7[%parallel_loop3A_667] {strides = array<i32>} : memref<32768xf32, #tpu.memory_space<vmem>>, vector<16xf32>,
        %parallel_loop3A_669 = arith.constant 16 : i32
        %parallel_loop3A_670 = arith.muli %parallel_loop3A_662, %parallel_loop3A_669 : i32
        %parallel_loop3A_671 = arith.index_cast %parallel_loop3A_670 : i32 to index
        %parallel_loop3A_672 = tpu.vector_load %arg10[%parallel_loop3A_671] {strides = array<i32>} : memref<2048xf32, #tpu.memory_space<vmem>>, vector<16xf32>,
        %parallel_loop3A_673 = arith.addf %parallel_loop3A_668, %parallel_loop3A_672 : vector<16xf32>
        %parallel_loop3A_674 = arith.index_cast %parallel_loop3A_666 : i32 to index
        %parallel_loop3A_675 = tpu.vector_load %arg7[%parallel_loop3A_674] {strides = array<i32>} : memref<32768xf32, #tpu.memory_space<vmem>>, vector<16xf32>,
        tpu.vector_store %arg7[%parallel_loop3A_674], %parallel_loop3A_673 {strides = array<i32>} : memref<32768xf32, #tpu.memory_space<vmem>>, vector<16xf32>,
      } {sc.loop_unroll_factor = 4 : i64, sc.parallel_access}
      %mul3A_278 = arith.constant 2 : i32
      %mul3A_279 = arith.muli %select_n3A_217, %mul3A_278 : i32
      %add3A_280 = arith.constant 0 : i32
      %add3A_281 = arith.addi %mul3A_279, %add3A_280 : i32
      %mul3A_282 = arith.constant 2 : i32
      %mul3A_283 = arith.muli %add3A_281, %mul3A_282 : i32
      %mul3A_284 = arith.constant 16384 : i32
      %mul3A_285 = arith.muli %mul3A_283, %mul3A_284 : i32
      %add3A_286 = arith.constant 8192 : i32
      %add3A_287 = arith.addi %mul3A_285, %add3A_286 : i32
      "tpu.region"() ({
        %run_scoped3A = tpu.sem_alloc : memref<!tpu.dma_semaphore, #tpu.memory_space<semaphore_mem>>
        %dma_start3A_662 = tpu.memref_slice %arg11[%add3A_287] : memref<524288xf32, #tpu.memory_space<vmem_shared>> -> memref<2048xf32, #tpu.memory_space<vmem_shared>>
        %dma_start3A_663 = tpu.memref_slice %arg11[%add3A_287] : memref<524288xf32, #tpu.memory_space<vmem_shared>> -> memref<2048xf32, #tpu.memory_space<vmem_shared>>
        tpu.enqueue_dma source(%dma_start3A_663 : memref<2048xf32, #tpu.memory_space<vmem_shared>>) target(%arg10 : memref<2048xf32, #tpu.memory_space<vmem>>) target_semaphore(%run_scoped3A : memref<!tpu.dma_semaphore, #tpu.memory_space<semaphore_mem>>)
        %dma_wait3A = tpu.memref_slice %arg11[%add3A_287] : memref<524288xf32, #tpu.memory_space<vmem_shared>> -> memref<2048xf32, #tpu.memory_space<vmem_shared>>
        %dma_wait3A_664 = tpu.memref_slice %arg11[%add3A_287] : memref<524288xf32, #tpu.memory_space<vmem_shared>> -> memref<2048xf32, #tpu.memory_space<vmem_shared>>
        tpu.wait_dma2 semaphore(%run_scoped3A : memref<!tpu.dma_semaphore, #tpu.memory_space<semaphore_mem>>) src(%dma_wait3A_664 : memref<2048xf32, #tpu.memory_space<vmem_shared>>) dst(%arg10 : memref<2048xf32, #tpu.memory_space<vmem>>)
        tpu.yield
      }) : () -> ()
      %parallel_loop3A_288 = arith.constant 0 : i32
      %parallel_loop3A_289 = arith.constant 128 : i32
      %parallel_loop3A_290 = arith.constant 1 : i32
      scf.for %parallel_loop3A_662 = %parallel_loop3A_288 to %parallel_loop3A_289 step %parallel_loop3A_290  : i32 {
        %parallel_loop3A_663 = arith.constant 16 : i32
        %parallel_loop3A_664 = arith.muli %parallel_loop3A_662, %parallel_loop3A_663 : i32
        %parallel_loop3A_665 = arith.constant 8192 : i32
        %parallel_loop3A_666 = arith.addi %parallel_loop3A_665, %parallel_loop3A_664 : i32
        %parallel_loop3A_667 = arith.index_cast %parallel_loop3A_666 : i32 to index
        %parallel_loop3A_668 = tpu.vector_load %arg7[%parallel_loop3A_667] {strides = array<i32>} : memref<32768xf32, #tpu.memory_space<vmem>>, vector<16xf32>,
        %parallel_loop3A_669 = arith.constant 16 : i32
        %parallel_loop3A_670 = arith.muli %parallel_loop3A_662, %parallel_loop3A_669 : i32
        %parallel_loop3A_671 = arith.index_cast %parallel_loop3A_670 : i32 to index
        %parallel_loop3A_672 = tpu.vector_load %arg10[%parallel_loop3A_671] {strides = array<i32>} : memref<2048xf32, #tpu.memory_space<vmem>>, vector<16xf32>,
        %parallel_loop3A_673 = arith.addf %parallel_loop3A_668, %parallel_loop3A_672 : vector<16xf32>
        %parallel_loop3A_674 = arith.index_cast %parallel_loop3A_666 : i32 to index
        %parallel_loop3A_675 = tpu.vector_load %arg7[%parallel_loop3A_674] {strides = array<i32>} : memref<32768xf32, #tpu.memory_space<vmem>>, vector<16xf32>,
        tpu.vector_store %arg7[%parallel_loop3A_674], %parallel_loop3A_673 {strides = array<i32>} : memref<32768xf32, #tpu.memory_space<vmem>>, vector<16xf32>,
      } {sc.loop_unroll_factor = 4 : i64, sc.parallel_access}
      %mul3A_291 = arith.constant 2 : i32
      %mul3A_292 = arith.muli %select_n3A_217, %mul3A_291 : i32
      %add3A_293 = arith.constant 0 : i32
      %add3A_294 = arith.addi %mul3A_292, %add3A_293 : i32
      %mul3A_295 = arith.constant 2 : i32
      %mul3A_296 = arith.muli %add3A_294, %mul3A_295 : i32
      %mul3A_297 = arith.constant 16384 : i32
      %mul3A_298 = arith.muli %mul3A_296, %mul3A_297 : i32
      %add3A_299 = arith.constant 10240 : i32
      %add3A_300 = arith.addi %mul3A_298, %add3A_299 : i32
      "tpu.region"() ({
        %run_scoped3A = tpu.sem_alloc : memref<!tpu.dma_semaphore, #tpu.memory_space<semaphore_mem>>
        %dma_start3A_662 = tpu.memref_slice %arg11[%add3A_300] : memref<524288xf32, #tpu.memory_space<vmem_shared>> -> memref<2048xf32, #tpu.memory_space<vmem_shared>>
        %dma_start3A_663 = tpu.memref_slice %arg11[%add3A_300] : memref<524288xf32, #tpu.memory_space<vmem_shared>> -> memref<2048xf32, #tpu.memory_space<vmem_shared>>
        tpu.enqueue_dma source(%dma_start3A_663 : memref<2048xf32, #tpu.memory_space<vmem_shared>>) target(%arg10 : memref<2048xf32, #tpu.memory_space<vmem>>) target_semaphore(%run_scoped3A : memref<!tpu.dma_semaphore, #tpu.memory_space<semaphore_mem>>)
        %dma_wait3A = tpu.memref_slice %arg11[%add3A_300] : memref<524288xf32, #tpu.memory_space<vmem_shared>> -> memref<2048xf32, #tpu.memory_space<vmem_shared>>
        %dma_wait3A_664 = tpu.memref_slice %arg11[%add3A_300] : memref<524288xf32, #tpu.memory_space<vmem_shared>> -> memref<2048xf32, #tpu.memory_space<vmem_shared>>
        tpu.wait_dma2 semaphore(%run_scoped3A : memref<!tpu.dma_semaphore, #tpu.memory_space<semaphore_mem>>) src(%dma_wait3A_664 : memref<2048xf32, #tpu.memory_space<vmem_shared>>) dst(%arg10 : memref<2048xf32, #tpu.memory_space<vmem>>)
        tpu.yield
      }) : () -> ()
      %parallel_loop3A_301 = arith.constant 0 : i32
      %parallel_loop3A_302 = arith.constant 128 : i32
      %parallel_loop3A_303 = arith.constant 1 : i32
      scf.for %parallel_loop3A_662 = %parallel_loop3A_301 to %parallel_loop3A_302 step %parallel_loop3A_303  : i32 {
        %parallel_loop3A_663 = arith.constant 16 : i32
        %parallel_loop3A_664 = arith.muli %parallel_loop3A_662, %parallel_loop3A_663 : i32
        %parallel_loop3A_665 = arith.constant 10240 : i32
        %parallel_loop3A_666 = arith.addi %parallel_loop3A_665, %parallel_loop3A_664 : i32
        %parallel_loop3A_667 = arith.index_cast %parallel_loop3A_666 : i32 to index
        %parallel_loop3A_668 = tpu.vector_load %arg7[%parallel_loop3A_667] {strides = array<i32>} : memref<32768xf32, #tpu.memory_space<vmem>>, vector<16xf32>,
        %parallel_loop3A_669 = arith.constant 16 : i32
        %parallel_loop3A_670 = arith.muli %parallel_loop3A_662, %parallel_loop3A_669 : i32
        %parallel_loop3A_671 = arith.index_cast %parallel_loop3A_670 : i32 to index
        %parallel_loop3A_672 = tpu.vector_load %arg10[%parallel_loop3A_671] {strides = array<i32>} : memref<2048xf32, #tpu.memory_space<vmem>>, vector<16xf32>,
        %parallel_loop3A_673 = arith.addf %parallel_loop3A_668, %parallel_loop3A_672 : vector<16xf32>
        %parallel_loop3A_674 = arith.index_cast %parallel_loop3A_666 : i32 to index
        %parallel_loop3A_675 = tpu.vector_load %arg7[%parallel_loop3A_674] {strides = array<i32>} : memref<32768xf32, #tpu.memory_space<vmem>>, vector<16xf32>,
        tpu.vector_store %arg7[%parallel_loop3A_674], %parallel_loop3A_673 {strides = array<i32>} : memref<32768xf32, #tpu.memory_space<vmem>>, vector<16xf32>,
      } {sc.loop_unroll_factor = 4 : i64, sc.parallel_access}
      %mul3A_304 = arith.constant 2 : i32
      %mul3A_305 = arith.muli %select_n3A_217, %mul3A_304 : i32
      %add3A_306 = arith.constant 0 : i32
      %add3A_307 = arith.addi %mul3A_305, %add3A_306 : i32
      %mul3A_308 = arith.constant 2 : i32
      %mul3A_309 = arith.muli %add3A_307, %mul3A_308 : i32
      %mul3A_310 = arith.constant 16384 : i32
      %mul3A_311 = arith.muli %mul3A_309, %mul3A_310 : i32
      %add3A_312 = arith.constant 12288 : i32
      %add3A_313 = arith.addi %mul3A_311, %add3A_312 : i32
      "tpu.region"() ({
        %run_scoped3A = tpu.sem_alloc : memref<!tpu.dma_semaphore, #tpu.memory_space<semaphore_mem>>
        %dma_start3A_662 = tpu.memref_slice %arg11[%add3A_313] : memref<524288xf32, #tpu.memory_space<vmem_shared>> -> memref<2048xf32, #tpu.memory_space<vmem_shared>>
        %dma_start3A_663 = tpu.memref_slice %arg11[%add3A_313] : memref<524288xf32, #tpu.memory_space<vmem_shared>> -> memref<2048xf32, #tpu.memory_space<vmem_shared>>
        tpu.enqueue_dma source(%dma_start3A_663 : memref<2048xf32, #tpu.memory_space<vmem_shared>>) target(%arg10 : memref<2048xf32, #tpu.memory_space<vmem>>) target_semaphore(%run_scoped3A : memref<!tpu.dma_semaphore, #tpu.memory_space<semaphore_mem>>)
        %dma_wait3A = tpu.memref_slice %arg11[%add3A_313] : memref<524288xf32, #tpu.memory_space<vmem_shared>> -> memref<2048xf32, #tpu.memory_space<vmem_shared>>
        %dma_wait3A_664 = tpu.memref_slice %arg11[%add3A_313] : memref<524288xf32, #tpu.memory_space<vmem_shared>> -> memref<2048xf32, #tpu.memory_space<vmem_shared>>
        tpu.wait_dma2 semaphore(%run_scoped3A : memref<!tpu.dma_semaphore, #tpu.memory_space<semaphore_mem>>) src(%dma_wait3A_664 : memref<2048xf32, #tpu.memory_space<vmem_shared>>) dst(%arg10 : memref<2048xf32, #tpu.memory_space<vmem>>)
        tpu.yield
      }) : () -> ()
      %parallel_loop3A_314 = arith.constant 0 : i32
      %parallel_loop3A_315 = arith.constant 128 : i32
      %parallel_loop3A_316 = arith.constant 1 : i32
      scf.for %parallel_loop3A_662 = %parallel_loop3A_314 to %parallel_loop3A_315 step %parallel_loop3A_316  : i32 {
        %parallel_loop3A_663 = arith.constant 16 : i32
        %parallel_loop3A_664 = arith.muli %parallel_loop3A_662, %parallel_loop3A_663 : i32
        %parallel_loop3A_665 = arith.constant 12288 : i32
        %parallel_loop3A_666 = arith.addi %parallel_loop3A_665, %parallel_loop3A_664 : i32
        %parallel_loop3A_667 = arith.index_cast %parallel_loop3A_666 : i32 to index
        %parallel_loop3A_668 = tpu.vector_load %arg7[%parallel_loop3A_667] {strides = array<i32>} : memref<32768xf32, #tpu.memory_space<vmem>>, vector<16xf32>,
        %parallel_loop3A_669 = arith.constant 16 : i32
        %parallel_loop3A_670 = arith.muli %parallel_loop3A_662, %parallel_loop3A_669 : i32
        %parallel_loop3A_671 = arith.index_cast %parallel_loop3A_670 : i32 to index
        %parallel_loop3A_672 = tpu.vector_load %arg10[%parallel_loop3A_671] {strides = array<i32>} : memref<2048xf32, #tpu.memory_space<vmem>>, vector<16xf32>,
        %parallel_loop3A_673 = arith.addf %parallel_loop3A_668, %parallel_loop3A_672 : vector<16xf32>
        %parallel_loop3A_674 = arith.index_cast %parallel_loop3A_666 : i32 to index
        %parallel_loop3A_675 = tpu.vector_load %arg7[%parallel_loop3A_674] {strides = array<i32>} : memref<32768xf32, #tpu.memory_space<vmem>>, vector<16xf32>,
        tpu.vector_store %arg7[%parallel_loop3A_674], %parallel_loop3A_673 {strides = array<i32>} : memref<32768xf32, #tpu.memory_space<vmem>>, vector<16xf32>,
      } {sc.loop_unroll_factor = 4 : i64, sc.parallel_access}
      %mul3A_317 = arith.constant 2 : i32
      %mul3A_318 = arith.muli %select_n3A_217, %mul3A_317 : i32
      %add3A_319 = arith.constant 0 : i32
      %add3A_320 = arith.addi %mul3A_318, %add3A_319 : i32
      %mul3A_321 = arith.constant 2 : i32
      %mul3A_322 = arith.muli %add3A_320, %mul3A_321 : i32
      %mul3A_323 = arith.constant 16384 : i32
      %mul3A_324 = arith.muli %mul3A_322, %mul3A_323 : i32
      %add3A_325 = arith.constant 14336 : i32
      %add3A_326 = arith.addi %mul3A_324, %add3A_325 : i32
      "tpu.region"() ({
        %run_scoped3A = tpu.sem_alloc : memref<!tpu.dma_semaphore, #tpu.memory_space<semaphore_mem>>
        %dma_start3A_662 = tpu.memref_slice %arg11[%add3A_326] : memref<524288xf32, #tpu.memory_space<vmem_shared>> -> memref<2048xf32, #tpu.memory_space<vmem_shared>>
        %dma_start3A_663 = tpu.memref_slice %arg11[%add3A_326] : memref<524288xf32, #tpu.memory_space<vmem_shared>> -> memref<2048xf32, #tpu.memory_space<vmem_shared>>
        tpu.enqueue_dma source(%dma_start3A_663 : memref<2048xf32, #tpu.memory_space<vmem_shared>>) target(%arg10 : memref<2048xf32, #tpu.memory_space<vmem>>) target_semaphore(%run_scoped3A : memref<!tpu.dma_semaphore, #tpu.memory_space<semaphore_mem>>)
        %dma_wait3A = tpu.memref_slice %arg11[%add3A_326] : memref<524288xf32, #tpu.memory_space<vmem_shared>> -> memref<2048xf32, #tpu.memory_space<vmem_shared>>
        %dma_wait3A_664 = tpu.memref_slice %arg11[%add3A_326] : memref<524288xf32, #tpu.memory_space<vmem_shared>> -> memref<2048xf32, #tpu.memory_space<vmem_shared>>
        tpu.wait_dma2 semaphore(%run_scoped3A : memref<!tpu.dma_semaphore, #tpu.memory_space<semaphore_mem>>) src(%dma_wait3A_664 : memref<2048xf32, #tpu.memory_space<vmem_shared>>) dst(%arg10 : memref<2048xf32, #tpu.memory_space<vmem>>)
        tpu.yield
      }) : () -> ()
      %parallel_loop3A_327 = arith.constant 0 : i32
      %parallel_loop3A_328 = arith.constant 128 : i32
      %parallel_loop3A_329 = arith.constant 1 : i32
      scf.for %parallel_loop3A_662 = %parallel_loop3A_327 to %parallel_loop3A_328 step %parallel_loop3A_329  : i32 {
        %parallel_loop3A_663 = arith.constant 16 : i32
        %parallel_loop3A_664 = arith.muli %parallel_loop3A_662, %parallel_loop3A_663 : i32
        %parallel_loop3A_665 = arith.constant 14336 : i32
        %parallel_loop3A_666 = arith.addi %parallel_loop3A_665, %parallel_loop3A_664 : i32
        %parallel_loop3A_667 = arith.index_cast %parallel_loop3A_666 : i32 to index
        %parallel_loop3A_668 = tpu.vector_load %arg7[%parallel_loop3A_667] {strides = array<i32>} : memref<32768xf32, #tpu.memory_space<vmem>>, vector<16xf32>,
        %parallel_loop3A_669 = arith.constant 16 : i32
        %parallel_loop3A_670 = arith.muli %parallel_loop3A_662, %parallel_loop3A_669 : i32
        %parallel_loop3A_671 = arith.index_cast %parallel_loop3A_670 : i32 to index
        %parallel_loop3A_672 = tpu.vector_load %arg10[%parallel_loop3A_671] {strides = array<i32>} : memref<2048xf32, #tpu.memory_space<vmem>>, vector<16xf32>,
        %parallel_loop3A_673 = arith.addf %parallel_loop3A_668, %parallel_loop3A_672 : vector<16xf32>
        %parallel_loop3A_674 = arith.index_cast %parallel_loop3A_666 : i32 to index
        %parallel_loop3A_675 = tpu.vector_load %arg7[%parallel_loop3A_674] {strides = array<i32>} : memref<32768xf32, #tpu.memory_space<vmem>>, vector<16xf32>,
        tpu.vector_store %arg7[%parallel_loop3A_674], %parallel_loop3A_673 {strides = array<i32>} : memref<32768xf32, #tpu.memory_space<vmem>>, vector<16xf32>,
      } {sc.loop_unroll_factor = 4 : i64, sc.parallel_access}
      %mul3A_330 = arith.constant 2 : i32
      %mul3A_331 = arith.muli %select_n3A_217, %mul3A_330 : i32
      %add3A_332 = arith.constant 0 : i32
      %add3A_333 = arith.addi %mul3A_331, %add3A_332 : i32
      %mul3A_334 = arith.constant 2 : i32
      %mul3A_335 = arith.muli %add3A_333, %mul3A_334 : i32
      %mul3A_336 = arith.constant 16384 : i32
      %mul3A_337 = arith.muli %mul3A_335, %mul3A_336 : i32
      %add3A_338 = arith.constant 16384 : i32
      %add3A_339 = arith.addi %mul3A_337, %add3A_338 : i32
      "tpu.region"() ({
        %run_scoped3A = tpu.sem_alloc : memref<!tpu.dma_semaphore, #tpu.memory_space<semaphore_mem>>
        %dma_start3A_662 = tpu.memref_slice %arg11[%add3A_339] : memref<524288xf32, #tpu.memory_space<vmem_shared>> -> memref<2048xf32, #tpu.memory_space<vmem_shared>>
        %dma_start3A_663 = tpu.memref_slice %arg11[%add3A_339] : memref<524288xf32, #tpu.memory_space<vmem_shared>> -> memref<2048xf32, #tpu.memory_space<vmem_shared>>
        tpu.enqueue_dma source(%dma_start3A_663 : memref<2048xf32, #tpu.memory_space<vmem_shared>>) target(%arg10 : memref<2048xf32, #tpu.memory_space<vmem>>) target_semaphore(%run_scoped3A : memref<!tpu.dma_semaphore, #tpu.memory_space<semaphore_mem>>)
        %dma_wait3A = tpu.memref_slice %arg11[%add3A_339] : memref<524288xf32, #tpu.memory_space<vmem_shared>> -> memref<2048xf32, #tpu.memory_space<vmem_shared>>
        %dma_wait3A_664 = tpu.memref_slice %arg11[%add3A_339] : memref<524288xf32, #tpu.memory_space<vmem_shared>> -> memref<2048xf32, #tpu.memory_space<vmem_shared>>
        tpu.wait_dma2 semaphore(%run_scoped3A : memref<!tpu.dma_semaphore, #tpu.memory_space<semaphore_mem>>) src(%dma_wait3A_664 : memref<2048xf32, #tpu.memory_space<vmem_shared>>) dst(%arg10 : memref<2048xf32, #tpu.memory_space<vmem>>)
        tpu.yield
      }) : () -> ()
      %parallel_loop3A_340 = arith.constant 0 : i32
      %parallel_loop3A_341 = arith.constant 128 : i32
      %parallel_loop3A_342 = arith.constant 1 : i32
      scf.for %parallel_loop3A_662 = %parallel_loop3A_340 to %parallel_loop3A_341 step %parallel_loop3A_342  : i32 {
        %parallel_loop3A_663 = arith.constant 16 : i32
        %parallel_loop3A_664 = arith.muli %parallel_loop3A_662, %parallel_loop3A_663 : i32
        %parallel_loop3A_665 = arith.constant 16384 : i32
        %parallel_loop3A_666 = arith.addi %parallel_loop3A_665, %parallel_loop3A_664 : i32
        %parallel_loop3A_667 = arith.index_cast %parallel_loop3A_666 : i32 to index
        %parallel_loop3A_668 = tpu.vector_load %arg7[%parallel_loop3A_667] {strides = array<i32>} : memref<32768xf32, #tpu.memory_space<vmem>>, vector<16xf32>,
        %parallel_loop3A_669 = arith.constant 16 : i32
        %parallel_loop3A_670 = arith.muli %parallel_loop3A_662, %parallel_loop3A_669 : i32
        %parallel_loop3A_671 = arith.index_cast %parallel_loop3A_670 : i32 to index
        %parallel_loop3A_672 = tpu.vector_load %arg10[%parallel_loop3A_671] {strides = array<i32>} : memref<2048xf32, #tpu.memory_space<vmem>>, vector<16xf32>,
        %parallel_loop3A_673 = arith.addf %parallel_loop3A_668, %parallel_loop3A_672 : vector<16xf32>
        %parallel_loop3A_674 = arith.index_cast %parallel_loop3A_666 : i32 to index
        %parallel_loop3A_675 = tpu.vector_load %arg7[%parallel_loop3A_674] {strides = array<i32>} : memref<32768xf32, #tpu.memory_space<vmem>>, vector<16xf32>,
        tpu.vector_store %arg7[%parallel_loop3A_674], %parallel_loop3A_673 {strides = array<i32>} : memref<32768xf32, #tpu.memory_space<vmem>>, vector<16xf32>,
      } {sc.loop_unroll_factor = 4 : i64, sc.parallel_access}
      %mul3A_343 = arith.constant 2 : i32
      %mul3A_344 = arith.muli %select_n3A_217, %mul3A_343 : i32
      %add3A_345 = arith.constant 0 : i32
      %add3A_346 = arith.addi %mul3A_344, %add3A_345 : i32
      %mul3A_347 = arith.constant 2 : i32
      %mul3A_348 = arith.muli %add3A_346, %mul3A_347 : i32
      %mul3A_349 = arith.constant 16384 : i32
      %mul3A_350 = arith.muli %mul3A_348, %mul3A_349 : i32
      %add3A_351 = arith.constant 18432 : i32
      %add3A_352 = arith.addi %mul3A_350, %add3A_351 : i32
      "tpu.region"() ({
        %run_scoped3A = tpu.sem_alloc : memref<!tpu.dma_semaphore, #tpu.memory_space<semaphore_mem>>
        %dma_start3A_662 = tpu.memref_slice %arg11[%add3A_352] : memref<524288xf32, #tpu.memory_space<vmem_shared>> -> memref<2048xf32, #tpu.memory_space<vmem_shared>>
        %dma_start3A_663 = tpu.memref_slice %arg11[%add3A_352] : memref<524288xf32, #tpu.memory_space<vmem_shared>> -> memref<2048xf32, #tpu.memory_space<vmem_shared>>
        tpu.enqueue_dma source(%dma_start3A_663 : memref<2048xf32, #tpu.memory_space<vmem_shared>>) target(%arg10 : memref<2048xf32, #tpu.memory_space<vmem>>) target_semaphore(%run_scoped3A : memref<!tpu.dma_semaphore, #tpu.memory_space<semaphore_mem>>)
        %dma_wait3A = tpu.memref_slice %arg11[%add3A_352] : memref<524288xf32, #tpu.memory_space<vmem_shared>> -> memref<2048xf32, #tpu.memory_space<vmem_shared>>
        %dma_wait3A_664 = tpu.memref_slice %arg11[%add3A_352] : memref<524288xf32, #tpu.memory_space<vmem_shared>> -> memref<2048xf32, #tpu.memory_space<vmem_shared>>
        tpu.wait_dma2 semaphore(%run_scoped3A : memref<!tpu.dma_semaphore, #tpu.memory_space<semaphore_mem>>) src(%dma_wait3A_664 : memref<2048xf32, #tpu.memory_space<vmem_shared>>) dst(%arg10 : memref<2048xf32, #tpu.memory_space<vmem>>)
        tpu.yield
      }) : () -> ()
      %parallel_loop3A_353 = arith.constant 0 : i32
      %parallel_loop3A_354 = arith.constant 128 : i32
      %parallel_loop3A_355 = arith.constant 1 : i32
      scf.for %parallel_loop3A_662 = %parallel_loop3A_353 to %parallel_loop3A_354 step %parallel_loop3A_355  : i32 {
        %parallel_loop3A_663 = arith.constant 16 : i32
        %parallel_loop3A_664 = arith.muli %parallel_loop3A_662, %parallel_loop3A_663 : i32
        %parallel_loop3A_665 = arith.constant 18432 : i32
        %parallel_loop3A_666 = arith.addi %parallel_loop3A_665, %parallel_loop3A_664 : i32
        %parallel_loop3A_667 = arith.index_cast %parallel_loop3A_666 : i32 to index
        %parallel_loop3A_668 = tpu.vector_load %arg7[%parallel_loop3A_667] {strides = array<i32>} : memref<32768xf32, #tpu.memory_space<vmem>>, vector<16xf32>,
        %parallel_loop3A_669 = arith.constant 16 : i32
        %parallel_loop3A_670 = arith.muli %parallel_loop3A_662, %parallel_loop3A_669 : i32
        %parallel_loop3A_671 = arith.index_cast %parallel_loop3A_670 : i32 to index
        %parallel_loop3A_672 = tpu.vector_load %arg10[%parallel_loop3A_671] {strides = array<i32>} : memref<2048xf32, #tpu.memory_space<vmem>>, vector<16xf32>,
        %parallel_loop3A_673 = arith.addf %parallel_loop3A_668, %parallel_loop3A_672 : vector<16xf32>
        %parallel_loop3A_674 = arith.index_cast %parallel_loop3A_666 : i32 to index
        %parallel_loop3A_675 = tpu.vector_load %arg7[%parallel_loop3A_674] {strides = array<i32>} : memref<32768xf32, #tpu.memory_space<vmem>>, vector<16xf32>,
        tpu.vector_store %arg7[%parallel_loop3A_674], %parallel_loop3A_673 {strides = array<i32>} : memref<32768xf32, #tpu.memory_space<vmem>>, vector<16xf32>,
      } {sc.loop_unroll_factor = 4 : i64, sc.parallel_access}
      %mul3A_356 = arith.constant 2 : i32
      %mul3A_357 = arith.muli %select_n3A_217, %mul3A_356 : i32
      %add3A_358 = arith.constant 0 : i32
      %add3A_359 = arith.addi %mul3A_357, %add3A_358 : i32
      %mul3A_360 = arith.constant 2 : i32
      %mul3A_361 = arith.muli %add3A_359, %mul3A_360 : i32
      %mul3A_362 = arith.constant 16384 : i32
      %mul3A_363 = arith.muli %mul3A_361, %mul3A_362 : i32
      %add3A_364 = arith.constant 20480 : i32
      %add3A_365 = arith.addi %mul3A_363, %add3A_364 : i32
      "tpu.region"() ({
        %run_scoped3A = tpu.sem_alloc : memref<!tpu.dma_semaphore, #tpu.memory_space<semaphore_mem>>
        %dma_start3A_662 = tpu.memref_slice %arg11[%add3A_365] : memref<524288xf32, #tpu.memory_space<vmem_shared>> -> memref<2048xf32, #tpu.memory_space<vmem_shared>>
        %dma_start3A_663 = tpu.memref_slice %arg11[%add3A_365] : memref<524288xf32, #tpu.memory_space<vmem_shared>> -> memref<2048xf32, #tpu.memory_space<vmem_shared>>
        tpu.enqueue_dma source(%dma_start3A_663 : memref<2048xf32, #tpu.memory_space<vmem_shared>>) target(%arg10 : memref<2048xf32, #tpu.memory_space<vmem>>) target_semaphore(%run_scoped3A : memref<!tpu.dma_semaphore, #tpu.memory_space<semaphore_mem>>)
        %dma_wait3A = tpu.memref_slice %arg11[%add3A_365] : memref<524288xf32, #tpu.memory_space<vmem_shared>> -> memref<2048xf32, #tpu.memory_space<vmem_shared>>
        %dma_wait3A_664 = tpu.memref_slice %arg11[%add3A_365] : memref<524288xf32, #tpu.memory_space<vmem_shared>> -> memref<2048xf32, #tpu.memory_space<vmem_shared>>
        tpu.wait_dma2 semaphore(%run_scoped3A : memref<!tpu.dma_semaphore, #tpu.memory_space<semaphore_mem>>) src(%dma_wait3A_664 : memref<2048xf32, #tpu.memory_space<vmem_shared>>) dst(%arg10 : memref<2048xf32, #tpu.memory_space<vmem>>)
        tpu.yield
      }) : () -> ()
      %parallel_loop3A_366 = arith.constant 0 : i32
      %parallel_loop3A_367 = arith.constant 128 : i32
      %parallel_loop3A_368 = arith.constant 1 : i32
      scf.for %parallel_loop3A_662 = %parallel_loop3A_366 to %parallel_loop3A_367 step %parallel_loop3A_368  : i32 {
        %parallel_loop3A_663 = arith.constant 16 : i32
        %parallel_loop3A_664 = arith.muli %parallel_loop3A_662, %parallel_loop3A_663 : i32
        %parallel_loop3A_665 = arith.constant 20480 : i32
        %parallel_loop3A_666 = arith.addi %parallel_loop3A_665, %parallel_loop3A_664 : i32
        %parallel_loop3A_667 = arith.index_cast %parallel_loop3A_666 : i32 to index
        %parallel_loop3A_668 = tpu.vector_load %arg7[%parallel_loop3A_667] {strides = array<i32>} : memref<32768xf32, #tpu.memory_space<vmem>>, vector<16xf32>,
        %parallel_loop3A_669 = arith.constant 16 : i32
        %parallel_loop3A_670 = arith.muli %parallel_loop3A_662, %parallel_loop3A_669 : i32
        %parallel_loop3A_671 = arith.index_cast %parallel_loop3A_670 : i32 to index
        %parallel_loop3A_672 = tpu.vector_load %arg10[%parallel_loop3A_671] {strides = array<i32>} : memref<2048xf32, #tpu.memory_space<vmem>>, vector<16xf32>,
        %parallel_loop3A_673 = arith.addf %parallel_loop3A_668, %parallel_loop3A_672 : vector<16xf32>
        %parallel_loop3A_674 = arith.index_cast %parallel_loop3A_666 : i32 to index
        %parallel_loop3A_675 = tpu.vector_load %arg7[%parallel_loop3A_674] {strides = array<i32>} : memref<32768xf32, #tpu.memory_space<vmem>>, vector<16xf32>,
        tpu.vector_store %arg7[%parallel_loop3A_674], %parallel_loop3A_673 {strides = array<i32>} : memref<32768xf32, #tpu.memory_space<vmem>>, vector<16xf32>,
      } {sc.loop_unroll_factor = 4 : i64, sc.parallel_access}
      %mul3A_369 = arith.constant 2 : i32
      %mul3A_370 = arith.muli %select_n3A_217, %mul3A_369 : i32
      %add3A_371 = arith.constant 0 : i32
      %add3A_372 = arith.addi %mul3A_370, %add3A_371 : i32
      %mul3A_373 = arith.constant 2 : i32
      %mul3A_374 = arith.muli %add3A_372, %mul3A_373 : i32
      %mul3A_375 = arith.constant 16384 : i32
      %mul3A_376 = arith.muli %mul3A_374, %mul3A_375 : i32
      %add3A_377 = arith.constant 22528 : i32
      %add3A_378 = arith.addi %mul3A_376, %add3A_377 : i32
      "tpu.region"() ({
        %run_scoped3A = tpu.sem_alloc : memref<!tpu.dma_semaphore, #tpu.memory_space<semaphore_mem>>
        %dma_start3A_662 = tpu.memref_slice %arg11[%add3A_378] : memref<524288xf32, #tpu.memory_space<vmem_shared>> -> memref<2048xf32, #tpu.memory_space<vmem_shared>>
        %dma_start3A_663 = tpu.memref_slice %arg11[%add3A_378] : memref<524288xf32, #tpu.memory_space<vmem_shared>> -> memref<2048xf32, #tpu.memory_space<vmem_shared>>
        tpu.enqueue_dma source(%dma_start3A_663 : memref<2048xf32, #tpu.memory_space<vmem_shared>>) target(%arg10 : memref<2048xf32, #tpu.memory_space<vmem>>) target_semaphore(%run_scoped3A : memref<!tpu.dma_semaphore, #tpu.memory_space<semaphore_mem>>)
        %dma_wait3A = tpu.memref_slice %arg11[%add3A_378] : memref<524288xf32, #tpu.memory_space<vmem_shared>> -> memref<2048xf32, #tpu.memory_space<vmem_shared>>
        %dma_wait3A_664 = tpu.memref_slice %arg11[%add3A_378] : memref<524288xf32, #tpu.memory_space<vmem_shared>> -> memref<2048xf32, #tpu.memory_space<vmem_shared>>
        tpu.wait_dma2 semaphore(%run_scoped3A : memref<!tpu.dma_semaphore, #tpu.memory_space<semaphore_mem>>) src(%dma_wait3A_664 : memref<2048xf32, #tpu.memory_space<vmem_shared>>) dst(%arg10 : memref<2048xf32, #tpu.memory_space<vmem>>)
        tpu.yield
      }) : () -> ()
      %parallel_loop3A_379 = arith.constant 0 : i32
      %parallel_loop3A_380 = arith.constant 128 : i32
      %parallel_loop3A_381 = arith.constant 1 : i32
      scf.for %parallel_loop3A_662 = %parallel_loop3A_379 to %parallel_loop3A_380 step %parallel_loop3A_381  : i32 {
        %parallel_loop3A_663 = arith.constant 16 : i32
        %parallel_loop3A_664 = arith.muli %parallel_loop3A_662, %parallel_loop3A_663 : i32
        %parallel_loop3A_665 = arith.constant 22528 : i32
        %parallel_loop3A_666 = arith.addi %parallel_loop3A_665, %parallel_loop3A_664 : i32
        %parallel_loop3A_667 = arith.index_cast %parallel_loop3A_666 : i32 to index
        %parallel_loop3A_668 = tpu.vector_load %arg7[%parallel_loop3A_667] {strides = array<i32>} : memref<32768xf32, #tpu.memory_space<vmem>>, vector<16xf32>,
        %parallel_loop3A_669 = arith.constant 16 : i32
        %parallel_loop3A_670 = arith.muli %parallel_loop3A_662, %parallel_loop3A_669 : i32
        %parallel_loop3A_671 = arith.index_cast %parallel_loop3A_670 : i32 to index
        %parallel_loop3A_672 = tpu.vector_load %arg10[%parallel_loop3A_671] {strides = array<i32>} : memref<2048xf32, #tpu.memory_space<vmem>>, vector<16xf32>,
        %parallel_loop3A_673 = arith.addf %parallel_loop3A_668, %parallel_loop3A_672 : vector<16xf32>
        %parallel_loop3A_674 = arith.index_cast %parallel_loop3A_666 : i32 to index
        %parallel_loop3A_675 = tpu.vector_load %arg7[%parallel_loop3A_674] {strides = array<i32>} : memref<32768xf32, #tpu.memory_space<vmem>>, vector<16xf32>,
        tpu.vector_store %arg7[%parallel_loop3A_674], %parallel_loop3A_673 {strides = array<i32>} : memref<32768xf32, #tpu.memory_space<vmem>>, vector<16xf32>,
      } {sc.loop_unroll_factor = 4 : i64, sc.parallel_access}
      %mul3A_382 = arith.constant 2 : i32
      %mul3A_383 = arith.muli %select_n3A_217, %mul3A_382 : i32
      %add3A_384 = arith.constant 0 : i32
      %add3A_385 = arith.addi %mul3A_383, %add3A_384 : i32
      %mul3A_386 = arith.constant 2 : i32
      %mul3A_387 = arith.muli %add3A_385, %mul3A_386 : i32
      %mul3A_388 = arith.constant 16384 : i32
      %mul3A_389 = arith.muli %mul3A_387, %mul3A_388 : i32
      %add3A_390 = arith.constant 24576 : i32
      %add3A_391 = arith.addi %mul3A_389, %add3A_390 : i32
      "tpu.region"() ({
        %run_scoped3A = tpu.sem_alloc : memref<!tpu.dma_semaphore, #tpu.memory_space<semaphore_mem>>
        %dma_start3A_662 = tpu.memref_slice %arg11[%add3A_391] : memref<524288xf32, #tpu.memory_space<vmem_shared>> -> memref<2048xf32, #tpu.memory_space<vmem_shared>>
        %dma_start3A_663 = tpu.memref_slice %arg11[%add3A_391] : memref<524288xf32, #tpu.memory_space<vmem_shared>> -> memref<2048xf32, #tpu.memory_space<vmem_shared>>
        tpu.enqueue_dma source(%dma_start3A_663 : memref<2048xf32, #tpu.memory_space<vmem_shared>>) target(%arg10 : memref<2048xf32, #tpu.memory_space<vmem>>) target_semaphore(%run_scoped3A : memref<!tpu.dma_semaphore, #tpu.memory_space<semaphore_mem>>)
        %dma_wait3A = tpu.memref_slice %arg11[%add3A_391] : memref<524288xf32, #tpu.memory_space<vmem_shared>> -> memref<2048xf32, #tpu.memory_space<vmem_shared>>
        %dma_wait3A_664 = tpu.memref_slice %arg11[%add3A_391] : memref<524288xf32, #tpu.memory_space<vmem_shared>> -> memref<2048xf32, #tpu.memory_space<vmem_shared>>
        tpu.wait_dma2 semaphore(%run_scoped3A : memref<!tpu.dma_semaphore, #tpu.memory_space<semaphore_mem>>) src(%dma_wait3A_664 : memref<2048xf32, #tpu.memory_space<vmem_shared>>) dst(%arg10 : memref<2048xf32, #tpu.memory_space<vmem>>)
        tpu.yield
      }) : () -> ()
      %parallel_loop3A_392 = arith.constant 0 : i32
      %parallel_loop3A_393 = arith.constant 128 : i32
      %parallel_loop3A_394 = arith.constant 1 : i32
      scf.for %parallel_loop3A_662 = %parallel_loop3A_392 to %parallel_loop3A_393 step %parallel_loop3A_394  : i32 {
        %parallel_loop3A_663 = arith.constant 16 : i32
        %parallel_loop3A_664 = arith.muli %parallel_loop3A_662, %parallel_loop3A_663 : i32
        %parallel_loop3A_665 = arith.constant 24576 : i32
        %parallel_loop3A_666 = arith.addi %parallel_loop3A_665, %parallel_loop3A_664 : i32
        %parallel_loop3A_667 = arith.index_cast %parallel_loop3A_666 : i32 to index
        %parallel_loop3A_668 = tpu.vector_load %arg7[%parallel_loop3A_667] {strides = array<i32>} : memref<32768xf32, #tpu.memory_space<vmem>>, vector<16xf32>,
        %parallel_loop3A_669 = arith.constant 16 : i32
        %parallel_loop3A_670 = arith.muli %parallel_loop3A_662, %parallel_loop3A_669 : i32
        %parallel_loop3A_671 = arith.index_cast %parallel_loop3A_670 : i32 to index
        %parallel_loop3A_672 = tpu.vector_load %arg10[%parallel_loop3A_671] {strides = array<i32>} : memref<2048xf32, #tpu.memory_space<vmem>>, vector<16xf32>,
        %parallel_loop3A_673 = arith.addf %parallel_loop3A_668, %parallel_loop3A_672 : vector<16xf32>
        %parallel_loop3A_674 = arith.index_cast %parallel_loop3A_666 : i32 to index
        %parallel_loop3A_675 = tpu.vector_load %arg7[%parallel_loop3A_674] {strides = array<i32>} : memref<32768xf32, #tpu.memory_space<vmem>>, vector<16xf32>,
        tpu.vector_store %arg7[%parallel_loop3A_674], %parallel_loop3A_673 {strides = array<i32>} : memref<32768xf32, #tpu.memory_space<vmem>>, vector<16xf32>,
      } {sc.loop_unroll_factor = 4 : i64, sc.parallel_access}
      %mul3A_395 = arith.constant 2 : i32
      %mul3A_396 = arith.muli %select_n3A_217, %mul3A_395 : i32
      %add3A_397 = arith.constant 0 : i32
      %add3A_398 = arith.addi %mul3A_396, %add3A_397 : i32
      %mul3A_399 = arith.constant 2 : i32
      %mul3A_400 = arith.muli %add3A_398, %mul3A_399 : i32
      %mul3A_401 = arith.constant 16384 : i32
      %mul3A_402 = arith.muli %mul3A_400, %mul3A_401 : i32
      %add3A_403 = arith.constant 26624 : i32
      %add3A_404 = arith.addi %mul3A_402, %add3A_403 : i32
      "tpu.region"() ({
        %run_scoped3A = tpu.sem_alloc : memref<!tpu.dma_semaphore, #tpu.memory_space<semaphore_mem>>
        %dma_start3A_662 = tpu.memref_slice %arg11[%add3A_404] : memref<524288xf32, #tpu.memory_space<vmem_shared>> -> memref<2048xf32, #tpu.memory_space<vmem_shared>>
        %dma_start3A_663 = tpu.memref_slice %arg11[%add3A_404] : memref<524288xf32, #tpu.memory_space<vmem_shared>> -> memref<2048xf32, #tpu.memory_space<vmem_shared>>
        tpu.enqueue_dma source(%dma_start3A_663 : memref<2048xf32, #tpu.memory_space<vmem_shared>>) target(%arg10 : memref<2048xf32, #tpu.memory_space<vmem>>) target_semaphore(%run_scoped3A : memref<!tpu.dma_semaphore, #tpu.memory_space<semaphore_mem>>)
        %dma_wait3A = tpu.memref_slice %arg11[%add3A_404] : memref<524288xf32, #tpu.memory_space<vmem_shared>> -> memref<2048xf32, #tpu.memory_space<vmem_shared>>
        %dma_wait3A_664 = tpu.memref_slice %arg11[%add3A_404] : memref<524288xf32, #tpu.memory_space<vmem_shared>> -> memref<2048xf32, #tpu.memory_space<vmem_shared>>
        tpu.wait_dma2 semaphore(%run_scoped3A : memref<!tpu.dma_semaphore, #tpu.memory_space<semaphore_mem>>) src(%dma_wait3A_664 : memref<2048xf32, #tpu.memory_space<vmem_shared>>) dst(%arg10 : memref<2048xf32, #tpu.memory_space<vmem>>)
        tpu.yield
      }) : () -> ()
      %parallel_loop3A_405 = arith.constant 0 : i32
      %parallel_loop3A_406 = arith.constant 128 : i32
      %parallel_loop3A_407 = arith.constant 1 : i32
      scf.for %parallel_loop3A_662 = %parallel_loop3A_405 to %parallel_loop3A_406 step %parallel_loop3A_407  : i32 {
        %parallel_loop3A_663 = arith.constant 16 : i32
        %parallel_loop3A_664 = arith.muli %parallel_loop3A_662, %parallel_loop3A_663 : i32
        %parallel_loop3A_665 = arith.constant 26624 : i32
        %parallel_loop3A_666 = arith.addi %parallel_loop3A_665, %parallel_loop3A_664 : i32
        %parallel_loop3A_667 = arith.index_cast %parallel_loop3A_666 : i32 to index
        %parallel_loop3A_668 = tpu.vector_load %arg7[%parallel_loop3A_667] {strides = array<i32>} : memref<32768xf32, #tpu.memory_space<vmem>>, vector<16xf32>,
        %parallel_loop3A_669 = arith.constant 16 : i32
        %parallel_loop3A_670 = arith.muli %parallel_loop3A_662, %parallel_loop3A_669 : i32
        %parallel_loop3A_671 = arith.index_cast %parallel_loop3A_670 : i32 to index
        %parallel_loop3A_672 = tpu.vector_load %arg10[%parallel_loop3A_671] {strides = array<i32>} : memref<2048xf32, #tpu.memory_space<vmem>>, vector<16xf32>,
        %parallel_loop3A_673 = arith.addf %parallel_loop3A_668, %parallel_loop3A_672 : vector<16xf32>
        %parallel_loop3A_674 = arith.index_cast %parallel_loop3A_666 : i32 to index
        %parallel_loop3A_675 = tpu.vector_load %arg7[%parallel_loop3A_674] {strides = array<i32>} : memref<32768xf32, #tpu.memory_space<vmem>>, vector<16xf32>,
        tpu.vector_store %arg7[%parallel_loop3A_674], %parallel_loop3A_673 {strides = array<i32>} : memref<32768xf32, #tpu.memory_space<vmem>>, vector<16xf32>,
      } {sc.loop_unroll_factor = 4 : i64, sc.parallel_access}
      %mul3A_408 = arith.constant 2 : i32
      %mul3A_409 = arith.muli %select_n3A_217, %mul3A_408 : i32
      %add3A_410 = arith.constant 0 : i32
      %add3A_411 = arith.addi %mul3A_409, %add3A_410 : i32
      %mul3A_412 = arith.constant 2 : i32
      %mul3A_413 = arith.muli %add3A_411, %mul3A_412 : i32
      %mul3A_414 = arith.constant 16384 : i32
      %mul3A_415 = arith.muli %mul3A_413, %mul3A_414 : i32
      %add3A_416 = arith.constant 28672 : i32
      %add3A_417 = arith.addi %mul3A_415, %add3A_416 : i32
      "tpu.region"() ({
        %run_scoped3A = tpu.sem_alloc : memref<!tpu.dma_semaphore, #tpu.memory_space<semaphore_mem>>
        %dma_start3A_662 = tpu.memref_slice %arg11[%add3A_417] : memref<524288xf32, #tpu.memory_space<vmem_shared>> -> memref<2048xf32, #tpu.memory_space<vmem_shared>>
        %dma_start3A_663 = tpu.memref_slice %arg11[%add3A_417] : memref<524288xf32, #tpu.memory_space<vmem_shared>> -> memref<2048xf32, #tpu.memory_space<vmem_shared>>
        tpu.enqueue_dma source(%dma_start3A_663 : memref<2048xf32, #tpu.memory_space<vmem_shared>>) target(%arg10 : memref<2048xf32, #tpu.memory_space<vmem>>) target_semaphore(%run_scoped3A : memref<!tpu.dma_semaphore, #tpu.memory_space<semaphore_mem>>)
        %dma_wait3A = tpu.memref_slice %arg11[%add3A_417] : memref<524288xf32, #tpu.memory_space<vmem_shared>> -> memref<2048xf32, #tpu.memory_space<vmem_shared>>
        %dma_wait3A_664 = tpu.memref_slice %arg11[%add3A_417] : memref<524288xf32, #tpu.memory_space<vmem_shared>> -> memref<2048xf32, #tpu.memory_space<vmem_shared>>
        tpu.wait_dma2 semaphore(%run_scoped3A : memref<!tpu.dma_semaphore, #tpu.memory_space<semaphore_mem>>) src(%dma_wait3A_664 : memref<2048xf32, #tpu.memory_space<vmem_shared>>) dst(%arg10 : memref<2048xf32, #tpu.memory_space<vmem>>)
        tpu.yield
      }) : () -> ()
      %parallel_loop3A_418 = arith.constant 0 : i32
      %parallel_loop3A_419 = arith.constant 128 : i32
      %parallel_loop3A_420 = arith.constant 1 : i32
      scf.for %parallel_loop3A_662 = %parallel_loop3A_418 to %parallel_loop3A_419 step %parallel_loop3A_420  : i32 {
        %parallel_loop3A_663 = arith.constant 16 : i32
        %parallel_loop3A_664 = arith.muli %parallel_loop3A_662, %parallel_loop3A_663 : i32
        %parallel_loop3A_665 = arith.constant 28672 : i32
        %parallel_loop3A_666 = arith.addi %parallel_loop3A_665, %parallel_loop3A_664 : i32
        %parallel_loop3A_667 = arith.index_cast %parallel_loop3A_666 : i32 to index
        %parallel_loop3A_668 = tpu.vector_load %arg7[%parallel_loop3A_667] {strides = array<i32>} : memref<32768xf32, #tpu.memory_space<vmem>>, vector<16xf32>,
        %parallel_loop3A_669 = arith.constant 16 : i32
        %parallel_loop3A_670 = arith.muli %parallel_loop3A_662, %parallel_loop3A_669 : i32
        %parallel_loop3A_671 = arith.index_cast %parallel_loop3A_670 : i32 to index
        %parallel_loop3A_672 = tpu.vector_load %arg10[%parallel_loop3A_671] {strides = array<i32>} : memref<2048xf32, #tpu.memory_space<vmem>>, vector<16xf32>,
        %parallel_loop3A_673 = arith.addf %parallel_loop3A_668, %parallel_loop3A_672 : vector<16xf32>
        %parallel_loop3A_674 = arith.index_cast %parallel_loop3A_666 : i32 to index
        %parallel_loop3A_675 = tpu.vector_load %arg7[%parallel_loop3A_674] {strides = array<i32>} : memref<32768xf32, #tpu.memory_space<vmem>>, vector<16xf32>,
        tpu.vector_store %arg7[%parallel_loop3A_674], %parallel_loop3A_673 {strides = array<i32>} : memref<32768xf32, #tpu.memory_space<vmem>>, vector<16xf32>,
      } {sc.loop_unroll_factor = 4 : i64, sc.parallel_access}
      %mul3A_421 = arith.constant 2 : i32
      %mul3A_422 = arith.muli %select_n3A_217, %mul3A_421 : i32
      %add3A_423 = arith.constant 0 : i32
      %add3A_424 = arith.addi %mul3A_422, %add3A_423 : i32
      %mul3A_425 = arith.constant 2 : i32
      %mul3A_426 = arith.muli %add3A_424, %mul3A_425 : i32
      %mul3A_427 = arith.constant 16384 : i32
      %mul3A_428 = arith.muli %mul3A_426, %mul3A_427 : i32
      %add3A_429 = arith.constant 30720 : i32
      %add3A_430 = arith.addi %mul3A_428, %add3A_429 : i32
      "tpu.region"() ({
        %run_scoped3A = tpu.sem_alloc : memref<!tpu.dma_semaphore, #tpu.memory_space<semaphore_mem>>
        %dma_start3A_662 = tpu.memref_slice %arg11[%add3A_430] : memref<524288xf32, #tpu.memory_space<vmem_shared>> -> memref<2048xf32, #tpu.memory_space<vmem_shared>>
        %dma_start3A_663 = tpu.memref_slice %arg11[%add3A_430] : memref<524288xf32, #tpu.memory_space<vmem_shared>> -> memref<2048xf32, #tpu.memory_space<vmem_shared>>
        tpu.enqueue_dma source(%dma_start3A_663 : memref<2048xf32, #tpu.memory_space<vmem_shared>>) target(%arg10 : memref<2048xf32, #tpu.memory_space<vmem>>) target_semaphore(%run_scoped3A : memref<!tpu.dma_semaphore, #tpu.memory_space<semaphore_mem>>)
        %dma_wait3A = tpu.memref_slice %arg11[%add3A_430] : memref<524288xf32, #tpu.memory_space<vmem_shared>> -> memref<2048xf32, #tpu.memory_space<vmem_shared>>
        %dma_wait3A_664 = tpu.memref_slice %arg11[%add3A_430] : memref<524288xf32, #tpu.memory_space<vmem_shared>> -> memref<2048xf32, #tpu.memory_space<vmem_shared>>
        tpu.wait_dma2 semaphore(%run_scoped3A : memref<!tpu.dma_semaphore, #tpu.memory_space<semaphore_mem>>) src(%dma_wait3A_664 : memref<2048xf32, #tpu.memory_space<vmem_shared>>) dst(%arg10 : memref<2048xf32, #tpu.memory_space<vmem>>)
        tpu.yield
      }) : () -> ()
      %parallel_loop3A_431 = arith.constant 0 : i32
      %parallel_loop3A_432 = arith.constant 128 : i32
      %parallel_loop3A_433 = arith.constant 1 : i32
      scf.for %parallel_loop3A_662 = %parallel_loop3A_431 to %parallel_loop3A_432 step %parallel_loop3A_433  : i32 {
        %parallel_loop3A_663 = arith.constant 16 : i32
        %parallel_loop3A_664 = arith.muli %parallel_loop3A_662, %parallel_loop3A_663 : i32
        %parallel_loop3A_665 = arith.constant 30720 : i32
        %parallel_loop3A_666 = arith.addi %parallel_loop3A_665, %parallel_loop3A_664 : i32
        %parallel_loop3A_667 = arith.index_cast %parallel_loop3A_666 : i32 to index
        %parallel_loop3A_668 = tpu.vector_load %arg7[%parallel_loop3A_667] {strides = array<i32>} : memref<32768xf32, #tpu.memory_space<vmem>>, vector<16xf32>,
        %parallel_loop3A_669 = arith.constant 16 : i32
        %parallel_loop3A_670 = arith.muli %parallel_loop3A_662, %parallel_loop3A_669 : i32
        %parallel_loop3A_671 = arith.index_cast %parallel_loop3A_670 : i32 to index
        %parallel_loop3A_672 = tpu.vector_load %arg10[%parallel_loop3A_671] {strides = array<i32>} : memref<2048xf32, #tpu.memory_space<vmem>>, vector<16xf32>,
        %parallel_loop3A_673 = arith.addf %parallel_loop3A_668, %parallel_loop3A_672 : vector<16xf32>
        %parallel_loop3A_674 = arith.index_cast %parallel_loop3A_666 : i32 to index
        %parallel_loop3A_675 = tpu.vector_load %arg7[%parallel_loop3A_674] {strides = array<i32>} : memref<32768xf32, #tpu.memory_space<vmem>>, vector<16xf32>,
        tpu.vector_store %arg7[%parallel_loop3A_674], %parallel_loop3A_673 {strides = array<i32>} : memref<32768xf32, #tpu.memory_space<vmem>>, vector<16xf32>,
      } {sc.loop_unroll_factor = 4 : i64, sc.parallel_access}
      %mul3A_434 = arith.constant 2 : i32
      %mul3A_435 = arith.muli %select_n3A_217, %mul3A_434 : i32
      %add3A_436 = arith.constant 1 : i32
      %add3A_437 = arith.addi %mul3A_435, %add3A_436 : i32
      %mul3A_438 = arith.constant 2 : i32
      %mul3A_439 = arith.muli %add3A_437, %mul3A_438 : i32
      %mul3A_440 = arith.constant 16384 : i32
      %mul3A_441 = arith.muli %mul3A_439, %mul3A_440 : i32
      %add3A_442 = arith.constant 0 : i32
      %add3A_443 = arith.addi %mul3A_441, %add3A_442 : i32
      "tpu.region"() ({
        %run_scoped3A = tpu.sem_alloc : memref<!tpu.dma_semaphore, #tpu.memory_space<semaphore_mem>>
        %dma_start3A_662 = tpu.memref_slice %arg11[%add3A_443] : memref<524288xf32, #tpu.memory_space<vmem_shared>> -> memref<2048xf32, #tpu.memory_space<vmem_shared>>
        %dma_start3A_663 = tpu.memref_slice %arg11[%add3A_443] : memref<524288xf32, #tpu.memory_space<vmem_shared>> -> memref<2048xf32, #tpu.memory_space<vmem_shared>>
        tpu.enqueue_dma source(%dma_start3A_663 : memref<2048xf32, #tpu.memory_space<vmem_shared>>) target(%arg10 : memref<2048xf32, #tpu.memory_space<vmem>>) target_semaphore(%run_scoped3A : memref<!tpu.dma_semaphore, #tpu.memory_space<semaphore_mem>>)
        %dma_wait3A = tpu.memref_slice %arg11[%add3A_443] : memref<524288xf32, #tpu.memory_space<vmem_shared>> -> memref<2048xf32, #tpu.memory_space<vmem_shared>>
        %dma_wait3A_664 = tpu.memref_slice %arg11[%add3A_443] : memref<524288xf32, #tpu.memory_space<vmem_shared>> -> memref<2048xf32, #tpu.memory_space<vmem_shared>>
        tpu.wait_dma2 semaphore(%run_scoped3A : memref<!tpu.dma_semaphore, #tpu.memory_space<semaphore_mem>>) src(%dma_wait3A_664 : memref<2048xf32, #tpu.memory_space<vmem_shared>>) dst(%arg10 : memref<2048xf32, #tpu.memory_space<vmem>>)
        tpu.yield
      }) : () -> ()
      %parallel_loop3A_444 = arith.constant 0 : i32
      %parallel_loop3A_445 = arith.constant 128 : i32
      %parallel_loop3A_446 = arith.constant 1 : i32
      scf.for %parallel_loop3A_662 = %parallel_loop3A_444 to %parallel_loop3A_445 step %parallel_loop3A_446  : i32 {
        %parallel_loop3A_663 = arith.constant 16 : i32
        %parallel_loop3A_664 = arith.muli %parallel_loop3A_662, %parallel_loop3A_663 : i32
        %parallel_loop3A_665 = arith.constant 0 : i32
        %parallel_loop3A_666 = arith.addi %parallel_loop3A_665, %parallel_loop3A_664 : i32
        %parallel_loop3A_667 = arith.index_cast %parallel_loop3A_666 : i32 to index
        %parallel_loop3A_668 = tpu.vector_load %arg8[%parallel_loop3A_667] {strides = array<i32>} : memref<32768xf32, #tpu.memory_space<vmem>>, vector<16xf32>,
        %parallel_loop3A_669 = arith.constant 16 : i32
        %parallel_loop3A_670 = arith.muli %parallel_loop3A_662, %parallel_loop3A_669 : i32
        %parallel_loop3A_671 = arith.index_cast %parallel_loop3A_670 : i32 to index
        %parallel_loop3A_672 = tpu.vector_load %arg10[%parallel_loop3A_671] {strides = array<i32>} : memref<2048xf32, #tpu.memory_space<vmem>>, vector<16xf32>,
        %parallel_loop3A_673 = arith.addf %parallel_loop3A_668, %parallel_loop3A_672 : vector<16xf32>
        %parallel_loop3A_674 = arith.index_cast %parallel_loop3A_666 : i32 to index
        %parallel_loop3A_675 = tpu.vector_load %arg8[%parallel_loop3A_674] {strides = array<i32>} : memref<32768xf32, #tpu.memory_space<vmem>>, vector<16xf32>,
        tpu.vector_store %arg8[%parallel_loop3A_674], %parallel_loop3A_673 {strides = array<i32>} : memref<32768xf32, #tpu.memory_space<vmem>>, vector<16xf32>,
      } {sc.loop_unroll_factor = 4 : i64, sc.parallel_access}
      %mul3A_447 = arith.constant 2 : i32
      %mul3A_448 = arith.muli %select_n3A_217, %mul3A_447 : i32
      %add3A_449 = arith.constant 1 : i32
      %add3A_450 = arith.addi %mul3A_448, %add3A_449 : i32
      %mul3A_451 = arith.constant 2 : i32
      %mul3A_452 = arith.muli %add3A_450, %mul3A_451 : i32
      %mul3A_453 = arith.constant 16384 : i32
      %mul3A_454 = arith.muli %mul3A_452, %mul3A_453 : i32
      %add3A_455 = arith.constant 2048 : i32
      %add3A_456 = arith.addi %mul3A_454, %add3A_455 : i32
      "tpu.region"() ({
        %run_scoped3A = tpu.sem_alloc : memref<!tpu.dma_semaphore, #tpu.memory_space<semaphore_mem>>
        %dma_start3A_662 = tpu.memref_slice %arg11[%add3A_456] : memref<524288xf32, #tpu.memory_space<vmem_shared>> -> memref<2048xf32, #tpu.memory_space<vmem_shared>>
        %dma_start3A_663 = tpu.memref_slice %arg11[%add3A_456] : memref<524288xf32, #tpu.memory_space<vmem_shared>> -> memref<2048xf32, #tpu.memory_space<vmem_shared>>
        tpu.enqueue_dma source(%dma_start3A_663 : memref<2048xf32, #tpu.memory_space<vmem_shared>>) target(%arg10 : memref<2048xf32, #tpu.memory_space<vmem>>) target_semaphore(%run_scoped3A : memref<!tpu.dma_semaphore, #tpu.memory_space<semaphore_mem>>)
        %dma_wait3A = tpu.memref_slice %arg11[%add3A_456] : memref<524288xf32, #tpu.memory_space<vmem_shared>> -> memref<2048xf32, #tpu.memory_space<vmem_shared>>
        %dma_wait3A_664 = tpu.memref_slice %arg11[%add3A_456] : memref<524288xf32, #tpu.memory_space<vmem_shared>> -> memref<2048xf32, #tpu.memory_space<vmem_shared>>
        tpu.wait_dma2 semaphore(%run_scoped3A : memref<!tpu.dma_semaphore, #tpu.memory_space<semaphore_mem>>) src(%dma_wait3A_664 : memref<2048xf32, #tpu.memory_space<vmem_shared>>) dst(%arg10 : memref<2048xf32, #tpu.memory_space<vmem>>)
        tpu.yield
      }) : () -> ()
      %parallel_loop3A_457 = arith.constant 0 : i32
      %parallel_loop3A_458 = arith.constant 128 : i32
      %parallel_loop3A_459 = arith.constant 1 : i32
      scf.for %parallel_loop3A_662 = %parallel_loop3A_457 to %parallel_loop3A_458 step %parallel_loop3A_459  : i32 {
        %parallel_loop3A_663 = arith.constant 16 : i32
        %parallel_loop3A_664 = arith.muli %parallel_loop3A_662, %parallel_loop3A_663 : i32
        %parallel_loop3A_665 = arith.constant 2048 : i32
        %parallel_loop3A_666 = arith.addi %parallel_loop3A_665, %parallel_loop3A_664 : i32
        %parallel_loop3A_667 = arith.index_cast %parallel_loop3A_666 : i32 to index
        %parallel_loop3A_668 = tpu.vector_load %arg8[%parallel_loop3A_667] {strides = array<i32>} : memref<32768xf32, #tpu.memory_space<vmem>>, vector<16xf32>,
        %parallel_loop3A_669 = arith.constant 16 : i32
        %parallel_loop3A_670 = arith.muli %parallel_loop3A_662, %parallel_loop3A_669 : i32
        %parallel_loop3A_671 = arith.index_cast %parallel_loop3A_670 : i32 to index
        %parallel_loop3A_672 = tpu.vector_load %arg10[%parallel_loop3A_671] {strides = array<i32>} : memref<2048xf32, #tpu.memory_space<vmem>>, vector<16xf32>,
        %parallel_loop3A_673 = arith.addf %parallel_loop3A_668, %parallel_loop3A_672 : vector<16xf32>
        %parallel_loop3A_674 = arith.index_cast %parallel_loop3A_666 : i32 to index
        %parallel_loop3A_675 = tpu.vector_load %arg8[%parallel_loop3A_674] {strides = array<i32>} : memref<32768xf32, #tpu.memory_space<vmem>>, vector<16xf32>,
        tpu.vector_store %arg8[%parallel_loop3A_674], %parallel_loop3A_673 {strides = array<i32>} : memref<32768xf32, #tpu.memory_space<vmem>>, vector<16xf32>,
      } {sc.loop_unroll_factor = 4 : i64, sc.parallel_access}
      %mul3A_460 = arith.constant 2 : i32
      %mul3A_461 = arith.muli %select_n3A_217, %mul3A_460 : i32
      %add3A_462 = arith.constant 1 : i32
      %add3A_463 = arith.addi %mul3A_461, %add3A_462 : i32
      %mul3A_464 = arith.constant 2 : i32
      %mul3A_465 = arith.muli %add3A_463, %mul3A_464 : i32
      %mul3A_466 = arith.constant 16384 : i32
      %mul3A_467 = arith.muli %mul3A_465, %mul3A_466 : i32
      %add3A_468 = arith.constant 4096 : i32
      %add3A_469 = arith.addi %mul3A_467, %add3A_468 : i32
      "tpu.region"() ({
        %run_scoped3A = tpu.sem_alloc : memref<!tpu.dma_semaphore, #tpu.memory_space<semaphore_mem>>
        %dma_start3A_662 = tpu.memref_slice %arg11[%add3A_469] : memref<524288xf32, #tpu.memory_space<vmem_shared>> -> memref<2048xf32, #tpu.memory_space<vmem_shared>>
        %dma_start3A_663 = tpu.memref_slice %arg11[%add3A_469] : memref<524288xf32, #tpu.memory_space<vmem_shared>> -> memref<2048xf32, #tpu.memory_space<vmem_shared>>
        tpu.enqueue_dma source(%dma_start3A_663 : memref<2048xf32, #tpu.memory_space<vmem_shared>>) target(%arg10 : memref<2048xf32, #tpu.memory_space<vmem>>) target_semaphore(%run_scoped3A : memref<!tpu.dma_semaphore, #tpu.memory_space<semaphore_mem>>)
        %dma_wait3A = tpu.memref_slice %arg11[%add3A_469] : memref<524288xf32, #tpu.memory_space<vmem_shared>> -> memref<2048xf32, #tpu.memory_space<vmem_shared>>
        %dma_wait3A_664 = tpu.memref_slice %arg11[%add3A_469] : memref<524288xf32, #tpu.memory_space<vmem_shared>> -> memref<2048xf32, #tpu.memory_space<vmem_shared>>
        tpu.wait_dma2 semaphore(%run_scoped3A : memref<!tpu.dma_semaphore, #tpu.memory_space<semaphore_mem>>) src(%dma_wait3A_664 : memref<2048xf32, #tpu.memory_space<vmem_shared>>) dst(%arg10 : memref<2048xf32, #tpu.memory_space<vmem>>)
        tpu.yield
      }) : () -> ()
      %parallel_loop3A_470 = arith.constant 0 : i32
      %parallel_loop3A_471 = arith.constant 128 : i32
      %parallel_loop3A_472 = arith.constant 1 : i32
      scf.for %parallel_loop3A_662 = %parallel_loop3A_470 to %parallel_loop3A_471 step %parallel_loop3A_472  : i32 {
        %parallel_loop3A_663 = arith.constant 16 : i32
        %parallel_loop3A_664 = arith.muli %parallel_loop3A_662, %parallel_loop3A_663 : i32
        %parallel_loop3A_665 = arith.constant 4096 : i32
        %parallel_loop3A_666 = arith.addi %parallel_loop3A_665, %parallel_loop3A_664 : i32
        %parallel_loop3A_667 = arith.index_cast %parallel_loop3A_666 : i32 to index
        %parallel_loop3A_668 = tpu.vector_load %arg8[%parallel_loop3A_667] {strides = array<i32>} : memref<32768xf32, #tpu.memory_space<vmem>>, vector<16xf32>,
        %parallel_loop3A_669 = arith.constant 16 : i32
        %parallel_loop3A_670 = arith.muli %parallel_loop3A_662, %parallel_loop3A_669 : i32
        %parallel_loop3A_671 = arith.index_cast %parallel_loop3A_670 : i32 to index
        %parallel_loop3A_672 = tpu.vector_load %arg10[%parallel_loop3A_671] {strides = array<i32>} : memref<2048xf32, #tpu.memory_space<vmem>>, vector<16xf32>,
        %parallel_loop3A_673 = arith.addf %parallel_loop3A_668, %parallel_loop3A_672 : vector<16xf32>
        %parallel_loop3A_674 = arith.index_cast %parallel_loop3A_666 : i32 to index
        %parallel_loop3A_675 = tpu.vector_load %arg8[%parallel_loop3A_674] {strides = array<i32>} : memref<32768xf32, #tpu.memory_space<vmem>>, vector<16xf32>,
        tpu.vector_store %arg8[%parallel_loop3A_674], %parallel_loop3A_673 {strides = array<i32>} : memref<32768xf32, #tpu.memory_space<vmem>>, vector<16xf32>,
      } {sc.loop_unroll_factor = 4 : i64, sc.parallel_access}
      %mul3A_473 = arith.constant 2 : i32
      %mul3A_474 = arith.muli %select_n3A_217, %mul3A_473 : i32
      %add3A_475 = arith.constant 1 : i32
      %add3A_476 = arith.addi %mul3A_474, %add3A_475 : i32
      %mul3A_477 = arith.constant 2 : i32
      %mul3A_478 = arith.muli %add3A_476, %mul3A_477 : i32
      %mul3A_479 = arith.constant 16384 : i32
      %mul3A_480 = arith.muli %mul3A_478, %mul3A_479 : i32
      %add3A_481 = arith.constant 6144 : i32
      %add3A_482 = arith.addi %mul3A_480, %add3A_481 : i32
      "tpu.region"() ({
        %run_scoped3A = tpu.sem_alloc : memref<!tpu.dma_semaphore, #tpu.memory_space<semaphore_mem>>
        %dma_start3A_662 = tpu.memref_slice %arg11[%add3A_482] : memref<524288xf32, #tpu.memory_space<vmem_shared>> -> memref<2048xf32, #tpu.memory_space<vmem_shared>>
        %dma_start3A_663 = tpu.memref_slice %arg11[%add3A_482] : memref<524288xf32, #tpu.memory_space<vmem_shared>> -> memref<2048xf32, #tpu.memory_space<vmem_shared>>
        tpu.enqueue_dma source(%dma_start3A_663 : memref<2048xf32, #tpu.memory_space<vmem_shared>>) target(%arg10 : memref<2048xf32, #tpu.memory_space<vmem>>) target_semaphore(%run_scoped3A : memref<!tpu.dma_semaphore, #tpu.memory_space<semaphore_mem>>)
        %dma_wait3A = tpu.memref_slice %arg11[%add3A_482] : memref<524288xf32, #tpu.memory_space<vmem_shared>> -> memref<2048xf32, #tpu.memory_space<vmem_shared>>
        %dma_wait3A_664 = tpu.memref_slice %arg11[%add3A_482] : memref<524288xf32, #tpu.memory_space<vmem_shared>> -> memref<2048xf32, #tpu.memory_space<vmem_shared>>
        tpu.wait_dma2 semaphore(%run_scoped3A : memref<!tpu.dma_semaphore, #tpu.memory_space<semaphore_mem>>) src(%dma_wait3A_664 : memref<2048xf32, #tpu.memory_space<vmem_shared>>) dst(%arg10 : memref<2048xf32, #tpu.memory_space<vmem>>)
        tpu.yield
      }) : () -> ()
      %parallel_loop3A_483 = arith.constant 0 : i32
      %parallel_loop3A_484 = arith.constant 128 : i32
      %parallel_loop3A_485 = arith.constant 1 : i32
      scf.for %parallel_loop3A_662 = %parallel_loop3A_483 to %parallel_loop3A_484 step %parallel_loop3A_485  : i32 {
        %parallel_loop3A_663 = arith.constant 16 : i32
        %parallel_loop3A_664 = arith.muli %parallel_loop3A_662, %parallel_loop3A_663 : i32
        %parallel_loop3A_665 = arith.constant 6144 : i32
        %parallel_loop3A_666 = arith.addi %parallel_loop3A_665, %parallel_loop3A_664 : i32
        %parallel_loop3A_667 = arith.index_cast %parallel_loop3A_666 : i32 to index
        %parallel_loop3A_668 = tpu.vector_load %arg8[%parallel_loop3A_667] {strides = array<i32>} : memref<32768xf32, #tpu.memory_space<vmem>>, vector<16xf32>,
        %parallel_loop3A_669 = arith.constant 16 : i32
        %parallel_loop3A_670 = arith.muli %parallel_loop3A_662, %parallel_loop3A_669 : i32
        %parallel_loop3A_671 = arith.index_cast %parallel_loop3A_670 : i32 to index
        %parallel_loop3A_672 = tpu.vector_load %arg10[%parallel_loop3A_671] {strides = array<i32>} : memref<2048xf32, #tpu.memory_space<vmem>>, vector<16xf32>,
        %parallel_loop3A_673 = arith.addf %parallel_loop3A_668, %parallel_loop3A_672 : vector<16xf32>
        %parallel_loop3A_674 = arith.index_cast %parallel_loop3A_666 : i32 to index
        %parallel_loop3A_675 = tpu.vector_load %arg8[%parallel_loop3A_674] {strides = array<i32>} : memref<32768xf32, #tpu.memory_space<vmem>>, vector<16xf32>,
        tpu.vector_store %arg8[%parallel_loop3A_674], %parallel_loop3A_673 {strides = array<i32>} : memref<32768xf32, #tpu.memory_space<vmem>>, vector<16xf32>,
      } {sc.loop_unroll_factor = 4 : i64, sc.parallel_access}
      %mul3A_486 = arith.constant 2 : i32
      %mul3A_487 = arith.muli %select_n3A_217, %mul3A_486 : i32
      %add3A_488 = arith.constant 1 : i32
      %add3A_489 = arith.addi %mul3A_487, %add3A_488 : i32
      %mul3A_490 = arith.constant 2 : i32
      %mul3A_491 = arith.muli %add3A_489, %mul3A_490 : i32
      %mul3A_492 = arith.constant 16384 : i32
      %mul3A_493 = arith.muli %mul3A_491, %mul3A_492 : i32
      %add3A_494 = arith.constant 8192 : i32
      %add3A_495 = arith.addi %mul3A_493, %add3A_494 : i32
      "tpu.region"() ({
        %run_scoped3A = tpu.sem_alloc : memref<!tpu.dma_semaphore, #tpu.memory_space<semaphore_mem>>
        %dma_start3A_662 = tpu.memref_slice %arg11[%add3A_495] : memref<524288xf32, #tpu.memory_space<vmem_shared>> -> memref<2048xf32, #tpu.memory_space<vmem_shared>>
        %dma_start3A_663 = tpu.memref_slice %arg11[%add3A_495] : memref<524288xf32, #tpu.memory_space<vmem_shared>> -> memref<2048xf32, #tpu.memory_space<vmem_shared>>
        tpu.enqueue_dma source(%dma_start3A_663 : memref<2048xf32, #tpu.memory_space<vmem_shared>>) target(%arg10 : memref<2048xf32, #tpu.memory_space<vmem>>) target_semaphore(%run_scoped3A : memref<!tpu.dma_semaphore, #tpu.memory_space<semaphore_mem>>)
        %dma_wait3A = tpu.memref_slice %arg11[%add3A_495] : memref<524288xf32, #tpu.memory_space<vmem_shared>> -> memref<2048xf32, #tpu.memory_space<vmem_shared>>
        %dma_wait3A_664 = tpu.memref_slice %arg11[%add3A_495] : memref<524288xf32, #tpu.memory_space<vmem_shared>> -> memref<2048xf32, #tpu.memory_space<vmem_shared>>
        tpu.wait_dma2 semaphore(%run_scoped3A : memref<!tpu.dma_semaphore, #tpu.memory_space<semaphore_mem>>) src(%dma_wait3A_664 : memref<2048xf32, #tpu.memory_space<vmem_shared>>) dst(%arg10 : memref<2048xf32, #tpu.memory_space<vmem>>)
        tpu.yield
      }) : () -> ()
      %parallel_loop3A_496 = arith.constant 0 : i32
      %parallel_loop3A_497 = arith.constant 128 : i32
      %parallel_loop3A_498 = arith.constant 1 : i32
      scf.for %parallel_loop3A_662 = %parallel_loop3A_496 to %parallel_loop3A_497 step %parallel_loop3A_498  : i32 {
        %parallel_loop3A_663 = arith.constant 16 : i32
        %parallel_loop3A_664 = arith.muli %parallel_loop3A_662, %parallel_loop3A_663 : i32
        %parallel_loop3A_665 = arith.constant 8192 : i32
        %parallel_loop3A_666 = arith.addi %parallel_loop3A_665, %parallel_loop3A_664 : i32
        %parallel_loop3A_667 = arith.index_cast %parallel_loop3A_666 : i32 to index
        %parallel_loop3A_668 = tpu.vector_load %arg8[%parallel_loop3A_667] {strides = array<i32>} : memref<32768xf32, #tpu.memory_space<vmem>>, vector<16xf32>,
        %parallel_loop3A_669 = arith.constant 16 : i32
        %parallel_loop3A_670 = arith.muli %parallel_loop3A_662, %parallel_loop3A_669 : i32
        %parallel_loop3A_671 = arith.index_cast %parallel_loop3A_670 : i32 to index
        %parallel_loop3A_672 = tpu.vector_load %arg10[%parallel_loop3A_671] {strides = array<i32>} : memref<2048xf32, #tpu.memory_space<vmem>>, vector<16xf32>,
        %parallel_loop3A_673 = arith.addf %parallel_loop3A_668, %parallel_loop3A_672 : vector<16xf32>
        %parallel_loop3A_674 = arith.index_cast %parallel_loop3A_666 : i32 to index
        %parallel_loop3A_675 = tpu.vector_load %arg8[%parallel_loop3A_674] {strides = array<i32>} : memref<32768xf32, #tpu.memory_space<vmem>>, vector<16xf32>,
        tpu.vector_store %arg8[%parallel_loop3A_674], %parallel_loop3A_673 {strides = array<i32>} : memref<32768xf32, #tpu.memory_space<vmem>>, vector<16xf32>,
      } {sc.loop_unroll_factor = 4 : i64, sc.parallel_access}
      %mul3A_499 = arith.constant 2 : i32
      %mul3A_500 = arith.muli %select_n3A_217, %mul3A_499 : i32
      %add3A_501 = arith.constant 1 : i32
      %add3A_502 = arith.addi %mul3A_500, %add3A_501 : i32
      %mul3A_503 = arith.constant 2 : i32
      %mul3A_504 = arith.muli %add3A_502, %mul3A_503 : i32
      %mul3A_505 = arith.constant 16384 : i32
      %mul3A_506 = arith.muli %mul3A_504, %mul3A_505 : i32
      %add3A_507 = arith.constant 10240 : i32
      %add3A_508 = arith.addi %mul3A_506, %add3A_507 : i32
      "tpu.region"() ({
        %run_scoped3A = tpu.sem_alloc : memref<!tpu.dma_semaphore, #tpu.memory_space<semaphore_mem>>
        %dma_start3A_662 = tpu.memref_slice %arg11[%add3A_508] : memref<524288xf32, #tpu.memory_space<vmem_shared>> -> memref<2048xf32, #tpu.memory_space<vmem_shared>>
        %dma_start3A_663 = tpu.memref_slice %arg11[%add3A_508] : memref<524288xf32, #tpu.memory_space<vmem_shared>> -> memref<2048xf32, #tpu.memory_space<vmem_shared>>
        tpu.enqueue_dma source(%dma_start3A_663 : memref<2048xf32, #tpu.memory_space<vmem_shared>>) target(%arg10 : memref<2048xf32, #tpu.memory_space<vmem>>) target_semaphore(%run_scoped3A : memref<!tpu.dma_semaphore, #tpu.memory_space<semaphore_mem>>)
        %dma_wait3A = tpu.memref_slice %arg11[%add3A_508] : memref<524288xf32, #tpu.memory_space<vmem_shared>> -> memref<2048xf32, #tpu.memory_space<vmem_shared>>
        %dma_wait3A_664 = tpu.memref_slice %arg11[%add3A_508] : memref<524288xf32, #tpu.memory_space<vmem_shared>> -> memref<2048xf32, #tpu.memory_space<vmem_shared>>
        tpu.wait_dma2 semaphore(%run_scoped3A : memref<!tpu.dma_semaphore, #tpu.memory_space<semaphore_mem>>) src(%dma_wait3A_664 : memref<2048xf32, #tpu.memory_space<vmem_shared>>) dst(%arg10 : memref<2048xf32, #tpu.memory_space<vmem>>)
        tpu.yield
      }) : () -> ()
      %parallel_loop3A_509 = arith.constant 0 : i32
      %parallel_loop3A_510 = arith.constant 128 : i32
      %parallel_loop3A_511 = arith.constant 1 : i32
      scf.for %parallel_loop3A_662 = %parallel_loop3A_509 to %parallel_loop3A_510 step %parallel_loop3A_511  : i32 {
        %parallel_loop3A_663 = arith.constant 16 : i32
        %parallel_loop3A_664 = arith.muli %parallel_loop3A_662, %parallel_loop3A_663 : i32
        %parallel_loop3A_665 = arith.constant 10240 : i32
        %parallel_loop3A_666 = arith.addi %parallel_loop3A_665, %parallel_loop3A_664 : i32
        %parallel_loop3A_667 = arith.index_cast %parallel_loop3A_666 : i32 to index
        %parallel_loop3A_668 = tpu.vector_load %arg8[%parallel_loop3A_667] {strides = array<i32>} : memref<32768xf32, #tpu.memory_space<vmem>>, vector<16xf32>,
        %parallel_loop3A_669 = arith.constant 16 : i32
        %parallel_loop3A_670 = arith.muli %parallel_loop3A_662, %parallel_loop3A_669 : i32
        %parallel_loop3A_671 = arith.index_cast %parallel_loop3A_670 : i32 to index
        %parallel_loop3A_672 = tpu.vector_load %arg10[%parallel_loop3A_671] {strides = array<i32>} : memref<2048xf32, #tpu.memory_space<vmem>>, vector<16xf32>,
        %parallel_loop3A_673 = arith.addf %parallel_loop3A_668, %parallel_loop3A_672 : vector<16xf32>
        %parallel_loop3A_674 = arith.index_cast %parallel_loop3A_666 : i32 to index
        %parallel_loop3A_675 = tpu.vector_load %arg8[%parallel_loop3A_674] {strides = array<i32>} : memref<32768xf32, #tpu.memory_space<vmem>>, vector<16xf32>,
        tpu.vector_store %arg8[%parallel_loop3A_674], %parallel_loop3A_673 {strides = array<i32>} : memref<32768xf32, #tpu.memory_space<vmem>>, vector<16xf32>,
      } {sc.loop_unroll_factor = 4 : i64, sc.parallel_access}
      %mul3A_512 = arith.constant 2 : i32
      %mul3A_513 = arith.muli %select_n3A_217, %mul3A_512 : i32
      %add3A_514 = arith.constant 1 : i32
      %add3A_515 = arith.addi %mul3A_513, %add3A_514 : i32
      %mul3A_516 = arith.constant 2 : i32
      %mul3A_517 = arith.muli %add3A_515, %mul3A_516 : i32
      %mul3A_518 = arith.constant 16384 : i32
      %mul3A_519 = arith.muli %mul3A_517, %mul3A_518 : i32
      %add3A_520 = arith.constant 12288 : i32
      %add3A_521 = arith.addi %mul3A_519, %add3A_520 : i32
      "tpu.region"() ({
        %run_scoped3A = tpu.sem_alloc : memref<!tpu.dma_semaphore, #tpu.memory_space<semaphore_mem>>
        %dma_start3A_662 = tpu.memref_slice %arg11[%add3A_521] : memref<524288xf32, #tpu.memory_space<vmem_shared>> -> memref<2048xf32, #tpu.memory_space<vmem_shared>>
        %dma_start3A_663 = tpu.memref_slice %arg11[%add3A_521] : memref<524288xf32, #tpu.memory_space<vmem_shared>> -> memref<2048xf32, #tpu.memory_space<vmem_shared>>
        tpu.enqueue_dma source(%dma_start3A_663 : memref<2048xf32, #tpu.memory_space<vmem_shared>>) target(%arg10 : memref<2048xf32, #tpu.memory_space<vmem>>) target_semaphore(%run_scoped3A : memref<!tpu.dma_semaphore, #tpu.memory_space<semaphore_mem>>)
        %dma_wait3A = tpu.memref_slice %arg11[%add3A_521] : memref<524288xf32, #tpu.memory_space<vmem_shared>> -> memref<2048xf32, #tpu.memory_space<vmem_shared>>
        %dma_wait3A_664 = tpu.memref_slice %arg11[%add3A_521] : memref<524288xf32, #tpu.memory_space<vmem_shared>> -> memref<2048xf32, #tpu.memory_space<vmem_shared>>
        tpu.wait_dma2 semaphore(%run_scoped3A : memref<!tpu.dma_semaphore, #tpu.memory_space<semaphore_mem>>) src(%dma_wait3A_664 : memref<2048xf32, #tpu.memory_space<vmem_shared>>) dst(%arg10 : memref<2048xf32, #tpu.memory_space<vmem>>)
        tpu.yield
      }) : () -> ()
      %parallel_loop3A_522 = arith.constant 0 : i32
      %parallel_loop3A_523 = arith.constant 128 : i32
      %parallel_loop3A_524 = arith.constant 1 : i32
      scf.for %parallel_loop3A_662 = %parallel_loop3A_522 to %parallel_loop3A_523 step %parallel_loop3A_524  : i32 {
        %parallel_loop3A_663 = arith.constant 16 : i32
        %parallel_loop3A_664 = arith.muli %parallel_loop3A_662, %parallel_loop3A_663 : i32
        %parallel_loop3A_665 = arith.constant 12288 : i32
        %parallel_loop3A_666 = arith.addi %parallel_loop3A_665, %parallel_loop3A_664 : i32
        %parallel_loop3A_667 = arith.index_cast %parallel_loop3A_666 : i32 to index
        %parallel_loop3A_668 = tpu.vector_load %arg8[%parallel_loop3A_667] {strides = array<i32>} : memref<32768xf32, #tpu.memory_space<vmem>>, vector<16xf32>,
        %parallel_loop3A_669 = arith.constant 16 : i32
        %parallel_loop3A_670 = arith.muli %parallel_loop3A_662, %parallel_loop3A_669 : i32
        %parallel_loop3A_671 = arith.index_cast %parallel_loop3A_670 : i32 to index
        %parallel_loop3A_672 = tpu.vector_load %arg10[%parallel_loop3A_671] {strides = array<i32>} : memref<2048xf32, #tpu.memory_space<vmem>>, vector<16xf32>,
        %parallel_loop3A_673 = arith.addf %parallel_loop3A_668, %parallel_loop3A_672 : vector<16xf32>
        %parallel_loop3A_674 = arith.index_cast %parallel_loop3A_666 : i32 to index
        %parallel_loop3A_675 = tpu.vector_load %arg8[%parallel_loop3A_674] {strides = array<i32>} : memref<32768xf32, #tpu.memory_space<vmem>>, vector<16xf32>,
        tpu.vector_store %arg8[%parallel_loop3A_674], %parallel_loop3A_673 {strides = array<i32>} : memref<32768xf32, #tpu.memory_space<vmem>>, vector<16xf32>,
      } {sc.loop_unroll_factor = 4 : i64, sc.parallel_access}
      %mul3A_525 = arith.constant 2 : i32
      %mul3A_526 = arith.muli %select_n3A_217, %mul3A_525 : i32
      %add3A_527 = arith.constant 1 : i32
      %add3A_528 = arith.addi %mul3A_526, %add3A_527 : i32
      %mul3A_529 = arith.constant 2 : i32
      %mul3A_530 = arith.muli %add3A_528, %mul3A_529 : i32
      %mul3A_531 = arith.constant 16384 : i32
      %mul3A_532 = arith.muli %mul3A_530, %mul3A_531 : i32
      %add3A_533 = arith.constant 14336 : i32
      %add3A_534 = arith.addi %mul3A_532, %add3A_533 : i32
      "tpu.region"() ({
        %run_scoped3A = tpu.sem_alloc : memref<!tpu.dma_semaphore, #tpu.memory_space<semaphore_mem>>
        %dma_start3A_662 = tpu.memref_slice %arg11[%add3A_534] : memref<524288xf32, #tpu.memory_space<vmem_shared>> -> memref<2048xf32, #tpu.memory_space<vmem_shared>>
        %dma_start3A_663 = tpu.memref_slice %arg11[%add3A_534] : memref<524288xf32, #tpu.memory_space<vmem_shared>> -> memref<2048xf32, #tpu.memory_space<vmem_shared>>
        tpu.enqueue_dma source(%dma_start3A_663 : memref<2048xf32, #tpu.memory_space<vmem_shared>>) target(%arg10 : memref<2048xf32, #tpu.memory_space<vmem>>) target_semaphore(%run_scoped3A : memref<!tpu.dma_semaphore, #tpu.memory_space<semaphore_mem>>)
        %dma_wait3A = tpu.memref_slice %arg11[%add3A_534] : memref<524288xf32, #tpu.memory_space<vmem_shared>> -> memref<2048xf32, #tpu.memory_space<vmem_shared>>
        %dma_wait3A_664 = tpu.memref_slice %arg11[%add3A_534] : memref<524288xf32, #tpu.memory_space<vmem_shared>> -> memref<2048xf32, #tpu.memory_space<vmem_shared>>
        tpu.wait_dma2 semaphore(%run_scoped3A : memref<!tpu.dma_semaphore, #tpu.memory_space<semaphore_mem>>) src(%dma_wait3A_664 : memref<2048xf32, #tpu.memory_space<vmem_shared>>) dst(%arg10 : memref<2048xf32, #tpu.memory_space<vmem>>)
        tpu.yield
      }) : () -> ()
      %parallel_loop3A_535 = arith.constant 0 : i32
      %parallel_loop3A_536 = arith.constant 128 : i32
      %parallel_loop3A_537 = arith.constant 1 : i32
      scf.for %parallel_loop3A_662 = %parallel_loop3A_535 to %parallel_loop3A_536 step %parallel_loop3A_537  : i32 {
        %parallel_loop3A_663 = arith.constant 16 : i32
        %parallel_loop3A_664 = arith.muli %parallel_loop3A_662, %parallel_loop3A_663 : i32
        %parallel_loop3A_665 = arith.constant 14336 : i32
        %parallel_loop3A_666 = arith.addi %parallel_loop3A_665, %parallel_loop3A_664 : i32
        %parallel_loop3A_667 = arith.index_cast %parallel_loop3A_666 : i32 to index
        %parallel_loop3A_668 = tpu.vector_load %arg8[%parallel_loop3A_667] {strides = array<i32>} : memref<32768xf32, #tpu.memory_space<vmem>>, vector<16xf32>,
        %parallel_loop3A_669 = arith.constant 16 : i32
        %parallel_loop3A_670 = arith.muli %parallel_loop3A_662, %parallel_loop3A_669 : i32
        %parallel_loop3A_671 = arith.index_cast %parallel_loop3A_670 : i32 to index
        %parallel_loop3A_672 = tpu.vector_load %arg10[%parallel_loop3A_671] {strides = array<i32>} : memref<2048xf32, #tpu.memory_space<vmem>>, vector<16xf32>,
        %parallel_loop3A_673 = arith.addf %parallel_loop3A_668, %parallel_loop3A_672 : vector<16xf32>
        %parallel_loop3A_674 = arith.index_cast %parallel_loop3A_666 : i32 to index
        %parallel_loop3A_675 = tpu.vector_load %arg8[%parallel_loop3A_674] {strides = array<i32>} : memref<32768xf32, #tpu.memory_space<vmem>>, vector<16xf32>,
        tpu.vector_store %arg8[%parallel_loop3A_674], %parallel_loop3A_673 {strides = array<i32>} : memref<32768xf32, #tpu.memory_space<vmem>>, vector<16xf32>,
      } {sc.loop_unroll_factor = 4 : i64, sc.parallel_access}
      %mul3A_538 = arith.constant 2 : i32
      %mul3A_539 = arith.muli %select_n3A_217, %mul3A_538 : i32
      %add3A_540 = arith.constant 1 : i32
      %add3A_541 = arith.addi %mul3A_539, %add3A_540 : i32
      %mul3A_542 = arith.constant 2 : i32
      %mul3A_543 = arith.muli %add3A_541, %mul3A_542 : i32
      %mul3A_544 = arith.constant 16384 : i32
      %mul3A_545 = arith.muli %mul3A_543, %mul3A_544 : i32
      %add3A_546 = arith.constant 16384 : i32
      %add3A_547 = arith.addi %mul3A_545, %add3A_546 : i32
      "tpu.region"() ({
        %run_scoped3A = tpu.sem_alloc : memref<!tpu.dma_semaphore, #tpu.memory_space<semaphore_mem>>
        %dma_start3A_662 = tpu.memref_slice %arg11[%add3A_547] : memref<524288xf32, #tpu.memory_space<vmem_shared>> -> memref<2048xf32, #tpu.memory_space<vmem_shared>>
        %dma_start3A_663 = tpu.memref_slice %arg11[%add3A_547] : memref<524288xf32, #tpu.memory_space<vmem_shared>> -> memref<2048xf32, #tpu.memory_space<vmem_shared>>
        tpu.enqueue_dma source(%dma_start3A_663 : memref<2048xf32, #tpu.memory_space<vmem_shared>>) target(%arg10 : memref<2048xf32, #tpu.memory_space<vmem>>) target_semaphore(%run_scoped3A : memref<!tpu.dma_semaphore, #tpu.memory_space<semaphore_mem>>)
        %dma_wait3A = tpu.memref_slice %arg11[%add3A_547] : memref<524288xf32, #tpu.memory_space<vmem_shared>> -> memref<2048xf32, #tpu.memory_space<vmem_shared>>
        %dma_wait3A_664 = tpu.memref_slice %arg11[%add3A_547] : memref<524288xf32, #tpu.memory_space<vmem_shared>> -> memref<2048xf32, #tpu.memory_space<vmem_shared>>
        tpu.wait_dma2 semaphore(%run_scoped3A : memref<!tpu.dma_semaphore, #tpu.memory_space<semaphore_mem>>) src(%dma_wait3A_664 : memref<2048xf32, #tpu.memory_space<vmem_shared>>) dst(%arg10 : memref<2048xf32, #tpu.memory_space<vmem>>)
        tpu.yield
      }) : () -> ()
      %parallel_loop3A_548 = arith.constant 0 : i32
      %parallel_loop3A_549 = arith.constant 128 : i32
      %parallel_loop3A_550 = arith.constant 1 : i32
      scf.for %parallel_loop3A_662 = %parallel_loop3A_548 to %parallel_loop3A_549 step %parallel_loop3A_550  : i32 {
        %parallel_loop3A_663 = arith.constant 16 : i32
        %parallel_loop3A_664 = arith.muli %parallel_loop3A_662, %parallel_loop3A_663 : i32
        %parallel_loop3A_665 = arith.constant 16384 : i32
        %parallel_loop3A_666 = arith.addi %parallel_loop3A_665, %parallel_loop3A_664 : i32
        %parallel_loop3A_667 = arith.index_cast %parallel_loop3A_666 : i32 to index
        %parallel_loop3A_668 = tpu.vector_load %arg8[%parallel_loop3A_667] {strides = array<i32>} : memref<32768xf32, #tpu.memory_space<vmem>>, vector<16xf32>,
        %parallel_loop3A_669 = arith.constant 16 : i32
        %parallel_loop3A_670 = arith.muli %parallel_loop3A_662, %parallel_loop3A_669 : i32
        %parallel_loop3A_671 = arith.index_cast %parallel_loop3A_670 : i32 to index
        %parallel_loop3A_672 = tpu.vector_load %arg10[%parallel_loop3A_671] {strides = array<i32>} : memref<2048xf32, #tpu.memory_space<vmem>>, vector<16xf32>,
        %parallel_loop3A_673 = arith.addf %parallel_loop3A_668, %parallel_loop3A_672 : vector<16xf32>
        %parallel_loop3A_674 = arith.index_cast %parallel_loop3A_666 : i32 to index
        %parallel_loop3A_675 = tpu.vector_load %arg8[%parallel_loop3A_674] {strides = array<i32>} : memref<32768xf32, #tpu.memory_space<vmem>>, vector<16xf32>,
        tpu.vector_store %arg8[%parallel_loop3A_674], %parallel_loop3A_673 {strides = array<i32>} : memref<32768xf32, #tpu.memory_space<vmem>>, vector<16xf32>,
      } {sc.loop_unroll_factor = 4 : i64, sc.parallel_access}
      %mul3A_551 = arith.constant 2 : i32
      %mul3A_552 = arith.muli %select_n3A_217, %mul3A_551 : i32
      %add3A_553 = arith.constant 1 : i32
      %add3A_554 = arith.addi %mul3A_552, %add3A_553 : i32
      %mul3A_555 = arith.constant 2 : i32
      %mul3A_556 = arith.muli %add3A_554, %mul3A_555 : i32
      %mul3A_557 = arith.constant 16384 : i32
      %mul3A_558 = arith.muli %mul3A_556, %mul3A_557 : i32
      %add3A_559 = arith.constant 18432 : i32
      %add3A_560 = arith.addi %mul3A_558, %add3A_559 : i32
      "tpu.region"() ({
        %run_scoped3A = tpu.sem_alloc : memref<!tpu.dma_semaphore, #tpu.memory_space<semaphore_mem>>
        %dma_start3A_662 = tpu.memref_slice %arg11[%add3A_560] : memref<524288xf32, #tpu.memory_space<vmem_shared>> -> memref<2048xf32, #tpu.memory_space<vmem_shared>>
        %dma_start3A_663 = tpu.memref_slice %arg11[%add3A_560] : memref<524288xf32, #tpu.memory_space<vmem_shared>> -> memref<2048xf32, #tpu.memory_space<vmem_shared>>
        tpu.enqueue_dma source(%dma_start3A_663 : memref<2048xf32, #tpu.memory_space<vmem_shared>>) target(%arg10 : memref<2048xf32, #tpu.memory_space<vmem>>) target_semaphore(%run_scoped3A : memref<!tpu.dma_semaphore, #tpu.memory_space<semaphore_mem>>)
        %dma_wait3A = tpu.memref_slice %arg11[%add3A_560] : memref<524288xf32, #tpu.memory_space<vmem_shared>> -> memref<2048xf32, #tpu.memory_space<vmem_shared>>
        %dma_wait3A_664 = tpu.memref_slice %arg11[%add3A_560] : memref<524288xf32, #tpu.memory_space<vmem_shared>> -> memref<2048xf32, #tpu.memory_space<vmem_shared>>
        tpu.wait_dma2 semaphore(%run_scoped3A : memref<!tpu.dma_semaphore, #tpu.memory_space<semaphore_mem>>) src(%dma_wait3A_664 : memref<2048xf32, #tpu.memory_space<vmem_shared>>) dst(%arg10 : memref<2048xf32, #tpu.memory_space<vmem>>)
        tpu.yield
      }) : () -> ()
      %parallel_loop3A_561 = arith.constant 0 : i32
      %parallel_loop3A_562 = arith.constant 128 : i32
      %parallel_loop3A_563 = arith.constant 1 : i32
      scf.for %parallel_loop3A_662 = %parallel_loop3A_561 to %parallel_loop3A_562 step %parallel_loop3A_563  : i32 {
        %parallel_loop3A_663 = arith.constant 16 : i32
        %parallel_loop3A_664 = arith.muli %parallel_loop3A_662, %parallel_loop3A_663 : i32
        %parallel_loop3A_665 = arith.constant 18432 : i32
        %parallel_loop3A_666 = arith.addi %parallel_loop3A_665, %parallel_loop3A_664 : i32
        %parallel_loop3A_667 = arith.index_cast %parallel_loop3A_666 : i32 to index
        %parallel_loop3A_668 = tpu.vector_load %arg8[%parallel_loop3A_667] {strides = array<i32>} : memref<32768xf32, #tpu.memory_space<vmem>>, vector<16xf32>,
        %parallel_loop3A_669 = arith.constant 16 : i32
        %parallel_loop3A_670 = arith.muli %parallel_loop3A_662, %parallel_loop3A_669 : i32
        %parallel_loop3A_671 = arith.index_cast %parallel_loop3A_670 : i32 to index
        %parallel_loop3A_672 = tpu.vector_load %arg10[%parallel_loop3A_671] {strides = array<i32>} : memref<2048xf32, #tpu.memory_space<vmem>>, vector<16xf32>,
        %parallel_loop3A_673 = arith.addf %parallel_loop3A_668, %parallel_loop3A_672 : vector<16xf32>
        %parallel_loop3A_674 = arith.index_cast %parallel_loop3A_666 : i32 to index
        %parallel_loop3A_675 = tpu.vector_load %arg8[%parallel_loop3A_674] {strides = array<i32>} : memref<32768xf32, #tpu.memory_space<vmem>>, vector<16xf32>,
        tpu.vector_store %arg8[%parallel_loop3A_674], %parallel_loop3A_673 {strides = array<i32>} : memref<32768xf32, #tpu.memory_space<vmem>>, vector<16xf32>,
      } {sc.loop_unroll_factor = 4 : i64, sc.parallel_access}
      %mul3A_564 = arith.constant 2 : i32
      %mul3A_565 = arith.muli %select_n3A_217, %mul3A_564 : i32
      %add3A_566 = arith.constant 1 : i32
      %add3A_567 = arith.addi %mul3A_565, %add3A_566 : i32
      %mul3A_568 = arith.constant 2 : i32
      %mul3A_569 = arith.muli %add3A_567, %mul3A_568 : i32
      %mul3A_570 = arith.constant 16384 : i32
      %mul3A_571 = arith.muli %mul3A_569, %mul3A_570 : i32
      %add3A_572 = arith.constant 20480 : i32
      %add3A_573 = arith.addi %mul3A_571, %add3A_572 : i32
      "tpu.region"() ({
        %run_scoped3A = tpu.sem_alloc : memref<!tpu.dma_semaphore, #tpu.memory_space<semaphore_mem>>
        %dma_start3A_662 = tpu.memref_slice %arg11[%add3A_573] : memref<524288xf32, #tpu.memory_space<vmem_shared>> -> memref<2048xf32, #tpu.memory_space<vmem_shared>>
        %dma_start3A_663 = tpu.memref_slice %arg11[%add3A_573] : memref<524288xf32, #tpu.memory_space<vmem_shared>> -> memref<2048xf32, #tpu.memory_space<vmem_shared>>
        tpu.enqueue_dma source(%dma_start3A_663 : memref<2048xf32, #tpu.memory_space<vmem_shared>>) target(%arg10 : memref<2048xf32, #tpu.memory_space<vmem>>) target_semaphore(%run_scoped3A : memref<!tpu.dma_semaphore, #tpu.memory_space<semaphore_mem>>)
        %dma_wait3A = tpu.memref_slice %arg11[%add3A_573] : memref<524288xf32, #tpu.memory_space<vmem_shared>> -> memref<2048xf32, #tpu.memory_space<vmem_shared>>
        %dma_wait3A_664 = tpu.memref_slice %arg11[%add3A_573] : memref<524288xf32, #tpu.memory_space<vmem_shared>> -> memref<2048xf32, #tpu.memory_space<vmem_shared>>
        tpu.wait_dma2 semaphore(%run_scoped3A : memref<!tpu.dma_semaphore, #tpu.memory_space<semaphore_mem>>) src(%dma_wait3A_664 : memref<2048xf32, #tpu.memory_space<vmem_shared>>) dst(%arg10 : memref<2048xf32, #tpu.memory_space<vmem>>)
        tpu.yield
      }) : () -> ()
      %parallel_loop3A_574 = arith.constant 0 : i32
      %parallel_loop3A_575 = arith.constant 128 : i32
      %parallel_loop3A_576 = arith.constant 1 : i32
      scf.for %parallel_loop3A_662 = %parallel_loop3A_574 to %parallel_loop3A_575 step %parallel_loop3A_576  : i32 {
        %parallel_loop3A_663 = arith.constant 16 : i32
        %parallel_loop3A_664 = arith.muli %parallel_loop3A_662, %parallel_loop3A_663 : i32
        %parallel_loop3A_665 = arith.constant 20480 : i32
        %parallel_loop3A_666 = arith.addi %parallel_loop3A_665, %parallel_loop3A_664 : i32
        %parallel_loop3A_667 = arith.index_cast %parallel_loop3A_666 : i32 to index
        %parallel_loop3A_668 = tpu.vector_load %arg8[%parallel_loop3A_667] {strides = array<i32>} : memref<32768xf32, #tpu.memory_space<vmem>>, vector<16xf32>,
        %parallel_loop3A_669 = arith.constant 16 : i32
        %parallel_loop3A_670 = arith.muli %parallel_loop3A_662, %parallel_loop3A_669 : i32
        %parallel_loop3A_671 = arith.index_cast %parallel_loop3A_670 : i32 to index
        %parallel_loop3A_672 = tpu.vector_load %arg10[%parallel_loop3A_671] {strides = array<i32>} : memref<2048xf32, #tpu.memory_space<vmem>>, vector<16xf32>,
        %parallel_loop3A_673 = arith.addf %parallel_loop3A_668, %parallel_loop3A_672 : vector<16xf32>
        %parallel_loop3A_674 = arith.index_cast %parallel_loop3A_666 : i32 to index
        %parallel_loop3A_675 = tpu.vector_load %arg8[%parallel_loop3A_674] {strides = array<i32>} : memref<32768xf32, #tpu.memory_space<vmem>>, vector<16xf32>,
        tpu.vector_store %arg8[%parallel_loop3A_674], %parallel_loop3A_673 {strides = array<i32>} : memref<32768xf32, #tpu.memory_space<vmem>>, vector<16xf32>,
      } {sc.loop_unroll_factor = 4 : i64, sc.parallel_access}
      %mul3A_577 = arith.constant 2 : i32
      %mul3A_578 = arith.muli %select_n3A_217, %mul3A_577 : i32
      %add3A_579 = arith.constant 1 : i32
      %add3A_580 = arith.addi %mul3A_578, %add3A_579 : i32
      %mul3A_581 = arith.constant 2 : i32
      %mul3A_582 = arith.muli %add3A_580, %mul3A_581 : i32
      %mul3A_583 = arith.constant 16384 : i32
      %mul3A_584 = arith.muli %mul3A_582, %mul3A_583 : i32
      %add3A_585 = arith.constant 22528 : i32
      %add3A_586 = arith.addi %mul3A_584, %add3A_585 : i32
      "tpu.region"() ({
        %run_scoped3A = tpu.sem_alloc : memref<!tpu.dma_semaphore, #tpu.memory_space<semaphore_mem>>
        %dma_start3A_662 = tpu.memref_slice %arg11[%add3A_586] : memref<524288xf32, #tpu.memory_space<vmem_shared>> -> memref<2048xf32, #tpu.memory_space<vmem_shared>>
        %dma_start3A_663 = tpu.memref_slice %arg11[%add3A_586] : memref<524288xf32, #tpu.memory_space<vmem_shared>> -> memref<2048xf32, #tpu.memory_space<vmem_shared>>
        tpu.enqueue_dma source(%dma_start3A_663 : memref<2048xf32, #tpu.memory_space<vmem_shared>>) target(%arg10 : memref<2048xf32, #tpu.memory_space<vmem>>) target_semaphore(%run_scoped3A : memref<!tpu.dma_semaphore, #tpu.memory_space<semaphore_mem>>)
        %dma_wait3A = tpu.memref_slice %arg11[%add3A_586] : memref<524288xf32, #tpu.memory_space<vmem_shared>> -> memref<2048xf32, #tpu.memory_space<vmem_shared>>
        %dma_wait3A_664 = tpu.memref_slice %arg11[%add3A_586] : memref<524288xf32, #tpu.memory_space<vmem_shared>> -> memref<2048xf32, #tpu.memory_space<vmem_shared>>
        tpu.wait_dma2 semaphore(%run_scoped3A : memref<!tpu.dma_semaphore, #tpu.memory_space<semaphore_mem>>) src(%dma_wait3A_664 : memref<2048xf32, #tpu.memory_space<vmem_shared>>) dst(%arg10 : memref<2048xf32, #tpu.memory_space<vmem>>)
        tpu.yield
      }) : () -> ()
      %parallel_loop3A_587 = arith.constant 0 : i32
      %parallel_loop3A_588 = arith.constant 128 : i32
      %parallel_loop3A_589 = arith.constant 1 : i32
      scf.for %parallel_loop3A_662 = %parallel_loop3A_587 to %parallel_loop3A_588 step %parallel_loop3A_589  : i32 {
        %parallel_loop3A_663 = arith.constant 16 : i32
        %parallel_loop3A_664 = arith.muli %parallel_loop3A_662, %parallel_loop3A_663 : i32
        %parallel_loop3A_665 = arith.constant 22528 : i32
        %parallel_loop3A_666 = arith.addi %parallel_loop3A_665, %parallel_loop3A_664 : i32
        %parallel_loop3A_667 = arith.index_cast %parallel_loop3A_666 : i32 to index
        %parallel_loop3A_668 = tpu.vector_load %arg8[%parallel_loop3A_667] {strides = array<i32>} : memref<32768xf32, #tpu.memory_space<vmem>>, vector<16xf32>,
        %parallel_loop3A_669 = arith.constant 16 : i32
        %parallel_loop3A_670 = arith.muli %parallel_loop3A_662, %parallel_loop3A_669 : i32
        %parallel_loop3A_671 = arith.index_cast %parallel_loop3A_670 : i32 to index
        %parallel_loop3A_672 = tpu.vector_load %arg10[%parallel_loop3A_671] {strides = array<i32>} : memref<2048xf32, #tpu.memory_space<vmem>>, vector<16xf32>,
        %parallel_loop3A_673 = arith.addf %parallel_loop3A_668, %parallel_loop3A_672 : vector<16xf32>
        %parallel_loop3A_674 = arith.index_cast %parallel_loop3A_666 : i32 to index
        %parallel_loop3A_675 = tpu.vector_load %arg8[%parallel_loop3A_674] {strides = array<i32>} : memref<32768xf32, #tpu.memory_space<vmem>>, vector<16xf32>,
        tpu.vector_store %arg8[%parallel_loop3A_674], %parallel_loop3A_673 {strides = array<i32>} : memref<32768xf32, #tpu.memory_space<vmem>>, vector<16xf32>,
      } {sc.loop_unroll_factor = 4 : i64, sc.parallel_access}
      %mul3A_590 = arith.constant 2 : i32
      %mul3A_591 = arith.muli %select_n3A_217, %mul3A_590 : i32
      %add3A_592 = arith.constant 1 : i32
      %add3A_593 = arith.addi %mul3A_591, %add3A_592 : i32
      %mul3A_594 = arith.constant 2 : i32
      %mul3A_595 = arith.muli %add3A_593, %mul3A_594 : i32
      %mul3A_596 = arith.constant 16384 : i32
      %mul3A_597 = arith.muli %mul3A_595, %mul3A_596 : i32
      %add3A_598 = arith.constant 24576 : i32
      %add3A_599 = arith.addi %mul3A_597, %add3A_598 : i32
      "tpu.region"() ({
        %run_scoped3A = tpu.sem_alloc : memref<!tpu.dma_semaphore, #tpu.memory_space<semaphore_mem>>
        %dma_start3A_662 = tpu.memref_slice %arg11[%add3A_599] : memref<524288xf32, #tpu.memory_space<vmem_shared>> -> memref<2048xf32, #tpu.memory_space<vmem_shared>>
        %dma_start3A_663 = tpu.memref_slice %arg11[%add3A_599] : memref<524288xf32, #tpu.memory_space<vmem_shared>> -> memref<2048xf32, #tpu.memory_space<vmem_shared>>
        tpu.enqueue_dma source(%dma_start3A_663 : memref<2048xf32, #tpu.memory_space<vmem_shared>>) target(%arg10 : memref<2048xf32, #tpu.memory_space<vmem>>) target_semaphore(%run_scoped3A : memref<!tpu.dma_semaphore, #tpu.memory_space<semaphore_mem>>)
        %dma_wait3A = tpu.memref_slice %arg11[%add3A_599] : memref<524288xf32, #tpu.memory_space<vmem_shared>> -> memref<2048xf32, #tpu.memory_space<vmem_shared>>
        %dma_wait3A_664 = tpu.memref_slice %arg11[%add3A_599] : memref<524288xf32, #tpu.memory_space<vmem_shared>> -> memref<2048xf32, #tpu.memory_space<vmem_shared>>
        tpu.wait_dma2 semaphore(%run_scoped3A : memref<!tpu.dma_semaphore, #tpu.memory_space<semaphore_mem>>) src(%dma_wait3A_664 : memref<2048xf32, #tpu.memory_space<vmem_shared>>) dst(%arg10 : memref<2048xf32, #tpu.memory_space<vmem>>)
        tpu.yield
      }) : () -> ()
      %parallel_loop3A_600 = arith.constant 0 : i32
      %parallel_loop3A_601 = arith.constant 128 : i32
      %parallel_loop3A_602 = arith.constant 1 : i32
      scf.for %parallel_loop3A_662 = %parallel_loop3A_600 to %parallel_loop3A_601 step %parallel_loop3A_602  : i32 {
        %parallel_loop3A_663 = arith.constant 16 : i32
        %parallel_loop3A_664 = arith.muli %parallel_loop3A_662, %parallel_loop3A_663 : i32
        %parallel_loop3A_665 = arith.constant 24576 : i32
        %parallel_loop3A_666 = arith.addi %parallel_loop3A_665, %parallel_loop3A_664 : i32
        %parallel_loop3A_667 = arith.index_cast %parallel_loop3A_666 : i32 to index
        %parallel_loop3A_668 = tpu.vector_load %arg8[%parallel_loop3A_667] {strides = array<i32>} : memref<32768xf32, #tpu.memory_space<vmem>>, vector<16xf32>,
        %parallel_loop3A_669 = arith.constant 16 : i32
        %parallel_loop3A_670 = arith.muli %parallel_loop3A_662, %parallel_loop3A_669 : i32
        %parallel_loop3A_671 = arith.index_cast %parallel_loop3A_670 : i32 to index
        %parallel_loop3A_672 = tpu.vector_load %arg10[%parallel_loop3A_671] {strides = array<i32>} : memref<2048xf32, #tpu.memory_space<vmem>>, vector<16xf32>,
        %parallel_loop3A_673 = arith.addf %parallel_loop3A_668, %parallel_loop3A_672 : vector<16xf32>
        %parallel_loop3A_674 = arith.index_cast %parallel_loop3A_666 : i32 to index
        %parallel_loop3A_675 = tpu.vector_load %arg8[%parallel_loop3A_674] {strides = array<i32>} : memref<32768xf32, #tpu.memory_space<vmem>>, vector<16xf32>,
        tpu.vector_store %arg8[%parallel_loop3A_674], %parallel_loop3A_673 {strides = array<i32>} : memref<32768xf32, #tpu.memory_space<vmem>>, vector<16xf32>,
      } {sc.loop_unroll_factor = 4 : i64, sc.parallel_access}
      %mul3A_603 = arith.constant 2 : i32
      %mul3A_604 = arith.muli %select_n3A_217, %mul3A_603 : i32
      %add3A_605 = arith.constant 1 : i32
      %add3A_606 = arith.addi %mul3A_604, %add3A_605 : i32
      %mul3A_607 = arith.constant 2 : i32
      %mul3A_608 = arith.muli %add3A_606, %mul3A_607 : i32
      %mul3A_609 = arith.constant 16384 : i32
      %mul3A_610 = arith.muli %mul3A_608, %mul3A_609 : i32
      %add3A_611 = arith.constant 26624 : i32
      %add3A_612 = arith.addi %mul3A_610, %add3A_611 : i32
      "tpu.region"() ({
        %run_scoped3A = tpu.sem_alloc : memref<!tpu.dma_semaphore, #tpu.memory_space<semaphore_mem>>
        %dma_start3A_662 = tpu.memref_slice %arg11[%add3A_612] : memref<524288xf32, #tpu.memory_space<vmem_shared>> -> memref<2048xf32, #tpu.memory_space<vmem_shared>>
        %dma_start3A_663 = tpu.memref_slice %arg11[%add3A_612] : memref<524288xf32, #tpu.memory_space<vmem_shared>> -> memref<2048xf32, #tpu.memory_space<vmem_shared>>
        tpu.enqueue_dma source(%dma_start3A_663 : memref<2048xf32, #tpu.memory_space<vmem_shared>>) target(%arg10 : memref<2048xf32, #tpu.memory_space<vmem>>) target_semaphore(%run_scoped3A : memref<!tpu.dma_semaphore, #tpu.memory_space<semaphore_mem>>)
        %dma_wait3A = tpu.memref_slice %arg11[%add3A_612] : memref<524288xf32, #tpu.memory_space<vmem_shared>> -> memref<2048xf32, #tpu.memory_space<vmem_shared>>
        %dma_wait3A_664 = tpu.memref_slice %arg11[%add3A_612] : memref<524288xf32, #tpu.memory_space<vmem_shared>> -> memref<2048xf32, #tpu.memory_space<vmem_shared>>
        tpu.wait_dma2 semaphore(%run_scoped3A : memref<!tpu.dma_semaphore, #tpu.memory_space<semaphore_mem>>) src(%dma_wait3A_664 : memref<2048xf32, #tpu.memory_space<vmem_shared>>) dst(%arg10 : memref<2048xf32, #tpu.memory_space<vmem>>)
        tpu.yield
      }) : () -> ()
      %parallel_loop3A_613 = arith.constant 0 : i32
      %parallel_loop3A_614 = arith.constant 128 : i32
      %parallel_loop3A_615 = arith.constant 1 : i32
      scf.for %parallel_loop3A_662 = %parallel_loop3A_613 to %parallel_loop3A_614 step %parallel_loop3A_615  : i32 {
        %parallel_loop3A_663 = arith.constant 16 : i32
        %parallel_loop3A_664 = arith.muli %parallel_loop3A_662, %parallel_loop3A_663 : i32
        %parallel_loop3A_665 = arith.constant 26624 : i32
        %parallel_loop3A_666 = arith.addi %parallel_loop3A_665, %parallel_loop3A_664 : i32
        %parallel_loop3A_667 = arith.index_cast %parallel_loop3A_666 : i32 to index
        %parallel_loop3A_668 = tpu.vector_load %arg8[%parallel_loop3A_667] {strides = array<i32>} : memref<32768xf32, #tpu.memory_space<vmem>>, vector<16xf32>,
        %parallel_loop3A_669 = arith.constant 16 : i32
        %parallel_loop3A_670 = arith.muli %parallel_loop3A_662, %parallel_loop3A_669 : i32
        %parallel_loop3A_671 = arith.index_cast %parallel_loop3A_670 : i32 to index
        %parallel_loop3A_672 = tpu.vector_load %arg10[%parallel_loop3A_671] {strides = array<i32>} : memref<2048xf32, #tpu.memory_space<vmem>>, vector<16xf32>,
        %parallel_loop3A_673 = arith.addf %parallel_loop3A_668, %parallel_loop3A_672 : vector<16xf32>
        %parallel_loop3A_674 = arith.index_cast %parallel_loop3A_666 : i32 to index
        %parallel_loop3A_675 = tpu.vector_load %arg8[%parallel_loop3A_674] {strides = array<i32>} : memref<32768xf32, #tpu.memory_space<vmem>>, vector<16xf32>,
        tpu.vector_store %arg8[%parallel_loop3A_674], %parallel_loop3A_673 {strides = array<i32>} : memref<32768xf32, #tpu.memory_space<vmem>>, vector<16xf32>,
      } {sc.loop_unroll_factor = 4 : i64, sc.parallel_access}
      %mul3A_616 = arith.constant 2 : i32
      %mul3A_617 = arith.muli %select_n3A_217, %mul3A_616 : i32
      %add3A_618 = arith.constant 1 : i32
      %add3A_619 = arith.addi %mul3A_617, %add3A_618 : i32
      %mul3A_620 = arith.constant 2 : i32
      %mul3A_621 = arith.muli %add3A_619, %mul3A_620 : i32
      %mul3A_622 = arith.constant 16384 : i32
      %mul3A_623 = arith.muli %mul3A_621, %mul3A_622 : i32
      %add3A_624 = arith.constant 28672 : i32
      %add3A_625 = arith.addi %mul3A_623, %add3A_624 : i32
      "tpu.region"() ({
        %run_scoped3A = tpu.sem_alloc : memref<!tpu.dma_semaphore, #tpu.memory_space<semaphore_mem>>
        %dma_start3A_662 = tpu.memref_slice %arg11[%add3A_625] : memref<524288xf32, #tpu.memory_space<vmem_shared>> -> memref<2048xf32, #tpu.memory_space<vmem_shared>>
        %dma_start3A_663 = tpu.memref_slice %arg11[%add3A_625] : memref<524288xf32, #tpu.memory_space<vmem_shared>> -> memref<2048xf32, #tpu.memory_space<vmem_shared>>
        tpu.enqueue_dma source(%dma_start3A_663 : memref<2048xf32, #tpu.memory_space<vmem_shared>>) target(%arg10 : memref<2048xf32, #tpu.memory_space<vmem>>) target_semaphore(%run_scoped3A : memref<!tpu.dma_semaphore, #tpu.memory_space<semaphore_mem>>)
        %dma_wait3A = tpu.memref_slice %arg11[%add3A_625] : memref<524288xf32, #tpu.memory_space<vmem_shared>> -> memref<2048xf32, #tpu.memory_space<vmem_shared>>
        %dma_wait3A_664 = tpu.memref_slice %arg11[%add3A_625] : memref<524288xf32, #tpu.memory_space<vmem_shared>> -> memref<2048xf32, #tpu.memory_space<vmem_shared>>
        tpu.wait_dma2 semaphore(%run_scoped3A : memref<!tpu.dma_semaphore, #tpu.memory_space<semaphore_mem>>) src(%dma_wait3A_664 : memref<2048xf32, #tpu.memory_space<vmem_shared>>) dst(%arg10 : memref<2048xf32, #tpu.memory_space<vmem>>)
        tpu.yield
      }) : () -> ()
      %parallel_loop3A_626 = arith.constant 0 : i32
      %parallel_loop3A_627 = arith.constant 128 : i32
      %parallel_loop3A_628 = arith.constant 1 : i32
      scf.for %parallel_loop3A_662 = %parallel_loop3A_626 to %parallel_loop3A_627 step %parallel_loop3A_628  : i32 {
        %parallel_loop3A_663 = arith.constant 16 : i32
        %parallel_loop3A_664 = arith.muli %parallel_loop3A_662, %parallel_loop3A_663 : i32
        %parallel_loop3A_665 = arith.constant 28672 : i32
        %parallel_loop3A_666 = arith.addi %parallel_loop3A_665, %parallel_loop3A_664 : i32
        %parallel_loop3A_667 = arith.index_cast %parallel_loop3A_666 : i32 to index
        %parallel_loop3A_668 = tpu.vector_load %arg8[%parallel_loop3A_667] {strides = array<i32>} : memref<32768xf32, #tpu.memory_space<vmem>>, vector<16xf32>,
        %parallel_loop3A_669 = arith.constant 16 : i32
        %parallel_loop3A_670 = arith.muli %parallel_loop3A_662, %parallel_loop3A_669 : i32
        %parallel_loop3A_671 = arith.index_cast %parallel_loop3A_670 : i32 to index
        %parallel_loop3A_672 = tpu.vector_load %arg10[%parallel_loop3A_671] {strides = array<i32>} : memref<2048xf32, #tpu.memory_space<vmem>>, vector<16xf32>,
        %parallel_loop3A_673 = arith.addf %parallel_loop3A_668, %parallel_loop3A_672 : vector<16xf32>
        %parallel_loop3A_674 = arith.index_cast %parallel_loop3A_666 : i32 to index
        %parallel_loop3A_675 = tpu.vector_load %arg8[%parallel_loop3A_674] {strides = array<i32>} : memref<32768xf32, #tpu.memory_space<vmem>>, vector<16xf32>,
        tpu.vector_store %arg8[%parallel_loop3A_674], %parallel_loop3A_673 {strides = array<i32>} : memref<32768xf32, #tpu.memory_space<vmem>>, vector<16xf32>,
      } {sc.loop_unroll_factor = 4 : i64, sc.parallel_access}
      %mul3A_629 = arith.constant 2 : i32
      %mul3A_630 = arith.muli %select_n3A_217, %mul3A_629 : i32
      %add3A_631 = arith.constant 1 : i32
      %add3A_632 = arith.addi %mul3A_630, %add3A_631 : i32
      %mul3A_633 = arith.constant 2 : i32
      %mul3A_634 = arith.muli %add3A_632, %mul3A_633 : i32
      %mul3A_635 = arith.constant 16384 : i32
      %mul3A_636 = arith.muli %mul3A_634, %mul3A_635 : i32
      %add3A_637 = arith.constant 30720 : i32
      %add3A_638 = arith.addi %mul3A_636, %add3A_637 : i32
      "tpu.region"() ({
        %run_scoped3A = tpu.sem_alloc : memref<!tpu.dma_semaphore, #tpu.memory_space<semaphore_mem>>
        %dma_start3A_662 = tpu.memref_slice %arg11[%add3A_638] : memref<524288xf32, #tpu.memory_space<vmem_shared>> -> memref<2048xf32, #tpu.memory_space<vmem_shared>>
        %dma_start3A_663 = tpu.memref_slice %arg11[%add3A_638] : memref<524288xf32, #tpu.memory_space<vmem_shared>> -> memref<2048xf32, #tpu.memory_space<vmem_shared>>
        tpu.enqueue_dma source(%dma_start3A_663 : memref<2048xf32, #tpu.memory_space<vmem_shared>>) target(%arg10 : memref<2048xf32, #tpu.memory_space<vmem>>) target_semaphore(%run_scoped3A : memref<!tpu.dma_semaphore, #tpu.memory_space<semaphore_mem>>)
        %dma_wait3A = tpu.memref_slice %arg11[%add3A_638] : memref<524288xf32, #tpu.memory_space<vmem_shared>> -> memref<2048xf32, #tpu.memory_space<vmem_shared>>
        %dma_wait3A_664 = tpu.memref_slice %arg11[%add3A_638] : memref<524288xf32, #tpu.memory_space<vmem_shared>> -> memref<2048xf32, #tpu.memory_space<vmem_shared>>
        tpu.wait_dma2 semaphore(%run_scoped3A : memref<!tpu.dma_semaphore, #tpu.memory_space<semaphore_mem>>) src(%dma_wait3A_664 : memref<2048xf32, #tpu.memory_space<vmem_shared>>) dst(%arg10 : memref<2048xf32, #tpu.memory_space<vmem>>)
        tpu.yield
      }) : () -> ()
      %parallel_loop3A_639 = arith.constant 0 : i32
      %parallel_loop3A_640 = arith.constant 128 : i32
      %parallel_loop3A_641 = arith.constant 1 : i32
      scf.for %parallel_loop3A_662 = %parallel_loop3A_639 to %parallel_loop3A_640 step %parallel_loop3A_641  : i32 {
        %parallel_loop3A_663 = arith.constant 16 : i32
        %parallel_loop3A_664 = arith.muli %parallel_loop3A_662, %parallel_loop3A_663 : i32
        %parallel_loop3A_665 = arith.constant 30720 : i32
        %parallel_loop3A_666 = arith.addi %parallel_loop3A_665, %parallel_loop3A_664 : i32
        %parallel_loop3A_667 = arith.index_cast %parallel_loop3A_666 : i32 to index
        %parallel_loop3A_668 = tpu.vector_load %arg8[%parallel_loop3A_667] {strides = array<i32>} : memref<32768xf32, #tpu.memory_space<vmem>>, vector<16xf32>,
        %parallel_loop3A_669 = arith.constant 16 : i32
        %parallel_loop3A_670 = arith.muli %parallel_loop3A_662, %parallel_loop3A_669 : i32
        %parallel_loop3A_671 = arith.index_cast %parallel_loop3A_670 : i32 to index
        %parallel_loop3A_672 = tpu.vector_load %arg10[%parallel_loop3A_671] {strides = array<i32>} : memref<2048xf32, #tpu.memory_space<vmem>>, vector<16xf32>,
        %parallel_loop3A_673 = arith.addf %parallel_loop3A_668, %parallel_loop3A_672 : vector<16xf32>
        %parallel_loop3A_674 = arith.index_cast %parallel_loop3A_666 : i32 to index
        %parallel_loop3A_675 = tpu.vector_load %arg8[%parallel_loop3A_674] {strides = array<i32>} : memref<32768xf32, #tpu.memory_space<vmem>>, vector<16xf32>,
        tpu.vector_store %arg8[%parallel_loop3A_674], %parallel_loop3A_673 {strides = array<i32>} : memref<32768xf32, #tpu.memory_space<vmem>>, vector<16xf32>,
      } {sc.loop_unroll_factor = 4 : i64, sc.parallel_access}
      %parallel_loop3A_642 = arith.constant 0 : i32
      %parallel_loop3A_643 = arith.constant 1024 : i32
      %parallel_loop3A_644 = arith.constant 1 : i32
      %parallel_loop3A_645 = scf.for %parallel_loop3A_662 = %parallel_loop3A_642 to %parallel_loop3A_643 step %parallel_loop3A_644 iter_args(%parallel_loop3A_663 = %broadcast_in_dim3A_31) -> (vector<16xf32>)  : i32 {
        %parallel_loop3A_664 = arith.constant 16 : i32
        %parallel_loop3A_665 = arith.muli %parallel_loop3A_662, %parallel_loop3A_664 : i32
        %parallel_loop3A_666 = arith.constant 16384 : i32
        %parallel_loop3A_667 = arith.addi %parallel_loop3A_666, %parallel_loop3A_665 : i32
        %parallel_loop3A_668 = arith.index_cast %parallel_loop3A_667 : i32 to index
        %parallel_loop3A_669 = tpu.vector_load %arg7[%parallel_loop3A_668] {strides = array<i32>} : memref<32768xf32, #tpu.memory_space<vmem>>, vector<16xf32>,
        %parallel_loop3A_670 = arith.addf %parallel_loop3A_663, %parallel_loop3A_669 : vector<16xf32>
        scf.yield %parallel_loop3A_670 : vector<16xf32>
      } {sc.loop_unroll_factor = 4 : i64, sc.parallel_access}
      %reduce_sum3A = arith.constant true
      %reduce_sum3A_646 = vector.broadcast %reduce_sum3A : i1 to vector<16xi1>
      %reduce_sum3A_647 = tpu.scan <sum>, %parallel_loop3A_645 masked %reduce_sum3A_646 : vector<16xf32>, vector<16xi1> -> vector<16xf32>
      %reduce_sum3A_648 = vector.extract %reduce_sum3A_647[15] : f32 from vector<16xf32>
      %broadcast_in_dim3A_649 = arith.constant 15 : i32
      %broadcast_in_dim3A_650 = vector.broadcast %broadcast_in_dim3A_649 : i32 to vector<16xi32>
      %parallel_loop3A_651 = arith.constant 0 : i32
      %parallel_loop3A_652 = arith.constant 1024 : i32
      %parallel_loop3A_653 = arith.constant 1 : i32
      %parallel_loop3A_654 = arith.constant 2.621440e+05 : f32
      %parallel_loop3A_655:3 = scf.for %parallel_loop3A_662 = %parallel_loop3A_651 to %parallel_loop3A_652 step %parallel_loop3A_653 iter_args(%parallel_loop3A_663 = %broadcast_in_dim3A_31, %parallel_loop3A_664 = %broadcast_in_dim3A_31, %parallel_loop3A_665 = %broadcast_in_dim3A_31) -> (vector<16xf32>, vector<16xf32>, vector<16xf32>)  : i32 {
        %parallel_loop3A_666 = arith.constant 16 : i32
        %parallel_loop3A_667 = arith.muli %parallel_loop3A_662, %parallel_loop3A_666 : i32
        %parallel_loop3A_668 = arith.index_cast %parallel_loop3A_667 : i32 to index
        %parallel_loop3A_669 = tpu.vector_load %arg7[%parallel_loop3A_668] {strides = array<i32>} : memref<32768xf32, #tpu.memory_space<vmem>>, vector<16xf32>,
        %parallel_loop3A_670 = arith.constant 16 : i32
        %parallel_loop3A_671 = arith.muli %parallel_loop3A_662, %parallel_loop3A_670 : i32
        %parallel_loop3A_672 = arith.constant 16384 : i32
        %parallel_loop3A_673 = arith.addi %parallel_loop3A_672, %parallel_loop3A_671 : i32
        %parallel_loop3A_674 = arith.index_cast %parallel_loop3A_673 : i32 to index
        %parallel_loop3A_675 = tpu.vector_load %arg7[%parallel_loop3A_674] {strides = array<i32>} : memref<32768xf32, #tpu.memory_space<vmem>>, vector<16xf32>,
        %parallel_loop3A_676 = arith.constant 16 : i32
        %parallel_loop3A_677 = arith.muli %parallel_loop3A_662, %parallel_loop3A_676 : i32
        %parallel_loop3A_678 = arith.index_cast %parallel_loop3A_677 : i32 to index
        %parallel_loop3A_679 = tpu.vector_load %arg8[%parallel_loop3A_678] {strides = array<i32>} : memref<32768xf32, #tpu.memory_space<vmem>>, vector<16xf32>,
        %parallel_loop3A_680 = arith.constant 16 : i32
        %parallel_loop3A_681 = arith.muli %parallel_loop3A_662, %parallel_loop3A_680 : i32
        %parallel_loop3A_682 = arith.constant 16384 : i32
        %parallel_loop3A_683 = arith.addi %parallel_loop3A_682, %parallel_loop3A_681 : i32
        %parallel_loop3A_684 = arith.index_cast %parallel_loop3A_683 : i32 to index
        %parallel_loop3A_685 = tpu.vector_load %arg8[%parallel_loop3A_684] {strides = array<i32>} : memref<32768xf32, #tpu.memory_space<vmem>>, vector<16xf32>,
        %parallel_loop3A_686 = arith.addf %parallel_loop3A_669, %parallel_loop3A_675 : vector<16xf32>
        %parallel_loop3A_687 = arith.addf %parallel_loop3A_679, %parallel_loop3A_685 : vector<16xf32>
        %parallel_loop3A_688 = arith.constant true
        %parallel_loop3A_689 = vector.broadcast %parallel_loop3A_688 : i1 to vector<16xi1>
        %parallel_loop3A_690 = tpu.scan <sum>, %parallel_loop3A_686 masked %parallel_loop3A_689 : vector<16xf32>, vector<16xi1> -> vector<16xf32>
        %parallel_loop3A_691 = arith.addf %parallel_loop3A_690, %parallel_loop3A_663 : vector<16xf32>
        %parallel_loop3A_692 = arith.constant true
        %parallel_loop3A_693 = vector.broadcast %parallel_loop3A_692 : i1 to vector<16xi1>
        %parallel_loop3A_694 = tpu.scan <sum>, %parallel_loop3A_675 masked %parallel_loop3A_693 : vector<16xf32>, vector<16xi1> -> vector<16xf32>
        %parallel_loop3A_695 = arith.addf %parallel_loop3A_694, %parallel_loop3A_664 : vector<16xf32>
        %parallel_loop3A_696 = vector.broadcast %parallel_loop3A_654 : f32 to vector<16xf32>
        %parallel_loop3A_697 = arith.subf %parallel_loop3A_696, %parallel_loop3A_691 : vector<16xf32>
        %parallel_loop3A_698 = vector.broadcast %reduce_sum3A_648 : f32 to vector<16xf32>
        %parallel_loop3A_699 = arith.subf %parallel_loop3A_698, %parallel_loop3A_695 : vector<16xf32>
        %parallel_loop3A_700 = arith.addf %parallel_loop3A_697, %parallel_loop3A_686 : vector<16xf32>
        %parallel_loop3A_701 = arith.addf %parallel_loop3A_699, %parallel_loop3A_675 : vector<16xf32>
        %parallel_loop3A_702 = vector.broadcast %reduce_sum3A_648 : f32 to vector<16xf32>
        %parallel_loop3A_703 = arith.subf %parallel_loop3A_702, %parallel_loop3A_701 : vector<16xf32>
        %parallel_loop3A_704 = vector.broadcast %reduce_sum3A_648 : f32 to vector<16xf32>
        %parallel_loop3A_705 = arith.addf %parallel_loop3A_704, %parallel_loop3A_700 : vector<16xf32>
        %parallel_loop3A_706 = arith.subf %parallel_loop3A_705, %parallel_loop3A_701 : vector<16xf32>
        %parallel_loop3A_707 = arith.constant 1.000000e+00 : f32
        %parallel_loop3A_708 = vector.broadcast %parallel_loop3A_707 : f32 to vector<16xf32>
        %parallel_loop3A_709 = arith.maximumf %parallel_loop3A_706, %parallel_loop3A_708 : vector<16xf32>
        %parallel_loop3A_710 = arith.divf %parallel_loop3A_703, %parallel_loop3A_709 : vector<16xf32>
        %parallel_loop3A_711 = arith.constant 1.000000e+00 : f32
        %parallel_loop3A_712 = vector.broadcast %parallel_loop3A_711 : f32 to vector<16xf32>
        %parallel_loop3A_713 = arith.subf %parallel_loop3A_712, %parallel_loop3A_710 : vector<16xf32>
        %parallel_loop3A_714 = vector.broadcast %reduce_sum3A_648 : f32 to vector<16xf32>
        %parallel_loop3A_715 = arith.subf %parallel_loop3A_714, %parallel_loop3A_699 : vector<16xf32>
        %parallel_loop3A_716 = vector.broadcast %reduce_sum3A_648 : f32 to vector<16xf32>
        %parallel_loop3A_717 = arith.addf %parallel_loop3A_716, %parallel_loop3A_697 : vector<16xf32>
        %parallel_loop3A_718 = arith.subf %parallel_loop3A_717, %parallel_loop3A_699 : vector<16xf32>
        %parallel_loop3A_719 = arith.constant 1.000000e+00 : f32
        %parallel_loop3A_720 = vector.broadcast %parallel_loop3A_719 : f32 to vector<16xf32>
        %parallel_loop3A_721 = arith.maximumf %parallel_loop3A_718, %parallel_loop3A_720 : vector<16xf32>
        %parallel_loop3A_722 = arith.divf %parallel_loop3A_715, %parallel_loop3A_721 : vector<16xf32>
        %parallel_loop3A_723 = arith.constant 1.000000e+00 : f32
        %parallel_loop3A_724 = vector.broadcast %parallel_loop3A_723 : f32 to vector<16xf32>
        %parallel_loop3A_725 = arith.subf %parallel_loop3A_724, %parallel_loop3A_722 : vector<16xf32>
        %parallel_loop3A_726 = arith.subf %parallel_loop3A_713, %parallel_loop3A_725 : vector<16xf32>
        %parallel_loop3A_727 = arith.mulf %parallel_loop3A_687, %parallel_loop3A_726 : vector<16xf32>
        %parallel_loop3A_728 = arith.constant 1.000000e+00 : f32
        %parallel_loop3A_729 = vector.broadcast %parallel_loop3A_728 : f32 to vector<16xf32>
        %parallel_loop3A_730 = arith.maximumf %parallel_loop3A_686, %parallel_loop3A_729 : vector<16xf32>
        %parallel_loop3A_731 = arith.divf %parallel_loop3A_727, %parallel_loop3A_730 : vector<16xf32>
        %parallel_loop3A_732 = arith.addf %parallel_loop3A_665, %parallel_loop3A_731 : vector<16xf32>
        %parallel_loop3A_733 = arith.constant 0 : i32
        %parallel_loop3A_734 = vector.broadcast %parallel_loop3A_733 : i32 to vector<16xi32>
        %parallel_loop3A_735 = arith.cmpi slt, %broadcast_in_dim3A_650, %parallel_loop3A_734 : vector<16xi32>
        %parallel_loop3A_736 = arith.constant 16 : i32
        %parallel_loop3A_737 = vector.broadcast %parallel_loop3A_736 : i32 to vector<16xi32>
        %parallel_loop3A_738 = arith.addi %broadcast_in_dim3A_650, %parallel_loop3A_737 : vector<16xi32>
        %parallel_loop3A_739 = arith.select %parallel_loop3A_735, %parallel_loop3A_738, %broadcast_in_dim3A_650 : vector<16xi1>, vector<16xi32>
        %parallel_loop3A_740 = vector.shape_cast %parallel_loop3A_739 : vector<16xi32> to vector<16x1xi32>
        %parallel_loop3A_741 = vector.shape_cast %parallel_loop3A_740 : vector<16x1xi32> to vector<16xi32>
        %parallel_loop3A_742 = tpu.dynamic_gather %parallel_loop3A_691[%parallel_loop3A_741] in [0] : vector<16xf32>, vector<16xi32> -> vector<16xf32>
        %parallel_loop3A_743 = arith.constant 0 : i32
        %parallel_loop3A_744 = vector.broadcast %parallel_loop3A_743 : i32 to vector<16xi32>
        %parallel_loop3A_745 = arith.cmpi slt, %broadcast_in_dim3A_650, %parallel_loop3A_744 : vector<16xi32>
        %parallel_loop3A_746 = arith.constant 16 : i32
        %parallel_loop3A_747 = vector.broadcast %parallel_loop3A_746 : i32 to vector<16xi32>
        %parallel_loop3A_748 = arith.addi %broadcast_in_dim3A_650, %parallel_loop3A_747 : vector<16xi32>
        %parallel_loop3A_749 = arith.select %parallel_loop3A_745, %parallel_loop3A_748, %broadcast_in_dim3A_650 : vector<16xi1>, vector<16xi32>
        %parallel_loop3A_750 = vector.shape_cast %parallel_loop3A_749 : vector<16xi32> to vector<16x1xi32>
        %parallel_loop3A_751 = vector.shape_cast %parallel_loop3A_750 : vector<16x1xi32> to vector<16xi32>
        %parallel_loop3A_752 = tpu.dynamic_gather %parallel_loop3A_695[%parallel_loop3A_751] in [0] : vector<16xf32>, vector<16xi32> -> vector<16xf32>
        scf.yield %parallel_loop3A_742, %parallel_loop3A_752, %parallel_loop3A_732 : vector<16xf32>, vector<16xf32>, vector<16xf32>
      } {sc.loop_unroll_factor = 2 : i64, sc.parallel_access}
      %reduce_sum3A_656 = arith.constant true
      %reduce_sum3A_657 = vector.broadcast %reduce_sum3A_656 : i1 to vector<16xi1>
      %reduce_sum3A_658 = tpu.scan <sum>, %parallel_loop3A_655#2 masked %reduce_sum3A_657 : vector<16xf32>, vector<16xi1> -> vector<16xf32>
      %reduce_sum3A_659 = vector.extract %reduce_sum3A_658[15] : f32 from vector<16xf32>
      %broadcast_in_dim3A_660 = vector.broadcast %reduce_sum3A_659 : f32 to vector<16xf32>
      %swap3A = arith.constant 0 : index
      %swap3A_661 = tpu.vector_load %arg9[%swap3A] {strides = array<i32>} : memref<16xf32, #tpu.memory_space<vmem>>, vector<16xf32>,
      tpu.vector_store %arg9[%swap3A], %broadcast_in_dim3A_660 {strides = array<i32>} : memref<16xf32, #tpu.memory_space<vmem>>, vector<16xf32>,
      "tpu.region"() ({
        %run_scoped3A = tpu.sem_alloc : memref<!tpu.dma_semaphore, #tpu.memory_space<semaphore_mem>>
        %dma_start3A_662 = arith.constant 0 : i32
        %dma_start3A_663 = tpu.memref_slice %arg4[%select_n3A, %dma_start3A_662] : memref<16x16xf32, #tpu.memory_space<hbm>> -> memref<1x16xf32, #tpu.memory_space<hbm>>
        %dma_start3A_664 = tpu.memref_squeeze %dma_start3A_663 : memref<1x16xf32, #tpu.memory_space<hbm>> -> memref<16xf32, #tpu.memory_space<hbm>>
        %dma_start3A_665 = arith.constant 0 : i32
        %dma_start3A_666 = tpu.memref_slice %arg4[%select_n3A, %dma_start3A_665] : memref<16x16xf32, #tpu.memory_space<hbm>> -> memref<1x16xf32, #tpu.memory_space<hbm>>
        %dma_start3A_667 = tpu.memref_squeeze %dma_start3A_666 : memref<1x16xf32, #tpu.memory_space<hbm>> -> memref<16xf32, #tpu.memory_space<hbm>>
        tpu.enqueue_dma source(%arg9 : memref<16xf32, #tpu.memory_space<vmem>>) target(%dma_start3A_667 : memref<16xf32, #tpu.memory_space<hbm>>) target_semaphore(%run_scoped3A : memref<!tpu.dma_semaphore, #tpu.memory_space<semaphore_mem>>)
        %dma_wait3A = arith.constant 0 : i32
        %dma_wait3A_668 = tpu.memref_slice %arg4[%select_n3A, %dma_wait3A] : memref<16x16xf32, #tpu.memory_space<hbm>> -> memref<1x16xf32, #tpu.memory_space<hbm>>
        %dma_wait3A_669 = tpu.memref_squeeze %dma_wait3A_668 : memref<1x16xf32, #tpu.memory_space<hbm>> -> memref<16xf32, #tpu.memory_space<hbm>>
        %dma_wait3A_670 = arith.constant 0 : i32
        %dma_wait3A_671 = tpu.memref_slice %arg4[%select_n3A, %dma_wait3A_670] : memref<16x16xf32, #tpu.memory_space<hbm>> -> memref<1x16xf32, #tpu.memory_space<hbm>>
        %dma_wait3A_672 = tpu.memref_squeeze %dma_wait3A_671 : memref<1x16xf32, #tpu.memory_space<hbm>> -> memref<16xf32, #tpu.memory_space<hbm>>
        tpu.wait_dma2 semaphore(%run_scoped3A : memref<!tpu.dma_semaphore, #tpu.memory_space<semaphore_mem>>) src(%arg9 : memref<16xf32, #tpu.memory_space<vmem>>) dst(%dma_wait3A_672 : memref<16xf32, #tpu.memory_space<hbm>>)
        tpu.yield
      }) : () -> ()
    } else {
    }
    return
  }
}

</mosaic_0001>

<sc_bundles>
// kernel: _lovasz_sc.3.cloned.1.call-start
scs
__scs_entry_jumppad:
0x0: {  	(pc) =	sbr.rel $0x88, $3  }
0x1: {  	(tag) =	ssettag $0x0;
	lr =	simm.s32 $0x1  }
0x2: {  	[smem:$0x3F9F] =	sst lr;
	_ =	strace $0xD0000000  }
0x3: {  	_ = 	snop  }
0x4: {  	_ = 	snop  }
0x5: {  	_ = 	snop  }
0x6: {  	_ = 	snop  }
0x7: {  	_ = 	snop  }
__scs_overlays_trampoline_lowered:
0x8: {  	[smem:$0x3FAE] =	sst s0  }
0x9: {  	[smem:$0x3FAF] =	sst s1  }
0xa: {  	[smem:$0x3FB0] =	sst s2  }
0xb: {  	[smem:$0x3FB1] =	sst s3  }
0xc: {  	[smem:$0x3FB2] =	sst s4  }
0xd: {  	[smem:$0x3FB3] =	sst s5  }
0xe: {  	[smem:$0x3FB4] =	sst s6  }
0xf: {  	[smem:$0x3FB5] =	sst s7  }
0x10: {  	[smem:$0x3FB6] =	sst s8  }
0x11: {  	[smem:$0x3FB7] =	sst s9;
	s0 =	simm.s32 @!p0 $0x0  }
0x12: {  	s1 =	sld [smem:$0x3F9D];
	s0 =	simm.s32 @p0 $0x1  }
0x13: {  	[smem:$0x3FB8] =	sst s0;
	s0 =	simm.s32 @!p1 $0x0  }
0x14: {  	s2 =	sld [smem:$0x3F9C];
	s0 =	simm.s32 @p1 $0x1  }
0x15: {  	[smem:$0x3FB9] =	sst s0;
	s0 =	simm.s32 @!p2 $0x0  }
0x16: {  	s3 =	sld [smem:$0x3FDB];
	s0 =	simm.s32 @p2 $0x1  }
0x17: {  	s4 =	simm.s32 $0x1BF5;
	[smem:$0x3FBB] =	sst s0  }
0x18: {  	s0 =	sld [smem:$0x3F9E];
	_ =	swait.ge [sflag:s4], $0x0  }
0x19: {  	s7 =	sld [smem:$0x3F9F]  }
0x1a: {  	s8 =	sadd.s32 $0xFFFFE003, lr  }
0x1b: {  	s9 =	sadd.s32 $0xFFFFFEF7, lr;
	s5 =	simm.s32 $0xFFFFFFFF;
	p2 =	slt.u32 s8, $0xFFFFF086  }
0x1c: {  	p1 =	slt.u32 s9, $0xF7A;
	s5 =	simm.s32 @!p2 $0x0  }
0x1d: {  	s5 =	simm.s32 @p1 $0x1;
	p0 =	seq.s32 s7, s2  }
0x1e: {  	s7 =	smul.u32 @!p0 $0xF7A, s2;
	p2 =	seq.s32 @!p0 s5, $0x0  }
0x1f: {  	s9 =	smul.u32 $0xF7A, s1;
	s8 =	simm.s32 @!p0 $0x1BF5;
	p2 =	por !p2, p0  }
0x20: {  	[sflag:s8] =	ssyncset.s32 @!p0 $0xFFFFF086;
	s6 =	sadd.s32 @!p0 s3, s7;
	s7 =	simm.s32 @!p0 $0x108  }
0x21: {  	s3 =	sadd.s32 s3, s9;
	s6 =	sadd.s32 @!p0 $0x88, s6;
	s7 =	simm.s32 @p2 $0x1082  }
0x22: {  	[simem:s7], [sflag:s8] =	dma.local @!p0 [hbm:s6], $0xF7A  }
0x23: {  	s9 =	sor.u32 $0xD0000000, s2;
	s6 =	simm.s32 $0x108;
	_ =	swait.ge @!p0 [sflag:s8], $0x0  }
0x24: {  	s3 =	sadd.s32 $0x88, s3;
	s6 =	simm.s32 @!p1 $0x1082;
	[sflag:s4] =	ssyncset.s32 $0xFFFFF086  }
0x25: {  	[simem:s6], [sflag:s4] =	dma.local [hbm:s3], $0xF7A  }
0x26: {  	[smem:$0x3F9F] =	sst s1;
	(tag) =	ssettag s2;
	_ =	strace s9  }
0x27: {  	s1 =	sld [smem:$0x3FAF]  }
0x28: {  	s2 =	sld [smem:$0x3FB0]  }
0x29: {  	s4 =	sld [smem:$0x3FB2]  }
0x2a: {  	p0 =	seq.s32 s5, $0x0;
	s5 =	sld [smem:$0x3FB3]  }
0x2b: {  	s6 =	sld [smem:$0x3FB4]  }
0x2c: {  	s7 =	sld [smem:$0x3FB5]  }
0x2d: {  	s3 =	simm.s32 $0x108;
	s8 =	sld [smem:$0x3FB6]  }
0x2e: {  	s3 =	simm.s32 @!p0 $0x1082;
	s9 =	sld [smem:$0x3FB7]  }
0x2f: {  	lr =	sadd.s32 s0, s3;
	s0 =	sld [smem:$0x3FAE]  }
0x30: {  	s3 =	sld [smem:$0x3FB1]  }
0x31: {  	[smem:$0x3FBA] =	sst s10  }
0x32: {  	s10 =	sld [smem:$0x3FB8];
	_ =	sdelay $0x3  }
0x33: {  	p0 =	seq.s32 s10, $0x1;
	s10 =	sld [smem:$0x3FBA];
	_ =	sdelay $0x3  }
0x34: {  	[smem:$0x3FBA] =	sst s10  }
0x35: {  	s10 =	sld [smem:$0x3FB9];
	_ =	sdelay $0x3  }
0x36: {  	p1 =	seq.s32 s10, $0x1;
	s10 =	sld [smem:$0x3FBA];
	_ =	sdelay $0x3  }
0x37: {  	[smem:$0x3FBA] =	sst s10  }
0x38: {  	s10 =	sld [smem:$0x3FBB]  }
0x39: {  	_ = 	snop;
	(pc) =	sbr.ind lr, $3  }
0x3a: {  	_ = 	snop  }
0x3b: {  	_ = 	snop  }
0x3c: {  	p2 =	seq.s32 s10, $0x1;
	s10 =	sld [smem:$0x3FBA]  }
0x3d: {  	_ =	shalt  }
0x3e: {  	_ =	shalt  }
0x3f: {  	_ =	shalt  }
0x40: {  	_ =	shalt  }
0x41: {  	_ =	shalt  }
0x42: {  	_ =	shalt  }
0x43: {  	_ =	shalt  }
0x44: {  	_ =	shalt  }
0x45: {  	_ =	shalt  }
0x46: {  	_ =	shalt  }
0x47: {  	_ =	shalt  }
0x48: {  	_ =	shalt  }
0x49: {  	_ =	shalt  }
0x4a: {  	_ =	shalt  }
0x4b: {  	_ =	shalt  }
0x4c: {  	_ =	shalt  }
0x4d: {  	_ =	shalt  }
0x4e: {  	_ =	shalt  }
0x4f: {  	_ =	shalt  }
0x50: {  	_ =	shalt  }
0x51: {  	_ =	shalt  }
0x52: {  	_ =	shalt  }
0x53: {  	_ =	shalt  }
0x54: {  	_ =	shalt  }
0x55: {  	_ =	shalt  }
0x56: {  	_ =	shalt  }
0x57: {  	_ =	shalt  }
0x58: {  	_ =	shalt  }
0x59: {  	_ =	shalt  }
0x5a: {  	_ =	shalt  }
0x5b: {  	_ =	shalt  }
0x5c: {  	_ =	shalt  }
0x5d: {  	_ =	shalt  }
0x5e: {  	_ =	shalt  }
0x5f: {  	_ =	shalt  }
0x60: {  	_ =	shalt  }
0x61: {  	_ =	shalt  }
0x62: {  	_ =	shalt  }
0x63: {  	_ =	shalt  }
0x64: {  	_ =	shalt  }
0x65: {  	_ =	shalt  }
0x66: {  	_ =	shalt  }
0x67: {  	_ =	shalt  }
0x68: {  	_ =	shalt  }
0x69: {  	_ =	shalt  }
0x6a: {  	_ =	shalt  }
0x6b: {  	_ =	shalt  }
0x6c: {  	_ =	shalt  }
0x6d: {  	_ =	shalt  }
0x6e: {  	_ =	shalt  }
0x6f: {  	_ =	shalt  }
0x70: {  	_ =	shalt  }
0x71: {  	_ =	shalt  }
0x72: {  	_ =	shalt  }
0x73: {  	_ =	shalt  }
0x74: {  	_ =	shalt  }
0x75: {  	_ =	shalt  }
0x76: {  	_ =	shalt  }
0x77: {  	_ =	shalt  }
0x78: {  	_ =	shalt  }
0x79: {  	_ =	shalt  }
0x7a: {  	_ =	shalt  }
0x7b: {  	_ =	shalt  }
0x7c: {  	_ =	shalt  }
0x7d: {  	_ =	shalt  }
0x7e: {  	_ =	shalt  }
0x7f: {  	_ =	shalt  }
0x80: {  	_ =	shalt  }
0x81: {  	_ =	shalt  }
0x82: {  	_ =	shalt  }
0x83: {  	_ =	shalt  }
0x84: {  	_ =	shalt  }
0x85: {  	_ =	shalt  }
0x86: {  	_ =	shalt  }
0x87: {  	_ =	shalt  }
.Lfunc_end0:
.L_simem_size_0:
called_computation_lowered:
.L_overlay_start_0:
0x88: {  	s2 =	sld [smem:$0x3FD9]  }
0x89: {  	s3 =	sld [smem:$0x3FFE];
	_ =	sdelay $0x1  }
0x8a: {  	s1 =	srdreg.scid  }
0x8b: {  	s0 =	sand.u32 $0x1, s1  }
0x8c: {  	s18 =	sshll.u32 s0, $0xA;
	s2 =	sadd.s32 s3, s2  }
0x8d: {  	s2 =	sadd.s32 s2, s18  }
0x8e: {  	[smem:$0x3FC6] =	sst s2  }
0x8f: {  	_ = 	snop  }
0x90: {  	s2 =	sld [smem:$0x3FC9]  }
0x91: {  	s19 =	sld [smem:$0x3FC8]  }
0x92: {  	s4 =	sld [smem:$0x3FD0];
	(tm) =	ssettm $0x1  }
0x93: {  	s5 =	sld [smem:$0x3FFB];
	_ =	sdelay $0x3  }
0x94: {  	_ =	strace s5  }
0x95: {  	s5 =	sld [smem:$0x3FFC];
	_ =	sdelay $0x3  }
0x96: {  	_ =	strace s5  }
0x97: {  	s5 =	sld [smem:$0x3FFD];
	_ =	sdelay $0x3  }
0x98: {  	_ =	strace s5  }
0x99: {  	_ =	strace $0x8FFFFFFF  }
0x9a: {  	s20 =	sld [smem:$0x3FDB];
	_ =	sdelay $0x1  }
0x9b: {  	s6 =	simm.s32 $_scs_section_size  }
0x9c: {  	s7 =	simm.s32 $_size__tile_overlayer_lowered;
	s8 =	simm.s32 $_tile_overlayer_lowered  }
0x9d: {  	s23 =	simm.s32 $0x1BFF;
	s22 =	sshll.u32 s8, $0x1;
	s5 =	sadd.s32 s6, s20  }
0x9e: {  	s9 =	simm.s32 $0x0;
	s21 =	sshll.u32 s7, $0x1;
	s7 =	sadd.s32 s22, s5  }
0x9f: {  	[timem:s9], [sflag:s23] =	dma.local [hbm:s7], s21  }
0xa0: {  	_ =	swait.ge [sflag:s23], s21  }
0xa1: {  	s6 =	ssub.s32 $0x0, s21;
	[sflag:s23] =	ssyncset.done $0x0  }
0xa2: {  	[sflag:s23] =	ssyncadd.s32 s6;
	_ =	sdelay $0x1  }
0xa3: {  	s24 =	simm.s32 $0x1B8B  }
0xa4: {  	_ =	swait.ge [sflag:s24], $0x1  }
0xa5: {  	[sflag:s24] =	ssyncset.done $0x0  }
0xa6: {  	s25 =	simm.s32 $0x1B8E;
	[sflag:s24] =	ssyncadd.s32 $0xFFFFFFFF  }
0xa7: {  	s26 =	simm.s32 $execute0_lowered;
	[smem:$0x3FD2] =	sst s25  }
0xa8: {  	s6 =	sshll.u32 s26, $0x1;
	_ =	strace $0x80000046;
	[dreg:$0x1] =	wrdreg $0xFFFFFFFF  }
0xa9: {  	s28 =	simm.s32 $_size_execute0_lowered;
	s5 =	sadd.s32 s5, s6;
	[dreg:$0x0] =	wrdreg $0x0  }
0xaa: {  	s6 =	sshll.u32 s28, $0x1;
	[dreg:$0x2] =	wrdreg s5  }
0xab: {  	[dreg:$0x3] =	wrdreg s6  }
0xac: {  	[dreg:$0x4] =	wrdreg $0xC0  }
0xad: {  	_ =	task [dreg:s9], $0x5FFFF  }
0xae: {  	[dreg:$0x1] =	wrdreg $0xFFFFFFFF  }
0xaf: {  	[dreg:$0x0] =	wrdreg $0x60  }
0xb0: {  	[dreg:$0x2] =	wrdreg s2  }
0xb1: {  	[dreg:$0x3] =	wrdreg s19  }
0xb2: {  	[dreg:$0x4] =	wrdreg s4  }
0xb3: {  	[dreg:$0x5] =	wrdreg $0x148800  }
0xb4: {  	[dreg:$0x6] =	wrdreg $0x9  }
0xb5: {  	_ =	task.clear_ibuf [dreg:s9], $0x7FFFF;
	_ =	strace $0x90000046  }
0xb6: {  	s29 =	simm.s32 $0x9;
	_ =	strace $0x80000048  }
0xb7: {  	_ =	swait.ge [sflag:s29], $0x1  }
0xb8: {  	[sflag:s29] =	ssyncadd.s32 $0xFFFFFFFF  }
0xb9: {  	_ =	strace $0x90000048  }
0xba: {  	_ =	sfence  }
0xbb: {  	s30 =	sld [smem:$0x0];
	_ =	sdelay $0x2  }
0xbc: {  	s31 =	sshll.u32 s1, $0xD;
	s1 =	sshrl.u32 s1, $0x2  }
0xbd: {  	s3 =	sand.u32 $0x4000, s31;
	s1 =	sadd.s32 s1, s30  }
0xbe: {  	s0 =	sor.u32 s3, s0;
	s1 =	sshll.u32 s1, $0x11  }
0xbf: {  	s0 =	sor.u32 s1, s0  }
0xc0: {  	s0 =	sadd.s32 $0x8F2B, s0  }
0xc1: {  	[sflag:s0] =	ssyncadd.remote.s32 $0x1  }
0xc2: {  	_ =	sfence.sel $0xFFFF  }
0xc3: {  	[dreg:$0x0] =	wrdreg $0xFFFFFFFF;
	(pc) =	sbr.abs _section_cstart, $3  }
0xc4: {  	[dreg:$0x1] =	wrdreg $0xFFFFFFFF  }
0xc5: {  	_ =	task.clear_ibuf [dreg:s9], $0x2FFFF;
	_ =	strace $0x9FFFFFFF  }
0xc6: {  	(tm) =	ssettm $0x7FFFFFFF  }
0xc7: {  	_ =	shalt  }
tec
execute0_lowered:
.L_overlay_start_1:
0x0: {  	(tag) =	ssettag $0x1  }
0x1: {  	s0 =	srdreg.scid  }
0x2: {  	s2 =	rddreg [dreg:$0x1];
	s0 =	sand.u32 $0x1, s0  }
0x3: {  	s13 =	stileid.u32;
	s8 =	rddreg [dreg:$0x2];
	s1 =	sshll.u32 s0, $0x4  }
0x4: {  	s9 =	rddreg [dreg:$0x3];
	s7 =	sand.u32 $0x1, s13;
	s3 =	sor.u32 s13, s1  }
0x5: {  	s4 =	simm.s32 $0x0;
	p1 =	seq.s32 s7, $0x1;
	p0 =	seq.s32 s3, $0x0  }
0x6: {  	s5 =	simm.s32 $0x1;
	[smem:$0x7FF] =	sst s4;
	p0 =	por !p0, !p1  }
0x7: {  	s26 =	sshll.u32 s13, $0xF;
	s0 =	ssub.s32 $0x2, s0;
	p0 =	por !p0, !p0  }
0x8: {  	s6 =	sshll.u32 s7, $0x11;
	s3 =	sshrl.u32 s3, $0x1;
	s5 =	simm.s32 @!p0 $0x0  }
0x9: {  	s1 =	rddreg [dreg:$0x0];
	s10 =	sshrl.u32 s0, $0x1;
	s5 =	ssub.s32 s3, s5  }
0xa: {  	_ =	strace $0x80000047;
	s0 =	ssub.s32 s0, s10;
	s5 =	sshll.u32 s5, $0x12  }
0xb: {  	s0 =	smax.u32 s0, $0x1;
	s3 =	sshll.u32 s3, $0x4;
	s5 =	sor.u32 s6, s5  }
0xc: {  	[dreg:$0x17] =	wrdreg s0;
	s3 =	sadd.s32 s8, s3;
	s23 =	sshrl.u32 s5, $0x3  }
0xd: {  	[dreg:$0x14] =	wrdreg s3;
	s29 =	sor.u32 $0x2000, s5;
	s14 =	sadd.s32 s1, s23  }
0xe: {  	s11 =	sor.u32 $0x80, s23;
	s15 =	sadd.s32 s2, s23;
	s12 =	sor.u32 $0x100, s23  }
0xf: {  	s24 =	sor.u32 $0x180, s23;
	s25 =	sor.u32 $0x200, s23;
	[dreg:$0x11] =	wrdreg s29  }
0x10: {  	s18 =	sadd.s32 s1, s12;
	s19 =	sadd.s32 s2, s12;
	s20 =	sadd.s32 s1, s24  }
0x11: {  	s21 =	sadd.s32 s2, s24;
	s22 =	sadd.s32 s1, s25;
	[dreg:$0x5] =	wrdreg s14  }
0x12: {  	s12 =	sadd.s32 s2, s25;
	s25 =	sor.u32 $0x2800, s5;
	[dreg:$0x6] =	wrdreg s15  }
0x13: {  	s24 =	sand.u32 $0x70000, s26;
	s26 =	sor.u32 $0x3000, s5;
	[dreg:$0x13] =	wrdreg s25  }
0x14: {  	s16 =	sadd.s32 s1, s11;
	[dreg:$0x15] =	wrdreg s26  }
0x15: {  	s17 =	sadd.s32 s2, s11;
	[dreg:$0x7] =	wrdreg s16  }
0x16: {  	[dreg:$0x8] =	wrdreg s17  }
0x17: {  	[dreg:$0x9] =	wrdreg s18  }
0x18: {  	[dreg:$0xa] =	wrdreg s19  }
0x19: {  	[dreg:$0xb] =	wrdreg s20  }
0x1a: {  	[dreg:$0xc] =	wrdreg s21  }
0x1b: {  	s10 =	sor.u32 $0x280, s23;
	[dreg:$0xd] =	wrdreg s22  }
0x1c: {  	s23 =	sadd.s32 s1, s10;
	[dreg:$0xe] =	wrdreg s12  }
0x1d: {  	s13 =	sadd.s32 s2, s10;
	[dreg:$0xf] =	wrdreg s23  }
0x1e: {  	s9 =	sadd.s32 s24, s9;
	[dreg:$0x10] =	wrdreg s13  }
0x1f: {  	s29 =	sadd.s32 $0x8000, s9;
	[dreg:$0x12] =	wrdreg s9  }
0x20: {  	p0 =	seq.s32 s7, $0x0;
	s7 =	sadd.s32 $0x800, s9;
	[dreg:$0x16] =	wrdreg s29  }
0x21: {  	s8 =	sadd.s32 $0x1000, s9;
	[dreg:$0x18] =	wrdreg s7  }
0x22: {  	s10 =	sadd.s32 $0x1800, s9;
	[dreg:$0x19] =	wrdreg s8  }
0x23: {  	s11 =	sadd.s32 $0x2000, s9;
	[dreg:$0x1a] =	wrdreg s10  }
0x24: {  	s24 =	sadd.s32 $0x2800, s9;
	[dreg:$0x1b] =	wrdreg s11  }
0x25: {  	s25 =	sadd.s32 $0x3000, s9;
	[dreg:$0x1c] =	wrdreg s24  }
0x26: {  	s26 =	sadd.s32 $0x3800, s9;
	[dreg:$0x1d] =	wrdreg s25  }
0x27: {  	s3 =	sadd.s32 $0x4800, s9;
	[dreg:$0x1e] =	wrdreg s26  }
0x28: {  	s29 =	sadd.s32 $0x4000, s9;
	[smem:$0x794] =	sst s3  }
0x29: {  	s7 =	sadd.s32 $0x5000, s9;
	[dreg:$0x1f] =	wrdreg s29  }
0x2a: {  	s8 =	sadd.s32 $0x5800, s9;
	[smem:$0x795] =	sst s7  }
0x2b: {  	s10 =	sadd.s32 $0x6000, s9;
	[smem:$0x796] =	sst s8  }
0x2c: {  	s11 =	sadd.s32 $0x6800, s9;
	[smem:$0x797] =	sst s10  }
0x2d: {  	s24 =	sadd.s32 $0x7000, s9;
	[smem:$0x798] =	sst s11  }
0x2e: {  	s25 =	sadd.s32 $0x7800, s9;
	[smem:$0x799] =	sst s24  }
0x2f: {  	s26 =	sadd.s32 $0x8800, s9;
	[smem:$0x79A] =	sst s25  }
0x30: {  	s3 =	sadd.s32 $0x9800, s9;
	[smem:$0x79B] =	sst s26  }
0x31: {  	s29 =	sadd.s32 $0x9000, s9;
	[smem:$0x79D] =	sst s3  }
0x32: {  	s7 =	sadd.s32 $0xA000, s9;
	[smem:$0x79C] =	sst s29  }
0x33: {  	s8 =	sadd.s32 $0xA800, s9;
	[smem:$0x79E] =	sst s7  }
0x34: {  	s10 =	sadd.s32 $0xB000, s9;
	[smem:$0x79F] =	sst s8  }
0x35: {  	s11 =	sadd.s32 $0xB800, s9;
	[smem:$0x7A0] =	sst s10  }
0x36: {  	s24 =	sadd.s32 $0xC000, s9;
	[smem:$0x7A1] =	sst s11  }
0x37: {  	s25 =	sadd.s32 $0xC800, s9;
	[smem:$0x7A2] =	sst s24  }
0x38: {  	s26 =	sadd.s32 $0xD000, s9;
	[smem:$0x7A3] =	sst s25  }
0x39: {  	s3 =	sadd.s32 $0xE000, s9;
	[smem:$0x7A4] =	sst s26  }
0x3a: {  	s29 =	sadd.s32 $0xD800, s9;
	[smem:$0x7A6] =	sst s3  }
0x3b: {  	s7 =	sadd.s32 $0xE800, s9;
	[smem:$0x7A5] =	sst s29  }
0x3c: {  	s8 =	sadd.s32 $0xF000, s9;
	[smem:$0x7A7] =	sst s7  }
0x3d: {  	s9 =	sadd.s32 $0xF800, s9;
	[smem:$0x7A8] =	sst s8  }
0x3e: {  	s10 =	sadd.s32 $0x10, s14;
	[smem:$0x7A9] =	sst s9  }
0x3f: {  	s11 =	sadd.s32 $0x20, s14;
	[smem:$0x7AA] =	sst s10  }
0x40: {  	s24 =	sadd.s32 $0x30, s14;
	[smem:$0x7AB] =	sst s11  }
0x41: {  	s25 =	sadd.s32 $0x40, s14;
	[smem:$0x7AC] =	sst s24  }
0x42: {  	s26 =	sadd.s32 $0x50, s14;
	[smem:$0x7AD] =	sst s25  }
0x43: {  	s3 =	sadd.s32 $0x70, s14;
	[smem:$0x7AE] =	sst s26  }
0x44: {  	s29 =	sadd.s32 $0x60, s14;
	[smem:$0x7B0] =	sst s3  }
0x45: {  	s7 =	sadd.s32 $0x10, s15;
	[smem:$0x7AF] =	sst s29  }
0x46: {  	s8 =	sadd.s32 $0x20, s15;
	[smem:$0x7B1] =	sst s7  }
0x47: {  	s9 =	sadd.s32 $0x30, s15;
	[smem:$0x7B2] =	sst s8  }
0x48: {  	s10 =	sadd.s32 $0x40, s15;
	[smem:$0x7B3] =	sst s9  }
0x49: {  	s11 =	sadd.s32 $0x50, s15;
	[smem:$0x7B4] =	sst s10  }
0x4a: {  	s14 =	sadd.s32 $0x60, s15;
	[smem:$0x7B5] =	sst s11  }
0x4b: {  	s24 =	sadd.s32 $0x70, s15;
	[smem:$0x7B6] =	sst s14  }
0x4c: {  	s25 =	sadd.s32 $0x10, s16;
	[smem:$0x7B7] =	sst s24  }
0x4d: {  	s26 =	sadd.s32 $0x20, s16;
	[smem:$0x7B8] =	sst s25  }
0x4e: {  	s3 =	sadd.s32 $0x40, s16;
	[smem:$0x7B9] =	sst s26  }
0x4f: {  	s15 =	sadd.s32 $0x40, s17;
	[smem:$0x7BB] =	sst s3  }
0x50: {  	s29 =	sadd.s32 $0x30, s16;
	[smem:$0x7C2] =	sst s15  }
0x51: {  	s7 =	sadd.s32 $0x50, s16;
	[smem:$0x7BA] =	sst s29  }
0x52: {  	s8 =	sadd.s32 $0x60, s16;
	[smem:$0x7BC] =	sst s7  }
0x53: {  	s9 =	sadd.s32 $0x70, s16;
	[smem:$0x7BD] =	sst s8  }
0x54: {  	s10 =	sadd.s32 $0x10, s17;
	[smem:$0x7BE] =	sst s9  }
0x55: {  	s11 =	sadd.s32 $0x20, s17;
	[smem:$0x7BF] =	sst s10  }
0x56: {  	s14 =	sadd.s32 $0x30, s17;
	[smem:$0x7C0] =	sst s11  }
0x57: {  	s16 =	sadd.s32 $0x50, s17;
	[smem:$0x7C1] =	sst s14  }
0x58: {  	s24 =	sadd.s32 $0x60, s17;
	[smem:$0x7C3] =	sst s16  }
0x59: {  	s25 =	sadd.s32 $0x70, s17;
	[smem:$0x7C4] =	sst s24  }
0x5a: {  	s26 =	sadd.s32 $0x10, s18;
	[smem:$0x7C5] =	sst s25  }
0x5b: {  	s3 =	sadd.s32 $0x30, s18;
	[smem:$0x7C6] =	sst s26  }
0x5c: {  	s15 =	sadd.s32 $0x30, s19;
	[smem:$0x7C8] =	sst s3  }
0x5d: {  	s17 =	sadd.s32 $0x50, s19;
	[smem:$0x7CF] =	sst s15  }
0x5e: {  	s29 =	sadd.s32 $0x20, s18;
	[smem:$0x7D1] =	sst s17  }
0x5f: {  	s7 =	sadd.s32 $0x40, s18;
	[smem:$0x7C7] =	sst s29  }
0x60: {  	s8 =	sadd.s32 $0x50, s18;
	[smem:$0x7C9] =	sst s7  }
0x61: {  	s9 =	sadd.s32 $0x60, s18;
	[smem:$0x7CA] =	sst s8  }
0x62: {  	s10 =	sadd.s32 $0x70, s18;
	[smem:$0x7CB] =	sst s9  }
0x63: {  	s11 =	sadd.s32 $0x10, s19;
	[smem:$0x7CC] =	sst s10  }
0x64: {  	s14 =	sadd.s32 $0x20, s19;
	[smem:$0x7CD] =	sst s11  }
0x65: {  	s16 =	sadd.s32 $0x40, s19;
	[smem:$0x7CE] =	sst s14  }
0x66: {  	s18 =	sadd.s32 $0x60, s19;
	[smem:$0x7D0] =	sst s16  }
0x67: {  	s24 =	sadd.s32 $0x70, s19;
	[smem:$0x7D2] =	sst s18  }
0x68: {  	s25 =	sadd.s32 $0x10, s20;
	[smem:$0x7D3] =	sst s24  }
0x69: {  	s26 =	sadd.s32 $0x20, s20;
	[smem:$0x7D4] =	sst s25  }
0x6a: {  	s3 =	sadd.s32 $0x40, s20;
	[smem:$0x7D5] =	sst s26  }
0x6b: {  	s15 =	sadd.s32 $0x40, s21;
	[smem:$0x7D7] =	sst s3  }
0x6c: {  	s17 =	sadd.s32 $0x60, s21;
	[smem:$0x7DE] =	sst s15  }
0x6d: {  	s19 =	sadd.s32 $0x10, s22;
	[smem:$0x7E0] =	sst s17  }
0x6e: {  	s29 =	sadd.s32 $0x30, s20;
	[smem:$0x7E2] =	sst s19  }
0x6f: {  	s7 =	sadd.s32 $0x50, s20;
	[smem:$0x7D6] =	sst s29  }
0x70: {  	s8 =	sadd.s32 $0x60, s20;
	[smem:$0x7D8] =	sst s7  }
0x71: {  	s9 =	sadd.s32 $0x70, s20;
	[smem:$0x7D9] =	sst s8  }
0x72: {  	s10 =	sadd.s32 $0x10, s21;
	[smem:$0x7DA] =	sst s9  }
0x73: {  	s11 =	sadd.s32 $0x20, s21;
	[smem:$0x7DB] =	sst s10  }
0x74: {  	s14 =	sadd.s32 $0x30, s21;
	[smem:$0x7DC] =	sst s11  }
0x75: {  	s16 =	sadd.s32 $0x50, s21;
	[smem:$0x7DD] =	sst s14  }
0x76: {  	s18 =	sadd.s32 $0x70, s21;
	[smem:$0x7DF] =	sst s16  }
0x77: {  	s20 =	sadd.s32 $0x20, s22;
	[smem:$0x7E1] =	sst s18  }
0x78: {  	s21 =	sadd.s32 $0x30, s22;
	[smem:$0x7E3] =	sst s20  }
0x79: {  	s24 =	sadd.s32 $0x40, s22;
	[smem:$0x7E4] =	sst s21  }
0x7a: {  	s25 =	sadd.s32 $0x50, s22;
	[smem:$0x7E5] =	sst s24  }
0x7b: {  	s26 =	sadd.s32 $0x60, s22;
	[smem:$0x7E6] =	sst s25  }
0x7c: {  	s3 =	sadd.s32 $0x10, s12;
	[smem:$0x7E7] =	sst s26  }
0x7d: {  	s15 =	sadd.s32 $0x20, s23;
	[smem:$0x7E9] =	sst s3  }
0x7e: {  	s17 =	sadd.s32 $0x40, s23;
	[smem:$0x7F1] =	sst s15  }
0x7f: {  	s19 =	sadd.s32 $0x60, s23;
	[smem:$0x7F3] =	sst s17  }
0x80: {  	s29 =	sadd.s32 $0x70, s22;
	[smem:$0x7F5] =	sst s19  }
0x81: {  	s7 =	sadd.s32 $0x20, s12;
	[smem:$0x7E8] =	sst s29  }
0x82: {  	s8 =	sadd.s32 $0x30, s12;
	[smem:$0x7EA] =	sst s7  }
0x83: {  	s9 =	sadd.s32 $0x40, s12;
	[smem:$0x7EB] =	sst s8  }
0x84: {  	s10 =	sadd.s32 $0x50, s12;
	[smem:$0x7EC] =	sst s9  }
0x85: {  	s11 =	sadd.s32 $0x60, s12;
	[smem:$0x7ED] =	sst s10  }
0x86: {  	s12 =	sadd.s32 $0x70, s12;
	[smem:$0x7EE] =	sst s11  }
0x87: {  	s14 =	sadd.s32 $0x10, s23;
	[smem:$0x7EF] =	sst s12  }
0x88: {  	s16 =	sadd.s32 $0x30, s23;
	[smem:$0x7F0] =	sst s14  }
0x89: {  	s18 =	sadd.s32 $0x50, s23;
	[smem:$0x7F2] =	sst s16  }
0x8a: {  	s20 =	sadd.s32 $0x70, s23;
	[smem:$0x7F4] =	sst s18  }
0x8b: {  	s21 =	sadd.s32 $0x10, s13;
	[smem:$0x7F6] =	sst s20  }
0x8c: {  	s30 =	simm.s32 $0x1B80;
	s22 =	sadd.s32 $0x20, s13;
	[smem:$0x7F7] =	sst s21  }
0x8d: {  	s31 =	simm.s32 $0x1D80;
	s23 =	sadd.s32 $0x30, s13;
	[smem:$0x7F8] =	sst s22  }
0x8e: {  	s28 =	simm.s32 $0x4000;
	s24 =	sadd.s32 $0x40, s13;
	[smem:$0x7F9] =	sst s23  }
0x8f: {  	s0 =	simm.s32 $0x3B80;
	s25 =	sadd.s32 $0x50, s13;
	[smem:$0x7FA] =	sst s24  }
0x90: {  	s6 =	simm.s32 $0x1;
	s26 =	sadd.s32 $0x60, s13;
	[smem:$0x7FB] =	sst s25  }
0x91: {  	s19 =	simm.s32 $0x1F80;
	s3 =	simm.s32 $0x3580;
	[smem:$0x7FC] =	sst s26  }
.Ltmp0:
0x92: {  	s29 =	sadd.s32 $0x70, s13;
	s21 =	simm.s32 $0x3180;
	(pc) =	sbr.rel .LBB2_1-.Ltmp0, $4  }
0x93: {  	s23 =	simm.s32 $0x3380;
	s24 =	simm.s32 $0x3780;
	s25 =	simm.s32 $0x3980  }
0x94: {  	s22 =	simm.s32 $0x3D80;
	s26 =	simm.s32 $0x3F80;
	s7 =	simm.s32 $0xC000  }
0x95: {  	s8 =	simm.s32 $0x2;
	s9 =	simm.s32 $0x3;
	s10 =	simm.s32 $0x4  }
0x96: {  	v0 =	vimm.f32 $0.0e+00;
	v1 =	vimm.f32 $1.000000000e+00;
	v2 =	vimm.s32 $0xF;
	s11 =	simm.s32 $0x5;
	s13 =	simm.s32 $0x0;
	[smem:$0x7FD] =	sst s29  }
.LBB2_20:
0x97: {  	s12 =	rddreg [dreg:$0x12]  }
0x98: {  	[spmem:s12] =	stream.linear.scatter [tilespmem:s28], [sflag:$0x5], $0x8000, $0x38;
	[tilespmem:$0x1C880] =	vst v63  }
0x99: {  	_ =	swait.ge [sflag:s11], $0x8000  }
0x9a: {  	[sflag:s11] =	ssyncset.done $0x0  }
0x9b: {  	s29 =	rddreg [dreg:$0x16];
	[sflag:s11] =	ssyncadd.s32 $0xFFFF8000  }
0x9c: {  	[spmem:s29] =	stream.linear.scatter [tilespmem:s7], [sflag:$0x5], $0x8000, $0x38;
	[tilespmem:$0x1C880] =	vst v63  }
0x9d: {  	_ =	swait.ge [sflag:s11], $0x8000  }
0x9e: {  	[sflag:s11] =	ssyncset.done $0x0  }
0x9f: {  	[sflag:s11] =	ssyncadd.s32 $0xFFFF8000  }
0xa0: {  	[bflag:$0x0] =	sbarrier.arrive $0xFFFF  }
0xa1: {  	s13 =	sld [smem:$0x793]  }
.LBB2_90:
0xa2: {  	_ =	sdelay $0x1  }
0xa3: {  	s12 =	rddreg [dreg:$0x17];
	s13 =	sadd.s32 $0x1, s13  }
0xa4: {  	p1 =	sne.s32 s13, s12  }
.Ltmp1:
0xa5: {  	_ = 	snop;
	(pc) =	sbr.rel @!p1 .LBB2_91-.Ltmp1, $1  }
0xa6: {  	_ =	sdelay $0x3  }
.LBB2_1:
0xa7: {  	[smem:$0x793] =	sst s13  }
0xa8: {  	s12 =	rddreg [dreg:$0x5]  }
0xa9: {  	s13 =	sld [smem:$0x7AA]  }
0xaa: {  	[tilespmem:s4], [sflag:$0x1] =	stream.linear.gather [hbm4b:s12+s4], $0x80, $0x38;
	[tilespmem:$0x1C880] =	vst v63  }
0xab: {  	s14 =	simm.s32 $0x200;
	s15 =	sld [smem:$0x7AB]  }
0xac: {  	[tilespmem:s14], [sflag:$0x1] =	stream.linear.gather [hbm4b:s13+s4], $0x80, $0x38;
	[tilespmem:$0x1C880] =	vst v63  }
0xad: {  	s16 =	simm.s32 $0x400;
	s17 =	sld [smem:$0x7AC]  }
0xae: {  	[tilespmem:s16], [sflag:$0x1] =	stream.linear.gather [hbm4b:s15+s4], $0x80, $0x38;
	[tilespmem:$0x1C880] =	vst v63  }
0xaf: {  	s18 =	simm.s32 $0x600;
	s20 =	sld [smem:$0x7AD]  }
0xb0: {  	[tilespmem:s18], [sflag:$0x1] =	stream.linear.gather [hbm4b:s17+s4], $0x80, $0x38;
	[tilespmem:$0x1C880] =	vst v63  }
0xb1: {  	s29 =	simm.s32 $0x800;
	s13 =	sld [smem:$0x7AE]  }
0xb2: {  	[tilespmem:s29], [sflag:$0x1] =	stream.linear.gather [hbm4b:s20+s4], $0x80, $0x38;
	[tilespmem:$0x1C880] =	vst v63  }
0xb3: {  	s14 =	simm.s32 $0xA00;
	s15 =	sld [smem:$0x7AF]  }
0xb4: {  	[tilespmem:s14], [sflag:$0x1] =	stream.linear.gather [hbm4b:s13+s4], $0x80, $0x38;
	[tilespmem:$0x1C880] =	vst v63  }
0xb5: {  	s16 =	simm.s32 $0xC00;
	s17 =	sld [smem:$0x7B0]  }
0xb6: {  	[tilespmem:s16], [sflag:$0x1] =	stream.linear.gather [hbm4b:s15+s4], $0x80, $0x38;
	[tilespmem:$0x1C880] =	vst v63  }
0xb7: {  	s18 =	simm.s32 $0xE00;
	s20 =	rddreg [dreg:$0x6]  }
0xb8: {  	[tilespmem:s18], [sflag:$0x1] =	stream.linear.gather [hbm4b:s17+s4], $0x80, $0x38;
	[tilespmem:$0x1C880] =	vst v63  }
0xb9: {  	s29 =	simm.s32 $0x2000;
	s13 =	sld [smem:$0x7B1]  }
0xba: {  	[tilespmem:s29], [sflag:$0x1] =	stream.linear.gather [hbm4b:s20+s4], $0x80, $0x38;
	[tilespmem:$0x1C880] =	vst v63  }
0xbb: {  	s14 =	simm.s32 $0x2200;
	s15 =	sld [smem:$0x7B2]  }
0xbc: {  	[tilespmem:s14], [sflag:$0x1] =	stream.linear.gather [hbm4b:s13+s4], $0x80, $0x38;
	[tilespmem:$0x1C880] =	vst v63  }
0xbd: {  	s16 =	simm.s32 $0x2400;
	s17 =	sld [smem:$0x7B3]  }
0xbe: {  	[tilespmem:s16], [sflag:$0x1] =	stream.linear.gather [hbm4b:s15+s4], $0x80, $0x38;
	[tilespmem:$0x1C880] =	vst v63  }
0xbf: {  	s18 =	simm.s32 $0x2600;
	s20 =	sld [smem:$0x7B4]  }
0xc0: {  	[tilespmem:s18], [sflag:$0x1] =	stream.linear.gather [hbm4b:s17+s4], $0x80, $0x38;
	[tilespmem:$0x1C880] =	vst v63  }
0xc1: {  	s29 =	simm.s32 $0x2800;
	s13 =	sld [smem:$0x7B5]  }
0xc2: {  	[tilespmem:s29], [sflag:$0x1] =	stream.linear.gather [hbm4b:s20+s4], $0x80, $0x38;
	[tilespmem:$0x1C880] =	vst v63  }
0xc3: {  	s14 =	simm.s32 $0x2A00;
	s15 =	sld [smem:$0x7B6]  }
0xc4: {  	[tilespmem:s14], [sflag:$0x1] =	stream.linear.gather [hbm4b:s13+s4], $0x80, $0x38;
	[tilespmem:$0x1C880] =	vst v63  }
0xc5: {  	s16 =	simm.s32 $0x2C00;
	s17 =	sld [smem:$0x7B7]  }
0xc6: {  	[tilespmem:s16], [sflag:$0x1] =	stream.linear.gather [hbm4b:s15+s4], $0x80, $0x38;
	[tilespmem:$0x1C880] =	vst v63  }
0xc7: {  	s18 =	simm.s32 $0x2E00;
	s20 =	rddreg [dreg:$0x7]  }
0xc8: {  	[tilespmem:s18], [sflag:$0x1] =	stream.linear.gather [hbm4b:s17+s4], $0x80, $0x38;
	[tilespmem:$0x1C880] =	vst v63  }
0xc9: {  	s29 =	simm.s32 $0x1000;
	s13 =	sld [smem:$0x7B8]  }
0xca: {  	[tilespmem:s29], [sflag:$0x1] =	stream.linear.gather [hbm4b:s20+s4], $0x80, $0x38;
	[tilespmem:$0x1C880] =	vst v63  }
0xcb: {  	s14 =	simm.s32 $0x1200;
	s15 =	sld [smem:$0x7B9]  }
0xcc: {  	[tilespmem:s14], [sflag:$0x1] =	stream.linear.gather [hbm4b:s13+s4], $0x80, $0x38;
	[tilespmem:$0x1C880] =	vst v63  }
0xcd: {  	s16 =	simm.s32 $0x1400;
	s17 =	sld [smem:$0x7BA]  }
0xce: {  	[tilespmem:s16], [sflag:$0x1] =	stream.linear.gather [hbm4b:s15+s4], $0x80, $0x38;
	[tilespmem:$0x1C880] =	vst v63  }
0xcf: {  	s18 =	simm.s32 $0x1600;
	s20 =	sld [smem:$0x7BB]  }
0xd0: {  	[tilespmem:s18], [sflag:$0x1] =	stream.linear.gather [hbm4b:s17+s4], $0x80, $0x38;
	[tilespmem:$0x1C880] =	vst v63  }
0xd1: {  	s29 =	simm.s32 $0x1800;
	s13 =	sld [smem:$0x7BC]  }
0xd2: {  	[tilespmem:s29], [sflag:$0x1] =	stream.linear.gather [hbm4b:s20+s4], $0x80, $0x38;
	[tilespmem:$0x1C880] =	vst v63  }
0xd3: {  	s14 =	simm.s32 $0x1A00;
	s15 =	sld [smem:$0x7BD]  }
0xd4: {  	[tilespmem:s14], [sflag:$0x1] =	stream.linear.gather [hbm4b:s13+s4], $0x80, $0x38;
	[tilespmem:$0x1C880] =	vst v63  }
0xd5: {  	s16 =	simm.s32 $0x1C00;
	s17 =	sld [smem:$0x7BE]  }
0xd6: {  	[tilespmem:s16], [sflag:$0x1] =	stream.linear.gather [hbm4b:s15+s4], $0x80, $0x38;
	[tilespmem:$0x1C880] =	vst v63  }
0xd7: {  	s18 =	simm.s32 $0x1E00;
	s20 =	rddreg [dreg:$0x8]  }
0xd8: {  	[tilespmem:s18], [sflag:$0x1] =	stream.linear.gather [hbm4b:s17+s4], $0x80, $0x38;
	[tilespmem:$0x1C880] =	vst v63  }
0xd9: {  	s29 =	simm.s32 $0x3000;
	s13 =	sld [smem:$0x7BF]  }
0xda: {  	[tilespmem:s29], [sflag:$0x1] =	stream.linear.gather [hbm4b:s20+s4], $0x80, $0x38;
	[tilespmem:$0x1C880] =	vst v63  }
0xdb: {  	s14 =	simm.s32 $0x3200;
	s15 =	sld [smem:$0x7C0]  }
0xdc: {  	[tilespmem:s14], [sflag:$0x1] =	stream.linear.gather [hbm4b:s13+s4], $0x80, $0x38;
	[tilespmem:$0x1C880] =	vst v63  }
0xdd: {  	s16 =	simm.s32 $0x3400;
	s17 =	sld [smem:$0x7C1]  }
0xde: {  	[tilespmem:s16], [sflag:$0x1] =	stream.linear.gather [hbm4b:s15+s4], $0x80, $0x38;
	[tilespmem:$0x1C880] =	vst v63  }
0xdf: {  	s18 =	simm.s32 $0x3600;
	s20 =	sld [smem:$0x7C2]  }
0xe0: {  	[tilespmem:s18], [sflag:$0x1] =	stream.linear.gather [hbm4b:s17+s4], $0x80, $0x38;
	[tilespmem:$0x1C880] =	vst v63  }
0xe1: {  	s29 =	simm.s32 $0x3800;
	s13 =	sld [smem:$0x7C3]  }
0xe2: {  	[tilespmem:s29], [sflag:$0x1] =	stream.linear.gather [hbm4b:s20+s4], $0x80, $0x38;
	[tilespmem:$0x1C880] =	vst v63  }
0xe3: {  	s14 =	simm.s32 $0x3A00;
	s15 =	sld [smem:$0x7C4]  }
0xe4: {  	[tilespmem:s14], [sflag:$0x1] =	stream.linear.gather [hbm4b:s13+s4], $0x80, $0x38;
	[tilespmem:$0x1C880] =	vst v63  }
0xe5: {  	s16 =	simm.s32 $0x3C00;
	s17 =	sld [smem:$0x7C5]  }
0xe6: {  	[tilespmem:s16], [sflag:$0x1] =	stream.linear.gather [hbm4b:s15+s4], $0x80, $0x38;
	[tilespmem:$0x1C880] =	vst v63  }
0xe7: {  	s18 =	simm.s32 $0x3E00;
	s20 =	rddreg [dreg:$0x9]  }
0xe8: {  	[tilespmem:s18], [sflag:$0x1] =	stream.linear.gather [hbm4b:s17+s4], $0x80, $0x38;
	[tilespmem:$0x1C880] =	vst v63  }
0xe9: {  	s29 =	simm.s32 $0x80;
	s13 =	sld [smem:$0x7C6]  }
0xea: {  	[tilespmem:s29], [sflag:$0x2] =	stream.linear.gather [hbm4b:s20+s4], $0x80, $0x38;
	[tilespmem:$0x1C880] =	vst v63  }
0xeb: {  	s14 =	simm.s32 $0x280;
	s15 =	sld [smem:$0x7C7]  }
0xec: {  	[tilespmem:s14], [sflag:$0x2] =	stream.linear.gather [hbm4b:s13+s4], $0x80, $0x38;
	[tilespmem:$0x1C880] =	vst v63  }
0xed: {  	s16 =	simm.s32 $0x480;
	s17 =	sld [smem:$0x7C8]  }
0xee: {  	[tilespmem:s16], [sflag:$0x2] =	stream.linear.gather [hbm4b:s15+s4], $0x80, $0x38;
	[tilespmem:$0x1C880] =	vst v63  }
0xef: {  	s18 =	simm.s32 $0x680;
	s20 =	sld [smem:$0x7C9]  }
0xf0: {  	[tilespmem:s18], [sflag:$0x2] =	stream.linear.gather [hbm4b:s17+s4], $0x80, $0x38;
	[tilespmem:$0x1C880] =	vst v63  }
0xf1: {  	s29 =	simm.s32 $0x880;
	s13 =	sld [smem:$0x7CA]  }
0xf2: {  	[tilespmem:s29], [sflag:$0x2] =	stream.linear.gather [hbm4b:s20+s4], $0x80, $0x38;
	[tilespmem:$0x1C880] =	vst v63  }
0xf3: {  	s14 =	simm.s32 $0xA80;
	s15 =	sld [smem:$0x7CB]  }
0xf4: {  	[tilespmem:s14], [sflag:$0x2] =	stream.linear.gather [hbm4b:s13+s4], $0x80, $0x38;
	[tilespmem:$0x1C880] =	vst v63  }
0xf5: {  	s16 =	simm.s32 $0xC80;
	s17 =	sld [smem:$0x7CC]  }
0xf6: {  	[tilespmem:s16], [sflag:$0x2] =	stream.linear.gather [hbm4b:s15+s4], $0x80, $0x38;
	[tilespmem:$0x1C880] =	vst v63  }
0xf7: {  	s18 =	simm.s32 $0xE80;
	s20 =	rddreg [dreg:$0xa]  }
0xf8: {  	[tilespmem:s18], [sflag:$0x2] =	stream.linear.gather [hbm4b:s17+s4], $0x80, $0x38;
	[tilespmem:$0x1C880] =	vst v63  }
0xf9: {  	s29 =	simm.s32 $0x2080;
	s13 =	sld [smem:$0x7CD]  }
0xfa: {  	[tilespmem:s29], [sflag:$0x2] =	stream.linear.gather [hbm4b:s20+s4], $0x80, $0x38;
	[tilespmem:$0x1C880] =	vst v63  }
0xfb: {  	s14 =	simm.s32 $0x2280;
	s15 =	sld [smem:$0x7CE]  }
0xfc: {  	[tilespmem:s14], [sflag:$0x2] =	stream.linear.gather [hbm4b:s13+s4], $0x80, $0x38;
	[tilespmem:$0x1C880] =	vst v63  }
0xfd: {  	s16 =	simm.s32 $0x2480;
	s17 =	sld [smem:$0x7CF]  }
0xfe: {  	[tilespmem:s16], [sflag:$0x2] =	stream.linear.gather [hbm4b:s15+s4], $0x80, $0x38;
	[tilespmem:$0x1C880] =	vst v63  }
0xff: {  	s18 =	simm.s32 $0x2680;
	s20 =	sld [smem:$0x7D0]  }
0x100: {  	[tilespmem:s18], [sflag:$0x2] =	stream.linear.gather [hbm4b:s17+s4], $0x80, $0x38;
	[tilespmem:$0x1C880] =	vst v63  }
0x101: {  	s29 =	simm.s32 $0x2880;
	s13 =	sld [smem:$0x7D1]  }
0x102: {  	[tilespmem:s29], [sflag:$0x2] =	stream.linear.gather [hbm4b:s20+s4], $0x80, $0x38;
	[tilespmem:$0x1C880] =	vst v63  }
0x103: {  	s14 =	simm.s32 $0x2A80;
	s15 =	sld [smem:$0x7D2]  }
0x104: {  	[tilespmem:s14], [sflag:$0x2] =	stream.linear.gather [hbm4b:s13+s4], $0x80, $0x38;
	[tilespmem:$0x1C880] =	vst v63  }
0x105: {  	s16 =	simm.s32 $0x2C80;
	s17 =	sld [smem:$0x7D3]  }
0x106: {  	[tilespmem:s16], [sflag:$0x2] =	stream.linear.gather [hbm4b:s15+s4], $0x80, $0x38;
	[tilespmem:$0x1C880] =	vst v63  }
0x107: {  	s18 =	simm.s32 $0x2E80;
	s20 =	rddreg [dreg:$0xb]  }
0x108: {  	[tilespmem:s18], [sflag:$0x2] =	stream.linear.gather [hbm4b:s17+s4], $0x80, $0x38;
	[tilespmem:$0x1C880] =	vst v63  }
0x109: {  	s29 =	simm.s32 $0x1080;
	s13 =	sld [smem:$0x7D4]  }
0x10a: {  	[tilespmem:s29], [sflag:$0x2] =	stream.linear.gather [hbm4b:s20+s4], $0x80, $0x38;
	[tilespmem:$0x1C880] =	vst v63  }
0x10b: {  	s14 =	simm.s32 $0x1280;
	s15 =	sld [smem:$0x7D5]  }
0x10c: {  	[tilespmem:s14], [sflag:$0x2] =	stream.linear.gather [hbm4b:s13+s4], $0x80, $0x38;
	[tilespmem:$0x1C880] =	vst v63  }
0x10d: {  	s16 =	simm.s32 $0x1480;
	s17 =	sld [smem:$0x7D6]  }
0x10e: {  	[tilespmem:s16], [sflag:$0x2] =	stream.linear.gather [hbm4b:s15+s4], $0x80, $0x38;
	[tilespmem:$0x1C880] =	vst v63  }
0x10f: {  	s18 =	simm.s32 $0x1680;
	s20 =	sld [smem:$0x7D7]  }
0x110: {  	[tilespmem:s18], [sflag:$0x2] =	stream.linear.gather [hbm4b:s17+s4], $0x80, $0x38;
	[tilespmem:$0x1C880] =	vst v63  }
0x111: {  	s29 =	simm.s32 $0x1880;
	s13 =	sld [smem:$0x7D8]  }
0x112: {  	[tilespmem:s29], [sflag:$0x2] =	stream.linear.gather [hbm4b:s20+s4], $0x80, $0x38;
	[tilespmem:$0x1C880] =	vst v63  }
0x113: {  	s14 =	simm.s32 $0x1A80;
	s15 =	sld [smem:$0x7D9]  }
0x114: {  	[tilespmem:s14], [sflag:$0x2] =	stream.linear.gather [hbm4b:s13+s4], $0x80, $0x38;
	[tilespmem:$0x1C880] =	vst v63  }
0x115: {  	s16 =	simm.s32 $0x1C80;
	s17 =	sld [smem:$0x7DA]  }
0x116: {  	[tilespmem:s16], [sflag:$0x2] =	stream.linear.gather [hbm4b:s15+s4], $0x80, $0x38;
	[tilespmem:$0x1C880] =	vst v63  }
0x117: {  	s18 =	simm.s32 $0x1E80;
	s20 =	rddreg [dreg:$0xc]  }
0x118: {  	[tilespmem:s18], [sflag:$0x2] =	stream.linear.gather [hbm4b:s17+s4], $0x80, $0x38;
	[tilespmem:$0x1C880] =	vst v63  }
0x119: {  	s29 =	simm.s32 $0x3080;
	s13 =	sld [smem:$0x7DB]  }
0x11a: {  	[tilespmem:s29], [sflag:$0x2] =	stream.linear.gather [hbm4b:s20+s4], $0x80, $0x38;
	[tilespmem:$0x1C880] =	vst v63  }
0x11b: {  	s14 =	simm.s32 $0x3280;
	s15 =	sld [smem:$0x7DC]  }
0x11c: {  	[tilespmem:s14], [sflag:$0x2] =	stream.linear.gather [hbm4b:s13+s4], $0x80, $0x38;
	[tilespmem:$0x1C880] =	vst v63  }
0x11d: {  	s16 =	simm.s32 $0x3480;
	s17 =	sld [smem:$0x7DD]  }
0x11e: {  	[tilespmem:s16], [sflag:$0x2] =	stream.linear.gather [hbm4b:s15+s4], $0x80, $0x38;
	[tilespmem:$0x1C880] =	vst v63  }
0x11f: {  	s18 =	simm.s32 $0x3680;
	s20 =	sld [smem:$0x7DE]  }
0x120: {  	[tilespmem:s18], [sflag:$0x2] =	stream.linear.gather [hbm4b:s17+s4], $0x80, $0x38;
	[tilespmem:$0x1C880] =	vst v63  }
0x121: {  	s29 =	simm.s32 $0x3880;
	s14 =	sld [smem:$0x7DF]  }
0x122: {  	[tilespmem:s29], [sflag:$0x2] =	stream.linear.gather [hbm4b:s20+s4], $0x80, $0x38;
	[tilespmem:$0x1C880] =	vst v63  }
0x123: {  	s15 =	simm.s32 $0x3A80;
	s16 =	sld [smem:$0x7E0]  }
0x124: {  	[tilespmem:s15], [sflag:$0x2] =	stream.linear.gather [hbm4b:s14+s4], $0x80, $0x38;
	[tilespmem:$0x1C880] =	vst v63  }
0x125: {  	s17 =	simm.s32 $0x3C80;
	s18 =	sld [smem:$0x7E1]  }
0x126: {  	[tilespmem:s17], [sflag:$0x2] =	stream.linear.gather [hbm4b:s16+s4], $0x80, $0x38;
	[tilespmem:$0x1C880] =	vst v63  }
0x127: {  	s20 =	simm.s32 $0x3E80;
	s29 =	simm.s32 $0x4020  }
0x128: {  	[tilespmem:s20], [sflag:$0x2] =	stream.linear.gather [hbm4b:s18+s4], $0x80, $0x38;
	[tilespmem:$0x1C880] =	vst v63  }
0x129: {  	[tilespmem:s29+$0xFFFFFFF0] =	vst v0  }
0x12a: {  	[tilespmem:s29+$0x0] =	vst v0  }
0x12b: {  	[tilespmem:s29+$0x10] =	vst v0  }
0x12c: {  	s12 =	simm.s32 $0xC020;
	[tilespmem:s29+$0xFFFFFFE0] =	vst v0  }
0x12d: {  	[tilespmem:s12+$0xFFFFFFF0] =	vst v0  }
0x12e: {  	[tilespmem:s12+$0x0] =	vst v0  }
0x12f: {  	[tilespmem:s12+$0x10] =	vst v0  }
0x130: {  	s13 =	simm.s32 $0x0;
	s14 =	simm.s32 $0x4060;
	[tilespmem:s12+$0xFFFFFFE0] =	vst v0  }
.LBB2_2:
0x131: {  	[tilespmem:s14+$0xFFFFFFF0] =	vst v0;
	s12 =	sadd.s32 $0x40, s12  }
0x132: {  	s13 =	sadd.s32 $0x4, s13;
	[tilespmem:s12+$0xFFFFFFF0] =	vst v0  }
0x133: {  	p1 =	slt.u32 s13, $0x7FC;
	[tilespmem:s14+$0x0] =	vst v0  }
.Ltmp2:
0x134: {  	[tilespmem:s12+$0x0] =	vst v0;
	(pc) =	sbr.rel @p1 .LBB2_2-.Ltmp2, $4  }
0x135: {  	[tilespmem:s14+$0x10] =	vst v0  }
0x136: {  	[tilespmem:s12+$0x10] =	vst v0  }
0x137: {  	[tilespmem:s14+$0xFFFFFFE0] =	vst v0  }
0x138: {  	s14 =	sadd.s32 $0x40, s14;
	[tilespmem:s12+$0xFFFFFFE0] =	vst v0  }
0x139: {  	s13 =	rddreg [dreg:$0xd]  }
0x13a: {  	s12 =	simm.s32 $0x0;
	s14 =	simm.s32 $0x100;
	s20 =	sld [smem:$0x7E2]  }
0x13b: {  	[tilespmem:s14], [sflag:$0x3] =	stream.linear.gather [hbm4b:s13+s12], $0x80, $0x38;
	[tilespmem:$0x1C880] =	vst v63  }
0x13c: {  	s29 =	simm.s32 $0x300;
	s15 =	sld [smem:$0x7E3]  }
0x13d: {  	[tilespmem:s29], [sflag:$0x3] =	stream.linear.gather [hbm4b:s20+s12], $0x80, $0x38;
	[tilespmem:$0x1C880] =	vst v63  }
0x13e: {  	s16 =	simm.s32 $0x500;
	s17 =	sld [smem:$0x7E4]  }
0x13f: {  	[tilespmem:s16], [sflag:$0x3] =	stream.linear.gather [hbm4b:s15+s12], $0x80, $0x38;
	[tilespmem:$0x1C880] =	vst v63  }
0x140: {  	s18 =	simm.s32 $0x700;
	s20 =	sld [smem:$0x7E5]  }
0x141: {  	[tilespmem:s18], [sflag:$0x3] =	stream.linear.gather [hbm4b:s17+s12], $0x80, $0x38;
	[tilespmem:$0x1C880] =	vst v63  }
0x142: {  	s29 =	simm.s32 $0x900;
	s15 =	sld [smem:$0x7E6]  }
0x143: {  	[tilespmem:s29], [sflag:$0x3] =	stream.linear.gather [hbm4b:s20+s12], $0x80, $0x38;
	[tilespmem:$0x1C880] =	vst v63  }
0x144: {  	s16 =	simm.s32 $0xB00;
	s17 =	sld [smem:$0x7E7]  }
0x145: {  	[tilespmem:s16], [sflag:$0x3] =	stream.linear.gather [hbm4b:s15+s12], $0x80, $0x38;
	[tilespmem:$0x1C880] =	vst v63  }
0x146: {  	s18 =	simm.s32 $0xD00;
	s20 =	sld [smem:$0x7E8]  }
0x147: {  	[tilespmem:s18], [sflag:$0x3] =	stream.linear.gather [hbm4b:s17+s12], $0x80, $0x38;
	[tilespmem:$0x1C880] =	vst v63  }
0x148: {  	s29 =	simm.s32 $0xF00;
	s15 =	rddreg [dreg:$0xe]  }
0x149: {  	[tilespmem:s29], [sflag:$0x3] =	stream.linear.gather [hbm4b:s20+s12], $0x80, $0x38;
	[tilespmem:$0x1C880] =	vst v63  }
0x14a: {  	s16 =	simm.s32 $0x2100;
	s17 =	sld [smem:$0x7E9]  }
0x14b: {  	[tilespmem:s16], [sflag:$0x3] =	stream.linear.gather [hbm4b:s15+s12], $0x80, $0x38;
	[tilespmem:$0x1C880] =	vst v63  }
0x14c: {  	s18 =	simm.s32 $0x2300;
	s20 =	sld [smem:$0x7EA]  }
0x14d: {  	[tilespmem:s18], [sflag:$0x3] =	stream.linear.gather [hbm4b:s17+s12], $0x80, $0x38;
	[tilespmem:$0x1C880] =	vst v63  }
0x14e: {  	s29 =	simm.s32 $0x2500;
	s15 =	sld [smem:$0x7EB]  }
0x14f: {  	[tilespmem:s29], [sflag:$0x3] =	stream.linear.gather [hbm4b:s20+s12], $0x80, $0x38;
	[tilespmem:$0x1C880] =	vst v63  }
0x150: {  	s16 =	simm.s32 $0x2700;
	s17 =	sld [smem:$0x7EC]  }
0x151: {  	[tilespmem:s16], [sflag:$0x3] =	stream.linear.gather [hbm4b:s15+s12], $0x80, $0x38;
	[tilespmem:$0x1C880] =	vst v63  }
0x152: {  	s18 =	simm.s32 $0x2900;
	s20 =	sld [smem:$0x7ED]  }
0x153: {  	[tilespmem:s18], [sflag:$0x3] =	stream.linear.gather [hbm4b:s17+s12], $0x80, $0x38;
	[tilespmem:$0x1C880] =	vst v63  }
0x154: {  	s29 =	simm.s32 $0x2B00;
	s15 =	sld [smem:$0x7EE]  }
0x155: {  	[tilespmem:s29], [sflag:$0x3] =	stream.linear.gather [hbm4b:s20+s12], $0x80, $0x38;
	[tilespmem:$0x1C880] =	vst v63  }
0x156: {  	s16 =	simm.s32 $0x2D00;
	s17 =	sld [smem:$0x7EF]  }
0x157: {  	[tilespmem:s16], [sflag:$0x3] =	stream.linear.gather [hbm4b:s15+s12], $0x80, $0x38;
	[tilespmem:$0x1C880] =	vst v63  }
0x158: {  	s18 =	simm.s32 $0x2F00;
	s20 =	rddreg [dreg:$0xf]  }
0x159: {  	[tilespmem:s18], [sflag:$0x3] =	stream.linear.gather [hbm4b:s17+s12], $0x80, $0x38;
	[tilespmem:$0x1C880] =	vst v63  }
0x15a: {  	s29 =	simm.s32 $0x1100;
	s15 =	sld [smem:$0x7F0]  }
0x15b: {  	[tilespmem:s29], [sflag:$0x3] =	stream.linear.gather [hbm4b:s20+s12], $0x80, $0x38;
	[tilespmem:$0x1C880] =	vst v63  }
0x15c: {  	s16 =	simm.s32 $0x1300;
	s17 =	sld [smem:$0x7F1]  }
0x15d: {  	[tilespmem:s16], [sflag:$0x3] =	stream.linear.gather [hbm4b:s15+s12], $0x80, $0x38;
	[tilespmem:$0x1C880] =	vst v63  }
0x15e: {  	s18 =	simm.s32 $0x1500;
	s20 =	sld [smem:$0x7F2]  }
0x15f: {  	[tilespmem:s18], [sflag:$0x3] =	stream.linear.gather [hbm4b:s17+s12], $0x80, $0x38;
	[tilespmem:$0x1C880] =	vst v63  }
0x160: {  	s29 =	simm.s32 $0x1700;
	s15 =	sld [smem:$0x7F3]  }
0x161: {  	[tilespmem:s29], [sflag:$0x3] =	stream.linear.gather [hbm4b:s20+s12], $0x80, $0x38;
	[tilespmem:$0x1C880] =	vst v63  }
0x162: {  	s16 =	simm.s32 $0x1900;
	s17 =	sld [smem:$0x7F4]  }
0x163: {  	[tilespmem:s16], [sflag:$0x3] =	stream.linear.gather [hbm4b:s15+s12], $0x80, $0x38;
	[tilespmem:$0x1C880] =	vst v63  }
0x164: {  	s18 =	simm.s32 $0x1B00;
	s20 =	sld [smem:$0x7F5]  }
0x165: {  	[tilespmem:s18], [sflag:$0x3] =	stream.linear.gather [hbm4b:s17+s12], $0x80, $0x38;
	[tilespmem:$0x1C880] =	vst v63  }
0x166: {  	s29 =	simm.s32 $0x1D00;
	s15 =	sld [smem:$0x7F6]  }
0x167: {  	[tilespmem:s29], [sflag:$0x3] =	stream.linear.gather [hbm4b:s20+s12], $0x80, $0x38;
	[tilespmem:$0x1C880] =	vst v63  }
0x168: {  	s16 =	simm.s32 $0x1F00;
	s17 =	rddreg [dreg:$0x10]  }
0x169: {  	[tilespmem:s16], [sflag:$0x3] =	stream.linear.gather [hbm4b:s15+s12], $0x80, $0x38;
	[tilespmem:$0x1C880] =	vst v63  }
0x16a: {  	s18 =	simm.s32 $0x3100;
	s20 =	sld [smem:$0x7F7]  }
0x16b: {  	[tilespmem:s18], [sflag:$0x3] =	stream.linear.gather [hbm4b:s17+s12], $0x80, $0x38;
	[tilespmem:$0x1C880] =	vst v63  }
0x16c: {  	s29 =	simm.s32 $0x3300;
	s15 =	sld [smem:$0x7F8]  }
0x16d: {  	[tilespmem:s29], [sflag:$0x3] =	stream.linear.gather [hbm4b:s20+s12], $0x80, $0x38;
	[tilespmem:$0x1C880] =	vst v63  }
0x16e: {  	s16 =	simm.s32 $0x3500;
	s17 =	sld [smem:$0x7F9]  }
0x16f: {  	[tilespmem:s16], [sflag:$0x3] =	stream.linear.gather [hbm4b:s15+s12], $0x80, $0x38;
	[tilespmem:$0x1C880] =	vst v63  }
0x170: {  	s18 =	simm.s32 $0x3700;
	s20 =	sld [smem:$0x7FA]  }
0x171: {  	[tilespmem:s18], [sflag:$0x3] =	stream.linear.gather [hbm4b:s17+s12], $0x80, $0x38;
	[tilespmem:$0x1C880] =	vst v63  }
0x172: {  	s29 =	simm.s32 $0x3900;
	s15 =	sld [smem:$0x7FB]  }
0x173: {  	[tilespmem:s29], [sflag:$0x3] =	stream.linear.gather [hbm4b:s20+s12], $0x80, $0x38;
	[tilespmem:$0x1C880] =	vst v63  }
0x174: {  	s16 =	simm.s32 $0x3B00;
	s17 =	sld [smem:$0x7FC]  }
0x175: {  	[tilespmem:s16], [sflag:$0x3] =	stream.linear.gather [hbm4b:s15+s12], $0x80, $0x38;
	[tilespmem:$0x1C880] =	vst v63  }
0x176: {  	s18 =	simm.s32 $0x3D00;
	s20 =	sld [smem:$0x7FD]  }
0x177: {  	[tilespmem:s18], [sflag:$0x3] =	stream.linear.gather [hbm4b:s17+s12], $0x80, $0x38;
	[tilespmem:$0x1C880] =	vst v63  }
0x178: {  	s13 =	simm.s32 $0x0;
	s29 =	simm.s32 $0x3F00  }
0x179: {  	[tilespmem:s29], [sflag:$0x3] =	stream.linear.gather [hbm4b:s20+s12], $0x80, $0x38;
	[tilespmem:$0x1C880] =	vst v63  }
.LBB2_4:
0x17a: {  	_ =	swait.ge [sflag:s6], $0x400  }
0x17b: {  	[sflag:s6] =	ssyncset.done $0x0  }
0x17c: {  	[sflag:s6] =	ssyncadd.s32 $0xFFFFFC00  }
0x17d: {  	_ =	swait.ge [sflag:s6], $0x400  }
0x17e: {  	[sflag:s6] =	ssyncset.done $0x0  }
0x17f: {  	[sflag:s6] =	ssyncadd.s32 $0xFFFFFC00  }
0x180: {  	_ =	swait.ge [sflag:s6], $0x400  }
0x181: {  	s14 =	sshll.u32 s13, $0xD;
	[sflag:s6] =	ssyncset.done $0x0  }
0x182: {  	s15 =	sor.u32 s14, s5;
	[sflag:s6] =	ssyncadd.s32 $0xFFFFFC00  }
0x183: {  	s15 =	sshrl.u32 s15, $0x3;
	_ =	swait.ge [sflag:s6], $0x400  }
0x184: {  	s16 =	sor.u32 $0x300, s15;
	[sflag:s6] =	ssyncset.done $0x0  }
0x185: {  	s18 =	simm.s32 $0x180;
	s17 =	sadd.s32 s1, s16;
	[sflag:s6] =	ssyncadd.s32 $0xFFFFFC00  }
0x186: {  	[tilespmem:s18], [sflag:$0x4] =	stream.linear.gather [hbm4b:s17+s12], $0x80, $0x38;
	[tilespmem:$0x1C880] =	vst v63  }
0x187: {  	s20 =	simm.s32 $0x380;
	s29 =	sadd.s32 $0x10, s17  }
0x188: {  	[tilespmem:s20], [sflag:$0x4] =	stream.linear.gather [hbm4b:s29+s12], $0x80, $0x38;
	[tilespmem:$0x1C880] =	vst v63  }
0x189: {  	s20 =	sadd.s32 $0x20, s17;
	s29 =	simm.s32 $0x580  }
0x18a: {  	[tilespmem:s29], [sflag:$0x4] =	stream.linear.gather [hbm4b:s20+s12], $0x80, $0x38;
	[tilespmem:$0x1C880] =	vst v63  }
0x18b: {  	s20 =	sadd.s32 $0x30, s17;
	s29 =	simm.s32 $0x780  }
0x18c: {  	[tilespmem:s29], [sflag:$0x4] =	stream.linear.gather [hbm4b:s20+s12], $0x80, $0x38;
	[tilespmem:$0x1C880] =	vst v63  }
0x18d: {  	s20 =	sadd.s32 $0x40, s17;
	s29 =	simm.s32 $0x980  }
0x18e: {  	[tilespmem:s29], [sflag:$0x4] =	stream.linear.gather [hbm4b:s20+s12], $0x80, $0x38;
	[tilespmem:$0x1C880] =	vst v63  }
0x18f: {  	s20 =	sadd.s32 $0x50, s17;
	s29 =	simm.s32 $0xB80  }
0x190: {  	[tilespmem:s29], [sflag:$0x4] =	stream.linear.gather [hbm4b:s20+s12], $0x80, $0x38;
	[tilespmem:$0x1C880] =	vst v63  }
0x191: {  	s20 =	sadd.s32 $0x60, s17;
	s29 =	simm.s32 $0xD80  }
0x192: {  	[tilespmem:s29], [sflag:$0x4] =	stream.linear.gather [hbm4b:s20+s12], $0x80, $0x38;
	[tilespmem:$0x1C880] =	vst v63  }
0x193: {  	s17 =	sadd.s32 $0x70, s17;
	s29 =	simm.s32 $0xF80  }
0x194: {  	[tilespmem:s29], [sflag:$0x4] =	stream.linear.gather [hbm4b:s17+s12], $0x80, $0x38;
	[tilespmem:$0x1C880] =	vst v63  }
0x195: {  	s16 =	sadd.s32 s2, s16;
	s18 =	simm.s32 $0x2180  }
0x196: {  	[tilespmem:s18], [sflag:$0x4] =	stream.linear.gather [hbm4b:s16+s12], $0x80, $0x38;
	[tilespmem:$0x1C880] =	vst v63  }
0x197: {  	s20 =	sadd.s32 $0x10, s16;
	s29 =	simm.s32 $0x2380  }
0x198: {  	[tilespmem:s29], [sflag:$0x4] =	stream.linear.gather [hbm4b:s20+s12], $0x80, $0x38;
	[tilespmem:$0x1C880] =	vst v63  }
0x199: {  	s20 =	sadd.s32 $0x20, s16;
	s29 =	simm.s32 $0x2580  }
0x19a: {  	[tilespmem:s29], [sflag:$0x4] =	stream.linear.gather [hbm4b:s20+s12], $0x80, $0x38;
	[tilespmem:$0x1C880] =	vst v63  }
0x19b: {  	s20 =	sadd.s32 $0x30, s16;
	s29 =	simm.s32 $0x2780  }
0x19c: {  	[tilespmem:s29], [sflag:$0x4] =	stream.linear.gather [hbm4b:s20+s12], $0x80, $0x38;
	[tilespmem:$0x1C880] =	vst v63  }
0x19d: {  	s20 =	sadd.s32 $0x40, s16;
	s29 =	simm.s32 $0x2980  }
0x19e: {  	[tilespmem:s29], [sflag:$0x4] =	stream.linear.gather [hbm4b:s20+s12], $0x80, $0x38;
	[tilespmem:$0x1C880] =	vst v63  }
0x19f: {  	s20 =	sadd.s32 $0x50, s16;
	s29 =	simm.s32 $0x2B80  }
0x1a0: {  	[tilespmem:s29], [sflag:$0x4] =	stream.linear.gather [hbm4b:s20+s12], $0x80, $0x38;
	[tilespmem:$0x1C880] =	vst v63  }
0x1a1: {  	s18 =	sadd.s32 $0x60, s16;
	s20 =	simm.s32 $0x2D80  }
0x1a2: {  	[tilespmem:s20], [sflag:$0x4] =	stream.linear.gather [hbm4b:s18+s12], $0x80, $0x38;
	[tilespmem:$0x1C880] =	vst v63  }
0x1a3: {  	s15 =	sor.u32 $0x380, s15;
	s16 =	sadd.s32 $0x70, s16;
	s29 =	simm.s32 $0x2F80  }
0x1a4: {  	[tilespmem:s29], [sflag:$0x4] =	stream.linear.gather [hbm4b:s16+s12], $0x80, $0x38;
	[tilespmem:$0x1C880] =	vst v63  }
0x1a5: {  	s18 =	simm.s32 $0x1180;
	s16 =	sadd.s32 s1, s15  }
0x1a6: {  	[tilespmem:s18], [sflag:$0x4] =	stream.linear.gather [hbm4b:s16+s12], $0x80, $0x38;
	[tilespmem:$0x1C880] =	vst v63  }
0x1a7: {  	s29 =	simm.s32 $0x1380;
	s20 =	sadd.s32 $0x10, s16  }
0x1a8: {  	[tilespmem:s29], [sflag:$0x4] =	stream.linear.gather [hbm4b:s20+s12], $0x80, $0x38;
	[tilespmem:$0x1C880] =	vst v63  }
0x1a9: {  	s20 =	sadd.s32 $0x20, s16;
	s29 =	simm.s32 $0x1580  }
0x1aa: {  	[tilespmem:s29], [sflag:$0x4] =	stream.linear.gather [hbm4b:s20+s12], $0x80, $0x38;
	[tilespmem:$0x1C880] =	vst v63  }
0x1ab: {  	s20 =	sadd.s32 $0x30, s16;
	s29 =	simm.s32 $0x1780  }
0x1ac: {  	[tilespmem:s29], [sflag:$0x4] =	stream.linear.gather [hbm4b:s20+s12], $0x80, $0x38;
	[tilespmem:$0x1C880] =	vst v63  }
0x1ad: {  	s18 =	sadd.s32 $0x40, s16;
	s20 =	simm.s32 $0x1980  }
0x1ae: {  	[tilespmem:s20], [sflag:$0x4] =	stream.linear.gather [hbm4b:s18+s12], $0x80, $0x38;
	[tilespmem:$0x1C880] =	vst v63  }
0x1af: {  	s29 =	sadd.s32 $0x50, s16  }
0x1b0: {  	[tilespmem:s30], [sflag:$0x4] =	stream.linear.gather [hbm4b:s29+s12], $0x80, $0x38;
	[tilespmem:$0x1C880] =	vst v63  }
0x1b1: {  	s18 =	sadd.s32 $0x60, s16  }
0x1b2: {  	[tilespmem:s31], [sflag:$0x4] =	stream.linear.gather [hbm4b:s18+s12], $0x80, $0x38;
	[tilespmem:$0x1C880] =	vst v63  }
0x1b3: {  	s16 =	sadd.s32 $0x70, s16  }
0x1b4: {  	[tilespmem:s19], [sflag:$0x4] =	stream.linear.gather [hbm4b:s16+s12], $0x80, $0x38;
	[tilespmem:$0x1C880] =	vst v63  }
0x1b5: {  	s15 =	sadd.s32 s2, s15  }
0x1b6: {  	[tilespmem:s21], [sflag:$0x4] =	stream.linear.gather [hbm4b:s15+s12], $0x80, $0x38;
	[tilespmem:$0x1C880] =	vst v63  }
0x1b7: {  	s20 =	sadd.s32 $0x10, s15  }
0x1b8: {  	[tilespmem:s23], [sflag:$0x4] =	stream.linear.gather [hbm4b:s20+s12], $0x80, $0x38;
	[tilespmem:$0x1C880] =	vst v63  }
0x1b9: {  	s29 =	sadd.s32 $0x20, s15  }
0x1ba: {  	[tilespmem:s3], [sflag:$0x4] =	stream.linear.gather [hbm4b:s29+s12], $0x80, $0x38;
	[tilespmem:$0x1C880] =	vst v63  }
0x1bb: {  	s17 =	sadd.s32 $0x30, s15  }
0x1bc: {  	[tilespmem:s24], [sflag:$0x4] =	stream.linear.gather [hbm4b:s17+s12], $0x80, $0x38;
	[tilespmem:$0x1C880] =	vst v63  }
0x1bd: {  	s18 =	sadd.s32 $0x40, s15  }
0x1be: {  	[tilespmem:s25], [sflag:$0x4] =	stream.linear.gather [hbm4b:s18+s12], $0x80, $0x38;
	[tilespmem:$0x1C880] =	vst v63  }
0x1bf: {  	s20 =	sadd.s32 $0x50, s15  }
0x1c0: {  	[tilespmem:s0], [sflag:$0x4] =	stream.linear.gather [hbm4b:s20+s12], $0x80, $0x38;
	[tilespmem:$0x1C880] =	vst v63  }
0x1c1: {  	s29 =	sadd.s32 $0x60, s15  }
0x1c2: {  	[tilespmem:s22], [sflag:$0x4] =	stream.linear.gather [hbm4b:s29+s12], $0x80, $0x38;
	[tilespmem:$0x1C880] =	vst v63  }
0x1c3: {  	s15 =	sadd.s32 $0x70, s15;
	s17 =	sand.u32 $0x40, s12;
	s18 =	sand.u32 $0x1E00, s12  }
0x1c4: {  	[tilespmem:s26], [sflag:$0x4] =	stream.linear.gather [hbm4b:s15+s12], $0x80, $0x38;
	[tilespmem:$0x1C880] =	vst v63  }
0x1c5: {  	s15 =	sor.u32 s17, s18  }
0x1c6: {  	v3 =	vld [tilespmem:s15+$0x2030]  }
0x1c7: {  	v4 =	vld [tilespmem:s15+$0x2000]  }
0x1c8: {  	v5 =	vld [tilespmem:s15+$0x2010];
	_ =	sdelay $0x1  }
0x1c9: {  	v6 =	vld [tilespmem:s15+$0x2020];
	_ =	sdelay $0x1  }
0x1ca: {  	v9 =	vld [tilespmem:s15+$0x30];
	v7 =	vcvt.s32.f32 v3;
	v8 =	vcvt.s32.f32 v4  }
0x1cb: {  	v10 =	vld [tilespmem:s15+$0x0];
	v11 =	vcvt.s32.f32 v5  }
0x1cc: {  	v12 =	vld [tilespmem:s15+$0x10];
	v7 =	vadd.f32 v7, v7;
	v8 =	vadd.f32 v8, v8  }
0x1cd: {  	v13 =	vcvt.s32.f32 v6;
	v11 =	vadd.f32 v11, v11  }
0x1ce: {  	v14 =	vld [tilespmem:s15+$0x20];
	v7 =	vadd.f32 $-1.000000000e+00, v7;
	v8 =	vadd.f32 $-1.000000000e+00, v8  }
0x1cf: {  	v13 =	vadd.f32 v13, v13;
	v11 =	vadd.f32 $-1.000000000e+00, v11  }
0x1d0: {  	v7 =	vmul.f32 v7, v9;
	v8 =	vmul.f32 v8, v10  }
0x1d1: {  	v9 =	vadd.f32 $-1.000000000e+00, v13;
	v10 =	vshll.u32 v4, $0xE;
	v4 =	vmul.f32 v11, v12  }
0x1d2: {  	v3 =	vshll.u32 v3, $0xE;
	v7 =	vsub.f32 $1.000000000e+00, v7;
	v8 =	vsub.f32 $1.000000000e+00, v8  }
0x1d3: {  	v12 =	vshll.u32 v5, $0xE;
	v9 =	vmul.f32 v9, v14;
	v4 =	vsub.f32 $1.000000000e+00, v4  }
0x1d4: {  	v13 =	vshll.u32 v6, $0xE;
	v5 =	vmul.f32 $1.442695020e+00, v7;
	v6 =	vmul.f32 $1.442695020e+00, v8  }
0x1d5: {  	v9 =	vsub.f32 $1.000000000e+00, v9;
	v11 =	vshra.s32 v8, $0x1F;
	v14 =	vmul.f32 $1.442695020e+00, v4  }
0x1d6: {  	v15 =	vshra.s32 v7, $0x1F;
	v17 =	vadd.f32 $1.000000000e+00, v8;
	v18 =	vadd.f32 $1.000000000e+00, v7  }
0x1d7: {  	v20 =	vadd.f32 $1.000000000e+00, v4;
	v15 =	vor.u32 $0x80000000, v15;
	(erf) = vpow2.f32 v5  }
0x1d8: {  	s20 =	simm.s32 $0x100;
	s29 =	simm.s32 $0x40;
	v5 =	vmul.f32 $1.442695020e+00, v9;
	v15 =	vxor.u32 v7, v15;
	(erf) = vpow2.f32 v6  }
0x1d9: {  	s16 =	sand.u32 $0x40, s29;
	s15 =	sand.u32 $0x1E00, s20;
	v15 =	vshrl.u32 v15, $0x1;
	(erf) = vpow2.f32 v14;
	v14 =	vshra.s32 v9, $0x1F  }
0x1da: {  	s15 =	sor.u32 s16, s15;
	(erf) = vpow2.f32 v5;
	v5 =	vor.u32 $0x80000000, v11;
	v11 =	vshrl.u32 v15, $0x11  }
0x1db: {  	vm0 =	vgt.f32 v7, $0.0e+00;
	v14 =	vor.u32 $0x80000000, v14;
	v15 =	vor.u32 v11, v3;
	v3 =	vld [tilespmem:s15+$0x2030]  }
0x1dc: {  	vm15 =	vgt.f32 v8, $0.0e+00;
	v5 =	vxor.u32 v8, v5;
	v11 =	vxor.u32 v9, v14;
	v14 =	vld [tilespmem:s15+$0x2000]  }
0x1dd: {  	v16 =	vld [tilespmem:s15+$0x2010];
	vm1 =	vgt.f32 v4, $0.0e+00;
	v6 =	vshra.s32 v4, $0x1F;
	v5 =	vshrl.u32 v5, $0x1  }
0x1de: {  	v21 =	vadd.f32 $1.000000000e+00, v9;
	v6 =	vor.u32 $0x80000000, v6;
	v19 =	vshrl.u32 v5, $0x11;
	v5 =	vld [tilespmem:s15+$0x2020]  }
0x1df: {  	vm2 =	vgt.f32 v9, $0.0e+00;
	v6 =	vxor.u32 v4, v6;
	v11 =	vshrl.u32 v11, $0x1  }
0x1e0: {  	v6 =	vshrl.u32 v6, $0x1;
	v23 =	vshrl.u32 v11, $0x11;
	v11 =	vcvt.s32.f32 v3  }
0x1e1: {  	v22 =	vshrl.u32 v6, $0x11;
	v7 =	vpop (erf);
	v8 =	vcvt.s32.f32 v14;
	v6 =	vshll.u32 v14, $0xE;
	v14 =	vld [tilespmem:s15+$0x30]  }
0x1e2: {  	v9 =	vld [tilespmem:s15+$0x0];
	v7 =	vsel vm0, v18, v7;
	v18 =	vcvt.s32.f32 v16;
	v11 =	vadd.f32 v11, v11  }
0x1e3: {  	v4 =	vshll.u32 v16, $0xE;
	v16 =	vld [tilespmem:s15+$0x10];
	v8 =	vadd.f32 v8, v8;
	v25 =	vcvt.s32.f32 v5  }
0x1e4: {  	v26 =	vld [tilespmem:s15+$0x20];
	v19 =	vor.u32 v19, v10;
	v24 =	vpop (erf);
	v18 =	vadd.f32 v18, v18;
	v11 =	vadd.f32 $-1.000000000e+00, v11  }
0x1e5: {  	v17 =	vsel vm15, v17, v24;
	v8 =	vadd.f32 $-1.000000000e+00, v8;
	v25 =	vadd.f32 v25, v25  }
0x1e6: {  	v61 =	vpop (erf);
	v5 =	vshll.u32 v5, $0xE;
	v18 =	vadd.f32 $-1.000000000e+00, v18;
	v14 =	vmul.f32 v11, v14  }
0x1e7: {  	v20 =	vsel vm1, v20, v61;
	v8 =	vmul.f32 v8, v9;
	v9 =	vadd.f32 $-1.000000000e+00, v25  }
0x1e8: {  	v16 =	vmul.f32 v18, v16;
	v18 =	vor.u32 v22, v12;
	v10 =	vsub.f32 $1.000000000e+00, v14  }
0x1e9: {  	v12 =	vor.u32 v23, v13;
	v11 =	vpop (erf);
	v8 =	vsub.f32 $1.000000000e+00, v8;
	v14 =	vmul.f32 v9, v26  }
0x1ea: {  	[tilespmem:v15+s28+$0x0] =	vst.idx.add.f32.msk $0xffff, v1;
	v11 =	vsel vm2, v21, v11;
	v9 =	vsub.f32 $1.000000000e+00, v16;
	v16 =	vmul.f32 $1.442695020e+00, v10  }
0x1eb: {  	[tilespmem:v15+s7+$0x0] =	vst.idx.add.f32.msk $0xffff, v7;
	v15 =	vmul.f32 $1.442695020e+00, v8;
	v13 =	vshra.s32 v8, $0x1F;
	v7 =	vsub.f32 $1.000000000e+00, v14  }
0x1ec: {  	[tilespmem:v19+s28+$0x0] =	vst.idx.add.f32.msk $0xffff, v1;
	v14 =	vshra.s32 v10, $0x1F;
	v62 =	vmul.f32 $1.442695020e+00, v9;
	(erf) = vpow2.f32 v16  }
0x1ed: {  	[tilespmem:v19+s7+$0x0] =	vst.idx.add.f32.msk $0xffff, v17;
	v63 =	vmul.f32 $1.442695020e+00, v7;
	v16 =	vor.u32 $0x80000000, v14;
	(erf) = vpow2.f32 v15  }
0x1ee: {  	v14 =	vshra.s32 v9, $0x1F;
	[tilespmem:v18+s28+$0x0] =	vst.idx.add.f32.msk $0xffff, v1;
	v16 =	vxor.u32 v10, v16;
	(erf) = vpow2.f32 v62  }
0x1ef: {  	s17 =	simm.s32 $0x80;
	s16 =	simm.s32 $0x200;
	s15 =	simm.s32 $0x4;
	v15 =	vshra.s32 v7, $0x1F;
	[tilespmem:v18+s7+$0x0] =	vst.idx.add.f32.msk $0xffff, v20;
	v16 =	vshrl.u32 v16, $0x1;
	(erf) = vpow2.f32 v63  }
.LBB2_5:
0x1f0: {  	s18 =	sand.u32 $0x40, s17;
	s20 =	sand.u32 $0x1E00, s16;
	s15 =	sadd.s32 $0x4, s15;
	v13 =	vor.u32 $0x80000000, v13;
	v16 =	vshrl.u32 v16, $0x11;
	v3 =	vshll.u32 v3, $0xE;
	[tilespmem:v12+s28+$0x0] =	vst.idx.add.f32.msk $0xffff, v1  }
0x1f1: {  	v14 =	vor.u32 $0x80000000, v14;
	v15 =	vor.u32 $0x80000000, v15;
	s18 =	sor.u32 s18, s20;
	p1 =	slt.u32 s15, $0x7C;
	v16 =	vor.u32 v16, v3;
	[tilespmem:v12+s7+$0x0] =	vst.idx.add.f32.msk $0xffff, v11  }
0x1f2: {  	v11 =	vxor.u32 v8, v13;
	v12 =	vxor.u32 v9, v14;
	v13 =	vxor.u32 v7, v15;
	v3 =	vld [tilespmem:s18+$0x2030]  }
0x1f3: {  	v11 =	vshrl.u32 v11, $0x1;
	v12 =	vshrl.u32 v12, $0x1;
	v13 =	vshrl.u32 v13, $0x1;
	v14 =	vld [tilespmem:s18+$0x2000]  }
0x1f4: {  	v17 =	vadd.f32 $1.000000000e+00, v8;
	v22 =	vadd.f32 $1.000000000e+00, v10;
	v18 =	vshrl.u32 v11, $0x11;
	v15 =	vld [tilespmem:s18+$0x2010]  }
0x1f5: {  	v20 =	vadd.f32 $1.000000000e+00, v9;
	v21 =	vadd.f32 $1.000000000e+00, v7;
	vm0 =	vgt.f32 v10, $0.0e+00;
	v19 =	vld [tilespmem:s18+$0x2020];
	v10 =	vpop (erf)  }
0x1f6: {  	v12 =	vshrl.u32 v12, $0x11;
	v13 =	vshrl.u32 v13, $0x11;
	v10 =	vsel vm0, v22, v10;
	[tilespmem:v16+s28+$0x0] =	vst.idx.add.f32.msk $0xffff, v1;
	v11 =	vpop (erf)  }
0x1f7: {  	vm1 =	vgt.f32 v9, $0.0e+00;
	vm0 =	vgt.f32 v8, $0.0e+00;
	v22 =	vcvt.s32.f32 v3;
	[tilespmem:v16+s7+$0x0] =	vst.idx.add.f32.msk $0xffff, v10;
	v8 =	vpop (erf)  }
0x1f8: {  	vm2 =	vgt.f32 v7, $0.0e+00;
	v9 =	vcvt.s32.f32 v14;
	v10 =	vshll.u32 v14, $0xE;
	v14 =	vld [tilespmem:s18+$0x30];
	v7 =	vpop (erf)  }
0x1f9: {  	v16 =	vld [tilespmem:s18+$0x0];
	v23 =	vcvt.s32.f32 v15;
	v15 =	vshll.u32 v15, $0xE;
	v22 =	vadd.f32 v22, v22  }
0x1fa: {  	v9 =	vadd.f32 v9, v9;
	v24 =	vld [tilespmem:s18+$0x10];
	v25 =	vcvt.s32.f32 v19;
	v19 =	vshll.u32 v19, $0xE  }
0x1fb: {  	v17 =	vsel vm0, v17, v11;
	v23 =	vadd.f32 v23, v23;
	v26 =	vld [tilespmem:s18+$0x20];
	v22 =	vadd.f32 $-1.000000000e+00, v22  }
0x1fc: {  	v20 =	vsel vm1, v20, v8;
	v9 =	vadd.f32 $-1.000000000e+00, v9;
	v25 =	vadd.f32 v25, v25  }
0x1fd: {  	v11 =	vsel vm2, v21, v7;
	v8 =	vadd.f32 $-1.000000000e+00, v23;
	v14 =	vmul.f32 v22, v14  }
0x1fe: {  	v7 =	vmul.f32 v9, v16;
	v9 =	vadd.f32 $-1.000000000e+00, v25;
	v16 =	vor.u32 v18, v6;
	v6 =	vmovc v10  }
0x1ff: {  	v21 =	vor.u32 v12, v4;
	v4 =	vmovc v15;
	v18 =	vmul.f32 v8, v24;
	v10 =	vsub.f32 $1.000000000e+00, v14  }
0x200: {  	v12 =	vor.u32 v13, v5;
	v5 =	vmovc v19;
	v8 =	vsub.f32 $1.000000000e+00, v7;
	v7 =	vmul.f32 v9, v26  }
0x201: {  	v9 =	vsub.f32 $1.000000000e+00, v18;
	v14 =	vmul.f32 $1.442695020e+00, v10  }
.Ltmp3:
0x202: {  	v15 =	vmul.f32 $1.442695020e+00, v8;
	v13 =	vshra.s32 v8, $0x1F;
	v7 =	vsub.f32 $1.000000000e+00, v7;
	(pc) =	sbr.rel @p1 .LBB2_5-.Ltmp3, $4  }
0x203: {  	v19 =	vshra.s32 v10, $0x1F;
	v18 =	vmul.f32 $1.442695020e+00, v9;
	(erf) = vpow2.f32 v14;
	[tilespmem:v16+s28+$0x0] =	vst.idx.add.f32.msk $0xffff, v1  }
0x204: {  	v19 =	vor.u32 $0x80000000, v19;
	v22 =	vmul.f32 $1.442695020e+00, v7;
	(erf) = vpow2.f32 v15;
	[tilespmem:v16+s7+$0x0] =	vst.idx.add.f32.msk $0xffff, v17  }
0x205: {  	v14 =	vshra.s32 v9, $0x1F;
	v16 =	vxor.u32 v10, v19;
	(erf) = vpow2.f32 v18;
	[tilespmem:v21+s28+$0x0] =	vst.idx.add.f32.msk $0xffff, v1  }
0x206: {  	s16 =	sadd.s32 $0x100, s16;
	s17 =	sadd.s32 $0x40, s17;
	v15 =	vshra.s32 v7, $0x1F;
	v16 =	vshrl.u32 v16, $0x1;
	(erf) = vpow2.f32 v22;
	[tilespmem:v21+s7+$0x0] =	vst.idx.add.f32.msk $0xffff, v20  }
0x207: {  	v13 =	vor.u32 $0x80000000, v13;
	v16 =	vshrl.u32 v16, $0x11  }
0x208: {  	v3 =	vshll.u32 v3, $0xE;
	v14 =	vor.u32 $0x80000000, v14;
	v13 =	vxor.u32 v8, v13  }
0x209: {  	v3 =	vor.u32 v16, v3;
	v14 =	vxor.u32 v9, v14;
	v13 =	vshrl.u32 v13, $0x1  }
0x20a: {  	v14 =	vshrl.u32 v14, $0x1;
	v13 =	vshrl.u32 v13, $0x11  }
0x20b: {  	v15 =	vor.u32 $0x80000000, v15;
	v14 =	vshrl.u32 v14, $0x11;
	v6 =	vor.u32 v13, v6  }
0x20c: {  	[tilespmem:v12+s28+$0x0] =	vst.idx.add.f32.msk $0xffff, v1;
	v54 =	vadd.f32 $1.000000000e+00, v10;
	v53 =	vxor.u32 v7, v15;
	v4 =	vor.u32 v14, v4  }
0x20d: {  	vm0 =	vgt.f32 v10, $0.0e+00;
	[tilespmem:v12+s7+$0x0] =	vst.idx.add.f32.msk $0xffff, v11;
	v55 =	vshrl.u32 v53, $0x1;
	v56 =	vpop (erf)  }
0x20e: {  	v11 =	vshrl.u32 v55, $0x11;
	v10 =	vsel vm0, v54, v56;
	[tilespmem:v3+s28+$0x0] =	vst.idx.add.f32.msk $0xffff, v1  }
0x20f: {  	v57 =	vadd.f32 $1.000000000e+00, v8;
	[tilespmem:v3+s7+$0x0] =	vst.idx.add.f32.msk $0xffff, v10;
	v3 =	vor.u32 v11, v5  }
0x210: {  	vm13 =	vgt.f32 v8, $0.0e+00;
	v59 =	vadd.f32 $1.000000000e+00, v9;
	v58 =	vpop (erf);
	[tilespmem:v6+s28+$0x0] =	vst.idx.add.f32.msk $0xffff, v1  }
0x211: {  	vm14 =	vgt.f32 v9, $0.0e+00;
	v8 =	vsel vm13, v57, v58;
	v60 =	vpop (erf);
	[tilespmem:v4+s28+$0x0] =	vst.idx.add.f32.msk $0xffff, v1  }
0x212: {  	v61 =	vadd.f32 $1.000000000e+00, v7;
	v5 =	vsel vm14, v59, v60;
	[tilespmem:v6+s7+$0x0] =	vst.idx.add.f32.msk $0xffff, v8  }
0x213: {  	vm15 =	vgt.f32 v7, $0.0e+00;
	v62 =	vpop (erf);
	[tilespmem:v4+s7+$0x0] =	vst.idx.add.f32.msk $0xffff, v5  }
0x214: {  	v63 =	vsel vm15, v61, v62;
	[tilespmem:v3+s28+$0x0] =	vst.idx.add.f32.msk $0xffff, v1  }
0x215: {  	[tilespmem:v3+s7+$0x0] =	vst.idx.add.f32.msk $0xffff, v63  }
0x216: {  	_ =	swait.ge [sflag:s8], $0x400  }
0x217: {  	[sflag:s8] =	ssyncset.done $0x0  }
0x218: {  	[sflag:s8] =	ssyncadd.s32 $0xFFFFFC00  }
0x219: {  	_ =	swait.ge [sflag:s8], $0x400  }
0x21a: {  	[sflag:s8] =	ssyncset.done $0x0  }
0x21b: {  	[sflag:s8] =	ssyncadd.s32 $0xFFFFFC00  }
0x21c: {  	p1 =	seq.s32 s13, $0xF;
	_ =	swait.ge [sflag:s8], $0x400  }
.Ltmp4:
0x21d: {  	[sflag:s8] =	ssyncset.done $0x0;
	(pc) =	sbr.rel @p1 .LBB2_8-.Ltmp4, $4  }
0x21e: {  	[sflag:s8] =	ssyncadd.s32 $0xFFFFFC00  }
0x21f: {  	_ =	swait.ge [sflag:s8], $0x400  }
0x220: {  	[sflag:s8] =	ssyncset.done $0x0  }
0x221: {  	[sflag:s8] =	ssyncadd.s32 $0xFFFFFC00  }
0x222: {  	s15 =	rddreg [dreg:$0x11]  }
0x223: {  	s15 =	sadd.s32 s14, s15  }
0x224: {  	s15 =	sshrl.u32 s15, $0x3  }
0x225: {  	s16 =	sadd.s32 s1, s15  }
0x226: {  	[tilespmem:s4], [sflag:$0x1] =	stream.linear.gather [hbm4b:s16+s4], $0x80, $0x38;
	[tilespmem:$0x1C880] =	vst v63  }
0x227: {  	s18 =	simm.s32 $0x200;
	s17 =	sadd.s32 $0x10, s16  }
0x228: {  	[tilespmem:s18], [sflag:$0x1] =	stream.linear.gather [hbm4b:s17+s4], $0x80, $0x38;
	[tilespmem:$0x1C880] =	vst v63  }
0x229: {  	s29 =	simm.s32 $0x400;
	s20 =	sadd.s32 $0x20, s16  }
0x22a: {  	[tilespmem:s29], [sflag:$0x1] =	stream.linear.gather [hbm4b:s20+s4], $0x80, $0x38;
	[tilespmem:$0x1C880] =	vst v63  }
0x22b: {  	s20 =	sadd.s32 $0x30, s16;
	s29 =	simm.s32 $0x600  }
0x22c: {  	[tilespmem:s29], [sflag:$0x1] =	stream.linear.gather [hbm4b:s20+s4], $0x80, $0x38;
	[tilespmem:$0x1C880] =	vst v63  }
0x22d: {  	s20 =	sadd.s32 $0x40, s16;
	s29 =	simm.s32 $0x800  }
0x22e: {  	[tilespmem:s29], [sflag:$0x1] =	stream.linear.gather [hbm4b:s20+s4], $0x80, $0x38;
	[tilespmem:$0x1C880] =	vst v63  }
0x22f: {  	s20 =	sadd.s32 $0x50, s16;
	s29 =	simm.s32 $0xA00  }
0x230: {  	[tilespmem:s29], [sflag:$0x1] =	stream.linear.gather [hbm4b:s20+s4], $0x80, $0x38;
	[tilespmem:$0x1C880] =	vst v63  }
0x231: {  	s18 =	sadd.s32 $0x60, s16;
	s20 =	simm.s32 $0xC00  }
0x232: {  	[tilespmem:s20], [sflag:$0x1] =	stream.linear.gather [hbm4b:s18+s4], $0x80, $0x38;
	[tilespmem:$0x1C880] =	vst v63  }
0x233: {  	s16 =	sadd.s32 $0x70, s16;
	s29 =	simm.s32 $0xE00  }
0x234: {  	[tilespmem:s29], [sflag:$0x1] =	stream.linear.gather [hbm4b:s16+s4], $0x80, $0x38;
	[tilespmem:$0x1C880] =	vst v63  }
0x235: {  	s18 =	simm.s32 $0x2000;
	s16 =	sadd.s32 s2, s15  }
0x236: {  	[tilespmem:s18], [sflag:$0x1] =	stream.linear.gather [hbm4b:s16+s4], $0x80, $0x38;
	[tilespmem:$0x1C880] =	vst v63  }
0x237: {  	s29 =	simm.s32 $0x2200;
	s20 =	sadd.s32 $0x10, s16  }
0x238: {  	[tilespmem:s29], [sflag:$0x1] =	stream.linear.gather [hbm4b:s20+s4], $0x80, $0x38;
	[tilespmem:$0x1C880] =	vst v63  }
0x239: {  	s20 =	sadd.s32 $0x20, s16;
	s29 =	simm.s32 $0x2400  }
0x23a: {  	[tilespmem:s29], [sflag:$0x1] =	stream.linear.gather [hbm4b:s20+s4], $0x80, $0x38;
	[tilespmem:$0x1C880] =	vst v63  }
0x23b: {  	s20 =	sadd.s32 $0x30, s16;
	s29 =	simm.s32 $0x2600  }
0x23c: {  	[tilespmem:s29], [sflag:$0x1] =	stream.linear.gather [hbm4b:s20+s4], $0x80, $0x38;
	[tilespmem:$0x1C880] =	vst v63  }
0x23d: {  	s20 =	sadd.s32 $0x40, s16;
	s29 =	simm.s32 $0x2800  }
0x23e: {  	[tilespmem:s29], [sflag:$0x1] =	stream.linear.gather [hbm4b:s20+s4], $0x80, $0x38;
	[tilespmem:$0x1C880] =	vst v63  }
0x23f: {  	s20 =	sadd.s32 $0x50, s16;
	s29 =	simm.s32 $0x2A00  }
0x240: {  	[tilespmem:s29], [sflag:$0x1] =	stream.linear.gather [hbm4b:s20+s4], $0x80, $0x38;
	[tilespmem:$0x1C880] =	vst v63  }
0x241: {  	s18 =	sadd.s32 $0x60, s16;
	s20 =	simm.s32 $0x2C00  }
0x242: {  	[tilespmem:s20], [sflag:$0x1] =	stream.linear.gather [hbm4b:s18+s4], $0x80, $0x38;
	[tilespmem:$0x1C880] =	vst v63  }
0x243: {  	s15 =	sor.u32 $0x80, s15;
	s16 =	sadd.s32 $0x70, s16;
	s29 =	simm.s32 $0x2E00  }
0x244: {  	[tilespmem:s29], [sflag:$0x1] =	stream.linear.gather [hbm4b:s16+s4], $0x80, $0x38;
	[tilespmem:$0x1C880] =	vst v63  }
0x245: {  	s18 =	simm.s32 $0x1000;
	s16 =	sadd.s32 s1, s15  }
0x246: {  	[tilespmem:s18], [sflag:$0x1] =	stream.linear.gather [hbm4b:s16+s4], $0x80, $0x38;
	[tilespmem:$0x1C880] =	vst v63  }
0x247: {  	s29 =	simm.s32 $0x1200;
	s20 =	sadd.s32 $0x10, s16  }
0x248: {  	[tilespmem:s29], [sflag:$0x1] =	stream.linear.gather [hbm4b:s20+s4], $0x80, $0x38;
	[tilespmem:$0x1C880] =	vst v63  }
0x249: {  	s20 =	sadd.s32 $0x20, s16;
	s29 =	simm.s32 $0x1400  }
0x24a: {  	[tilespmem:s29], [sflag:$0x1] =	stream.linear.gather [hbm4b:s20+s4], $0x80, $0x38;
	[tilespmem:$0x1C880] =	vst v63  }
0x24b: {  	s20 =	sadd.s32 $0x30, s16;
	s29 =	simm.s32 $0x1600  }
0x24c: {  	[tilespmem:s29], [sflag:$0x1] =	stream.linear.gather [hbm4b:s20+s4], $0x80, $0x38;
	[tilespmem:$0x1C880] =	vst v63  }
0x24d: {  	s20 =	sadd.s32 $0x40, s16;
	s29 =	simm.s32 $0x1800  }
0x24e: {  	[tilespmem:s29], [sflag:$0x1] =	stream.linear.gather [hbm4b:s20+s4], $0x80, $0x38;
	[tilespmem:$0x1C880] =	vst v63  }
0x24f: {  	s20 =	sadd.s32 $0x50, s16;
	s29 =	simm.s32 $0x1A00  }
0x250: {  	[tilespmem:s29], [sflag:$0x1] =	stream.linear.gather [hbm4b:s20+s4], $0x80, $0x38;
	[tilespmem:$0x1C880] =	vst v63  }
0x251: {  	s18 =	sadd.s32 $0x60, s16;
	s20 =	simm.s32 $0x1C00  }
0x252: {  	[tilespmem:s20], [sflag:$0x1] =	stream.linear.gather [hbm4b:s18+s4], $0x80, $0x38;
	[tilespmem:$0x1C880] =	vst v63  }
0x253: {  	s16 =	sadd.s32 $0x70, s16;
	s29 =	simm.s32 $0x1E00  }
0x254: {  	[tilespmem:s29], [sflag:$0x1] =	stream.linear.gather [hbm4b:s16+s4], $0x80, $0x38;
	[tilespmem:$0x1C880] =	vst v63  }
0x255: {  	s15 =	sadd.s32 s2, s15;
	s18 =	simm.s32 $0x3000  }
0x256: {  	[tilespmem:s18], [sflag:$0x1] =	stream.linear.gather [hbm4b:s15+s4], $0x80, $0x38;
	[tilespmem:$0x1C880] =	vst v63  }
0x257: {  	s20 =	sadd.s32 $0x10, s15;
	s29 =	simm.s32 $0x3200  }
0x258: {  	[tilespmem:s29], [sflag:$0x1] =	stream.linear.gather [hbm4b:s20+s4], $0x80, $0x38;
	[tilespmem:$0x1C880] =	vst v63  }
0x259: {  	s17 =	sadd.s32 $0x20, s15;
	s18 =	simm.s32 $0x3400  }
0x25a: {  	[tilespmem:s18], [sflag:$0x1] =	stream.linear.gather [hbm4b:s17+s4], $0x80, $0x38;
	[tilespmem:$0x1C880] =	vst v63  }
0x25b: {  	s20 =	sadd.s32 $0x30, s15;
	s29 =	simm.s32 $0x3600  }
0x25c: {  	[tilespmem:s29], [sflag:$0x1] =	stream.linear.gather [hbm4b:s20+s4], $0x80, $0x38;
	[tilespmem:$0x1C880] =	vst v63  }
0x25d: {  	s17 =	sadd.s32 $0x40, s15;
	s18 =	simm.s32 $0x3800  }
0x25e: {  	[tilespmem:s18], [sflag:$0x1] =	stream.linear.gather [hbm4b:s17+s4], $0x80, $0x38;
	[tilespmem:$0x1C880] =	vst v63  }
0x25f: {  	s20 =	sadd.s32 $0x50, s15;
	s29 =	simm.s32 $0x3A00  }
0x260: {  	[tilespmem:s29], [sflag:$0x1] =	stream.linear.gather [hbm4b:s20+s4], $0x80, $0x38;
	[tilespmem:$0x1C880] =	vst v63  }
0x261: {  	s18 =	sadd.s32 $0x60, s15;
	s20 =	simm.s32 $0x3C00  }
0x262: {  	[tilespmem:s20], [sflag:$0x1] =	stream.linear.gather [hbm4b:s18+s4], $0x80, $0x38;
	[tilespmem:$0x1C880] =	vst v63  }
0x263: {  	s15 =	sadd.s32 $0x70, s15;
	s29 =	simm.s32 $0x3E00  }
0x264: {  	[tilespmem:s29], [sflag:$0x1] =	stream.linear.gather [hbm4b:s15+s4], $0x80, $0x38;
	[tilespmem:$0x1C880] =	vst v63  }
.LBB2_8:
0x265: {  	s15 =	simm.s32 $0x0  }
0x266: {  	s16 =	sand.u32 $0x40, s15;
	s15 =	sand.u32 $0x1E00, s15  }
0x267: {  	s15 =	sor.u32 s16, s15  }
0x268: {  	v3 =	vld [tilespmem:s15+$0x20B0]  }
0x269: {  	v4 =	vld [tilespmem:s15+$0x2080]  }
0x26a: {  	v5 =	vld [tilespmem:s15+$0x2090];
	_ =	sdelay $0x1  }
0x26b: {  	v6 =	vld [tilespmem:s15+$0x20A0];
	_ =	sdelay $0x1  }
0x26c: {  	v9 =	vld [tilespmem:s15+$0xB0];
	v7 =	vcvt.s32.f32 v3;
	v8 =	vcvt.s32.f32 v4  }
0x26d: {  	v10 =	vld [tilespmem:s15+$0x80];
	v11 =	vcvt.s32.f32 v5  }
0x26e: {  	v12 =	vld [tilespmem:s15+$0x90];
	v7 =	vadd.f32 v7, v7;
	v8 =	vadd.f32 v8, v8  }
0x26f: {  	v13 =	vcvt.s32.f32 v6;
	v11 =	vadd.f32 v11, v11  }
0x270: {  	v14 =	vld [tilespmem:s15+$0xA0];
	v7 =	vadd.f32 $-1.000000000e+00, v7;
	v8 =	vadd.f32 $-1.000000000e+00, v8  }
0x271: {  	v13 =	vadd.f32 v13, v13;
	v11 =	vadd.f32 $-1.000000000e+00, v11  }
0x272: {  	v7 =	vmul.f32 v7, v9;
	v8 =	vmul.f32 v8, v10  }
0x273: {  	v9 =	vadd.f32 $-1.000000000e+00, v13;
	v10 =	vshll.u32 v4, $0xE;
	v4 =	vmul.f32 v11, v12  }
0x274: {  	v3 =	vshll.u32 v3, $0xE;
	v7 =	vsub.f32 $1.000000000e+00, v7;
	v8 =	vsub.f32 $1.000000000e+00, v8  }
0x275: {  	v12 =	vshll.u32 v5, $0xE;
	v9 =	vmul.f32 v9, v14;
	v4 =	vsub.f32 $1.000000000e+00, v4  }
0x276: {  	v13 =	vshll.u32 v6, $0xE;
	v5 =	vmul.f32 $1.442695020e+00, v7;
	v6 =	vmul.f32 $1.442695020e+00, v8  }
0x277: {  	v9 =	vsub.f32 $1.000000000e+00, v9;
	v11 =	vshra.s32 v8, $0x1F;
	v14 =	vmul.f32 $1.442695020e+00, v4  }
0x278: {  	v15 =	vshra.s32 v7, $0x1F;
	v17 =	vadd.f32 $1.000000000e+00, v8;
	v18 =	vadd.f32 $1.000000000e+00, v7  }
0x279: {  	v20 =	vadd.f32 $1.000000000e+00, v4;
	v15 =	vor.u32 $0x80000000, v15;
	(erf) = vpow2.f32 v5  }
0x27a: {  	s20 =	simm.s32 $0x100;
	s29 =	simm.s32 $0x40;
	v5 =	vmul.f32 $1.442695020e+00, v9;
	v15 =	vxor.u32 v7, v15;
	(erf) = vpow2.f32 v6  }
0x27b: {  	s16 =	sand.u32 $0x40, s29;
	s15 =	sand.u32 $0x1E00, s20;
	v15 =	vshrl.u32 v15, $0x1;
	(erf) = vpow2.f32 v14;
	v14 =	vshra.s32 v9, $0x1F  }
0x27c: {  	s15 =	sor.u32 s16, s15;
	(erf) = vpow2.f32 v5;
	v5 =	vor.u32 $0x80000000, v11;
	v11 =	vshrl.u32 v15, $0x11  }
0x27d: {  	vm0 =	vgt.f32 v7, $0.0e+00;
	v14 =	vor.u32 $0x80000000, v14;
	v15 =	vor.u32 v11, v3;
	v3 =	vld [tilespmem:s15+$0x20B0]  }
0x27e: {  	vm15 =	vgt.f32 v8, $0.0e+00;
	v5 =	vxor.u32 v8, v5;
	v11 =	vxor.u32 v9, v14;
	v14 =	vld [tilespmem:s15+$0x2080]  }
0x27f: {  	v16 =	vld [tilespmem:s15+$0x2090];
	vm1 =	vgt.f32 v4, $0.0e+00;
	v6 =	vshra.s32 v4, $0x1F;
	v5 =	vshrl.u32 v5, $0x1  }
0x280: {  	v21 =	vadd.f32 $1.000000000e+00, v9;
	v6 =	vor.u32 $0x80000000, v6;
	v19 =	vshrl.u32 v5, $0x11;
	v5 =	vld [tilespmem:s15+$0x20A0]  }
0x281: {  	vm2 =	vgt.f32 v9, $0.0e+00;
	v6 =	vxor.u32 v4, v6;
	v11 =	vshrl.u32 v11, $0x1  }
0x282: {  	v6 =	vshrl.u32 v6, $0x1;
	v23 =	vshrl.u32 v11, $0x11;
	v11 =	vcvt.s32.f32 v3  }
0x283: {  	v22 =	vshrl.u32 v6, $0x11;
	v7 =	vpop (erf);
	v8 =	vcvt.s32.f32 v14;
	v6 =	vshll.u32 v14, $0xE;
	v14 =	vld [tilespmem:s15+$0xB0]  }
0x284: {  	v9 =	vld [tilespmem:s15+$0x80];
	v7 =	vsel vm0, v18, v7;
	v18 =	vcvt.s32.f32 v16;
	v11 =	vadd.f32 v11, v11  }
0x285: {  	v4 =	vshll.u32 v16, $0xE;
	v16 =	vld [tilespmem:s15+$0x90];
	v8 =	vadd.f32 v8, v8;
	v25 =	vcvt.s32.f32 v5  }
0x286: {  	v26 =	vld [tilespmem:s15+$0xA0];
	v19 =	vor.u32 v19, v10;
	v24 =	vpop (erf);
	v18 =	vadd.f32 v18, v18;
	v11 =	vadd.f32 $-1.000000000e+00, v11  }
0x287: {  	v17 =	vsel vm15, v17, v24;
	v8 =	vadd.f32 $-1.000000000e+00, v8;
	v25 =	vadd.f32 v25, v25  }
0x288: {  	v61 =	vpop (erf);
	v5 =	vshll.u32 v5, $0xE;
	v18 =	vadd.f32 $-1.000000000e+00, v18;
	v14 =	vmul.f32 v11, v14  }
0x289: {  	v20 =	vsel vm1, v20, v61;
	v8 =	vmul.f32 v8, v9;
	v9 =	vadd.f32 $-1.000000000e+00, v25  }
0x28a: {  	v16 =	vmul.f32 v18, v16;
	v18 =	vor.u32 v22, v12;
	v10 =	vsub.f32 $1.000000000e+00, v14  }
0x28b: {  	v12 =	vor.u32 v23, v13;
	v11 =	vpop (erf);
	v8 =	vsub.f32 $1.000000000e+00, v8;
	v14 =	vmul.f32 v9, v26  }
0x28c: {  	[tilespmem:v15+s28+$0x0] =	vst.idx.add.f32.msk $0xffff, v1;
	v11 =	vsel vm2, v21, v11;
	v9 =	vsub.f32 $1.000000000e+00, v16;
	v16 =	vmul.f32 $1.442695020e+00, v10  }
0x28d: {  	[tilespmem:v15+s7+$0x0] =	vst.idx.add.f32.msk $0xffff, v7;
	v15 =	vmul.f32 $1.442695020e+00, v8;
	v13 =	vshra.s32 v8, $0x1F;
	v7 =	vsub.f32 $1.000000000e+00, v14  }
0x28e: {  	[tilespmem:v19+s28+$0x0] =	vst.idx.add.f32.msk $0xffff, v1;
	v14 =	vshra.s32 v10, $0x1F;
	v62 =	vmul.f32 $1.442695020e+00, v9;
	(erf) = vpow2.f32 v16  }
0x28f: {  	[tilespmem:v19+s7+$0x0] =	vst.idx.add.f32.msk $0xffff, v17;
	v63 =	vmul.f32 $1.442695020e+00, v7;
	v16 =	vor.u32 $0x80000000, v14;
	(erf) = vpow2.f32 v15  }
0x290: {  	v14 =	vshra.s32 v9, $0x1F;
	[tilespmem:v18+s28+$0x0] =	vst.idx.add.f32.msk $0xffff, v1;
	v16 =	vxor.u32 v10, v16;
	(erf) = vpow2.f32 v62  }
0x291: {  	s17 =	simm.s32 $0x80;
	s16 =	simm.s32 $0x200;
	s15 =	simm.s32 $0x4;
	v15 =	vshra.s32 v7, $0x1F;
	[tilespmem:v18+s7+$0x0] =	vst.idx.add.f32.msk $0xffff, v20;
	v16 =	vshrl.u32 v16, $0x1;
	(erf) = vpow2.f32 v63  }
.LBB2_9:
0x292: {  	s18 =	sand.u32 $0x40, s17;
	s20 =	sand.u32 $0x1E00, s16;
	s15 =	sadd.s32 $0x4, s15;
	v13 =	vor.u32 $0x80000000, v13;
	v16 =	vshrl.u32 v16, $0x11;
	v3 =	vshll.u32 v3, $0xE;
	[tilespmem:v12+s28+$0x0] =	vst.idx.add.f32.msk $0xffff, v1  }
0x293: {  	v14 =	vor.u32 $0x80000000, v14;
	v15 =	vor.u32 $0x80000000, v15;
	s18 =	sor.u32 s18, s20;
	p2 =	slt.u32 s15, $0x7C;
	v16 =	vor.u32 v16, v3;
	[tilespmem:v12+s7+$0x0] =	vst.idx.add.f32.msk $0xffff, v11  }
0x294: {  	v11 =	vxor.u32 v8, v13;
	v12 =	vxor.u32 v9, v14;
	v13 =	vxor.u32 v7, v15;
	v3 =	vld [tilespmem:s18+$0x20B0]  }
0x295: {  	v11 =	vshrl.u32 v11, $0x1;
	v12 =	vshrl.u32 v12, $0x1;
	v13 =	vshrl.u32 v13, $0x1;
	v14 =	vld [tilespmem:s18+$0x2080]  }
0x296: {  	v17 =	vadd.f32 $1.000000000e+00, v8;
	v22 =	vadd.f32 $1.000000000e+00, v10;
	v18 =	vshrl.u32 v11, $0x11;
	v15 =	vld [tilespmem:s18+$0x2090]  }
0x297: {  	v20 =	vadd.f32 $1.000000000e+00, v9;
	v21 =	vadd.f32 $1.000000000e+00, v7;
	vm0 =	vgt.f32 v10, $0.0e+00;
	v19 =	vld [tilespmem:s18+$0x20A0];
	v10 =	vpop (erf)  }
0x298: {  	v12 =	vshrl.u32 v12, $0x11;
	v13 =	vshrl.u32 v13, $0x11;
	v10 =	vsel vm0, v22, v10;
	[tilespmem:v16+s28+$0x0] =	vst.idx.add.f32.msk $0xffff, v1;
	v11 =	vpop (erf)  }
0x299: {  	vm1 =	vgt.f32 v9, $0.0e+00;
	vm0 =	vgt.f32 v8, $0.0e+00;
	v22 =	vcvt.s32.f32 v3;
	[tilespmem:v16+s7+$0x0] =	vst.idx.add.f32.msk $0xffff, v10;
	v8 =	vpop (erf)  }
0x29a: {  	vm2 =	vgt.f32 v7, $0.0e+00;
	v9 =	vcvt.s32.f32 v14;
	v10 =	vshll.u32 v14, $0xE;
	v14 =	vld [tilespmem:s18+$0xB0];
	v7 =	vpop (erf)  }
0x29b: {  	v16 =	vld [tilespmem:s18+$0x80];
	v23 =	vcvt.s32.f32 v15;
	v15 =	vshll.u32 v15, $0xE;
	v22 =	vadd.f32 v22, v22  }
0x29c: {  	v9 =	vadd.f32 v9, v9;
	v24 =	vld [tilespmem:s18+$0x90];
	v25 =	vcvt.s32.f32 v19;
	v19 =	vshll.u32 v19, $0xE  }
0x29d: {  	v17 =	vsel vm0, v17, v11;
	v23 =	vadd.f32 v23, v23;
	v26 =	vld [tilespmem:s18+$0xA0];
	v22 =	vadd.f32 $-1.000000000e+00, v22  }
0x29e: {  	v20 =	vsel vm1, v20, v8;
	v9 =	vadd.f32 $-1.000000000e+00, v9;
	v25 =	vadd.f32 v25, v25  }
0x29f: {  	v11 =	vsel vm2, v21, v7;
	v8 =	vadd.f32 $-1.000000000e+00, v23;
	v14 =	vmul.f32 v22, v14  }
0x2a0: {  	v7 =	vmul.f32 v9, v16;
	v9 =	vadd.f32 $-1.000000000e+00, v25;
	v16 =	vor.u32 v18, v6;
	v6 =	vmovc v10  }
0x2a1: {  	v21 =	vor.u32 v12, v4;
	v4 =	vmovc v15;
	v18 =	vmul.f32 v8, v24;
	v10 =	vsub.f32 $1.000000000e+00, v14  }
0x2a2: {  	v12 =	vor.u32 v13, v5;
	v5 =	vmovc v19;
	v8 =	vsub.f32 $1.000000000e+00, v7;
	v7 =	vmul.f32 v9, v26  }
0x2a3: {  	v9 =	vsub.f32 $1.000000000e+00, v18;
	v14 =	vmul.f32 $1.442695020e+00, v10  }
.Ltmp5:
0x2a4: {  	v15 =	vmul.f32 $1.442695020e+00, v8;
	v13 =	vshra.s32 v8, $0x1F;
	v7 =	vsub.f32 $1.000000000e+00, v7;
	(pc) =	sbr.rel @p2 .LBB2_9-.Ltmp5, $4  }
0x2a5: {  	v19 =	vshra.s32 v10, $0x1F;
	v18 =	vmul.f32 $1.442695020e+00, v9;
	(erf) = vpow2.f32 v14;
	[tilespmem:v16+s28+$0x0] =	vst.idx.add.f32.msk $0xffff, v1  }
0x2a6: {  	v19 =	vor.u32 $0x80000000, v19;
	v22 =	vmul.f32 $1.442695020e+00, v7;
	(erf) = vpow2.f32 v15;
	[tilespmem:v16+s7+$0x0] =	vst.idx.add.f32.msk $0xffff, v17  }
0x2a7: {  	v14 =	vshra.s32 v9, $0x1F;
	v16 =	vxor.u32 v10, v19;
	(erf) = vpow2.f32 v18;
	[tilespmem:v21+s28+$0x0] =	vst.idx.add.f32.msk $0xffff, v1  }
0x2a8: {  	s16 =	sadd.s32 $0x100, s16;
	s17 =	sadd.s32 $0x40, s17;
	v15 =	vshra.s32 v7, $0x1F;
	v16 =	vshrl.u32 v16, $0x1;
	(erf) = vpow2.f32 v22;
	[tilespmem:v21+s7+$0x0] =	vst.idx.add.f32.msk $0xffff, v20  }
0x2a9: {  	v13 =	vor.u32 $0x80000000, v13;
	v16 =	vshrl.u32 v16, $0x11  }
0x2aa: {  	v3 =	vshll.u32 v3, $0xE;
	v14 =	vor.u32 $0x80000000, v14;
	v13 =	vxor.u32 v8, v13  }
0x2ab: {  	v3 =	vor.u32 v16, v3;
	v14 =	vxor.u32 v9, v14;
	v13 =	vshrl.u32 v13, $0x1  }
0x2ac: {  	v14 =	vshrl.u32 v14, $0x1;
	v13 =	vshrl.u32 v13, $0x11  }
0x2ad: {  	v15 =	vor.u32 $0x80000000, v15;
	v14 =	vshrl.u32 v14, $0x11;
	v6 =	vor.u32 v13, v6  }
0x2ae: {  	[tilespmem:v12+s28+$0x0] =	vst.idx.add.f32.msk $0xffff, v1;
	v54 =	vadd.f32 $1.000000000e+00, v10;
	v53 =	vxor.u32 v7, v15;
	v4 =	vor.u32 v14, v4  }
0x2af: {  	vm0 =	vgt.f32 v10, $0.0e+00;
	[tilespmem:v12+s7+$0x0] =	vst.idx.add.f32.msk $0xffff, v11;
	v55 =	vshrl.u32 v53, $0x1;
	v56 =	vpop (erf)  }
0x2b0: {  	v11 =	vshrl.u32 v55, $0x11;
	v10 =	vsel vm0, v54, v56;
	[tilespmem:v3+s28+$0x0] =	vst.idx.add.f32.msk $0xffff, v1  }
0x2b1: {  	v57 =	vadd.f32 $1.000000000e+00, v8;
	[tilespmem:v3+s7+$0x0] =	vst.idx.add.f32.msk $0xffff, v10;
	v3 =	vor.u32 v11, v5  }
0x2b2: {  	vm13 =	vgt.f32 v8, $0.0e+00;
	v59 =	vadd.f32 $1.000000000e+00, v9;
	v58 =	vpop (erf);
	[tilespmem:v6+s28+$0x0] =	vst.idx.add.f32.msk $0xffff, v1  }
0x2b3: {  	vm14 =	vgt.f32 v9, $0.0e+00;
	v8 =	vsel vm13, v57, v58;
	v60 =	vpop (erf);
	[tilespmem:v4+s28+$0x0] =	vst.idx.add.f32.msk $0xffff, v1  }
0x2b4: {  	v61 =	vadd.f32 $1.000000000e+00, v7;
	v5 =	vsel vm14, v59, v60;
	[tilespmem:v6+s7+$0x0] =	vst.idx.add.f32.msk $0xffff, v8  }
0x2b5: {  	vm15 =	vgt.f32 v7, $0.0e+00;
	v62 =	vpop (erf);
	[tilespmem:v4+s7+$0x0] =	vst.idx.add.f32.msk $0xffff, v5  }
0x2b6: {  	v63 =	vsel vm15, v61, v62;
	[tilespmem:v3+s28+$0x0] =	vst.idx.add.f32.msk $0xffff, v1  }
0x2b7: {  	[tilespmem:v3+s7+$0x0] =	vst.idx.add.f32.msk $0xffff, v63  }
0x2b8: {  	_ =	swait.ge [sflag:s9], $0x400  }
0x2b9: {  	[sflag:s9] =	ssyncset.done $0x0  }
0x2ba: {  	[sflag:s9] =	ssyncadd.s32 $0xFFFFFC00  }
0x2bb: {  	_ =	swait.ge [sflag:s9], $0x400  }
0x2bc: {  	[sflag:s9] =	ssyncset.done $0x0  }
0x2bd: {  	[sflag:s9] =	ssyncadd.s32 $0xFFFFFC00  }
0x2be: {  	_ =	swait.ge [sflag:s9], $0x400  }
.Ltmp6:
0x2bf: {  	[sflag:s9] =	ssyncset.done $0x0;
	(pc) =	sbr.rel @p1 .LBB2_12-.Ltmp6, $4  }
0x2c0: {  	[sflag:s9] =	ssyncadd.s32 $0xFFFFFC00  }
0x2c1: {  	_ =	swait.ge [sflag:s9], $0x400  }
0x2c2: {  	[sflag:s9] =	ssyncset.done $0x0  }
0x2c3: {  	[sflag:s9] =	ssyncadd.s32 $0xFFFFFC00  }
0x2c4: {  	s15 =	rddreg [dreg:$0x13]  }
0x2c5: {  	s15 =	sadd.s32 s14, s15  }
0x2c6: {  	s15 =	sshrl.u32 s15, $0x3  }
0x2c7: {  	s17 =	simm.s32 $0x80;
	s16 =	sadd.s32 s1, s15  }
0x2c8: {  	[tilespmem:s17], [sflag:$0x2] =	stream.linear.gather [hbm4b:s16+s4], $0x80, $0x38;
	[tilespmem:$0x1C880] =	vst v63  }
0x2c9: {  	s18 =	simm.s32 $0x280;
	s29 =	sadd.s32 $0x10, s16  }
0x2ca: {  	[tilespmem:s18], [sflag:$0x2] =	stream.linear.gather [hbm4b:s29+s4], $0x80, $0x38;
	[tilespmem:$0x1C880] =	vst v63  }
0x2cb: {  	s20 =	sadd.s32 $0x20, s16;
	s29 =	simm.s32 $0x480  }
0x2cc: {  	[tilespmem:s29], [sflag:$0x2] =	stream.linear.gather [hbm4b:s20+s4], $0x80, $0x38;
	[tilespmem:$0x1C880] =	vst v63  }
0x2cd: {  	s20 =	sadd.s32 $0x30, s16;
	s29 =	simm.s32 $0x680  }
0x2ce: {  	[tilespmem:s29], [sflag:$0x2] =	stream.linear.gather [hbm4b:s20+s4], $0x80, $0x38;
	[tilespmem:$0x1C880] =	vst v63  }
0x2cf: {  	s20 =	sadd.s32 $0x40, s16;
	s29 =	simm.s32 $0x880  }
0x2d0: {  	[tilespmem:s29], [sflag:$0x2] =	stream.linear.gather [hbm4b:s20+s4], $0x80, $0x38;
	[tilespmem:$0x1C880] =	vst v63  }
0x2d1: {  	s20 =	sadd.s32 $0x50, s16;
	s29 =	simm.s32 $0xA80  }
0x2d2: {  	[tilespmem:s29], [sflag:$0x2] =	stream.linear.gather [hbm4b:s20+s4], $0x80, $0x38;
	[tilespmem:$0x1C880] =	vst v63  }
0x2d3: {  	s18 =	sadd.s32 $0x60, s16;
	s20 =	simm.s32 $0xC80  }
0x2d4: {  	[tilespmem:s20], [sflag:$0x2] =	stream.linear.gather [hbm4b:s18+s4], $0x80, $0x38;
	[tilespmem:$0x1C880] =	vst v63  }
0x2d5: {  	s16 =	sadd.s32 $0x70, s16;
	s29 =	simm.s32 $0xE80  }
0x2d6: {  	[tilespmem:s29], [sflag:$0x2] =	stream.linear.gather [hbm4b:s16+s4], $0x80, $0x38;
	[tilespmem:$0x1C880] =	vst v63  }
0x2d7: {  	s18 =	simm.s32 $0x2080;
	s16 =	sadd.s32 s2, s15  }
0x2d8: {  	[tilespmem:s18], [sflag:$0x2] =	stream.linear.gather [hbm4b:s16+s4], $0x80, $0x38;
	[tilespmem:$0x1C880] =	vst v63  }
0x2d9: {  	s29 =	simm.s32 $0x2280;
	s20 =	sadd.s32 $0x10, s16  }
0x2da: {  	[tilespmem:s29], [sflag:$0x2] =	stream.linear.gather [hbm4b:s20+s4], $0x80, $0x38;
	[tilespmem:$0x1C880] =	vst v63  }
0x2db: {  	s20 =	sadd.s32 $0x20, s16;
	s29 =	simm.s32 $0x2480  }
0x2dc: {  	[tilespmem:s29], [sflag:$0x2] =	stream.linear.gather [hbm4b:s20+s4], $0x80, $0x38;
	[tilespmem:$0x1C880] =	vst v63  }
0x2dd: {  	s20 =	sadd.s32 $0x30, s16;
	s29 =	simm.s32 $0x2680  }
0x2de: {  	[tilespmem:s29], [sflag:$0x2] =	stream.linear.gather [hbm4b:s20+s4], $0x80, $0x38;
	[tilespmem:$0x1C880] =	vst v63  }
0x2df: {  	s20 =	sadd.s32 $0x40, s16;
	s29 =	simm.s32 $0x2880  }
0x2e0: {  	[tilespmem:s29], [sflag:$0x2] =	stream.linear.gather [hbm4b:s20+s4], $0x80, $0x38;
	[tilespmem:$0x1C880] =	vst v63  }
0x2e1: {  	s20 =	sadd.s32 $0x50, s16;
	s29 =	simm.s32 $0x2A80  }
0x2e2: {  	[tilespmem:s29], [sflag:$0x2] =	stream.linear.gather [hbm4b:s20+s4], $0x80, $0x38;
	[tilespmem:$0x1C880] =	vst v63  }
0x2e3: {  	s18 =	sadd.s32 $0x60, s16;
	s20 =	simm.s32 $0x2C80  }
0x2e4: {  	[tilespmem:s20], [sflag:$0x2] =	stream.linear.gather [hbm4b:s18+s4], $0x80, $0x38;
	[tilespmem:$0x1C880] =	vst v63  }
0x2e5: {  	s15 =	sor.u32 $0x80, s15;
	s16 =	sadd.s32 $0x70, s16;
	s29 =	simm.s32 $0x2E80  }
0x2e6: {  	[tilespmem:s29], [sflag:$0x2] =	stream.linear.gather [hbm4b:s16+s4], $0x80, $0x38;
	[tilespmem:$0x1C880] =	vst v63  }
0x2e7: {  	s18 =	simm.s32 $0x1080;
	s16 =	sadd.s32 s1, s15  }
0x2e8: {  	[tilespmem:s18], [sflag:$0x2] =	stream.linear.gather [hbm4b:s16+s4], $0x80, $0x38;
	[tilespmem:$0x1C880] =	vst v63  }
0x2e9: {  	s29 =	simm.s32 $0x1280;
	s20 =	sadd.s32 $0x10, s16  }
0x2ea: {  	[tilespmem:s29], [sflag:$0x2] =	stream.linear.gather [hbm4b:s20+s4], $0x80, $0x38;
	[tilespmem:$0x1C880] =	vst v63  }
0x2eb: {  	s20 =	sadd.s32 $0x20, s16;
	s29 =	simm.s32 $0x1480  }
0x2ec: {  	[tilespmem:s29], [sflag:$0x2] =	stream.linear.gather [hbm4b:s20+s4], $0x80, $0x38;
	[tilespmem:$0x1C880] =	vst v63  }
0x2ed: {  	s20 =	sadd.s32 $0x30, s16;
	s29 =	simm.s32 $0x1680  }
0x2ee: {  	[tilespmem:s29], [sflag:$0x2] =	stream.linear.gather [hbm4b:s20+s4], $0x80, $0x38;
	[tilespmem:$0x1C880] =	vst v63  }
0x2ef: {  	s20 =	sadd.s32 $0x40, s16;
	s29 =	simm.s32 $0x1880  }
0x2f0: {  	[tilespmem:s29], [sflag:$0x2] =	stream.linear.gather [hbm4b:s20+s4], $0x80, $0x38;
	[tilespmem:$0x1C880] =	vst v63  }
0x2f1: {  	s20 =	sadd.s32 $0x50, s16;
	s29 =	simm.s32 $0x1A80  }
0x2f2: {  	[tilespmem:s29], [sflag:$0x2] =	stream.linear.gather [hbm4b:s20+s4], $0x80, $0x38;
	[tilespmem:$0x1C880] =	vst v63  }
0x2f3: {  	s18 =	sadd.s32 $0x60, s16;
	s20 =	simm.s32 $0x1C80  }
0x2f4: {  	[tilespmem:s20], [sflag:$0x2] =	stream.linear.gather [hbm4b:s18+s4], $0x80, $0x38;
	[tilespmem:$0x1C880] =	vst v63  }
0x2f5: {  	s16 =	sadd.s32 $0x70, s16;
	s29 =	simm.s32 $0x1E80  }
0x2f6: {  	[tilespmem:s29], [sflag:$0x2] =	stream.linear.gather [hbm4b:s16+s4], $0x80, $0x38;
	[tilespmem:$0x1C880] =	vst v63  }
0x2f7: {  	s15 =	sadd.s32 s2, s15;
	s18 =	simm.s32 $0x3080  }
0x2f8: {  	[tilespmem:s18], [sflag:$0x2] =	stream.linear.gather [hbm4b:s15+s4], $0x80, $0x38;
	[tilespmem:$0x1C880] =	vst v63  }
0x2f9: {  	s20 =	sadd.s32 $0x10, s15;
	s29 =	simm.s32 $0x3280  }
0x2fa: {  	[tilespmem:s29], [sflag:$0x2] =	stream.linear.gather [hbm4b:s20+s4], $0x80, $0x38;
	[tilespmem:$0x1C880] =	vst v63  }
0x2fb: {  	s17 =	sadd.s32 $0x20, s15;
	s18 =	simm.s32 $0x3480  }
0x2fc: {  	[tilespmem:s18], [sflag:$0x2] =	stream.linear.gather [hbm4b:s17+s4], $0x80, $0x38;
	[tilespmem:$0x1C880] =	vst v63  }
0x2fd: {  	s20 =	sadd.s32 $0x30, s15;
	s29 =	simm.s32 $0x3680  }
0x2fe: {  	[tilespmem:s29], [sflag:$0x2] =	stream.linear.gather [hbm4b:s20+s4], $0x80, $0x38;
	[tilespmem:$0x1C880] =	vst v63  }
0x2ff: {  	s17 =	sadd.s32 $0x40, s15;
	s18 =	simm.s32 $0x3880  }
0x300: {  	[tilespmem:s18], [sflag:$0x2] =	stream.linear.gather [hbm4b:s17+s4], $0x80, $0x38;
	[tilespmem:$0x1C880] =	vst v63  }
0x301: {  	s20 =	sadd.s32 $0x50, s15;
	s29 =	simm.s32 $0x3A80  }
0x302: {  	[tilespmem:s29], [sflag:$0x2] =	stream.linear.gather [hbm4b:s20+s4], $0x80, $0x38;
	[tilespmem:$0x1C880] =	vst v63  }
0x303: {  	s18 =	sadd.s32 $0x60, s15;
	s20 =	simm.s32 $0x3C80  }
0x304: {  	[tilespmem:s20], [sflag:$0x2] =	stream.linear.gather [hbm4b:s18+s4], $0x80, $0x38;
	[tilespmem:$0x1C880] =	vst v63  }
0x305: {  	s15 =	sadd.s32 $0x70, s15;
	s29 =	simm.s32 $0x3E80  }
0x306: {  	[tilespmem:s29], [sflag:$0x2] =	stream.linear.gather [hbm4b:s15+s4], $0x80, $0x38;
	[tilespmem:$0x1C880] =	vst v63  }
.LBB2_12:
0x307: {  	p2 =	por $0x0, $0x0;
	s15 =	simm.s32 $0x1  }
0x308: {  	s15 =	simm.s32 @!p2 $0x0  }
0x309: {  	s15 =	sshll.u32 s15, $0x6  }
0x30a: {  	s15 =	sadd.s32 $0x0, s15  }
0x30b: {  	s16 =	sor.u32 $0x130, s15  }
0x30c: {  	s17 =	sor.u32 $0x100, s15;
	v6 =	vld [tilespmem:s16+$0x2000]  }
0x30d: {  	s18 =	sor.u32 $0x120, s15;
	v7 =	vld [tilespmem:s17+$0x2000]  }
0x30e: {  	s15 =	sor.u32 $0x110, s15;
	v8 =	vld [tilespmem:s18+$0x2000]  }
0x30f: {  	v5 =	vld [tilespmem:s15+$0x2000];
	_ =	sdelay $0x2  }
0x310: {  	p2 =	por !p2, !p2;
	v14 =	vld [tilespmem:s15+$0x0];
	s15 =	simm.s32 $0x1  }
0x311: {  	v9 =	vld [tilespmem:s16+$0x0];
	s15 =	simm.s32 @!p2 $0x0;
	v3 =	vcvt.s32.f32 v6;
	v4 =	vcvt.s32.f32 v7  }
0x312: {  	v10 =	vld [tilespmem:s17+$0x0];
	s15 =	sshll.u32 s15, $0x6;
	v11 =	vcvt.s32.f32 v8;
	v13 =	vcvt.s32.f32 v5  }
0x313: {  	v12 =	vld [tilespmem:s18+$0x0];
	s15 =	sadd.s32 $0x100, s15;
	v3 =	vadd.f32 v3, v3;
	v4 =	vadd.f32 v4, v4  }
0x314: {  	s29 =	sor.u32 $0x100, s15;
	v11 =	vadd.f32 v11, v11;
	v13 =	vadd.f32 v13, v13  }
0x315: {  	v18 =	vshll.u32 v5, $0xE;
	v5 =	vld [tilespmem:s29+$0x2000];
	v3 =	vadd.f32 $-1.000000000e+00, v3;
	v4 =	vadd.f32 $-1.000000000e+00, v4  }
0x316: {  	v11 =	vadd.f32 $-1.000000000e+00, v11  }
0x317: {  	v3 =	vmul.f32 v3, v9;
	v9 =	vadd.f32 $-1.000000000e+00, v13;
	v4 =	vmul.f32 v4, v10  }
0x318: {  	s18 =	sor.u32 $0x130, s15;
	s20 =	sor.u32 $0x120, s15;
	s15 =	sor.u32 $0x110, s15;
	v19 =	vshll.u32 v6, $0xE;
	v10 =	vmul.f32 v11, v12  }
0x319: {  	v6 =	vld [tilespmem:s15+$0x2000];
	v11 =	vsub.f32 $1.000000000e+00, v3;
	v3 =	vmul.f32 v9, v14;
	v9 =	vsub.f32 $1.000000000e+00, v4  }
0x31a: {  	v7 =	vshll.u32 v7, $0xE;
	v61 =	vcvt.s32.f32 v5;
	v10 =	vsub.f32 $1.000000000e+00, v10  }
0x31b: {  	v4 =	vmul.f32 $1.442695020e+00, v11;
	v12 =	vsub.f32 $1.000000000e+00, v3;
	v3 =	vshra.s32 v9, $0x1F  }
0x31c: {  	v14 =	vshra.s32 v10, $0x1F;
	v15 =	vshra.s32 v11, $0x1F;
	v3 =	vor.u32 $0x80000000, v3  }
0x31d: {  	(erf) = vpow2.f32 v4;
	v4 =	vor.u32 $0x80000000, v14;
	v14 =	vmul.f32 $1.442695020e+00, v12  }
0x31e: {  	v25 =	vcvt.s32.f32 v6;
	v15 =	vor.u32 $0x80000000, v15;
	v3 =	vxor.u32 v9, v3  }
0x31f: {  	v16 =	vshra.s32 v12, $0x1F;
	v4 =	vxor.u32 v10, v4;
	(erf) = vpow2.f32 v14  }
0x320: {  	v15 =	vxor.u32 v11, v15;
	v3 =	vshrl.u32 v3, $0x1;
	v4 =	vshrl.u32 v4, $0x1  }
0x321: {  	v14 =	vshrl.u32 v3, $0x11;
	v3 =	vor.u32 $0x80000000, v16;
	v16 =	vshrl.u32 v4, $0x11;
	v4 =	vld [tilespmem:s18+$0x2000]  }
0x322: {  	v62 =	vadd.f32 v25, v25;
	v15 =	vshrl.u32 v15, $0x1;
	v17 =	vxor.u32 v12, v3;
	v3 =	vld [tilespmem:s20+$0x2000]  }
0x323: {  	v13 =	vmul.f32 $1.442695020e+00, v10;
	v15 =	vshrl.u32 v15, $0x11;
	v17 =	vshrl.u32 v17, $0x1  }
0x324: {  	v20 =	vmul.f32 $1.442695020e+00, v9;
	vm0 =	vgt.f32 v11, $0.0e+00;
	v17 =	vshrl.u32 v17, $0x11  }
0x325: {  	v14 =	vor.u32 v14, v7;
	v17 =	vor.u32 v17, v18;
	v18 =	vadd.f32 $1.000000000e+00, v11  }
0x326: {  	v23 =	vld [tilespmem:s18+$0x0];
	v11 =	vor.u32 v15, v19;
	v19 =	vcvt.s32.f32 v4;
	v15 =	vpop (erf);
	(erf) = vpow2.f32 v20  }
0x327: {  	v21 =	vadd.f32 $1.000000000e+00, v12;
	vm14 =	vgt.f32 v12, $0.0e+00;
	v12 =	vld [tilespmem:s29+$0x0];
	v22 =	vcvt.s32.f32 v3  }
0x328: {  	v15 =	vsel vm0, v18, v15;
	v18 =	vld [tilespmem:s20+$0x0];
	v19 =	vadd.f32 v19, v19;
	v24 =	vpop (erf);
	(erf) = vpow2.f32 v13  }
0x329: {  	v20 =	vadd.f32 v61, v61;
	v22 =	vadd.f32 v22, v22;
	v13 =	vld [tilespmem:s15+$0x0]  }
0x32a: {  	v8 =	vshll.u32 v8, $0xE;
	v63 =	vadd.f32 $1.000000000e+00, v10;
	v19 =	vadd.f32 $-1.000000000e+00, v19  }
0x32b: {  	vm15 =	vgt.f32 v10, $0.0e+00;
	[tilespmem:v14+s28+$0x0] =	vst.idx.add.f32.msk $0xffff, v1;
	v20 =	vadd.f32 $-1.000000000e+00, v20;
	v22 =	vadd.f32 $-1.000000000e+00, v22  }
0x32c: {  	vm1 =	vgt.f32 v9, $0.0e+00;
	v7 =	vadd.f32 $-1.000000000e+00, v62;
	[tilespmem:v11+s28+$0x0] =	vst.idx.add.f32.msk $0xffff, v1;
	v19 =	vmul.f32 v19, v23  }
0x32d: {  	v20 =	vmul.f32 v20, v12;
	v12 =	vor.u32 v16, v8;
	v18 =	vmul.f32 v22, v18  }
0x32e: {  	[tilespmem:v11+s7+$0x0] =	vst.idx.add.f32.msk $0xffff, v15;
	v11 =	vmul.f32 v7, v13;
	v10 =	vsub.f32 $1.000000000e+00, v19;
	v13 =	vadd.f32 $1.000000000e+00, v9  }
0x32f: {  	[tilespmem:v17+s28+$0x0] =	vst.idx.add.f32.msk $0xffff, v1;
	v21 =	vsel vm14, v21, v24;
	v7 =	vsub.f32 $1.000000000e+00, v20;
	v8 =	vsub.f32 $1.000000000e+00, v18;
	v15 =	vpop (erf)  }
0x330: {  	[tilespmem:v17+s7+$0x0] =	vst.idx.add.f32.msk $0xffff, v21;
	v9 =	vsub.f32 $1.000000000e+00, v11;
	v17 =	vmul.f32 $1.442695020e+00, v10;
	v16 =	vsel vm1, v13, v15  }
0x331: {  	v15 =	vshra.s32 v7, $0x1F;
	v11 =	vmul.f32 $1.442695020e+00, v8;
	v13 =	vshra.s32 v10, $0x1F;
	[tilespmem:v14+s7+$0x0] =	vst.idx.add.f32.msk $0xffff, v16;
	v14 =	vpop (erf)  }
0x332: {  	s16 =	simm.s32 $0x100;
	p2 =	por !p2, !p2;
	s15 =	simm.s32 $0x4;
	[tilespmem:v12+s28+$0x0] =	vst.idx.add.f32.msk $0xffff, v1;
	v16 =	vshra.s32 v8, $0x1F;
	(erf) = vpow2.f32 v17;
	v14 =	vsel vm15, v63, v14  }
.LBB2_13:
0x333: {  	s17 =	simm.s32 $0x1  }
0x334: {  	s15 =	sadd.s32 $0x4, s15;
	v15 =	vor.u32 $0x80000000, v15;
	v17 =	vmul.f32 $1.442695020e+00, v9;
	v16 =	vor.u32 $0x80000000, v16;
	[tilespmem:v12+s7+$0x0] =	vst.idx.add.f32.msk $0xffff, v14;
	s17 =	simm.s32 @!p2 $0x0  }
0x335: {  	v14 =	vshra.s32 v9, $0x1F;
	s16 =	sadd.s32 $0x100, s16;
	p3 =	slt.u32 s15, $0x7C;
	v12 =	vxor.u32 v7, v15;
	v15 =	vxor.u32 v8, v16;
	s17 =	sshll.u32 s17, $0x6  }
0x336: {  	v12 =	vshrl.u32 v12, $0x1;
	v15 =	vshrl.u32 v15, $0x1;
	s17 =	sadd.s32 s17, s16;
	(erf) = vpow2.f32 v17  }
0x337: {  	v14 =	vor.u32 $0x80000000, v14;
	v12 =	vshrl.u32 v12, $0x11;
	v15 =	vshrl.u32 v15, $0x11;
	s18 =	sor.u32 $0x100, s17;
	s20 =	sor.u32 $0x110, s17;
	s29 =	sor.u32 $0x130, s17  }
0x338: {  	v13 =	vor.u32 $0x80000000, v13;
	v14 =	vxor.u32 v9, v14;
	s17 =	sor.u32 $0x120, s17;
	v16 =	vld [tilespmem:s29+$0x2000]  }
0x339: {  	v18 =	vshll.u32 v6, $0xE;
	v6 =	vxor.u32 v10, v13;
	v14 =	vshrl.u32 v14, $0x1;
	v17 =	vld [tilespmem:s17+$0x2000]  }
0x33a: {  	v22 =	vshll.u32 v4, $0xE;
	v19 =	vshrl.u32 v6, $0x1;
	v14 =	vshrl.u32 v14, $0x11;
	v13 =	vld [tilespmem:s18+$0x2000]  }
0x33b: {  	v19 =	vshrl.u32 v19, $0x11;
	v14 =	vor.u32 v14, v18;
	v18 =	vadd.f32 $1.000000000e+00, v10;
	v6 =	vld [tilespmem:s20+$0x2000]  }
0x33c: {  	v21 =	vmul.f32 $1.442695020e+00, v7;
	vm0 =	vgt.f32 v10, $0.0e+00;
	v10 =	vor.u32 v19, v22;
	v20 =	vld [tilespmem:s17+$0x0];
	v4 =	vpop (erf)  }
0x33d: {  	v23 =	vshll.u32 v3, $0xE;
	v22 =	vshll.u32 v5, $0xE;
	v19 =	vld [tilespmem:s18+$0x0];
	v18 =	vsel vm0, v18, v4;
	v4 =	vmovc v16  }
0x33e: {  	v24 =	vadd.f32 $1.000000000e+00, v9;
	v16 =	vld [tilespmem:s20+$0x0];
	v28 =	vcvt.s32.f32 v4;
	(erf) = vpow2.f32 v21;
	v3 =	vmovc v17  }
0x33f: {  	vm0 =	vgt.f32 v9, $0.0e+00;
	v17 =	vcvt.s32.f32 v13;
	v21 =	vcvt.s32.f32 v3;
	v25 =	vld [tilespmem:s29+$0x0];
	v9 =	vpop (erf)  }
0x340: {  	v5 =	vmovc v13;
	v26 =	vcvt.s32.f32 v6;
	v27 =	vadd.f32 v28, v28;
	[tilespmem:v14+s28+$0x0] =	vst.idx.add.f32.msk $0xffff, v1;
	(erf) = vpow2.f32 v11  }
0x341: {  	v9 =	vsel vm0, v24, v9;
	v11 =	vadd.f32 v17, v17;
	v13 =	vadd.f32 v21, v21  }
0x342: {  	vm0 =	vgt.f32 v8, $0.0e+00;
	v17 =	vadd.f32 v26, v26;
	v21 =	vadd.f32 $-1.000000000e+00, v27;
	[tilespmem:v10+s28+$0x0] =	vst.idx.add.f32.msk $0xffff, v1  }
0x343: {  	v22 =	vor.u32 v12, v22;
	v11 =	vadd.f32 $-1.000000000e+00, v11;
	v13 =	vadd.f32 $-1.000000000e+00, v13;
	[tilespmem:v10+s7+$0x0] =	vst.idx.add.f32.msk $0xffff, v18  }
0x344: {  	v10 =	vadd.f32 $-1.000000000e+00, v17;
	v17 =	vmul.f32 v21, v25;
	[tilespmem:v14+s7+$0x0] =	vst.idx.add.f32.msk $0xffff, v9;
	v14 =	vadd.f32 $1.000000000e+00, v8  }
0x345: {  	v12 =	vor.u32 v15, v23;
	v9 =	vmul.f32 v11, v19;
	v8 =	vmul.f32 v13, v20  }
.Ltmp7:
0x346: {  	v13 =	vadd.f32 $1.000000000e+00, v7;
	v11 =	vmul.f32 v10, v16;
	v10 =	vsub.f32 $1.000000000e+00, v17;
	(pc) =	sbr.rel @p3 .LBB2_13-.Ltmp7, $4  }
0x347: {  	vm1 =	vgt.f32 v7, $0.0e+00;
	v8 =	vsub.f32 $1.000000000e+00, v8;
	v7 =	vsub.f32 $1.000000000e+00, v9;
	v15 =	vpop (erf)  }
0x348: {  	v9 =	vsub.f32 $1.000000000e+00, v11;
	v17 =	vmul.f32 $1.442695020e+00, v10;
	v16 =	vsel vm1, v13, v15;
	[tilespmem:v22+s28+$0x0] =	vst.idx.add.f32.msk $0xffff, v1  }
0x349: {  	v13 =	vshra.s32 v10, $0x1F;
	v15 =	vshra.s32 v7, $0x1F;
	v11 =	vmul.f32 $1.442695020e+00, v8;
	[tilespmem:v22+s7+$0x0] =	vst.idx.add.f32.msk $0xffff, v16;
	v18 =	vpop (erf)  }
0x34a: {  	p2 =	por !p2, !p2;
	v16 =	vshra.s32 v8, $0x1F;
	(erf) = vpow2.f32 v17;
	v14 =	vsel vm0, v14, v18;
	[tilespmem:v12+s28+$0x0] =	vst.idx.add.f32.msk $0xffff, v1  }
0x34b: {  	v17 =	vmul.f32 $1.442695020e+00, v9;
	v18 =	vmul.f32 $1.442695020e+00, v7;
	v53 =	vshra.s32 v9, $0x1F  }
0x34c: {  	v15 =	vor.u32 $0x80000000, v15;
	v13 =	vor.u32 $0x80000000, v13;
	v16 =	vor.u32 $0x80000000, v16  }
0x34d: {  	v6 =	vshll.u32 v6, $0xE;
	v4 =	vshll.u32 v4, $0xE;
	v5 =	vshll.u32 v5, $0xE  }
0x34e: {  	v56 =	vadd.f32 $1.000000000e+00, v10;
	v13 =	vxor.u32 v10, v13;
	v15 =	vxor.u32 v7, v15  }
0x34f: {  	v54 =	vxor.u32 v8, v16;
	(erf) = vpow2.f32 v17;
	v13 =	vshrl.u32 v13, $0x1  }
0x350: {  	v17 =	vor.u32 $0x80000000, v53;
	v55 =	vshrl.u32 v15, $0x1;
	v13 =	vshrl.u32 v13, $0x11  }
0x351: {  	(erf) = vpow2.f32 v18;
	v17 =	vxor.u32 v9, v17;
	v4 =	vor.u32 v13, v4  }
0x352: {  	v17 =	vshrl.u32 v17, $0x1;
	(erf) = vpow2.f32 v11;
	v13 =	vshrl.u32 v55, $0x11  }
0x353: {  	v11 =	vshrl.u32 v54, $0x1;
	v17 =	vshrl.u32 v17, $0x11;
	v5 =	vor.u32 v13, v5  }
0x354: {  	v3 =	vshll.u32 v3, $0xE;
	v11 =	vshrl.u32 v11, $0x11;
	v6 =	vor.u32 v17, v6  }
0x355: {  	[tilespmem:v12+s7+$0x0] =	vst.idx.add.f32.msk $0xffff, v14;
	vm0 =	vgt.f32 v10, $0.0e+00;
	v3 =	vor.u32 v11, v3;
	v57 =	vpop (erf)  }
0x356: {  	v12 =	vsel vm0, v56, v57;
	[tilespmem:v4+s28+$0x0] =	vst.idx.add.f32.msk $0xffff, v1  }
0x357: {  	[tilespmem:v4+s7+$0x0] =	vst.idx.add.f32.msk $0xffff, v12  }
0x358: {  	v58 =	vadd.f32 $1.000000000e+00, v9;
	[tilespmem:v5+s28+$0x0] =	vst.idx.add.f32.msk $0xffff, v1  }
0x359: {  	vm13 =	vgt.f32 v9, $0.0e+00;
	v60 =	vadd.f32 $1.000000000e+00, v7;
	[tilespmem:v6+s28+$0x0] =	vst.idx.add.f32.msk $0xffff, v1;
	v59 =	vpop (erf)  }
0x35a: {  	vm14 =	vgt.f32 v7, $0.0e+00;
	v62 =	vadd.f32 $1.000000000e+00, v8;
	[tilespmem:v3+s28+$0x0] =	vst.idx.add.f32.msk $0xffff, v1;
	v9 =	vsel vm13, v58, v59;
	v61 =	vpop (erf)  }
0x35b: {  	vm15 =	vgt.f32 v8, $0.0e+00;
	[tilespmem:v6+s7+$0x0] =	vst.idx.add.f32.msk $0xffff, v9;
	v4 =	vsel vm14, v60, v61;
	v63 =	vpop (erf)  }
0x35c: {  	[tilespmem:v5+s7+$0x0] =	vst.idx.add.f32.msk $0xffff, v4;
	v4 =	vsel vm15, v62, v63  }
0x35d: {  	[tilespmem:v3+s7+$0x0] =	vst.idx.add.f32.msk $0xffff, v4  }
0x35e: {  	_ =	swait.ge [sflag:s10], $0x400  }
0x35f: {  	[sflag:s10] =	ssyncset.done $0x0  }
0x360: {  	[sflag:s10] =	ssyncadd.s32 $0xFFFFFC00  }
0x361: {  	_ =	swait.ge [sflag:s10], $0x400  }
0x362: {  	[sflag:s10] =	ssyncset.done $0x0  }
0x363: {  	[sflag:s10] =	ssyncadd.s32 $0xFFFFFC00  }
0x364: {  	_ =	swait.ge [sflag:s10], $0x400  }
.Ltmp8:
0x365: {  	[sflag:s10] =	ssyncset.done $0x0;
	(pc) =	sbr.rel @p1 .LBB2_16-.Ltmp8, $4  }
0x366: {  	[sflag:s10] =	ssyncadd.s32 $0xFFFFFC00  }
0x367: {  	_ =	swait.ge [sflag:s10], $0x400  }
0x368: {  	[sflag:s10] =	ssyncset.done $0x0  }
0x369: {  	[sflag:s10] =	ssyncadd.s32 $0xFFFFFC00  }
0x36a: {  	s15 =	rddreg [dreg:$0x15]  }
0x36b: {  	s14 =	sadd.s32 s14, s15  }
0x36c: {  	s14 =	sshrl.u32 s14, $0x3  }
0x36d: {  	s16 =	simm.s32 $0x100;
	s15 =	sadd.s32 s1, s14  }
0x36e: {  	[tilespmem:s16], [sflag:$0x3] =	stream.linear.gather [hbm4b:s15+s4], $0x80, $0x38;
	[tilespmem:$0x1C880] =	vst v63  }
0x36f: {  	s17 =	simm.s32 $0x300;
	s29 =	sadd.s32 $0x10, s15  }
0x370: {  	[tilespmem:s17], [sflag:$0x3] =	stream.linear.gather [hbm4b:s29+s4], $0x80, $0x38;
	[tilespmem:$0x1C880] =	vst v63  }
0x371: {  	s18 =	simm.s32 $0x500;
	s17 =	sadd.s32 $0x20, s15  }
0x372: {  	[tilespmem:s18], [sflag:$0x3] =	stream.linear.gather [hbm4b:s17+s4], $0x80, $0x38;
	[tilespmem:$0x1C880] =	vst v63  }
0x373: {  	s20 =	sadd.s32 $0x30, s15;
	s29 =	simm.s32 $0x700  }
0x374: {  	[tilespmem:s29], [sflag:$0x3] =	stream.linear.gather [hbm4b:s20+s4], $0x80, $0x38;
	[tilespmem:$0x1C880] =	vst v63  }
0x375: {  	s17 =	sadd.s32 $0x40, s15;
	s18 =	simm.s32 $0x900  }
0x376: {  	[tilespmem:s18], [sflag:$0x3] =	stream.linear.gather [hbm4b:s17+s4], $0x80, $0x38;
	[tilespmem:$0x1C880] =	vst v63  }
0x377: {  	s20 =	sadd.s32 $0x50, s15;
	s29 =	simm.s32 $0xB00  }
0x378: {  	[tilespmem:s29], [sflag:$0x3] =	stream.linear.gather [hbm4b:s20+s4], $0x80, $0x38;
	[tilespmem:$0x1C880] =	vst v63  }
0x379: {  	s17 =	sadd.s32 $0x60, s15;
	s18 =	simm.s32 $0xD00  }
0x37a: {  	[tilespmem:s18], [sflag:$0x3] =	stream.linear.gather [hbm4b:s17+s4], $0x80, $0x38;
	[tilespmem:$0x1C880] =	vst v63  }
0x37b: {  	s15 =	sadd.s32 $0x70, s15;
	s20 =	simm.s32 $0xF00  }
0x37c: {  	[tilespmem:s20], [sflag:$0x3] =	stream.linear.gather [hbm4b:s15+s4], $0x80, $0x38;
	[tilespmem:$0x1C880] =	vst v63  }
0x37d: {  	s29 =	simm.s32 $0x2100;
	s15 =	sadd.s32 s2, s14  }
0x37e: {  	[tilespmem:s29], [sflag:$0x3] =	stream.linear.gather [hbm4b:s15+s4], $0x80, $0x38;
	[tilespmem:$0x1C880] =	vst v63  }
0x37f: {  	s18 =	simm.s32 $0x2300;
	s17 =	sadd.s32 $0x10, s15  }
0x380: {  	[tilespmem:s18], [sflag:$0x3] =	stream.linear.gather [hbm4b:s17+s4], $0x80, $0x38;
	[tilespmem:$0x1C880] =	vst v63  }
0x381: {  	s20 =	sadd.s32 $0x20, s15;
	s29 =	simm.s32 $0x2500  }
0x382: {  	[tilespmem:s29], [sflag:$0x3] =	stream.linear.gather [hbm4b:s20+s4], $0x80, $0x38;
	[tilespmem:$0x1C880] =	vst v63  }
0x383: {  	s17 =	sadd.s32 $0x30, s15;
	s18 =	simm.s32 $0x2700  }
0x384: {  	[tilespmem:s18], [sflag:$0x3] =	stream.linear.gather [hbm4b:s17+s4], $0x80, $0x38;
	[tilespmem:$0x1C880] =	vst v63  }
0x385: {  	s20 =	sadd.s32 $0x40, s15;
	s29 =	simm.s32 $0x2900  }
0x386: {  	[tilespmem:s29], [sflag:$0x3] =	stream.linear.gather [hbm4b:s20+s4], $0x80, $0x38;
	[tilespmem:$0x1C880] =	vst v63  }
0x387: {  	s17 =	sadd.s32 $0x50, s15;
	s18 =	simm.s32 $0x2B00  }
0x388: {  	[tilespmem:s18], [sflag:$0x3] =	stream.linear.gather [hbm4b:s17+s4], $0x80, $0x38;
	[tilespmem:$0x1C880] =	vst v63  }
0x389: {  	s20 =	sadd.s32 $0x60, s15;
	s29 =	simm.s32 $0x2D00  }
0x38a: {  	[tilespmem:s29], [sflag:$0x3] =	stream.linear.gather [hbm4b:s20+s4], $0x80, $0x38;
	[tilespmem:$0x1C880] =	vst v63  }
0x38b: {  	s14 =	sor.u32 $0x80, s14;
	s15 =	sadd.s32 $0x70, s15;
	s17 =	simm.s32 $0x2F00  }
0x38c: {  	[tilespmem:s17], [sflag:$0x3] =	stream.linear.gather [hbm4b:s15+s4], $0x80, $0x38;
	[tilespmem:$0x1C880] =	vst v63  }
0x38d: {  	s18 =	simm.s32 $0x1100;
	s15 =	sadd.s32 s1, s14  }
0x38e: {  	[tilespmem:s18], [sflag:$0x3] =	stream.linear.gather [hbm4b:s15+s4], $0x80, $0x38;
	[tilespmem:$0x1C880] =	vst v63  }
0x38f: {  	s29 =	simm.s32 $0x1300;
	s20 =	sadd.s32 $0x10, s15  }
0x390: {  	[tilespmem:s29], [sflag:$0x3] =	stream.linear.gather [hbm4b:s20+s4], $0x80, $0x38;
	[tilespmem:$0x1C880] =	vst v63  }
0x391: {  	s17 =	sadd.s32 $0x20, s15;
	s18 =	simm.s32 $0x1500  }
0x392: {  	[tilespmem:s18], [sflag:$0x3] =	stream.linear.gather [hbm4b:s17+s4], $0x80, $0x38;
	[tilespmem:$0x1C880] =	vst v63  }
0x393: {  	s20 =	sadd.s32 $0x30, s15;
	s29 =	simm.s32 $0x1700  }
0x394: {  	[tilespmem:s29], [sflag:$0x3] =	stream.linear.gather [hbm4b:s20+s4], $0x80, $0x38;
	[tilespmem:$0x1C880] =	vst v63  }
0x395: {  	s17 =	sadd.s32 $0x40, s15;
	s18 =	simm.s32 $0x1900  }
0x396: {  	[tilespmem:s18], [sflag:$0x3] =	stream.linear.gather [hbm4b:s17+s4], $0x80, $0x38;
	[tilespmem:$0x1C880] =	vst v63  }
0x397: {  	s20 =	sadd.s32 $0x50, s15;
	s29 =	simm.s32 $0x1B00  }
0x398: {  	[tilespmem:s29], [sflag:$0x3] =	stream.linear.gather [hbm4b:s20+s4], $0x80, $0x38;
	[tilespmem:$0x1C880] =	vst v63  }
0x399: {  	s18 =	sadd.s32 $0x60, s15;
	s20 =	simm.s32 $0x1D00  }
0x39a: {  	[tilespmem:s20], [sflag:$0x3] =	stream.linear.gather [hbm4b:s18+s4], $0x80, $0x38;
	[tilespmem:$0x1C880] =	vst v63  }
0x39b: {  	s15 =	sadd.s32 $0x70, s15;
	s29 =	simm.s32 $0x1F00  }
0x39c: {  	[tilespmem:s29], [sflag:$0x3] =	stream.linear.gather [hbm4b:s15+s4], $0x80, $0x38;
	[tilespmem:$0x1C880] =	vst v63  }
0x39d: {  	s16 =	simm.s32 $0x3100;
	s14 =	sadd.s32 s2, s14  }
0x39e: {  	[tilespmem:s16], [sflag:$0x3] =	stream.linear.gather [hbm4b:s14+s4], $0x80, $0x38;
	[tilespmem:$0x1C880] =	vst v63  }
0x39f: {  	s17 =	sadd.s32 $0x10, s14;
	s18 =	simm.s32 $0x3300  }
0x3a0: {  	[tilespmem:s18], [sflag:$0x3] =	stream.linear.gather [hbm4b:s17+s4], $0x80, $0x38;
	[tilespmem:$0x1C880] =	vst v63  }
0x3a1: {  	s20 =	sadd.s32 $0x20, s14;
	s29 =	simm.s32 $0x3500  }
0x3a2: {  	[tilespmem:s29], [sflag:$0x3] =	stream.linear.gather [hbm4b:s20+s4], $0x80, $0x38;
	[tilespmem:$0x1C880] =	vst v63  }
0x3a3: {  	s17 =	sadd.s32 $0x30, s14;
	s18 =	simm.s32 $0x3700  }
0x3a4: {  	[tilespmem:s18], [sflag:$0x3] =	stream.linear.gather [hbm4b:s17+s4], $0x80, $0x38;
	[tilespmem:$0x1C880] =	vst v63  }
0x3a5: {  	s20 =	sadd.s32 $0x40, s14;
	s29 =	simm.s32 $0x3900  }
0x3a6: {  	[tilespmem:s29], [sflag:$0x3] =	stream.linear.gather [hbm4b:s20+s4], $0x80, $0x38;
	[tilespmem:$0x1C880] =	vst v63  }
0x3a7: {  	s16 =	sadd.s32 $0x50, s14;
	s17 =	simm.s32 $0x3B00  }
0x3a8: {  	[tilespmem:s17], [sflag:$0x3] =	stream.linear.gather [hbm4b:s16+s4], $0x80, $0x38;
	[tilespmem:$0x1C880] =	vst v63  }
0x3a9: {  	s18 =	sadd.s32 $0x60, s14;
	s20 =	simm.s32 $0x3D00  }
0x3aa: {  	[tilespmem:s20], [sflag:$0x3] =	stream.linear.gather [hbm4b:s18+s4], $0x80, $0x38;
	[tilespmem:$0x1C880] =	vst v63  }
0x3ab: {  	s14 =	sadd.s32 $0x70, s14;
	s29 =	simm.s32 $0x3F00  }
0x3ac: {  	[tilespmem:s29], [sflag:$0x3] =	stream.linear.gather [hbm4b:s14+s4], $0x80, $0x38;
	[tilespmem:$0x1C880] =	vst v63  }
.LBB2_16:
0x3ad: {  	p1 =	por $0x0, $0x0;
	s14 =	simm.s32 $0x1  }
0x3ae: {  	s14 =	simm.s32 @!p1 $0x0  }
0x3af: {  	s14 =	sshll.u32 s14, $0x6  }
0x3b0: {  	s14 =	sadd.s32 $0x0, s14  }
0x3b1: {  	s15 =	sor.u32 $0x1B0, s14  }
0x3b2: {  	s16 =	sor.u32 $0x180, s14;
	v6 =	vld [tilespmem:s15+$0x2000]  }
0x3b3: {  	s17 =	sor.u32 $0x1A0, s14;
	v7 =	vld [tilespmem:s16+$0x2000]  }
0x3b4: {  	s14 =	sor.u32 $0x190, s14;
	v8 =	vld [tilespmem:s17+$0x2000]  }
0x3b5: {  	v5 =	vld [tilespmem:s14+$0x2000];
	_ =	sdelay $0x2  }
0x3b6: {  	p1 =	por !p1, !p1;
	v14 =	vld [tilespmem:s14+$0x0];
	s14 =	simm.s32 $0x1  }
0x3b7: {  	v9 =	vld [tilespmem:s15+$0x0];
	s14 =	simm.s32 @!p1 $0x0;
	v3 =	vcvt.s32.f32 v6;
	v4 =	vcvt.s32.f32 v7  }
0x3b8: {  	v10 =	vld [tilespmem:s16+$0x0];
	s14 =	sshll.u32 s14, $0x6;
	v11 =	vcvt.s32.f32 v8;
	v13 =	vcvt.s32.f32 v5  }
0x3b9: {  	v12 =	vld [tilespmem:s17+$0x0];
	s14 =	sadd.s32 $0x100, s14;
	v3 =	vadd.f32 v3, v3;
	v4 =	vadd.f32 v4, v4  }
0x3ba: {  	s29 =	sor.u32 $0x180, s14;
	v11 =	vadd.f32 v11, v11;
	v13 =	vadd.f32 v13, v13  }
0x3bb: {  	v18 =	vshll.u32 v5, $0xE;
	v5 =	vld [tilespmem:s29+$0x2000];
	v3 =	vadd.f32 $-1.000000000e+00, v3;
	v4 =	vadd.f32 $-1.000000000e+00, v4  }
0x3bc: {  	v11 =	vadd.f32 $-1.000000000e+00, v11  }
0x3bd: {  	v3 =	vmul.f32 v3, v9;
	v9 =	vadd.f32 $-1.000000000e+00, v13;
	v4 =	vmul.f32 v4, v10  }
0x3be: {  	s18 =	sor.u32 $0x1B0, s14;
	s20 =	sor.u32 $0x1A0, s14;
	s14 =	sor.u32 $0x190, s14;
	v19 =	vshll.u32 v6, $0xE;
	v10 =	vmul.f32 v11, v12  }
0x3bf: {  	v6 =	vld [tilespmem:s14+$0x2000];
	v11 =	vsub.f32 $1.000000000e+00, v3;
	v3 =	vmul.f32 v9, v14;
	v9 =	vsub.f32 $1.000000000e+00, v4  }
0x3c0: {  	v7 =	vshll.u32 v7, $0xE;
	v61 =	vcvt.s32.f32 v5;
	v10 =	vsub.f32 $1.000000000e+00, v10  }
0x3c1: {  	v4 =	vmul.f32 $1.442695020e+00, v11;
	v12 =	vsub.f32 $1.000000000e+00, v3;
	v3 =	vshra.s32 v9, $0x1F  }
0x3c2: {  	v14 =	vshra.s32 v10, $0x1F;
	v15 =	vshra.s32 v11, $0x1F;
	v3 =	vor.u32 $0x80000000, v3  }
0x3c3: {  	(erf) = vpow2.f32 v4;
	v4 =	vor.u32 $0x80000000, v14;
	v14 =	vmul.f32 $1.442695020e+00, v12  }
0x3c4: {  	v25 =	vcvt.s32.f32 v6;
	v15 =	vor.u32 $0x80000000, v15;
	v3 =	vxor.u32 v9, v3  }
0x3c5: {  	v16 =	vshra.s32 v12, $0x1F;
	v4 =	vxor.u32 v10, v4;
	(erf) = vpow2.f32 v14  }
0x3c6: {  	v15 =	vxor.u32 v11, v15;
	v3 =	vshrl.u32 v3, $0x1;
	v4 =	vshrl.u32 v4, $0x1  }
0x3c7: {  	v14 =	vshrl.u32 v3, $0x11;
	v3 =	vor.u32 $0x80000000, v16;
	v16 =	vshrl.u32 v4, $0x11;
	v4 =	vld [tilespmem:s18+$0x2000]  }
0x3c8: {  	v62 =	vadd.f32 v25, v25;
	v15 =	vshrl.u32 v15, $0x1;
	v17 =	vxor.u32 v12, v3;
	v3 =	vld [tilespmem:s20+$0x2000]  }
0x3c9: {  	v13 =	vmul.f32 $1.442695020e+00, v10;
	v15 =	vshrl.u32 v15, $0x11;
	v17 =	vshrl.u32 v17, $0x1  }
0x3ca: {  	v20 =	vmul.f32 $1.442695020e+00, v9;
	vm0 =	vgt.f32 v11, $0.0e+00;
	v17 =	vshrl.u32 v17, $0x11  }
0x3cb: {  	v14 =	vor.u32 v14, v7;
	v17 =	vor.u32 v17, v18;
	v18 =	vadd.f32 $1.000000000e+00, v11  }
0x3cc: {  	v23 =	vld [tilespmem:s18+$0x0];
	v11 =	vor.u32 v15, v19;
	v19 =	vcvt.s32.f32 v4;
	v15 =	vpop (erf);
	(erf) = vpow2.f32 v20  }
0x3cd: {  	v21 =	vadd.f32 $1.000000000e+00, v12;
	vm14 =	vgt.f32 v12, $0.0e+00;
	v12 =	vld [tilespmem:s29+$0x0];
	v22 =	vcvt.s32.f32 v3  }
0x3ce: {  	v15 =	vsel vm0, v18, v15;
	v18 =	vld [tilespmem:s20+$0x0];
	v19 =	vadd.f32 v19, v19;
	v24 =	vpop (erf);
	(erf) = vpow2.f32 v13  }
0x3cf: {  	v20 =	vadd.f32 v61, v61;
	v22 =	vadd.f32 v22, v22;
	v13 =	vld [tilespmem:s14+$0x0]  }
0x3d0: {  	v8 =	vshll.u32 v8, $0xE;
	v63 =	vadd.f32 $1.000000000e+00, v10;
	v19 =	vadd.f32 $-1.000000000e+00, v19  }
0x3d1: {  	vm15 =	vgt.f32 v10, $0.0e+00;
	[tilespmem:v14+s28+$0x0] =	vst.idx.add.f32.msk $0xffff, v1;
	v20 =	vadd.f32 $-1.000000000e+00, v20;
	v22 =	vadd.f32 $-1.000000000e+00, v22  }
0x3d2: {  	vm1 =	vgt.f32 v9, $0.0e+00;
	v7 =	vadd.f32 $-1.000000000e+00, v62;
	[tilespmem:v11+s28+$0x0] =	vst.idx.add.f32.msk $0xffff, v1;
	v19 =	vmul.f32 v19, v23  }
0x3d3: {  	v20 =	vmul.f32 v20, v12;
	v12 =	vor.u32 v16, v8;
	v18 =	vmul.f32 v22, v18  }
0x3d4: {  	[tilespmem:v11+s7+$0x0] =	vst.idx.add.f32.msk $0xffff, v15;
	v11 =	vmul.f32 v7, v13;
	v10 =	vsub.f32 $1.000000000e+00, v19;
	v13 =	vadd.f32 $1.000000000e+00, v9  }
0x3d5: {  	[tilespmem:v17+s28+$0x0] =	vst.idx.add.f32.msk $0xffff, v1;
	v21 =	vsel vm14, v21, v24;
	v7 =	vsub.f32 $1.000000000e+00, v20;
	v8 =	vsub.f32 $1.000000000e+00, v18;
	v15 =	vpop (erf)  }
0x3d6: {  	[tilespmem:v17+s7+$0x0] =	vst.idx.add.f32.msk $0xffff, v21;
	v9 =	vsub.f32 $1.000000000e+00, v11;
	v17 =	vmul.f32 $1.442695020e+00, v10;
	v16 =	vsel vm1, v13, v15  }
0x3d7: {  	v15 =	vshra.s32 v7, $0x1F;
	v11 =	vmul.f32 $1.442695020e+00, v8;
	v13 =	vshra.s32 v10, $0x1F;
	[tilespmem:v14+s7+$0x0] =	vst.idx.add.f32.msk $0xffff, v16;
	v14 =	vpop (erf)  }
0x3d8: {  	s15 =	simm.s32 $0x100;
	p1 =	por !p1, !p1;
	s14 =	simm.s32 $0x4;
	[tilespmem:v12+s28+$0x0] =	vst.idx.add.f32.msk $0xffff, v1;
	v16 =	vshra.s32 v8, $0x1F;
	(erf) = vpow2.f32 v17;
	v14 =	vsel vm15, v63, v14  }
.LBB2_17:
0x3d9: {  	s16 =	simm.s32 $0x1  }
0x3da: {  	s14 =	sadd.s32 $0x4, s14;
	v15 =	vor.u32 $0x80000000, v15;
	v17 =	vmul.f32 $1.442695020e+00, v9;
	v16 =	vor.u32 $0x80000000, v16;
	[tilespmem:v12+s7+$0x0] =	vst.idx.add.f32.msk $0xffff, v14;
	s16 =	simm.s32 @!p1 $0x0  }
0x3db: {  	v14 =	vshra.s32 v9, $0x1F;
	s15 =	sadd.s32 $0x100, s15;
	p2 =	slt.u32 s14, $0x7C;
	v12 =	vxor.u32 v7, v15;
	v15 =	vxor.u32 v8, v16;
	s16 =	sshll.u32 s16, $0x6  }
0x3dc: {  	v12 =	vshrl.u32 v12, $0x1;
	v15 =	vshrl.u32 v15, $0x1;
	s16 =	sadd.s32 s16, s15;
	(erf) = vpow2.f32 v17  }
0x3dd: {  	v14 =	vor.u32 $0x80000000, v14;
	v12 =	vshrl.u32 v12, $0x11;
	v15 =	vshrl.u32 v15, $0x11;
	s17 =	sor.u32 $0x180, s16;
	s18 =	sor.u32 $0x190, s16;
	s20 =	sor.u32 $0x1B0, s16  }
0x3de: {  	v13 =	vor.u32 $0x80000000, v13;
	v14 =	vxor.u32 v9, v14;
	s16 =	sor.u32 $0x1A0, s16;
	v16 =	vld [tilespmem:s20+$0x2000]  }
0x3df: {  	v18 =	vshll.u32 v6, $0xE;
	v6 =	vxor.u32 v10, v13;
	v14 =	vshrl.u32 v14, $0x1;
	v17 =	vld [tilespmem:s16+$0x2000]  }
0x3e0: {  	v22 =	vshll.u32 v4, $0xE;
	v19 =	vshrl.u32 v6, $0x1;
	v14 =	vshrl.u32 v14, $0x11;
	v13 =	vld [tilespmem:s17+$0x2000]  }
0x3e1: {  	v19 =	vshrl.u32 v19, $0x11;
	v14 =	vor.u32 v14, v18;
	v18 =	vadd.f32 $1.000000000e+00, v10;
	v6 =	vld [tilespmem:s18+$0x2000]  }
0x3e2: {  	v21 =	vmul.f32 $1.442695020e+00, v7;
	vm0 =	vgt.f32 v10, $0.0e+00;
	v10 =	vor.u32 v19, v22;
	v20 =	vld [tilespmem:s16+$0x0];
	v4 =	vpop (erf)  }
0x3e3: {  	v23 =	vshll.u32 v3, $0xE;
	v22 =	vshll.u32 v5, $0xE;
	v19 =	vld [tilespmem:s17+$0x0];
	v18 =	vsel vm0, v18, v4;
	v4 =	vmovc v16  }
0x3e4: {  	v24 =	vadd.f32 $1.000000000e+00, v9;
	v16 =	vld [tilespmem:s18+$0x0];
	v28 =	vcvt.s32.f32 v4;
	(erf) = vpow2.f32 v21;
	v3 =	vmovc v17  }
0x3e5: {  	vm0 =	vgt.f32 v9, $0.0e+00;
	v17 =	vcvt.s32.f32 v13;
	v21 =	vcvt.s32.f32 v3;
	v25 =	vld [tilespmem:s20+$0x0];
	v9 =	vpop (erf)  }
0x3e6: {  	v5 =	vmovc v13;
	v26 =	vcvt.s32.f32 v6;
	v27 =	vadd.f32 v28, v28;
	[tilespmem:v14+s28+$0x0] =	vst.idx.add.f32.msk $0xffff, v1;
	(erf) = vpow2.f32 v11  }
0x3e7: {  	v9 =	vsel vm0, v24, v9;
	v11 =	vadd.f32 v17, v17;
	v13 =	vadd.f32 v21, v21  }
0x3e8: {  	vm0 =	vgt.f32 v8, $0.0e+00;
	v17 =	vadd.f32 v26, v26;
	v21 =	vadd.f32 $-1.000000000e+00, v27;
	[tilespmem:v10+s28+$0x0] =	vst.idx.add.f32.msk $0xffff, v1  }
0x3e9: {  	v22 =	vor.u32 v12, v22;
	v11 =	vadd.f32 $-1.000000000e+00, v11;
	v13 =	vadd.f32 $-1.000000000e+00, v13;
	[tilespmem:v10+s7+$0x0] =	vst.idx.add.f32.msk $0xffff, v18  }
0x3ea: {  	v10 =	vadd.f32 $-1.000000000e+00, v17;
	v17 =	vmul.f32 v21, v25;
	[tilespmem:v14+s7+$0x0] =	vst.idx.add.f32.msk $0xffff, v9;
	v14 =	vadd.f32 $1.000000000e+00, v8  }
0x3eb: {  	v12 =	vor.u32 v15, v23;
	v9 =	vmul.f32 v11, v19;
	v8 =	vmul.f32 v13, v20  }
.Ltmp9:
0x3ec: {  	v13 =	vadd.f32 $1.000000000e+00, v7;
	v11 =	vmul.f32 v10, v16;
	v10 =	vsub.f32 $1.000000000e+00, v17;
	(pc) =	sbr.rel @p2 .LBB2_17-.Ltmp9, $4  }
0x3ed: {  	vm1 =	vgt.f32 v7, $0.0e+00;
	v8 =	vsub.f32 $1.000000000e+00, v8;
	v7 =	vsub.f32 $1.000000000e+00, v9;
	v15 =	vpop (erf)  }
0x3ee: {  	v9 =	vsub.f32 $1.000000000e+00, v11;
	v17 =	vmul.f32 $1.442695020e+00, v10;
	v16 =	vsel vm1, v13, v15;
	[tilespmem:v22+s28+$0x0] =	vst.idx.add.f32.msk $0xffff, v1  }
0x3ef: {  	v13 =	vshra.s32 v10, $0x1F;
	v15 =	vshra.s32 v7, $0x1F;
	v11 =	vmul.f32 $1.442695020e+00, v8;
	[tilespmem:v22+s7+$0x0] =	vst.idx.add.f32.msk $0xffff, v16;
	v18 =	vpop (erf)  }
0x3f0: {  	p1 =	por !p1, !p1;
	v16 =	vshra.s32 v8, $0x1F;
	(erf) = vpow2.f32 v17;
	v14 =	vsel vm0, v14, v18;
	[tilespmem:v12+s28+$0x0] =	vst.idx.add.f32.msk $0xffff, v1  }
0x3f1: {  	v17 =	vmul.f32 $1.442695020e+00, v9;
	v18 =	vmul.f32 $1.442695020e+00, v7;
	v53 =	vshra.s32 v9, $0x1F  }
0x3f2: {  	v15 =	vor.u32 $0x80000000, v15;
	v13 =	vor.u32 $0x80000000, v13;
	v16 =	vor.u32 $0x80000000, v16  }
0x3f3: {  	v6 =	vshll.u32 v6, $0xE;
	v4 =	vshll.u32 v4, $0xE;
	v5 =	vshll.u32 v5, $0xE  }
0x3f4: {  	v56 =	vadd.f32 $1.000000000e+00, v10;
	v13 =	vxor.u32 v10, v13;
	v15 =	vxor.u32 v7, v15  }
0x3f5: {  	v54 =	vxor.u32 v8, v16;
	(erf) = vpow2.f32 v17;
	v13 =	vshrl.u32 v13, $0x1  }
0x3f6: {  	v17 =	vor.u32 $0x80000000, v53;
	v55 =	vshrl.u32 v15, $0x1;
	v13 =	vshrl.u32 v13, $0x11  }
0x3f7: {  	(erf) = vpow2.f32 v18;
	v17 =	vxor.u32 v9, v17;
	v4 =	vor.u32 v13, v4  }
0x3f8: {  	v17 =	vshrl.u32 v17, $0x1;
	(erf) = vpow2.f32 v11;
	v13 =	vshrl.u32 v55, $0x11  }
0x3f9: {  	v11 =	vshrl.u32 v54, $0x1;
	v17 =	vshrl.u32 v17, $0x11;
	v5 =	vor.u32 v13, v5  }
0x3fa: {  	v3 =	vshll.u32 v3, $0xE;
	v11 =	vshrl.u32 v11, $0x11;
	v6 =	vor.u32 v17, v6  }
0x3fb: {  	[tilespmem:v12+s7+$0x0] =	vst.idx.add.f32.msk $0xffff, v14;
	vm0 =	vgt.f32 v10, $0.0e+00;
	v3 =	vor.u32 v11, v3;
	v57 =	vpop (erf)  }
0x3fc: {  	v12 =	vsel vm0, v56, v57;
	[tilespmem:v4+s28+$0x0] =	vst.idx.add.f32.msk $0xffff, v1  }
0x3fd: {  	s13 =	sadd.s32 $0x1, s13;
	[tilespmem:v4+s7+$0x0] =	vst.idx.add.f32.msk $0xffff, v12  }
0x3fe: {  	v58 =	vadd.f32 $1.000000000e+00, v9;
	p1 =	sne.s32 s13, $0x10;
	[tilespmem:v5+s28+$0x0] =	vst.idx.add.f32.msk $0xffff, v1  }
.Ltmp10:
0x3ff: {  	vm13 =	vgt.f32 v9, $0.0e+00;
	v60 =	vadd.f32 $1.000000000e+00, v7;
	[tilespmem:v6+s28+$0x0] =	vst.idx.add.f32.msk $0xffff, v1;
	v59 =	vpop (erf);
	(pc) =	sbr.rel @p1 .LBB2_4-.Ltmp10, $4  }
0x400: {  	vm14 =	vgt.f32 v7, $0.0e+00;
	v62 =	vadd.f32 $1.000000000e+00, v8;
	[tilespmem:v3+s28+$0x0] =	vst.idx.add.f32.msk $0xffff, v1;
	v9 =	vsel vm13, v58, v59;
	v61 =	vpop (erf)  }
0x401: {  	vm15 =	vgt.f32 v8, $0.0e+00;
	[tilespmem:v6+s7+$0x0] =	vst.idx.add.f32.msk $0xffff, v9;
	v4 =	vsel vm14, v60, v61;
	v63 =	vpop (erf)  }
0x402: {  	[tilespmem:v5+s7+$0x0] =	vst.idx.add.f32.msk $0xffff, v4;
	v4 =	vsel vm15, v62, v63  }
0x403: {  	[tilespmem:v3+s7+$0x0] =	vst.idx.add.f32.msk $0xffff, v4  }
.Ltmp11:
0x404: {  	(pc) =	sbr.rel @!p0 .LBB2_20-.Ltmp11, $1  }
0x405: {  	_ =	sdelay $0x3  }
0x406: {  	[bflag:$0x0] =	sbarrier.arrive $0xFFFF  }
0x407: {  	s18 =	simm.s32 $0x14080;
	s12 =	rddreg [dreg:$0x12]  }
0x408: {  	[tilespmem:s18], [sflag:$0x5] =	stream.linear.gather [spmem:s12], $0x800, $0x38;
	[tilespmem:$0x1C880] =	vst v63  }
0x409: {  	_ =	swait.ge [sflag:s11], $0x800  }
0x40a: {  	[sflag:s11] =	ssyncset.done $0x0  }
0x40b: {  	s12 =	simm.s32 $0x4020;
	[sflag:s11] =	ssyncadd.s32 $0xFFFFF800  }
0x40c: {  	s13 =	simm.s32 $0x140A0;
	v8 =	vld [tilespmem:s12+$0x10]  }
0x40d: {  	v9 =	vld [tilespmem:s13+$0x10]  }
0x40e: {  	v5 =	vld [tilespmem:s13+$0xFFFFFFE0]  }
0x40f: {  	v3 =	vld [tilespmem:s12+$0xFFFFFFF0]  }
0x410: {  	v7 =	vld [tilespmem:s13+$0xFFFFFFF0]  }
0x411: {  	v4 =	vld [tilespmem:s12+$0x0]  }
0x412: {  	v6 =	vld [tilespmem:s13+$0x0];
	v9 =	vadd.f32 v9, v8  }
0x413: {  	s14 =	simm.s32 $0x0;
	s15 =	simm.s32 $0x4060;
	v8 =	vld [tilespmem:s12+$0xFFFFFFE0]  }
.LBB2_22:
0x414: {  	v10 =	vld [tilespmem:s15+$0x10];
	[tilespmem:s12+$0x10] =	vst v9;
	s13 =	sadd.s32 $0x40, s13  }
0x415: {  	s14 =	sadd.s32 $0x4, s14;
	v9 =	vld [tilespmem:s13+$0x10];
	v7 =	vadd.f32 v7, v3  }
0x416: {  	p1 =	slt.u32 s14, $0x7C;
	v11 =	vld [tilespmem:s13+$0xFFFFFFE0]  }
.Ltmp12:
0x417: {  	v3 =	vld [tilespmem:s15+$0xFFFFFFF0];
	[tilespmem:s12+$0xFFFFFFF0] =	vst v7;
	v6 =	vadd.f32 v6, v4;
	(pc) =	sbr.rel @p1 .LBB2_22-.Ltmp12, $4  }
0x418: {  	v7 =	vld [tilespmem:s13+$0xFFFFFFF0];
	v12 =	vadd.f32 v5, v8  }
0x419: {  	v4 =	vld [tilespmem:s15+$0x0];
	[tilespmem:s12+$0x0] =	vst v6  }
0x41a: {  	v6 =	vld [tilespmem:s13+$0x0];
	v9 =	vadd.f32 v9, v10;
	[tilespmem:s12+$0xFFFFFFE0] =	vst v12;
	s12 =	smov.u32 s15  }
0x41b: {  	s15 =	sadd.s32 $0x40, s15;
	v8 =	vld [tilespmem:s12+$0xFFFFFFE0];
	v5 =	vmov v11  }
0x41c: {  	_ =	sdelay $0x1  }
0x41d: {  	v3 =	vadd.f32 v7, v3  }
0x41e: {  	[tilespmem:s12+$0x10] =	vst v9;
	v4 =	vadd.f32 v6, v4  }
0x41f: {  	[tilespmem:s12+$0xFFFFFFF0] =	vst v3;
	v3 =	vadd.f32 v5, v8  }
0x420: {  	[tilespmem:s12+$0x0] =	vst v4  }
0x421: {  	[tilespmem:s12+$0xFFFFFFE0] =	vst v3  }
0x422: {  	s12 =	rddreg [dreg:$0x18]  }
0x423: {  	[tilespmem:s18], [sflag:$0x5] =	stream.linear.gather [spmem:s12], $0x800, $0x38;
	[tilespmem:$0x1C880] =	vst v63  }
0x424: {  	_ =	swait.ge [sflag:s11], $0x800  }
0x425: {  	[sflag:s11] =	ssyncset.done $0x0  }
0x426: {  	s12 =	simm.s32 $0x4830;
	[sflag:s11] =	ssyncadd.s32 $0xFFFFF800  }
0x427: {  	v6 =	vld [tilespmem:s12+$0xFFFFFFE0]  }
0x428: {  	v3 =	vld [tilespmem:s12+$0xFFFFFFF0]  }
0x429: {  	s13 =	simm.s32 $0x0;
	s15 =	simm.s32 $0x140A0;
	v4 =	vld [tilespmem:s12+$0x0]  }
0x42a: {  	s14 =	sand.u32 $0x7C0, s13;
	v5 =	vld [tilespmem:s15+$0xFFFFFFE0]  }
0x42b: {  	v9 =	vld [tilespmem:s14+$0x4800]  }
0x42c: {  	v10 =	vld [tilespmem:s15+$0xFFFFFFF0]  }
0x42d: {  	v7 =	vld [tilespmem:s15+$0x0]  }
0x42e: {  	s16 =	simm.s32 $0x0;
	s17 =	simm.s32 $0x4870;
	v8 =	vld [tilespmem:s15+$0x10]  }
.LBB2_24:
0x42f: {  	v11 =	vld [tilespmem:s17+$0xFFFFFFE0]  }
0x430: {  	s16 =	sadd.s32 $0x4, s16;
	v12 =	vld [tilespmem:s17+$0xFFFFFFF0];
	v9 =	vadd.f32 v5, v9  }
0x431: {  	s13 =	sadd.s32 $0x40, s13;
	s15 =	sadd.s32 $0x40, s15;
	p1 =	slt.u32 s16, $0x7C;
	v13 =	vld [tilespmem:s17+$0x0];
	v14 =	vadd.f32 v10, v6  }
.Ltmp13:
0x432: {  	v5 =	vld [tilespmem:s15+$0xFFFFFFE0];
	[tilespmem:s14+$0x4800] =	vst v9;
	s14 =	sand.u32 $0x7C0, s13;
	v15 =	vadd.f32 v7, v3;
	(pc) =	sbr.rel @p1 .LBB2_24-.Ltmp13, $4  }
0x433: {  	v9 =	vld [tilespmem:s14+$0x4800];
	[tilespmem:s12+$0xFFFFFFE0] =	vst v14;
	v14 =	vadd.f32 v8, v4  }
0x434: {  	v10 =	vld [tilespmem:s15+$0xFFFFFFF0];
	[tilespmem:s12+$0xFFFFFFF0] =	vst v15;
	v6 =	vmov v11  }
0x435: {  	v7 =	vld [tilespmem:s15+$0x0];
	[tilespmem:s12+$0x0] =	vst v14;
	v3 =	vmov v12;
	s12 =	smov.u32 s17  }
0x436: {  	s17 =	sadd.s32 $0x40, s17;
	v8 =	vld [tilespmem:s15+$0x10];
	v4 =	vmov v13  }
0x437: {  	_ = 	snop  }
0x438: {  	v5 =	vadd.f32 v5, v9  }
0x439: {  	v6 =	vadd.f32 v10, v6  }
0x43a: {  	[tilespmem:s14+$0x4800] =	vst v5;
	v3 =	vadd.f32 v7, v3  }
0x43b: {  	[tilespmem:s12+$0xFFFFFFE0] =	vst v6;
	v4 =	vadd.f32 v8, v4  }
0x43c: {  	[tilespmem:s12+$0xFFFFFFF0] =	vst v3  }
0x43d: {  	[tilespmem:s12+$0x0] =	vst v4  }
0x43e: {  	s12 =	rddreg [dreg:$0x19]  }
0x43f: {  	[tilespmem:s18], [sflag:$0x5] =	stream.linear.gather [spmem:s12], $0x800, $0x38;
	[tilespmem:$0x1C880] =	vst v63  }
0x440: {  	_ =	swait.ge [sflag:s11], $0x800  }
0x441: {  	[sflag:s11] =	ssyncset.done $0x0  }
0x442: {  	s12 =	simm.s32 $0x5030;
	[sflag:s11] =	ssyncadd.s32 $0xFFFFF800  }
0x443: {  	v6 =	vld [tilespmem:s12+$0xFFFFFFE0]  }
0x444: {  	v3 =	vld [tilespmem:s12+$0xFFFFFFF0]  }
0x445: {  	s13 =	simm.s32 $0x0;
	s15 =	simm.s32 $0x140A0;
	v4 =	vld [tilespmem:s12+$0x0]  }
0x446: {  	s14 =	sand.u32 $0x7C0, s13;
	v5 =	vld [tilespmem:s15+$0xFFFFFFE0]  }
0x447: {  	v9 =	vld [tilespmem:s14+$0x5000]  }
0x448: {  	v10 =	vld [tilespmem:s15+$0xFFFFFFF0]  }
0x449: {  	v7 =	vld [tilespmem:s15+$0x0]  }
0x44a: {  	s16 =	simm.s32 $0x0;
	s17 =	simm.s32 $0x5070;
	v8 =	vld [tilespmem:s15+$0x10]  }
.LBB2_26:
0x44b: {  	v11 =	vld [tilespmem:s17+$0xFFFFFFE0]  }
0x44c: {  	s16 =	sadd.s32 $0x4, s16;
	v12 =	vld [tilespmem:s17+$0xFFFFFFF0];
	v9 =	vadd.f32 v5, v9  }
0x44d: {  	s13 =	sadd.s32 $0x40, s13;
	s15 =	sadd.s32 $0x40, s15;
	p1 =	slt.u32 s16, $0x7C;
	v13 =	vld [tilespmem:s17+$0x0];
	v14 =	vadd.f32 v10, v6  }
.Ltmp14:
0x44e: {  	v5 =	vld [tilespmem:s15+$0xFFFFFFE0];
	[tilespmem:s14+$0x5000] =	vst v9;
	s14 =	sand.u32 $0x7C0, s13;
	v15 =	vadd.f32 v7, v3;
	(pc) =	sbr.rel @p1 .LBB2_26-.Ltmp14, $4  }
0x44f: {  	v9 =	vld [tilespmem:s14+$0x5000];
	[tilespmem:s12+$0xFFFFFFE0] =	vst v14;
	v14 =	vadd.f32 v8, v4  }
0x450: {  	v10 =	vld [tilespmem:s15+$0xFFFFFFF0];
	[tilespmem:s12+$0xFFFFFFF0] =	vst v15;
	v6 =	vmov v11  }
0x451: {  	v7 =	vld [tilespmem:s15+$0x0];
	[tilespmem:s12+$0x0] =	vst v14;
	v3 =	vmov v12;
	s12 =	smov.u32 s17  }
0x452: {  	s17 =	sadd.s32 $0x40, s17;
	v8 =	vld [tilespmem:s15+$0x10];
	v4 =	vmov v13  }
0x453: {  	_ = 	snop  }
0x454: {  	v5 =	vadd.f32 v5, v9  }
0x455: {  	v6 =	vadd.f32 v10, v6  }
0x456: {  	[tilespmem:s14+$0x5000] =	vst v5;
	v3 =	vadd.f32 v7, v3  }
0x457: {  	[tilespmem:s12+$0xFFFFFFE0] =	vst v6;
	v4 =	vadd.f32 v8, v4  }
0x458: {  	[tilespmem:s12+$0xFFFFFFF0] =	vst v3  }
0x459: {  	[tilespmem:s12+$0x0] =	vst v4  }
0x45a: {  	s12 =	rddreg [dreg:$0x1a]  }
0x45b: {  	[tilespmem:s18], [sflag:$0x5] =	stream.linear.gather [spmem:s12], $0x800, $0x38;
	[tilespmem:$0x1C880] =	vst v63  }
0x45c: {  	_ =	swait.ge [sflag:s11], $0x800  }
0x45d: {  	[sflag:s11] =	ssyncset.done $0x0  }
0x45e: {  	s12 =	simm.s32 $0x5830;
	[sflag:s11] =	ssyncadd.s32 $0xFFFFF800  }
0x45f: {  	v6 =	vld [tilespmem:s12+$0xFFFFFFE0]  }
0x460: {  	v3 =	vld [tilespmem:s12+$0xFFFFFFF0]  }
0x461: {  	s13 =	simm.s32 $0x0;
	s15 =	simm.s32 $0x140A0;
	v4 =	vld [tilespmem:s12+$0x0]  }
0x462: {  	s14 =	sand.u32 $0x7C0, s13;
	v5 =	vld [tilespmem:s15+$0xFFFFFFE0]  }
0x463: {  	v9 =	vld [tilespmem:s14+$0x5800]  }
0x464: {  	v10 =	vld [tilespmem:s15+$0xFFFFFFF0]  }
0x465: {  	v7 =	vld [tilespmem:s15+$0x0]  }
0x466: {  	s16 =	simm.s32 $0x0;
	s17 =	simm.s32 $0x5870;
	v8 =	vld [tilespmem:s15+$0x10]  }
.LBB2_28:
0x467: {  	v11 =	vld [tilespmem:s17+$0xFFFFFFE0]  }
0x468: {  	s16 =	sadd.s32 $0x4, s16;
	v12 =	vld [tilespmem:s17+$0xFFFFFFF0];
	v9 =	vadd.f32 v5, v9  }
0x469: {  	s13 =	sadd.s32 $0x40, s13;
	s15 =	sadd.s32 $0x40, s15;
	p1 =	slt.u32 s16, $0x7C;
	v13 =	vld [tilespmem:s17+$0x0];
	v14 =	vadd.f32 v10, v6  }
.Ltmp15:
0x46a: {  	v5 =	vld [tilespmem:s15+$0xFFFFFFE0];
	[tilespmem:s14+$0x5800] =	vst v9;
	s14 =	sand.u32 $0x7C0, s13;
	v15 =	vadd.f32 v7, v3;
	(pc) =	sbr.rel @p1 .LBB2_28-.Ltmp15, $4  }
0x46b: {  	v9 =	vld [tilespmem:s14+$0x5800];
	[tilespmem:s12+$0xFFFFFFE0] =	vst v14;
	v14 =	vadd.f32 v8, v4  }
0x46c: {  	v10 =	vld [tilespmem:s15+$0xFFFFFFF0];
	[tilespmem:s12+$0xFFFFFFF0] =	vst v15;
	v6 =	vmov v11  }
0x46d: {  	v7 =	vld [tilespmem:s15+$0x0];
	[tilespmem:s12+$0x0] =	vst v14;
	v3 =	vmov v12;
	s12 =	smov.u32 s17  }
0x46e: {  	s17 =	sadd.s32 $0x40, s17;
	v8 =	vld [tilespmem:s15+$0x10];
	v4 =	vmov v13  }
0x46f: {  	_ = 	snop  }
0x470: {  	v5 =	vadd.f32 v5, v9  }
0x471: {  	v6 =	vadd.f32 v10, v6  }
0x472: {  	[tilespmem:s14+$0x5800] =	vst v5;
	v3 =	vadd.f32 v7, v3  }
0x473: {  	[tilespmem:s12+$0xFFFFFFE0] =	vst v6;
	v4 =	vadd.f32 v8, v4  }
0x474: {  	[tilespmem:s12+$0xFFFFFFF0] =	vst v3  }
0x475: {  	[tilespmem:s12+$0x0] =	vst v4  }
0x476: {  	s12 =	rddreg [dreg:$0x1b]  }
0x477: {  	[tilespmem:s18], [sflag:$0x5] =	stream.linear.gather [spmem:s12], $0x800, $0x38;
	[tilespmem:$0x1C880] =	vst v63  }
0x478: {  	_ =	swait.ge [sflag:s11], $0x800  }
0x479: {  	[sflag:s11] =	ssyncset.done $0x0  }
0x47a: {  	s12 =	simm.s32 $0x6030;
	[sflag:s11] =	ssyncadd.s32 $0xFFFFF800  }
0x47b: {  	v6 =	vld [tilespmem:s12+$0xFFFFFFE0]  }
0x47c: {  	v3 =	vld [tilespmem:s12+$0xFFFFFFF0]  }
0x47d: {  	s13 =	simm.s32 $0x0;
	s15 =	simm.s32 $0x140A0;
	v4 =	vld [tilespmem:s12+$0x0]  }
0x47e: {  	s14 =	sand.u32 $0x7C0, s13;
	v5 =	vld [tilespmem:s15+$0xFFFFFFE0]  }
0x47f: {  	v9 =	vld [tilespmem:s14+$0x6000]  }
0x480: {  	v10 =	vld [tilespmem:s15+$0xFFFFFFF0]  }
0x481: {  	v7 =	vld [tilespmem:s15+$0x0]  }
0x482: {  	s16 =	simm.s32 $0x0;
	s17 =	simm.s32 $0x6070;
	v8 =	vld [tilespmem:s15+$0x10]  }
.LBB2_30:
0x483: {  	v11 =	vld [tilespmem:s17+$0xFFFFFFE0]  }
0x484: {  	s16 =	sadd.s32 $0x4, s16;
	v12 =	vld [tilespmem:s17+$0xFFFFFFF0];
	v9 =	vadd.f32 v5, v9  }
0x485: {  	s13 =	sadd.s32 $0x40, s13;
	s15 =	sadd.s32 $0x40, s15;
	p1 =	slt.u32 s16, $0x7C;
	v13 =	vld [tilespmem:s17+$0x0];
	v14 =	vadd.f32 v10, v6  }
.Ltmp16:
0x486: {  	v5 =	vld [tilespmem:s15+$0xFFFFFFE0];
	[tilespmem:s14+$0x6000] =	vst v9;
	s14 =	sand.u32 $0x7C0, s13;
	v15 =	vadd.f32 v7, v3;
	(pc) =	sbr.rel @p1 .LBB2_30-.Ltmp16, $4  }
0x487: {  	v9 =	vld [tilespmem:s14+$0x6000];
	[tilespmem:s12+$0xFFFFFFE0] =	vst v14;
	v14 =	vadd.f32 v8, v4  }
0x488: {  	v10 =	vld [tilespmem:s15+$0xFFFFFFF0];
	[tilespmem:s12+$0xFFFFFFF0] =	vst v15;
	v6 =	vmov v11  }
0x489: {  	v7 =	vld [tilespmem:s15+$0x0];
	[tilespmem:s12+$0x0] =	vst v14;
	v3 =	vmov v12;
	s12 =	smov.u32 s17  }
0x48a: {  	s17 =	sadd.s32 $0x40, s17;
	v8 =	vld [tilespmem:s15+$0x10];
	v4 =	vmov v13  }
0x48b: {  	_ = 	snop  }
0x48c: {  	v5 =	vadd.f32 v5, v9  }
0x48d: {  	v6 =	vadd.f32 v10, v6  }
0x48e: {  	[tilespmem:s14+$0x6000] =	vst v5;
	v3 =	vadd.f32 v7, v3  }
0x48f: {  	[tilespmem:s12+$0xFFFFFFE0] =	vst v6;
	v4 =	vadd.f32 v8, v4  }
0x490: {  	[tilespmem:s12+$0xFFFFFFF0] =	vst v3  }
0x491: {  	[tilespmem:s12+$0x0] =	vst v4  }
0x492: {  	s12 =	rddreg [dreg:$0x1c]  }
0x493: {  	[tilespmem:s18], [sflag:$0x5] =	stream.linear.gather [spmem:s12], $0x800, $0x38;
	[tilespmem:$0x1C880] =	vst v63  }
0x494: {  	_ =	swait.ge [sflag:s11], $0x800  }
0x495: {  	[sflag:s11] =	ssyncset.done $0x0  }
0x496: {  	s12 =	simm.s32 $0x6830;
	[sflag:s11] =	ssyncadd.s32 $0xFFFFF800  }
0x497: {  	v6 =	vld [tilespmem:s12+$0xFFFFFFE0]  }
0x498: {  	v3 =	vld [tilespmem:s12+$0xFFFFFFF0]  }
0x499: {  	s13 =	simm.s32 $0x0;
	s15 =	simm.s32 $0x140A0;
	v4 =	vld [tilespmem:s12+$0x0]  }
0x49a: {  	s14 =	sand.u32 $0x7C0, s13;
	v5 =	vld [tilespmem:s15+$0xFFFFFFE0]  }
0x49b: {  	v9 =	vld [tilespmem:s14+$0x6800]  }
0x49c: {  	v10 =	vld [tilespmem:s15+$0xFFFFFFF0]  }
0x49d: {  	v7 =	vld [tilespmem:s15+$0x0]  }
0x49e: {  	s16 =	simm.s32 $0x0;
	s17 =	simm.s32 $0x6870;
	v8 =	vld [tilespmem:s15+$0x10]  }
.LBB2_32:
0x49f: {  	v11 =	vld [tilespmem:s17+$0xFFFFFFE0]  }
0x4a0: {  	s16 =	sadd.s32 $0x4, s16;
	v12 =	vld [tilespmem:s17+$0xFFFFFFF0];
	v9 =	vadd.f32 v5, v9  }
0x4a1: {  	s13 =	sadd.s32 $0x40, s13;
	s15 =	sadd.s32 $0x40, s15;
	p1 =	slt.u32 s16, $0x7C;
	v13 =	vld [tilespmem:s17+$0x0];
	v14 =	vadd.f32 v10, v6  }
.Ltmp17:
0x4a2: {  	v5 =	vld [tilespmem:s15+$0xFFFFFFE0];
	[tilespmem:s14+$0x6800] =	vst v9;
	s14 =	sand.u32 $0x7C0, s13;
	v15 =	vadd.f32 v7, v3;
	(pc) =	sbr.rel @p1 .LBB2_32-.Ltmp17, $4  }
0x4a3: {  	v9 =	vld [tilespmem:s14+$0x6800];
	[tilespmem:s12+$0xFFFFFFE0] =	vst v14;
	v14 =	vadd.f32 v8, v4  }
0x4a4: {  	v10 =	vld [tilespmem:s15+$0xFFFFFFF0];
	[tilespmem:s12+$0xFFFFFFF0] =	vst v15;
	v6 =	vmov v11  }
0x4a5: {  	v7 =	vld [tilespmem:s15+$0x0];
	[tilespmem:s12+$0x0] =	vst v14;
	v3 =	vmov v12;
	s12 =	smov.u32 s17  }
0x4a6: {  	s17 =	sadd.s32 $0x40, s17;
	v8 =	vld [tilespmem:s15+$0x10];
	v4 =	vmov v13  }
0x4a7: {  	_ = 	snop  }
0x4a8: {  	v5 =	vadd.f32 v5, v9  }
0x4a9: {  	v6 =	vadd.f32 v10, v6  }
0x4aa: {  	[tilespmem:s14+$0x6800] =	vst v5;
	v3 =	vadd.f32 v7, v3  }
0x4ab: {  	[tilespmem:s12+$0xFFFFFFE0] =	vst v6;
	v4 =	vadd.f32 v8, v4  }
0x4ac: {  	[tilespmem:s12+$0xFFFFFFF0] =	vst v3  }
0x4ad: {  	[tilespmem:s12+$0x0] =	vst v4  }
0x4ae: {  	s12 =	rddreg [dreg:$0x1d]  }
0x4af: {  	[tilespmem:s18], [sflag:$0x5] =	stream.linear.gather [spmem:s12], $0x800, $0x38;
	[tilespmem:$0x1C880] =	vst v63  }
0x4b0: {  	_ =	swait.ge [sflag:s11], $0x800  }
0x4b1: {  	[sflag:s11] =	ssyncset.done $0x0  }
0x4b2: {  	s12 =	simm.s32 $0x7030;
	[sflag:s11] =	ssyncadd.s32 $0xFFFFF800  }
0x4b3: {  	v6 =	vld [tilespmem:s12+$0xFFFFFFE0]  }
0x4b4: {  	v3 =	vld [tilespmem:s12+$0xFFFFFFF0]  }
0x4b5: {  	s13 =	simm.s32 $0x0;
	s15 =	simm.s32 $0x140A0;
	v4 =	vld [tilespmem:s12+$0x0]  }
0x4b6: {  	s14 =	sand.u32 $0x7C0, s13;
	v5 =	vld [tilespmem:s15+$0xFFFFFFE0]  }
0x4b7: {  	v9 =	vld [tilespmem:s14+$0x7000]  }
0x4b8: {  	v10 =	vld [tilespmem:s15+$0xFFFFFFF0]  }
0x4b9: {  	v7 =	vld [tilespmem:s15+$0x0]  }
0x4ba: {  	s16 =	simm.s32 $0x0;
	s17 =	simm.s32 $0x7070;
	v8 =	vld [tilespmem:s15+$0x10]  }
.LBB2_34:
0x4bb: {  	v11 =	vld [tilespmem:s17+$0xFFFFFFE0]  }
0x4bc: {  	s16 =	sadd.s32 $0x4, s16;
	v12 =	vld [tilespmem:s17+$0xFFFFFFF0];
	v9 =	vadd.f32 v5, v9  }
0x4bd: {  	s13 =	sadd.s32 $0x40, s13;
	s15 =	sadd.s32 $0x40, s15;
	p1 =	slt.u32 s16, $0x7C;
	v13 =	vld [tilespmem:s17+$0x0];
	v14 =	vadd.f32 v10, v6  }
.Ltmp18:
0x4be: {  	v5 =	vld [tilespmem:s15+$0xFFFFFFE0];
	[tilespmem:s14+$0x7000] =	vst v9;
	s14 =	sand.u32 $0x7C0, s13;
	v15 =	vadd.f32 v7, v3;
	(pc) =	sbr.rel @p1 .LBB2_34-.Ltmp18, $4  }
0x4bf: {  	v9 =	vld [tilespmem:s14+$0x7000];
	[tilespmem:s12+$0xFFFFFFE0] =	vst v14;
	v14 =	vadd.f32 v8, v4  }
0x4c0: {  	v10 =	vld [tilespmem:s15+$0xFFFFFFF0];
	[tilespmem:s12+$0xFFFFFFF0] =	vst v15;
	v6 =	vmov v11  }
0x4c1: {  	v7 =	vld [tilespmem:s15+$0x0];
	[tilespmem:s12+$0x0] =	vst v14;
	v3 =	vmov v12;
	s12 =	smov.u32 s17  }
0x4c2: {  	s17 =	sadd.s32 $0x40, s17;
	v8 =	vld [tilespmem:s15+$0x10];
	v4 =	vmov v13  }
0x4c3: {  	_ = 	snop  }
0x4c4: {  	v5 =	vadd.f32 v5, v9  }
0x4c5: {  	v6 =	vadd.f32 v10, v6  }
0x4c6: {  	[tilespmem:s14+$0x7000] =	vst v5;
	v3 =	vadd.f32 v7, v3  }
0x4c7: {  	[tilespmem:s12+$0xFFFFFFE0] =	vst v6;
	v4 =	vadd.f32 v8, v4  }
0x4c8: {  	[tilespmem:s12+$0xFFFFFFF0] =	vst v3  }
0x4c9: {  	[tilespmem:s12+$0x0] =	vst v4  }
0x4ca: {  	s12 =	rddreg [dreg:$0x1e]  }
0x4cb: {  	[tilespmem:s18], [sflag:$0x5] =	stream.linear.gather [spmem:s12], $0x800, $0x38;
	[tilespmem:$0x1C880] =	vst v63  }
0x4cc: {  	_ =	swait.ge [sflag:s11], $0x800  }
0x4cd: {  	[sflag:s11] =	ssyncset.done $0x0  }
0x4ce: {  	s12 =	simm.s32 $0x7830;
	[sflag:s11] =	ssyncadd.s32 $0xFFFFF800  }
0x4cf: {  	v6 =	vld [tilespmem:s12+$0xFFFFFFE0]  }
0x4d0: {  	v3 =	vld [tilespmem:s12+$0xFFFFFFF0]  }
0x4d1: {  	s13 =	simm.s32 $0x0;
	s15 =	simm.s32 $0x140A0;
	v4 =	vld [tilespmem:s12+$0x0]  }
0x4d2: {  	s14 =	sand.u32 $0x7C0, s13;
	v5 =	vld [tilespmem:s15+$0xFFFFFFE0]  }
0x4d3: {  	v9 =	vld [tilespmem:s14+$0x7800]  }
0x4d4: {  	v10 =	vld [tilespmem:s15+$0xFFFFFFF0]  }
0x4d5: {  	v7 =	vld [tilespmem:s15+$0x0]  }
0x4d6: {  	s16 =	simm.s32 $0x0;
	s17 =	simm.s32 $0x7870;
	v8 =	vld [tilespmem:s15+$0x10]  }
.LBB2_36:
0x4d7: {  	v11 =	vld [tilespmem:s17+$0xFFFFFFE0]  }
0x4d8: {  	s16 =	sadd.s32 $0x4, s16;
	v12 =	vld [tilespmem:s17+$0xFFFFFFF0];
	v9 =	vadd.f32 v5, v9  }
0x4d9: {  	s13 =	sadd.s32 $0x40, s13;
	s15 =	sadd.s32 $0x40, s15;
	p1 =	slt.u32 s16, $0x7C;
	v13 =	vld [tilespmem:s17+$0x0];
	v14 =	vadd.f32 v10, v6  }
.Ltmp19:
0x4da: {  	v5 =	vld [tilespmem:s15+$0xFFFFFFE0];
	[tilespmem:s14+$0x7800] =	vst v9;
	s14 =	sand.u32 $0x7C0, s13;
	v15 =	vadd.f32 v7, v3;
	(pc) =	sbr.rel @p1 .LBB2_36-.Ltmp19, $4  }
0x4db: {  	v9 =	vld [tilespmem:s14+$0x7800];
	[tilespmem:s12+$0xFFFFFFE0] =	vst v14;
	v14 =	vadd.f32 v8, v4  }
0x4dc: {  	v10 =	vld [tilespmem:s15+$0xFFFFFFF0];
	[tilespmem:s12+$0xFFFFFFF0] =	vst v15;
	v6 =	vmov v11  }
0x4dd: {  	v7 =	vld [tilespmem:s15+$0x0];
	[tilespmem:s12+$0x0] =	vst v14;
	v3 =	vmov v12;
	s12 =	smov.u32 s17  }
0x4de: {  	s17 =	sadd.s32 $0x40, s17;
	v8 =	vld [tilespmem:s15+$0x10];
	v4 =	vmov v13  }
0x4df: {  	_ = 	snop  }
0x4e0: {  	v5 =	vadd.f32 v5, v9  }
0x4e1: {  	v6 =	vadd.f32 v10, v6  }
0x4e2: {  	[tilespmem:s14+$0x7800] =	vst v5;
	v3 =	vadd.f32 v7, v3  }
0x4e3: {  	[tilespmem:s12+$0xFFFFFFE0] =	vst v6;
	v4 =	vadd.f32 v8, v4  }
0x4e4: {  	[tilespmem:s12+$0xFFFFFFF0] =	vst v3  }
0x4e5: {  	[tilespmem:s12+$0x0] =	vst v4  }
0x4e6: {  	s12 =	rddreg [dreg:$0x1f]  }
0x4e7: {  	[tilespmem:s18], [sflag:$0x5] =	stream.linear.gather [spmem:s12], $0x800, $0x38;
	[tilespmem:$0x1C880] =	vst v63  }
0x4e8: {  	_ =	swait.ge [sflag:s11], $0x800  }
0x4e9: {  	[sflag:s11] =	ssyncset.done $0x0  }
0x4ea: {  	s12 =	simm.s32 $0x8030;
	[sflag:s11] =	ssyncadd.s32 $0xFFFFF800  }
0x4eb: {  	v6 =	vld [tilespmem:s12+$0xFFFFFFE0]  }
0x4ec: {  	v3 =	vld [tilespmem:s12+$0xFFFFFFF0]  }
0x4ed: {  	s13 =	simm.s32 $0x0;
	s15 =	simm.s32 $0x140A0;
	v4 =	vld [tilespmem:s12+$0x0]  }
0x4ee: {  	s14 =	sand.u32 $0x7C0, s13;
	v5 =	vld [tilespmem:s15+$0xFFFFFFE0]  }
0x4ef: {  	v9 =	vld [tilespmem:s14+$0x8000]  }
0x4f0: {  	v10 =	vld [tilespmem:s15+$0xFFFFFFF0]  }
0x4f1: {  	v7 =	vld [tilespmem:s15+$0x0]  }
0x4f2: {  	s16 =	simm.s32 $0x0;
	s17 =	simm.s32 $0x8070;
	v8 =	vld [tilespmem:s15+$0x10]  }
.LBB2_38:
0x4f3: {  	v11 =	vld [tilespmem:s17+$0xFFFFFFE0]  }
0x4f4: {  	s16 =	sadd.s32 $0x4, s16;
	v12 =	vld [tilespmem:s17+$0xFFFFFFF0];
	v9 =	vadd.f32 v5, v9  }
0x4f5: {  	s13 =	sadd.s32 $0x40, s13;
	s15 =	sadd.s32 $0x40, s15;
	p1 =	slt.u32 s16, $0x7C;
	v13 =	vld [tilespmem:s17+$0x0];
	v14 =	vadd.f32 v10, v6  }
.Ltmp20:
0x4f6: {  	v5 =	vld [tilespmem:s15+$0xFFFFFFE0];
	[tilespmem:s14+$0x8000] =	vst v9;
	s14 =	sand.u32 $0x7C0, s13;
	v15 =	vadd.f32 v7, v3;
	(pc) =	sbr.rel @p1 .LBB2_38-.Ltmp20, $4  }
0x4f7: {  	v9 =	vld [tilespmem:s14+$0x8000];
	[tilespmem:s12+$0xFFFFFFE0] =	vst v14;
	v14 =	vadd.f32 v8, v4  }
0x4f8: {  	v10 =	vld [tilespmem:s15+$0xFFFFFFF0];
	[tilespmem:s12+$0xFFFFFFF0] =	vst v15;
	v6 =	vmov v11  }
0x4f9: {  	v7 =	vld [tilespmem:s15+$0x0];
	[tilespmem:s12+$0x0] =	vst v14;
	v3 =	vmov v12;
	s12 =	smov.u32 s17  }
0x4fa: {  	s17 =	sadd.s32 $0x40, s17;
	v8 =	vld [tilespmem:s15+$0x10];
	v4 =	vmov v13  }
0x4fb: {  	_ = 	snop  }
0x4fc: {  	v5 =	vadd.f32 v5, v9  }
0x4fd: {  	v6 =	vadd.f32 v10, v6  }
0x4fe: {  	[tilespmem:s14+$0x8000] =	vst v5;
	v3 =	vadd.f32 v7, v3  }
0x4ff: {  	[tilespmem:s12+$0xFFFFFFE0] =	vst v6;
	v4 =	vadd.f32 v8, v4  }
0x500: {  	[tilespmem:s12+$0xFFFFFFF0] =	vst v3  }
0x501: {  	[tilespmem:s12+$0x0] =	vst v4  }
0x502: {  	s12 =	sld [smem:$0x794];
	_ =	sdelay $0x2  }
0x503: {  	[tilespmem:s18], [sflag:$0x5] =	stream.linear.gather [spmem:s12], $0x800, $0x38;
	[tilespmem:$0x1C880] =	vst v63  }
0x504: {  	_ =	swait.ge [sflag:s11], $0x800  }
0x505: {  	[sflag:s11] =	ssyncset.done $0x0  }
0x506: {  	s12 =	simm.s32 $0x8830;
	[sflag:s11] =	ssyncadd.s32 $0xFFFFF800  }
0x507: {  	v6 =	vld [tilespmem:s12+$0xFFFFFFE0]  }
0x508: {  	v3 =	vld [tilespmem:s12+$0xFFFFFFF0]  }
0x509: {  	s13 =	simm.s32 $0x0;
	s15 =	simm.s32 $0x140A0;
	v4 =	vld [tilespmem:s12+$0x0]  }
0x50a: {  	s14 =	sand.u32 $0x7C0, s13;
	v5 =	vld [tilespmem:s15+$0xFFFFFFE0]  }
0x50b: {  	v9 =	vld [tilespmem:s14+$0x8800]  }
0x50c: {  	v10 =	vld [tilespmem:s15+$0xFFFFFFF0]  }
0x50d: {  	v7 =	vld [tilespmem:s15+$0x0]  }
0x50e: {  	s16 =	simm.s32 $0x0;
	s17 =	simm.s32 $0x8870;
	v8 =	vld [tilespmem:s15+$0x10]  }
.LBB2_40:
0x50f: {  	v11 =	vld [tilespmem:s17+$0xFFFFFFE0]  }
0x510: {  	s16 =	sadd.s32 $0x4, s16;
	v12 =	vld [tilespmem:s17+$0xFFFFFFF0];
	v9 =	vadd.f32 v5, v9  }
0x511: {  	s13 =	sadd.s32 $0x40, s13;
	s15 =	sadd.s32 $0x40, s15;
	p1 =	slt.u32 s16, $0x7C;
	v13 =	vld [tilespmem:s17+$0x0];
	v14 =	vadd.f32 v10, v6  }
.Ltmp21:
0x512: {  	v5 =	vld [tilespmem:s15+$0xFFFFFFE0];
	[tilespmem:s14+$0x8800] =	vst v9;
	s14 =	sand.u32 $0x7C0, s13;
	v15 =	vadd.f32 v7, v3;
	(pc) =	sbr.rel @p1 .LBB2_40-.Ltmp21, $4  }
0x513: {  	v9 =	vld [tilespmem:s14+$0x8800];
	[tilespmem:s12+$0xFFFFFFE0] =	vst v14;
	v14 =	vadd.f32 v8, v4  }
0x514: {  	v10 =	vld [tilespmem:s15+$0xFFFFFFF0];
	[tilespmem:s12+$0xFFFFFFF0] =	vst v15;
	v6 =	vmov v11  }
0x515: {  	v7 =	vld [tilespmem:s15+$0x0];
	[tilespmem:s12+$0x0] =	vst v14;
	v3 =	vmov v12;
	s12 =	smov.u32 s17  }
0x516: {  	s17 =	sadd.s32 $0x40, s17;
	v8 =	vld [tilespmem:s15+$0x10];
	v4 =	vmov v13  }
0x517: {  	_ = 	snop  }
0x518: {  	v5 =	vadd.f32 v5, v9  }
0x519: {  	v6 =	vadd.f32 v10, v6  }
0x51a: {  	[tilespmem:s14+$0x8800] =	vst v5;
	v3 =	vadd.f32 v7, v3  }
0x51b: {  	[tilespmem:s12+$0xFFFFFFE0] =	vst v6;
	v4 =	vadd.f32 v8, v4  }
0x51c: {  	[tilespmem:s12+$0xFFFFFFF0] =	vst v3  }
0x51d: {  	[tilespmem:s12+$0x0] =	vst v4  }
0x51e: {  	s12 =	sld [smem:$0x795];
	_ =	sdelay $0x2  }
0x51f: {  	[tilespmem:s18], [sflag:$0x5] =	stream.linear.gather [spmem:s12], $0x800, $0x38;
	[tilespmem:$0x1C880] =	vst v63  }
0x520: {  	_ =	swait.ge [sflag:s11], $0x800  }
0x521: {  	[sflag:s11] =	ssyncset.done $0x0  }
0x522: {  	s12 =	simm.s32 $0x9030;
	[sflag:s11] =	ssyncadd.s32 $0xFFFFF800  }
0x523: {  	v6 =	vld [tilespmem:s12+$0xFFFFFFE0]  }
0x524: {  	v3 =	vld [tilespmem:s12+$0xFFFFFFF0]  }
0x525: {  	s13 =	simm.s32 $0x0;
	s15 =	simm.s32 $0x140A0;
	v4 =	vld [tilespmem:s12+$0x0]  }
0x526: {  	s14 =	sand.u32 $0x7C0, s13;
	v5 =	vld [tilespmem:s15+$0xFFFFFFE0]  }
0x527: {  	v9 =	vld [tilespmem:s14+$0x9000]  }
0x528: {  	v10 =	vld [tilespmem:s15+$0xFFFFFFF0]  }
0x529: {  	v7 =	vld [tilespmem:s15+$0x0]  }
0x52a: {  	s16 =	simm.s32 $0x0;
	s17 =	simm.s32 $0x9070;
	v8 =	vld [tilespmem:s15+$0x10]  }
.LBB2_42:
0x52b: {  	v11 =	vld [tilespmem:s17+$0xFFFFFFE0]  }
0x52c: {  	s16 =	sadd.s32 $0x4, s16;
	v12 =	vld [tilespmem:s17+$0xFFFFFFF0];
	v9 =	vadd.f32 v5, v9  }
0x52d: {  	s13 =	sadd.s32 $0x40, s13;
	s15 =	sadd.s32 $0x40, s15;
	p1 =	slt.u32 s16, $0x7C;
	v13 =	vld [tilespmem:s17+$0x0];
	v14 =	vadd.f32 v10, v6  }
.Ltmp22:
0x52e: {  	v5 =	vld [tilespmem:s15+$0xFFFFFFE0];
	[tilespmem:s14+$0x9000] =	vst v9;
	s14 =	sand.u32 $0x7C0, s13;
	v15 =	vadd.f32 v7, v3;
	(pc) =	sbr.rel @p1 .LBB2_42-.Ltmp22, $4  }
0x52f: {  	v9 =	vld [tilespmem:s14+$0x9000];
	[tilespmem:s12+$0xFFFFFFE0] =	vst v14;
	v14 =	vadd.f32 v8, v4  }
0x530: {  	v10 =	vld [tilespmem:s15+$0xFFFFFFF0];
	[tilespmem:s12+$0xFFFFFFF0] =	vst v15;
	v6 =	vmov v11  }
0x531: {  	v7 =	vld [tilespmem:s15+$0x0];
	[tilespmem:s12+$0x0] =	vst v14;
	v3 =	vmov v12;
	s12 =	smov.u32 s17  }
0x532: {  	s17 =	sadd.s32 $0x40, s17;
	v8 =	vld [tilespmem:s15+$0x10];
	v4 =	vmov v13  }
0x533: {  	_ = 	snop  }
0x534: {  	v5 =	vadd.f32 v5, v9  }
0x535: {  	v6 =	vadd.f32 v10, v6  }
0x536: {  	[tilespmem:s14+$0x9000] =	vst v5;
	v3 =	vadd.f32 v7, v3  }
0x537: {  	[tilespmem:s12+$0xFFFFFFE0] =	vst v6;
	v4 =	vadd.f32 v8, v4  }
0x538: {  	[tilespmem:s12+$0xFFFFFFF0] =	vst v3  }
0x539: {  	[tilespmem:s12+$0x0] =	vst v4  }
0x53a: {  	s12 =	sld [smem:$0x796];
	_ =	sdelay $0x2  }
0x53b: {  	[tilespmem:s18], [sflag:$0x5] =	stream.linear.gather [spmem:s12], $0x800, $0x38;
	[tilespmem:$0x1C880] =	vst v63  }
0x53c: {  	_ =	swait.ge [sflag:s11], $0x800  }
0x53d: {  	[sflag:s11] =	ssyncset.done $0x0  }
0x53e: {  	s12 =	simm.s32 $0x9830;
	[sflag:s11] =	ssyncadd.s32 $0xFFFFF800  }
0x53f: {  	v6 =	vld [tilespmem:s12+$0xFFFFFFE0]  }
0x540: {  	v3 =	vld [tilespmem:s12+$0xFFFFFFF0]  }
0x541: {  	s13 =	simm.s32 $0x0;
	s15 =	simm.s32 $0x140A0;
	v4 =	vld [tilespmem:s12+$0x0]  }
0x542: {  	s14 =	sand.u32 $0x7C0, s13;
	v5 =	vld [tilespmem:s15+$0xFFFFFFE0]  }
0x543: {  	v9 =	vld [tilespmem:s14+$0x9800]  }
0x544: {  	v10 =	vld [tilespmem:s15+$0xFFFFFFF0]  }
0x545: {  	v7 =	vld [tilespmem:s15+$0x0]  }
0x546: {  	s16 =	simm.s32 $0x0;
	s17 =	simm.s32 $0x9870;
	v8 =	vld [tilespmem:s15+$0x10]  }
.LBB2_44:
0x547: {  	v11 =	vld [tilespmem:s17+$0xFFFFFFE0]  }
0x548: {  	s16 =	sadd.s32 $0x4, s16;
	v12 =	vld [tilespmem:s17+$0xFFFFFFF0];
	v9 =	vadd.f32 v5, v9  }
0x549: {  	s13 =	sadd.s32 $0x40, s13;
	s15 =	sadd.s32 $0x40, s15;
	p1 =	slt.u32 s16, $0x7C;
	v13 =	vld [tilespmem:s17+$0x0];
	v14 =	vadd.f32 v10, v6  }
.Ltmp23:
0x54a: {  	v5 =	vld [tilespmem:s15+$0xFFFFFFE0];
	[tilespmem:s14+$0x9800] =	vst v9;
	s14 =	sand.u32 $0x7C0, s13;
	v15 =	vadd.f32 v7, v3;
	(pc) =	sbr.rel @p1 .LBB2_44-.Ltmp23, $4  }
0x54b: {  	v9 =	vld [tilespmem:s14+$0x9800];
	[tilespmem:s12+$0xFFFFFFE0] =	vst v14;
	v14 =	vadd.f32 v8, v4  }
0x54c: {  	v10 =	vld [tilespmem:s15+$0xFFFFFFF0];
	[tilespmem:s12+$0xFFFFFFF0] =	vst v15;
	v6 =	vmov v11  }
0x54d: {  	v7 =	vld [tilespmem:s15+$0x0];
	[tilespmem:s12+$0x0] =	vst v14;
	v3 =	vmov v12;
	s12 =	smov.u32 s17  }
0x54e: {  	s17 =	sadd.s32 $0x40, s17;
	v8 =	vld [tilespmem:s15+$0x10];
	v4 =	vmov v13  }
0x54f: {  	_ = 	snop  }
0x550: {  	v5 =	vadd.f32 v5, v9  }
0x551: {  	v6 =	vadd.f32 v10, v6  }
0x552: {  	[tilespmem:s14+$0x9800] =	vst v5;
	v3 =	vadd.f32 v7, v3  }
0x553: {  	[tilespmem:s12+$0xFFFFFFE0] =	vst v6;
	v4 =	vadd.f32 v8, v4  }
0x554: {  	[tilespmem:s12+$0xFFFFFFF0] =	vst v3  }
0x555: {  	[tilespmem:s12+$0x0] =	vst v4  }
0x556: {  	s12 =	sld [smem:$0x797];
	_ =	sdelay $0x2  }
0x557: {  	[tilespmem:s18], [sflag:$0x5] =	stream.linear.gather [spmem:s12], $0x800, $0x38;
	[tilespmem:$0x1C880] =	vst v63  }
0x558: {  	_ =	swait.ge [sflag:s11], $0x800  }
0x559: {  	[sflag:s11] =	ssyncset.done $0x0  }
0x55a: {  	s12 =	simm.s32 $0xA030;
	[sflag:s11] =	ssyncadd.s32 $0xFFFFF800  }
0x55b: {  	v6 =	vld [tilespmem:s12+$0xFFFFFFE0]  }
0x55c: {  	v3 =	vld [tilespmem:s12+$0xFFFFFFF0]  }
0x55d: {  	s13 =	simm.s32 $0x0;
	s15 =	simm.s32 $0x140A0;
	v4 =	vld [tilespmem:s12+$0x0]  }
0x55e: {  	s14 =	sand.u32 $0x7C0, s13;
	v5 =	vld [tilespmem:s15+$0xFFFFFFE0]  }
0x55f: {  	v9 =	vld [tilespmem:s14+$0xA000]  }
0x560: {  	v10 =	vld [tilespmem:s15+$0xFFFFFFF0]  }
0x561: {  	v7 =	vld [tilespmem:s15+$0x0]  }
0x562: {  	s16 =	simm.s32 $0x0;
	s17 =	simm.s32 $0xA070;
	v8 =	vld [tilespmem:s15+$0x10]  }
.LBB2_46:
0x563: {  	v11 =	vld [tilespmem:s17+$0xFFFFFFE0]  }
0x564: {  	s16 =	sadd.s32 $0x4, s16;
	v12 =	vld [tilespmem:s17+$0xFFFFFFF0];
	v9 =	vadd.f32 v5, v9  }
0x565: {  	s13 =	sadd.s32 $0x40, s13;
	s15 =	sadd.s32 $0x40, s15;
	p1 =	slt.u32 s16, $0x7C;
	v13 =	vld [tilespmem:s17+$0x0];
	v14 =	vadd.f32 v10, v6  }
.Ltmp24:
0x566: {  	v5 =	vld [tilespmem:s15+$0xFFFFFFE0];
	[tilespmem:s14+$0xA000] =	vst v9;
	s14 =	sand.u32 $0x7C0, s13;
	v15 =	vadd.f32 v7, v3;
	(pc) =	sbr.rel @p1 .LBB2_46-.Ltmp24, $4  }
0x567: {  	v9 =	vld [tilespmem:s14+$0xA000];
	[tilespmem:s12+$0xFFFFFFE0] =	vst v14;
	v14 =	vadd.f32 v8, v4  }
0x568: {  	v10 =	vld [tilespmem:s15+$0xFFFFFFF0];
	[tilespmem:s12+$0xFFFFFFF0] =	vst v15;
	v6 =	vmov v11  }
0x569: {  	v7 =	vld [tilespmem:s15+$0x0];
	[tilespmem:s12+$0x0] =	vst v14;
	v3 =	vmov v12;
	s12 =	smov.u32 s17  }
0x56a: {  	s17 =	sadd.s32 $0x40, s17;
	v8 =	vld [tilespmem:s15+$0x10];
	v4 =	vmov v13  }
0x56b: {  	_ = 	snop  }
0x56c: {  	v5 =	vadd.f32 v5, v9  }
0x56d: {  	v6 =	vadd.f32 v10, v6  }
0x56e: {  	[tilespmem:s14+$0xA000] =	vst v5;
	v3 =	vadd.f32 v7, v3  }
0x56f: {  	[tilespmem:s12+$0xFFFFFFE0] =	vst v6;
	v4 =	vadd.f32 v8, v4  }
0x570: {  	[tilespmem:s12+$0xFFFFFFF0] =	vst v3  }
0x571: {  	[tilespmem:s12+$0x0] =	vst v4  }
0x572: {  	s12 =	sld [smem:$0x798];
	_ =	sdelay $0x2  }
0x573: {  	[tilespmem:s18], [sflag:$0x5] =	stream.linear.gather [spmem:s12], $0x800, $0x38;
	[tilespmem:$0x1C880] =	vst v63  }
0x574: {  	_ =	swait.ge [sflag:s11], $0x800  }
0x575: {  	[sflag:s11] =	ssyncset.done $0x0  }
0x576: {  	s12 =	simm.s32 $0xA830;
	[sflag:s11] =	ssyncadd.s32 $0xFFFFF800  }
0x577: {  	v6 =	vld [tilespmem:s12+$0xFFFFFFE0]  }
0x578: {  	v3 =	vld [tilespmem:s12+$0xFFFFFFF0]  }
0x579: {  	s13 =	simm.s32 $0x0;
	s15 =	simm.s32 $0x140A0;
	v4 =	vld [tilespmem:s12+$0x0]  }
0x57a: {  	s14 =	sand.u32 $0x7C0, s13;
	v5 =	vld [tilespmem:s15+$0xFFFFFFE0]  }
0x57b: {  	v9 =	vld [tilespmem:s14+$0xA800]  }
0x57c: {  	v10 =	vld [tilespmem:s15+$0xFFFFFFF0]  }
0x57d: {  	v7 =	vld [tilespmem:s15+$0x0]  }
0x57e: {  	s16 =	simm.s32 $0x0;
	s17 =	simm.s32 $0xA870;
	v8 =	vld [tilespmem:s15+$0x10]  }
.LBB2_48:
0x57f: {  	v11 =	vld [tilespmem:s17+$0xFFFFFFE0]  }
0x580: {  	s16 =	sadd.s32 $0x4, s16;
	v12 =	vld [tilespmem:s17+$0xFFFFFFF0];
	v9 =	vadd.f32 v5, v9  }
0x581: {  	s13 =	sadd.s32 $0x40, s13;
	s15 =	sadd.s32 $0x40, s15;
	p1 =	slt.u32 s16, $0x7C;
	v13 =	vld [tilespmem:s17+$0x0];
	v14 =	vadd.f32 v10, v6  }
.Ltmp25:
0x582: {  	v5 =	vld [tilespmem:s15+$0xFFFFFFE0];
	[tilespmem:s14+$0xA800] =	vst v9;
	s14 =	sand.u32 $0x7C0, s13;
	v15 =	vadd.f32 v7, v3;
	(pc) =	sbr.rel @p1 .LBB2_48-.Ltmp25, $4  }
0x583: {  	v9 =	vld [tilespmem:s14+$0xA800];
	[tilespmem:s12+$0xFFFFFFE0] =	vst v14;
	v14 =	vadd.f32 v8, v4  }
0x584: {  	v10 =	vld [tilespmem:s15+$0xFFFFFFF0];
	[tilespmem:s12+$0xFFFFFFF0] =	vst v15;
	v6 =	vmov v11  }
0x585: {  	v7 =	vld [tilespmem:s15+$0x0];
	[tilespmem:s12+$0x0] =	vst v14;
	v3 =	vmov v12;
	s12 =	smov.u32 s17  }
0x586: {  	s17 =	sadd.s32 $0x40, s17;
	v8 =	vld [tilespmem:s15+$0x10];
	v4 =	vmov v13  }
0x587: {  	_ = 	snop  }
0x588: {  	v5 =	vadd.f32 v5, v9  }
0x589: {  	v6 =	vadd.f32 v10, v6  }
0x58a: {  	[tilespmem:s14+$0xA800] =	vst v5;
	v3 =	vadd.f32 v7, v3  }
0x58b: {  	[tilespmem:s12+$0xFFFFFFE0] =	vst v6;
	v4 =	vadd.f32 v8, v4  }
0x58c: {  	[tilespmem:s12+$0xFFFFFFF0] =	vst v3  }
0x58d: {  	[tilespmem:s12+$0x0] =	vst v4  }
0x58e: {  	s12 =	sld [smem:$0x799];
	_ =	sdelay $0x2  }
0x58f: {  	[tilespmem:s18], [sflag:$0x5] =	stream.linear.gather [spmem:s12], $0x800, $0x38;
	[tilespmem:$0x1C880] =	vst v63  }
0x590: {  	_ =	swait.ge [sflag:s11], $0x800  }
0x591: {  	[sflag:s11] =	ssyncset.done $0x0  }
0x592: {  	s12 =	simm.s32 $0xB030;
	[sflag:s11] =	ssyncadd.s32 $0xFFFFF800  }
0x593: {  	v6 =	vld [tilespmem:s12+$0xFFFFFFE0]  }
0x594: {  	v3 =	vld [tilespmem:s12+$0xFFFFFFF0]  }
0x595: {  	s13 =	simm.s32 $0x0;
	s15 =	simm.s32 $0x140A0;
	v4 =	vld [tilespmem:s12+$0x0]  }
0x596: {  	s14 =	sand.u32 $0x7C0, s13;
	v5 =	vld [tilespmem:s15+$0xFFFFFFE0]  }
0x597: {  	v9 =	vld [tilespmem:s14+$0xB000]  }
0x598: {  	v10 =	vld [tilespmem:s15+$0xFFFFFFF0]  }
0x599: {  	v7 =	vld [tilespmem:s15+$0x0]  }
0x59a: {  	s16 =	simm.s32 $0x0;
	s17 =	simm.s32 $0xB070;
	v8 =	vld [tilespmem:s15+$0x10]  }
.LBB2_50:
0x59b: {  	v11 =	vld [tilespmem:s17+$0xFFFFFFE0]  }
0x59c: {  	s16 =	sadd.s32 $0x4, s16;
	v12 =	vld [tilespmem:s17+$0xFFFFFFF0];
	v9 =	vadd.f32 v5, v9  }
0x59d: {  	s13 =	sadd.s32 $0x40, s13;
	s15 =	sadd.s32 $0x40, s15;
	p1 =	slt.u32 s16, $0x7C;
	v13 =	vld [tilespmem:s17+$0x0];
	v14 =	vadd.f32 v10, v6  }
.Ltmp26:
0x59e: {  	v5 =	vld [tilespmem:s15+$0xFFFFFFE0];
	[tilespmem:s14+$0xB000] =	vst v9;
	s14 =	sand.u32 $0x7C0, s13;
	v15 =	vadd.f32 v7, v3;
	(pc) =	sbr.rel @p1 .LBB2_50-.Ltmp26, $4  }
0x59f: {  	v9 =	vld [tilespmem:s14+$0xB000];
	[tilespmem:s12+$0xFFFFFFE0] =	vst v14;
	v14 =	vadd.f32 v8, v4  }
0x5a0: {  	v10 =	vld [tilespmem:s15+$0xFFFFFFF0];
	[tilespmem:s12+$0xFFFFFFF0] =	vst v15;
	v6 =	vmov v11  }
0x5a1: {  	v7 =	vld [tilespmem:s15+$0x0];
	[tilespmem:s12+$0x0] =	vst v14;
	v3 =	vmov v12;
	s12 =	smov.u32 s17  }
0x5a2: {  	s17 =	sadd.s32 $0x40, s17;
	v8 =	vld [tilespmem:s15+$0x10];
	v4 =	vmov v13  }
0x5a3: {  	_ = 	snop  }
0x5a4: {  	v5 =	vadd.f32 v5, v9  }
0x5a5: {  	v6 =	vadd.f32 v10, v6  }
0x5a6: {  	[tilespmem:s14+$0xB000] =	vst v5;
	v3 =	vadd.f32 v7, v3  }
0x5a7: {  	[tilespmem:s12+$0xFFFFFFE0] =	vst v6;
	v4 =	vadd.f32 v8, v4  }
0x5a8: {  	[tilespmem:s12+$0xFFFFFFF0] =	vst v3  }
0x5a9: {  	[tilespmem:s12+$0x0] =	vst v4  }
0x5aa: {  	s12 =	sld [smem:$0x79A];
	_ =	sdelay $0x2  }
0x5ab: {  	[tilespmem:s18], [sflag:$0x5] =	stream.linear.gather [spmem:s12], $0x800, $0x38;
	[tilespmem:$0x1C880] =	vst v63  }
0x5ac: {  	_ =	swait.ge [sflag:s11], $0x800  }
0x5ad: {  	[sflag:s11] =	ssyncset.done $0x0  }
0x5ae: {  	s12 =	simm.s32 $0xB830;
	[sflag:s11] =	ssyncadd.s32 $0xFFFFF800  }
0x5af: {  	v6 =	vld [tilespmem:s12+$0xFFFFFFE0]  }
0x5b0: {  	v3 =	vld [tilespmem:s12+$0xFFFFFFF0]  }
0x5b1: {  	s13 =	simm.s32 $0x0;
	s15 =	simm.s32 $0x140A0;
	v4 =	vld [tilespmem:s12+$0x0]  }
0x5b2: {  	s14 =	sand.u32 $0x7C0, s13;
	v5 =	vld [tilespmem:s15+$0xFFFFFFE0]  }
0x5b3: {  	v9 =	vld [tilespmem:s14+$0xB800]  }
0x5b4: {  	v10 =	vld [tilespmem:s15+$0xFFFFFFF0]  }
0x5b5: {  	v7 =	vld [tilespmem:s15+$0x0]  }
0x5b6: {  	s16 =	simm.s32 $0x0;
	s17 =	simm.s32 $0xB870;
	v8 =	vld [tilespmem:s15+$0x10]  }
.LBB2_52:
0x5b7: {  	v11 =	vld [tilespmem:s17+$0xFFFFFFE0]  }
0x5b8: {  	s16 =	sadd.s32 $0x4, s16;
	v12 =	vld [tilespmem:s17+$0xFFFFFFF0];
	v9 =	vadd.f32 v5, v9  }
0x5b9: {  	s13 =	sadd.s32 $0x40, s13;
	s15 =	sadd.s32 $0x40, s15;
	p1 =	slt.u32 s16, $0x7C;
	v13 =	vld [tilespmem:s17+$0x0];
	v14 =	vadd.f32 v10, v6  }
.Ltmp27:
0x5ba: {  	v5 =	vld [tilespmem:s15+$0xFFFFFFE0];
	[tilespmem:s14+$0xB800] =	vst v9;
	s14 =	sand.u32 $0x7C0, s13;
	v15 =	vadd.f32 v7, v3;
	(pc) =	sbr.rel @p1 .LBB2_52-.Ltmp27, $4  }
0x5bb: {  	v9 =	vld [tilespmem:s14+$0xB800];
	[tilespmem:s12+$0xFFFFFFE0] =	vst v14;
	v14 =	vadd.f32 v8, v4  }
0x5bc: {  	v10 =	vld [tilespmem:s15+$0xFFFFFFF0];
	[tilespmem:s12+$0xFFFFFFF0] =	vst v15;
	v6 =	vmov v11  }
0x5bd: {  	v7 =	vld [tilespmem:s15+$0x0];
	[tilespmem:s12+$0x0] =	vst v14;
	v3 =	vmov v12;
	s12 =	smov.u32 s17  }
0x5be: {  	s17 =	sadd.s32 $0x40, s17;
	v8 =	vld [tilespmem:s15+$0x10];
	v4 =	vmov v13  }
0x5bf: {  	_ = 	snop  }
0x5c0: {  	v5 =	vadd.f32 v5, v9  }
0x5c1: {  	v6 =	vadd.f32 v10, v6  }
0x5c2: {  	[tilespmem:s14+$0xB800] =	vst v5;
	v3 =	vadd.f32 v7, v3  }
0x5c3: {  	[tilespmem:s12+$0xFFFFFFE0] =	vst v6;
	v4 =	vadd.f32 v8, v4  }
0x5c4: {  	[tilespmem:s12+$0xFFFFFFF0] =	vst v3  }
0x5c5: {  	[tilespmem:s12+$0x0] =	vst v4  }
0x5c6: {  	s12 =	rddreg [dreg:$0x16]  }
0x5c7: {  	[tilespmem:s18], [sflag:$0x5] =	stream.linear.gather [spmem:s12], $0x800, $0x38;
	[tilespmem:$0x1C880] =	vst v63  }
0x5c8: {  	_ =	swait.ge [sflag:s11], $0x800  }
0x5c9: {  	[sflag:s11] =	ssyncset.done $0x0  }
0x5ca: {  	s12 =	simm.s32 $0xC020;
	[sflag:s11] =	ssyncadd.s32 $0xFFFFF800  }
0x5cb: {  	s13 =	simm.s32 $0x140A0;
	v8 =	vld [tilespmem:s12+$0x10]  }
0x5cc: {  	v9 =	vld [tilespmem:s13+$0x10]  }
0x5cd: {  	v5 =	vld [tilespmem:s13+$0xFFFFFFE0]  }
0x5ce: {  	v3 =	vld [tilespmem:s12+$0xFFFFFFF0]  }
0x5cf: {  	v7 =	vld [tilespmem:s13+$0xFFFFFFF0]  }
0x5d0: {  	v4 =	vld [tilespmem:s12+$0x0]  }
0x5d1: {  	v6 =	vld [tilespmem:s13+$0x0];
	v9 =	vadd.f32 v9, v8  }
0x5d2: {  	s15 =	simm.s32 $0xC060;
	s14 =	simm.s32 $0x0;
	v8 =	vld [tilespmem:s12+$0xFFFFFFE0]  }
.LBB2_54:
0x5d3: {  	v10 =	vld [tilespmem:s15+$0x10];
	[tilespmem:s12+$0x10] =	vst v9;
	s13 =	sadd.s32 $0x40, s13  }
0x5d4: {  	s14 =	sadd.s32 $0x4, s14;
	v9 =	vld [tilespmem:s13+$0x10];
	v7 =	vadd.f32 v7, v3  }
0x5d5: {  	p1 =	slt.u32 s14, $0x7C;
	v11 =	vld [tilespmem:s13+$0xFFFFFFE0]  }
.Ltmp28:
0x5d6: {  	v3 =	vld [tilespmem:s15+$0xFFFFFFF0];
	[tilespmem:s12+$0xFFFFFFF0] =	vst v7;
	v6 =	vadd.f32 v6, v4;
	(pc) =	sbr.rel @p1 .LBB2_54-.Ltmp28, $4  }
0x5d7: {  	v7 =	vld [tilespmem:s13+$0xFFFFFFF0];
	v12 =	vadd.f32 v5, v8  }
0x5d8: {  	v4 =	vld [tilespmem:s15+$0x0];
	[tilespmem:s12+$0x0] =	vst v6  }
0x5d9: {  	v6 =	vld [tilespmem:s13+$0x0];
	v9 =	vadd.f32 v9, v10;
	[tilespmem:s12+$0xFFFFFFE0] =	vst v12;
	s12 =	smov.u32 s15  }
0x5da: {  	s15 =	sadd.s32 $0x40, s15;
	v8 =	vld [tilespmem:s12+$0xFFFFFFE0];
	v5 =	vmov v11  }
0x5db: {  	_ =	sdelay $0x1  }
0x5dc: {  	v3 =	vadd.f32 v7, v3  }
0x5dd: {  	[tilespmem:s12+$0x10] =	vst v9;
	v4 =	vadd.f32 v6, v4  }
0x5de: {  	[tilespmem:s12+$0xFFFFFFF0] =	vst v3;
	v3 =	vadd.f32 v5, v8  }
0x5df: {  	[tilespmem:s12+$0x0] =	vst v4  }
0x5e0: {  	[tilespmem:s12+$0xFFFFFFE0] =	vst v3  }
0x5e1: {  	s12 =	sld [smem:$0x79B];
	_ =	sdelay $0x2  }
0x5e2: {  	[tilespmem:s18], [sflag:$0x5] =	stream.linear.gather [spmem:s12], $0x800, $0x38;
	[tilespmem:$0x1C880] =	vst v63  }
0x5e3: {  	_ =	swait.ge [sflag:s11], $0x800  }
0x5e4: {  	[sflag:s11] =	ssyncset.done $0x0  }
0x5e5: {  	s12 =	simm.s32 $0xC830;
	[sflag:s11] =	ssyncadd.s32 $0xFFFFF800  }
0x5e6: {  	v6 =	vld [tilespmem:s12+$0xFFFFFFE0]  }
0x5e7: {  	v3 =	vld [tilespmem:s12+$0xFFFFFFF0]  }
0x5e8: {  	s13 =	simm.s32 $0x0;
	s15 =	simm.s32 $0x140A0;
	v4 =	vld [tilespmem:s12+$0x0]  }
0x5e9: {  	s14 =	sand.u32 $0x7C0, s13;
	v5 =	vld [tilespmem:s15+$0xFFFFFFE0]  }
0x5ea: {  	v9 =	vld [tilespmem:s14+$0xC800]  }
0x5eb: {  	v10 =	vld [tilespmem:s15+$0xFFFFFFF0]  }
0x5ec: {  	v7 =	vld [tilespmem:s15+$0x0]  }
0x5ed: {  	s16 =	simm.s32 $0x0;
	s17 =	simm.s32 $0xC870;
	v8 =	vld [tilespmem:s15+$0x10]  }
.LBB2_56:
0x5ee: {  	v11 =	vld [tilespmem:s17+$0xFFFFFFE0]  }
0x5ef: {  	s16 =	sadd.s32 $0x4, s16;
	v12 =	vld [tilespmem:s17+$0xFFFFFFF0];
	v9 =	vadd.f32 v5, v9  }
0x5f0: {  	s13 =	sadd.s32 $0x40, s13;
	s15 =	sadd.s32 $0x40, s15;
	p1 =	slt.u32 s16, $0x7C;
	v13 =	vld [tilespmem:s17+$0x0];
	v14 =	vadd.f32 v10, v6  }
.Ltmp29:
0x5f1: {  	v5 =	vld [tilespmem:s15+$0xFFFFFFE0];
	[tilespmem:s14+$0xC800] =	vst v9;
	s14 =	sand.u32 $0x7C0, s13;
	v15 =	vadd.f32 v7, v3;
	(pc) =	sbr.rel @p1 .LBB2_56-.Ltmp29, $4  }
0x5f2: {  	v9 =	vld [tilespmem:s14+$0xC800];
	[tilespmem:s12+$0xFFFFFFE0] =	vst v14;
	v14 =	vadd.f32 v8, v4  }
0x5f3: {  	v10 =	vld [tilespmem:s15+$0xFFFFFFF0];
	[tilespmem:s12+$0xFFFFFFF0] =	vst v15;
	v6 =	vmov v11  }
0x5f4: {  	v7 =	vld [tilespmem:s15+$0x0];
	[tilespmem:s12+$0x0] =	vst v14;
	v3 =	vmov v12;
	s12 =	smov.u32 s17  }
0x5f5: {  	s17 =	sadd.s32 $0x40, s17;
	v8 =	vld [tilespmem:s15+$0x10];
	v4 =	vmov v13  }
0x5f6: {  	_ = 	snop  }
0x5f7: {  	v5 =	vadd.f32 v5, v9  }
0x5f8: {  	v6 =	vadd.f32 v10, v6  }
0x5f9: {  	[tilespmem:s14+$0xC800] =	vst v5;
	v3 =	vadd.f32 v7, v3  }
0x5fa: {  	[tilespmem:s12+$0xFFFFFFE0] =	vst v6;
	v4 =	vadd.f32 v8, v4  }
0x5fb: {  	[tilespmem:s12+$0xFFFFFFF0] =	vst v3  }
0x5fc: {  	[tilespmem:s12+$0x0] =	vst v4  }
0x5fd: {  	s12 =	sld [smem:$0x79C];
	_ =	sdelay $0x2  }
0x5fe: {  	[tilespmem:s18], [sflag:$0x5] =	stream.linear.gather [spmem:s12], $0x800, $0x38;
	[tilespmem:$0x1C880] =	vst v63  }
0x5ff: {  	_ =	swait.ge [sflag:s11], $0x800  }
0x600: {  	[sflag:s11] =	ssyncset.done $0x0  }
0x601: {  	s12 =	simm.s32 $0xD030;
	[sflag:s11] =	ssyncadd.s32 $0xFFFFF800  }
0x602: {  	v6 =	vld [tilespmem:s12+$0xFFFFFFE0]  }
0x603: {  	v3 =	vld [tilespmem:s12+$0xFFFFFFF0]  }
0x604: {  	s13 =	simm.s32 $0x0;
	s15 =	simm.s32 $0x140A0;
	v4 =	vld [tilespmem:s12+$0x0]  }
0x605: {  	s14 =	sand.u32 $0x7C0, s13;
	v5 =	vld [tilespmem:s15+$0xFFFFFFE0]  }
0x606: {  	v9 =	vld [tilespmem:s14+$0xD000]  }
0x607: {  	v10 =	vld [tilespmem:s15+$0xFFFFFFF0]  }
0x608: {  	v7 =	vld [tilespmem:s15+$0x0]  }
0x609: {  	s16 =	simm.s32 $0x0;
	s17 =	simm.s32 $0xD070;
	v8 =	vld [tilespmem:s15+$0x10]  }
.LBB2_58:
0x60a: {  	v11 =	vld [tilespmem:s17+$0xFFFFFFE0]  }
0x60b: {  	s16 =	sadd.s32 $0x4, s16;
	v12 =	vld [tilespmem:s17+$0xFFFFFFF0];
	v9 =	vadd.f32 v5, v9  }
0x60c: {  	s13 =	sadd.s32 $0x40, s13;
	s15 =	sadd.s32 $0x40, s15;
	p1 =	slt.u32 s16, $0x7C;
	v13 =	vld [tilespmem:s17+$0x0];
	v14 =	vadd.f32 v10, v6  }
.Ltmp30:
0x60d: {  	v5 =	vld [tilespmem:s15+$0xFFFFFFE0];
	[tilespmem:s14+$0xD000] =	vst v9;
	s14 =	sand.u32 $0x7C0, s13;
	v15 =	vadd.f32 v7, v3;
	(pc) =	sbr.rel @p1 .LBB2_58-.Ltmp30, $4  }
0x60e: {  	v9 =	vld [tilespmem:s14+$0xD000];
	[tilespmem:s12+$0xFFFFFFE0] =	vst v14;
	v14 =	vadd.f32 v8, v4  }
0x60f: {  	v10 =	vld [tilespmem:s15+$0xFFFFFFF0];
	[tilespmem:s12+$0xFFFFFFF0] =	vst v15;
	v6 =	vmov v11  }
0x610: {  	v7 =	vld [tilespmem:s15+$0x0];
	[tilespmem:s12+$0x0] =	vst v14;
	v3 =	vmov v12;
	s12 =	smov.u32 s17  }
0x611: {  	s17 =	sadd.s32 $0x40, s17;
	v8 =	vld [tilespmem:s15+$0x10];
	v4 =	vmov v13  }
0x612: {  	_ = 	snop  }
0x613: {  	v5 =	vadd.f32 v5, v9  }
0x614: {  	v6 =	vadd.f32 v10, v6  }
0x615: {  	[tilespmem:s14+$0xD000] =	vst v5;
	v3 =	vadd.f32 v7, v3  }
0x616: {  	[tilespmem:s12+$0xFFFFFFE0] =	vst v6;
	v4 =	vadd.f32 v8, v4  }
0x617: {  	[tilespmem:s12+$0xFFFFFFF0] =	vst v3  }
0x618: {  	[tilespmem:s12+$0x0] =	vst v4  }
0x619: {  	s12 =	sld [smem:$0x79D];
	_ =	sdelay $0x2  }
0x61a: {  	[tilespmem:s18], [sflag:$0x5] =	stream.linear.gather [spmem:s12], $0x800, $0x38;
	[tilespmem:$0x1C880] =	vst v63  }
0x61b: {  	_ =	swait.ge [sflag:s11], $0x800  }
0x61c: {  	[sflag:s11] =	ssyncset.done $0x0  }
0x61d: {  	s12 =	simm.s32 $0xD830;
	[sflag:s11] =	ssyncadd.s32 $0xFFFFF800  }
0x61e: {  	v6 =	vld [tilespmem:s12+$0xFFFFFFE0]  }
0x61f: {  	v3 =	vld [tilespmem:s12+$0xFFFFFFF0]  }
0x620: {  	s13 =	simm.s32 $0x0;
	s15 =	simm.s32 $0x140A0;
	v4 =	vld [tilespmem:s12+$0x0]  }
0x621: {  	s14 =	sand.u32 $0x7C0, s13;
	v5 =	vld [tilespmem:s15+$0xFFFFFFE0]  }
0x622: {  	v9 =	vld [tilespmem:s14+$0xD800]  }
0x623: {  	v10 =	vld [tilespmem:s15+$0xFFFFFFF0]  }
0x624: {  	v7 =	vld [tilespmem:s15+$0x0]  }
0x625: {  	s16 =	simm.s32 $0x0;
	s17 =	simm.s32 $0xD870;
	v8 =	vld [tilespmem:s15+$0x10]  }
.LBB2_60:
0x626: {  	v11 =	vld [tilespmem:s17+$0xFFFFFFE0]  }
0x627: {  	s16 =	sadd.s32 $0x4, s16;
	v12 =	vld [tilespmem:s17+$0xFFFFFFF0];
	v9 =	vadd.f32 v5, v9  }
0x628: {  	s13 =	sadd.s32 $0x40, s13;
	s15 =	sadd.s32 $0x40, s15;
	p1 =	slt.u32 s16, $0x7C;
	v13 =	vld [tilespmem:s17+$0x0];
	v14 =	vadd.f32 v10, v6  }
.Ltmp31:
0x629: {  	v5 =	vld [tilespmem:s15+$0xFFFFFFE0];
	[tilespmem:s14+$0xD800] =	vst v9;
	s14 =	sand.u32 $0x7C0, s13;
	v15 =	vadd.f32 v7, v3;
	(pc) =	sbr.rel @p1 .LBB2_60-.Ltmp31, $4  }
0x62a: {  	v9 =	vld [tilespmem:s14+$0xD800];
	[tilespmem:s12+$0xFFFFFFE0] =	vst v14;
	v14 =	vadd.f32 v8, v4  }
0x62b: {  	v10 =	vld [tilespmem:s15+$0xFFFFFFF0];
	[tilespmem:s12+$0xFFFFFFF0] =	vst v15;
	v6 =	vmov v11  }
0x62c: {  	v7 =	vld [tilespmem:s15+$0x0];
	[tilespmem:s12+$0x0] =	vst v14;
	v3 =	vmov v12;
	s12 =	smov.u32 s17  }
0x62d: {  	s17 =	sadd.s32 $0x40, s17;
	v8 =	vld [tilespmem:s15+$0x10];
	v4 =	vmov v13  }
0x62e: {  	_ = 	snop  }
0x62f: {  	v5 =	vadd.f32 v5, v9  }
0x630: {  	v6 =	vadd.f32 v10, v6  }
0x631: {  	[tilespmem:s14+$0xD800] =	vst v5;
	v3 =	vadd.f32 v7, v3  }
0x632: {  	[tilespmem:s12+$0xFFFFFFE0] =	vst v6;
	v4 =	vadd.f32 v8, v4  }
0x633: {  	[tilespmem:s12+$0xFFFFFFF0] =	vst v3  }
0x634: {  	[tilespmem:s12+$0x0] =	vst v4  }
0x635: {  	s12 =	sld [smem:$0x79E];
	_ =	sdelay $0x2  }
0x636: {  	[tilespmem:s18], [sflag:$0x5] =	stream.linear.gather [spmem:s12], $0x800, $0x38;
	[tilespmem:$0x1C880] =	vst v63  }
0x637: {  	_ =	swait.ge [sflag:s11], $0x800  }
0x638: {  	[sflag:s11] =	ssyncset.done $0x0  }
0x639: {  	s12 =	simm.s32 $0xE030;
	[sflag:s11] =	ssyncadd.s32 $0xFFFFF800  }
0x63a: {  	v6 =	vld [tilespmem:s12+$0xFFFFFFE0]  }
0x63b: {  	v3 =	vld [tilespmem:s12+$0xFFFFFFF0]  }
0x63c: {  	s13 =	simm.s32 $0x0;
	s15 =	simm.s32 $0x140A0;
	v4 =	vld [tilespmem:s12+$0x0]  }
0x63d: {  	s14 =	sand.u32 $0x7C0, s13;
	v5 =	vld [tilespmem:s15+$0xFFFFFFE0]  }
0x63e: {  	v9 =	vld [tilespmem:s14+$0xE000]  }
0x63f: {  	v10 =	vld [tilespmem:s15+$0xFFFFFFF0]  }
0x640: {  	v7 =	vld [tilespmem:s15+$0x0]  }
0x641: {  	s16 =	simm.s32 $0x0;
	s17 =	simm.s32 $0xE070;
	v8 =	vld [tilespmem:s15+$0x10]  }
.LBB2_62:
0x642: {  	v11 =	vld [tilespmem:s17+$0xFFFFFFE0]  }
0x643: {  	s16 =	sadd.s32 $0x4, s16;
	v12 =	vld [tilespmem:s17+$0xFFFFFFF0];
	v9 =	vadd.f32 v5, v9  }
0x644: {  	s13 =	sadd.s32 $0x40, s13;
	s15 =	sadd.s32 $0x40, s15;
	p1 =	slt.u32 s16, $0x7C;
	v13 =	vld [tilespmem:s17+$0x0];
	v14 =	vadd.f32 v10, v6  }
.Ltmp32:
0x645: {  	v5 =	vld [tilespmem:s15+$0xFFFFFFE0];
	[tilespmem:s14+$0xE000] =	vst v9;
	s14 =	sand.u32 $0x7C0, s13;
	v15 =	vadd.f32 v7, v3;
	(pc) =	sbr.rel @p1 .LBB2_62-.Ltmp32, $4  }
0x646: {  	v9 =	vld [tilespmem:s14+$0xE000];
	[tilespmem:s12+$0xFFFFFFE0] =	vst v14;
	v14 =	vadd.f32 v8, v4  }
0x647: {  	v10 =	vld [tilespmem:s15+$0xFFFFFFF0];
	[tilespmem:s12+$0xFFFFFFF0] =	vst v15;
	v6 =	vmov v11  }
0x648: {  	v7 =	vld [tilespmem:s15+$0x0];
	[tilespmem:s12+$0x0] =	vst v14;
	v3 =	vmov v12;
	s12 =	smov.u32 s17  }
0x649: {  	s17 =	sadd.s32 $0x40, s17;
	v8 =	vld [tilespmem:s15+$0x10];
	v4 =	vmov v13  }
0x64a: {  	_ = 	snop  }
0x64b: {  	v5 =	vadd.f32 v5, v9  }
0x64c: {  	v6 =	vadd.f32 v10, v6  }
0x64d: {  	[tilespmem:s14+$0xE000] =	vst v5;
	v3 =	vadd.f32 v7, v3  }
0x64e: {  	[tilespmem:s12+$0xFFFFFFE0] =	vst v6;
	v4 =	vadd.f32 v8, v4  }
0x64f: {  	[tilespmem:s12+$0xFFFFFFF0] =	vst v3  }
0x650: {  	[tilespmem:s12+$0x0] =	vst v4  }
0x651: {  	s12 =	sld [smem:$0x79F];
	_ =	sdelay $0x2  }
0x652: {  	[tilespmem:s18], [sflag:$0x5] =	stream.linear.gather [spmem:s12], $0x800, $0x38;
	[tilespmem:$0x1C880] =	vst v63  }
0x653: {  	_ =	swait.ge [sflag:s11], $0x800  }
0x654: {  	[sflag:s11] =	ssyncset.done $0x0  }
0x655: {  	s12 =	simm.s32 $0xE830;
	[sflag:s11] =	ssyncadd.s32 $0xFFFFF800  }
0x656: {  	v6 =	vld [tilespmem:s12+$0xFFFFFFE0]  }
0x657: {  	v3 =	vld [tilespmem:s12+$0xFFFFFFF0]  }
0x658: {  	s13 =	simm.s32 $0x0;
	s15 =	simm.s32 $0x140A0;
	v4 =	vld [tilespmem:s12+$0x0]  }
0x659: {  	s14 =	sand.u32 $0x7C0, s13;
	v5 =	vld [tilespmem:s15+$0xFFFFFFE0]  }
0x65a: {  	v9 =	vld [tilespmem:s14+$0xE800]  }
0x65b: {  	v10 =	vld [tilespmem:s15+$0xFFFFFFF0]  }
0x65c: {  	v7 =	vld [tilespmem:s15+$0x0]  }
0x65d: {  	s16 =	simm.s32 $0x0;
	s17 =	simm.s32 $0xE870;
	v8 =	vld [tilespmem:s15+$0x10]  }
.LBB2_64:
0x65e: {  	v11 =	vld [tilespmem:s17+$0xFFFFFFE0]  }
0x65f: {  	s16 =	sadd.s32 $0x4, s16;
	v12 =	vld [tilespmem:s17+$0xFFFFFFF0];
	v9 =	vadd.f32 v5, v9  }
0x660: {  	s13 =	sadd.s32 $0x40, s13;
	s15 =	sadd.s32 $0x40, s15;
	p1 =	slt.u32 s16, $0x7C;
	v13 =	vld [tilespmem:s17+$0x0];
	v14 =	vadd.f32 v10, v6  }
.Ltmp33:
0x661: {  	v5 =	vld [tilespmem:s15+$0xFFFFFFE0];
	[tilespmem:s14+$0xE800] =	vst v9;
	s14 =	sand.u32 $0x7C0, s13;
	v15 =	vadd.f32 v7, v3;
	(pc) =	sbr.rel @p1 .LBB2_64-.Ltmp33, $4  }
0x662: {  	v9 =	vld [tilespmem:s14+$0xE800];
	[tilespmem:s12+$0xFFFFFFE0] =	vst v14;
	v14 =	vadd.f32 v8, v4  }
0x663: {  	v10 =	vld [tilespmem:s15+$0xFFFFFFF0];
	[tilespmem:s12+$0xFFFFFFF0] =	vst v15;
	v6 =	vmov v11  }
0x664: {  	v7 =	vld [tilespmem:s15+$0x0];
	[tilespmem:s12+$0x0] =	vst v14;
	v3 =	vmov v12;
	s12 =	smov.u32 s17  }
0x665: {  	s17 =	sadd.s32 $0x40, s17;
	v8 =	vld [tilespmem:s15+$0x10];
	v4 =	vmov v13  }
0x666: {  	_ = 	snop  }
0x667: {  	v5 =	vadd.f32 v5, v9  }
0x668: {  	v6 =	vadd.f32 v10, v6  }
0x669: {  	[tilespmem:s14+$0xE800] =	vst v5;
	v3 =	vadd.f32 v7, v3  }
0x66a: {  	[tilespmem:s12+$0xFFFFFFE0] =	vst v6;
	v4 =	vadd.f32 v8, v4  }
0x66b: {  	[tilespmem:s12+$0xFFFFFFF0] =	vst v3  }
0x66c: {  	[tilespmem:s12+$0x0] =	vst v4  }
0x66d: {  	s12 =	sld [smem:$0x7A0];
	_ =	sdelay $0x2  }
0x66e: {  	[tilespmem:s18], [sflag:$0x5] =	stream.linear.gather [spmem:s12], $0x800, $0x38;
	[tilespmem:$0x1C880] =	vst v63  }
0x66f: {  	_ =	swait.ge [sflag:s11], $0x800  }
0x670: {  	[sflag:s11] =	ssyncset.done $0x0  }
0x671: {  	s12 =	simm.s32 $0xF030;
	[sflag:s11] =	ssyncadd.s32 $0xFFFFF800  }
0x672: {  	v6 =	vld [tilespmem:s12+$0xFFFFFFE0]  }
0x673: {  	v3 =	vld [tilespmem:s12+$0xFFFFFFF0]  }
0x674: {  	s13 =	simm.s32 $0x0;
	s15 =	simm.s32 $0x140A0;
	v4 =	vld [tilespmem:s12+$0x0]  }
0x675: {  	s14 =	sand.u32 $0x7C0, s13;
	v5 =	vld [tilespmem:s15+$0xFFFFFFE0]  }
0x676: {  	v9 =	vld [tilespmem:s14+$0xF000]  }
0x677: {  	v10 =	vld [tilespmem:s15+$0xFFFFFFF0]  }
0x678: {  	v7 =	vld [tilespmem:s15+$0x0]  }
0x679: {  	s16 =	simm.s32 $0x0;
	s17 =	simm.s32 $0xF070;
	v8 =	vld [tilespmem:s15+$0x10]  }
.LBB2_66:
0x67a: {  	v11 =	vld [tilespmem:s17+$0xFFFFFFE0]  }
0x67b: {  	s16 =	sadd.s32 $0x4, s16;
	v12 =	vld [tilespmem:s17+$0xFFFFFFF0];
	v9 =	vadd.f32 v5, v9  }
0x67c: {  	s13 =	sadd.s32 $0x40, s13;
	s15 =	sadd.s32 $0x40, s15;
	p1 =	slt.u32 s16, $0x7C;
	v13 =	vld [tilespmem:s17+$0x0];
	v14 =	vadd.f32 v10, v6  }
.Ltmp34:
0x67d: {  	v5 =	vld [tilespmem:s15+$0xFFFFFFE0];
	[tilespmem:s14+$0xF000] =	vst v9;
	s14 =	sand.u32 $0x7C0, s13;
	v15 =	vadd.f32 v7, v3;
	(pc) =	sbr.rel @p1 .LBB2_66-.Ltmp34, $4  }
0x67e: {  	v9 =	vld [tilespmem:s14+$0xF000];
	[tilespmem:s12+$0xFFFFFFE0] =	vst v14;
	v14 =	vadd.f32 v8, v4  }
0x67f: {  	v10 =	vld [tilespmem:s15+$0xFFFFFFF0];
	[tilespmem:s12+$0xFFFFFFF0] =	vst v15;
	v6 =	vmov v11  }
0x680: {  	v7 =	vld [tilespmem:s15+$0x0];
	[tilespmem:s12+$0x0] =	vst v14;
	v3 =	vmov v12;
	s12 =	smov.u32 s17  }
0x681: {  	s17 =	sadd.s32 $0x40, s17;
	v8 =	vld [tilespmem:s15+$0x10];
	v4 =	vmov v13  }
0x682: {  	_ = 	snop  }
0x683: {  	v5 =	vadd.f32 v5, v9  }
0x684: {  	v6 =	vadd.f32 v10, v6  }
0x685: {  	[tilespmem:s14+$0xF000] =	vst v5;
	v3 =	vadd.f32 v7, v3  }
0x686: {  	[tilespmem:s12+$0xFFFFFFE0] =	vst v6;
	v4 =	vadd.f32 v8, v4  }
0x687: {  	[tilespmem:s12+$0xFFFFFFF0] =	vst v3  }
0x688: {  	[tilespmem:s12+$0x0] =	vst v4  }
0x689: {  	s12 =	sld [smem:$0x7A1];
	_ =	sdelay $0x2  }
0x68a: {  	[tilespmem:s18], [sflag:$0x5] =	stream.linear.gather [spmem:s12], $0x800, $0x38;
	[tilespmem:$0x1C880] =	vst v63  }
0x68b: {  	_ =	swait.ge [sflag:s11], $0x800  }
0x68c: {  	[sflag:s11] =	ssyncset.done $0x0  }
0x68d: {  	s12 =	simm.s32 $0xF830;
	[sflag:s11] =	ssyncadd.s32 $0xFFFFF800  }
0x68e: {  	v6 =	vld [tilespmem:s12+$0xFFFFFFE0]  }
0x68f: {  	v3 =	vld [tilespmem:s12+$0xFFFFFFF0]  }
0x690: {  	s13 =	simm.s32 $0x0;
	s15 =	simm.s32 $0x140A0;
	v4 =	vld [tilespmem:s12+$0x0]  }
0x691: {  	s14 =	sand.u32 $0x7C0, s13;
	v5 =	vld [tilespmem:s15+$0xFFFFFFE0]  }
0x692: {  	v9 =	vld [tilespmem:s14+$0xF800]  }
0x693: {  	v10 =	vld [tilespmem:s15+$0xFFFFFFF0]  }
0x694: {  	v7 =	vld [tilespmem:s15+$0x0]  }
0x695: {  	s16 =	simm.s32 $0x0;
	s17 =	simm.s32 $0xF870;
	v8 =	vld [tilespmem:s15+$0x10]  }
.LBB2_68:
0x696: {  	v11 =	vld [tilespmem:s17+$0xFFFFFFE0]  }
0x697: {  	s16 =	sadd.s32 $0x4, s16;
	v12 =	vld [tilespmem:s17+$0xFFFFFFF0];
	v9 =	vadd.f32 v5, v9  }
0x698: {  	s13 =	sadd.s32 $0x40, s13;
	s15 =	sadd.s32 $0x40, s15;
	p1 =	slt.u32 s16, $0x7C;
	v13 =	vld [tilespmem:s17+$0x0];
	v14 =	vadd.f32 v10, v6  }
.Ltmp35:
0x699: {  	v5 =	vld [tilespmem:s15+$0xFFFFFFE0];
	[tilespmem:s14+$0xF800] =	vst v9;
	s14 =	sand.u32 $0x7C0, s13;
	v15 =	vadd.f32 v7, v3;
	(pc) =	sbr.rel @p1 .LBB2_68-.Ltmp35, $4  }
0x69a: {  	v9 =	vld [tilespmem:s14+$0xF800];
	[tilespmem:s12+$0xFFFFFFE0] =	vst v14;
	v14 =	vadd.f32 v8, v4  }
0x69b: {  	v10 =	vld [tilespmem:s15+$0xFFFFFFF0];
	[tilespmem:s12+$0xFFFFFFF0] =	vst v15;
	v6 =	vmov v11  }
0x69c: {  	v7 =	vld [tilespmem:s15+$0x0];
	[tilespmem:s12+$0x0] =	vst v14;
	v3 =	vmov v12;
	s12 =	smov.u32 s17  }
0x69d: {  	s17 =	sadd.s32 $0x40, s17;
	v8 =	vld [tilespmem:s15+$0x10];
	v4 =	vmov v13  }
0x69e: {  	_ = 	snop  }
0x69f: {  	v5 =	vadd.f32 v5, v9  }
0x6a0: {  	v6 =	vadd.f32 v10, v6  }
0x6a1: {  	[tilespmem:s14+$0xF800] =	vst v5;
	v3 =	vadd.f32 v7, v3  }
0x6a2: {  	[tilespmem:s12+$0xFFFFFFE0] =	vst v6;
	v4 =	vadd.f32 v8, v4  }
0x6a3: {  	[tilespmem:s12+$0xFFFFFFF0] =	vst v3  }
0x6a4: {  	[tilespmem:s12+$0x0] =	vst v4  }
0x6a5: {  	s12 =	sld [smem:$0x7A2];
	_ =	sdelay $0x2  }
0x6a6: {  	[tilespmem:s18], [sflag:$0x5] =	stream.linear.gather [spmem:s12], $0x800, $0x38;
	[tilespmem:$0x1C880] =	vst v63  }
0x6a7: {  	_ =	swait.ge [sflag:s11], $0x800  }
0x6a8: {  	[sflag:s11] =	ssyncset.done $0x0  }
0x6a9: {  	s12 =	simm.s32 $0x10030;
	[sflag:s11] =	ssyncadd.s32 $0xFFFFF800  }
0x6aa: {  	v6 =	vld [tilespmem:s12+$0xFFFFFFE0]  }
0x6ab: {  	v3 =	vld [tilespmem:s12+$0xFFFFFFF0]  }
0x6ac: {  	s13 =	simm.s32 $0x0;
	s15 =	simm.s32 $0x140A0;
	v4 =	vld [tilespmem:s12+$0x0]  }
0x6ad: {  	s14 =	sand.u32 $0x7C0, s13;
	v5 =	vld [tilespmem:s15+$0xFFFFFFE0]  }
0x6ae: {  	v9 =	vld [tilespmem:s14+$0x10000]  }
0x6af: {  	v10 =	vld [tilespmem:s15+$0xFFFFFFF0]  }
0x6b0: {  	v7 =	vld [tilespmem:s15+$0x0]  }
0x6b1: {  	s16 =	simm.s32 $0x0;
	s17 =	simm.s32 $0x10070;
	v8 =	vld [tilespmem:s15+$0x10]  }
.LBB2_70:
0x6b2: {  	v11 =	vld [tilespmem:s17+$0xFFFFFFE0]  }
0x6b3: {  	s16 =	sadd.s32 $0x4, s16;
	v12 =	vld [tilespmem:s17+$0xFFFFFFF0];
	v9 =	vadd.f32 v5, v9  }
0x6b4: {  	s13 =	sadd.s32 $0x40, s13;
	s15 =	sadd.s32 $0x40, s15;
	p1 =	slt.u32 s16, $0x7C;
	v13 =	vld [tilespmem:s17+$0x0];
	v14 =	vadd.f32 v10, v6  }
.Ltmp36:
0x6b5: {  	v5 =	vld [tilespmem:s15+$0xFFFFFFE0];
	[tilespmem:s14+$0x10000] =	vst v9;
	s14 =	sand.u32 $0x7C0, s13;
	v15 =	vadd.f32 v7, v3;
	(pc) =	sbr.rel @p1 .LBB2_70-.Ltmp36, $4  }
0x6b6: {  	v9 =	vld [tilespmem:s14+$0x10000];
	[tilespmem:s12+$0xFFFFFFE0] =	vst v14;
	v14 =	vadd.f32 v8, v4  }
0x6b7: {  	v10 =	vld [tilespmem:s15+$0xFFFFFFF0];
	[tilespmem:s12+$0xFFFFFFF0] =	vst v15;
	v6 =	vmov v11  }
0x6b8: {  	v7 =	vld [tilespmem:s15+$0x0];
	[tilespmem:s12+$0x0] =	vst v14;
	v3 =	vmov v12;
	s12 =	smov.u32 s17  }
0x6b9: {  	s17 =	sadd.s32 $0x40, s17;
	v8 =	vld [tilespmem:s15+$0x10];
	v4 =	vmov v13  }
0x6ba: {  	_ = 	snop  }
0x6bb: {  	v5 =	vadd.f32 v5, v9  }
0x6bc: {  	v6 =	vadd.f32 v10, v6  }
0x6bd: {  	[tilespmem:s14+$0x10000] =	vst v5;
	v3 =	vadd.f32 v7, v3  }
0x6be: {  	[tilespmem:s12+$0xFFFFFFE0] =	vst v6;
	v4 =	vadd.f32 v8, v4  }
0x6bf: {  	[tilespmem:s12+$0xFFFFFFF0] =	vst v3  }
0x6c0: {  	[tilespmem:s12+$0x0] =	vst v4  }
0x6c1: {  	s12 =	sld [smem:$0x7A3];
	_ =	sdelay $0x2  }
0x6c2: {  	[tilespmem:s18], [sflag:$0x5] =	stream.linear.gather [spmem:s12], $0x800, $0x38;
	[tilespmem:$0x1C880] =	vst v63  }
0x6c3: {  	_ =	swait.ge [sflag:s11], $0x800  }
0x6c4: {  	[sflag:s11] =	ssyncset.done $0x0  }
0x6c5: {  	s12 =	simm.s32 $0x10830;
	[sflag:s11] =	ssyncadd.s32 $0xFFFFF800  }
0x6c6: {  	v6 =	vld [tilespmem:s12+$0xFFFFFFE0]  }
0x6c7: {  	v3 =	vld [tilespmem:s12+$0xFFFFFFF0]  }
0x6c8: {  	s13 =	simm.s32 $0x0;
	s15 =	simm.s32 $0x140A0;
	v4 =	vld [tilespmem:s12+$0x0]  }
0x6c9: {  	s14 =	sand.u32 $0x7C0, s13;
	v5 =	vld [tilespmem:s15+$0xFFFFFFE0]  }
0x6ca: {  	v9 =	vld [tilespmem:s14+$0x10800]  }
0x6cb: {  	v10 =	vld [tilespmem:s15+$0xFFFFFFF0]  }
0x6cc: {  	v7 =	vld [tilespmem:s15+$0x0]  }
0x6cd: {  	s16 =	simm.s32 $0x0;
	s17 =	simm.s32 $0x10870;
	v8 =	vld [tilespmem:s15+$0x10]  }
.LBB2_72:
0x6ce: {  	v11 =	vld [tilespmem:s17+$0xFFFFFFE0]  }
0x6cf: {  	s16 =	sadd.s32 $0x4, s16;
	v12 =	vld [tilespmem:s17+$0xFFFFFFF0];
	v9 =	vadd.f32 v5, v9  }
0x6d0: {  	s13 =	sadd.s32 $0x40, s13;
	s15 =	sadd.s32 $0x40, s15;
	p1 =	slt.u32 s16, $0x7C;
	v13 =	vld [tilespmem:s17+$0x0];
	v14 =	vadd.f32 v10, v6  }
.Ltmp37:
0x6d1: {  	v5 =	vld [tilespmem:s15+$0xFFFFFFE0];
	[tilespmem:s14+$0x10800] =	vst v9;
	s14 =	sand.u32 $0x7C0, s13;
	v15 =	vadd.f32 v7, v3;
	(pc) =	sbr.rel @p1 .LBB2_72-.Ltmp37, $4  }
0x6d2: {  	v9 =	vld [tilespmem:s14+$0x10800];
	[tilespmem:s12+$0xFFFFFFE0] =	vst v14;
	v14 =	vadd.f32 v8, v4  }
0x6d3: {  	v10 =	vld [tilespmem:s15+$0xFFFFFFF0];
	[tilespmem:s12+$0xFFFFFFF0] =	vst v15;
	v6 =	vmov v11  }
0x6d4: {  	v7 =	vld [tilespmem:s15+$0x0];
	[tilespmem:s12+$0x0] =	vst v14;
	v3 =	vmov v12;
	s12 =	smov.u32 s17  }
0x6d5: {  	s17 =	sadd.s32 $0x40, s17;
	v8 =	vld [tilespmem:s15+$0x10];
	v4 =	vmov v13  }
0x6d6: {  	_ = 	snop  }
0x6d7: {  	v5 =	vadd.f32 v5, v9  }
0x6d8: {  	v6 =	vadd.f32 v10, v6  }
0x6d9: {  	[tilespmem:s14+$0x10800] =	vst v5;
	v3 =	vadd.f32 v7, v3  }
0x6da: {  	[tilespmem:s12+$0xFFFFFFE0] =	vst v6;
	v4 =	vadd.f32 v8, v4  }
0x6db: {  	[tilespmem:s12+$0xFFFFFFF0] =	vst v3  }
0x6dc: {  	[tilespmem:s12+$0x0] =	vst v4  }
0x6dd: {  	s12 =	sld [smem:$0x7A4];
	_ =	sdelay $0x2  }
0x6de: {  	[tilespmem:s18], [sflag:$0x5] =	stream.linear.gather [spmem:s12], $0x800, $0x38;
	[tilespmem:$0x1C880] =	vst v63  }
0x6df: {  	_ =	swait.ge [sflag:s11], $0x800  }
0x6e0: {  	[sflag:s11] =	ssyncset.done $0x0  }
0x6e1: {  	s12 =	simm.s32 $0x11030;
	[sflag:s11] =	ssyncadd.s32 $0xFFFFF800  }
0x6e2: {  	v6 =	vld [tilespmem:s12+$0xFFFFFFE0]  }
0x6e3: {  	v3 =	vld [tilespmem:s12+$0xFFFFFFF0]  }
0x6e4: {  	s13 =	simm.s32 $0x0;
	s15 =	simm.s32 $0x140A0;
	v4 =	vld [tilespmem:s12+$0x0]  }
0x6e5: {  	s14 =	sand.u32 $0x7C0, s13;
	v5 =	vld [tilespmem:s15+$0xFFFFFFE0]  }
0x6e6: {  	v9 =	vld [tilespmem:s14+$0x11000]  }
0x6e7: {  	v10 =	vld [tilespmem:s15+$0xFFFFFFF0]  }
0x6e8: {  	v7 =	vld [tilespmem:s15+$0x0]  }
0x6e9: {  	s16 =	simm.s32 $0x0;
	s17 =	simm.s32 $0x11070;
	v8 =	vld [tilespmem:s15+$0x10]  }
.LBB2_74:
0x6ea: {  	v11 =	vld [tilespmem:s17+$0xFFFFFFE0]  }
0x6eb: {  	s16 =	sadd.s32 $0x4, s16;
	v12 =	vld [tilespmem:s17+$0xFFFFFFF0];
	v9 =	vadd.f32 v5, v9  }
0x6ec: {  	s13 =	sadd.s32 $0x40, s13;
	s15 =	sadd.s32 $0x40, s15;
	p1 =	slt.u32 s16, $0x7C;
	v13 =	vld [tilespmem:s17+$0x0];
	v14 =	vadd.f32 v10, v6  }
.Ltmp38:
0x6ed: {  	v5 =	vld [tilespmem:s15+$0xFFFFFFE0];
	[tilespmem:s14+$0x11000] =	vst v9;
	s14 =	sand.u32 $0x7C0, s13;
	v15 =	vadd.f32 v7, v3;
	(pc) =	sbr.rel @p1 .LBB2_74-.Ltmp38, $4  }
0x6ee: {  	v9 =	vld [tilespmem:s14+$0x11000];
	[tilespmem:s12+$0xFFFFFFE0] =	vst v14;
	v14 =	vadd.f32 v8, v4  }
0x6ef: {  	v10 =	vld [tilespmem:s15+$0xFFFFFFF0];
	[tilespmem:s12+$0xFFFFFFF0] =	vst v15;
	v6 =	vmov v11  }
0x6f0: {  	v7 =	vld [tilespmem:s15+$0x0];
	[tilespmem:s12+$0x0] =	vst v14;
	v3 =	vmov v12;
	s12 =	smov.u32 s17  }
0x6f1: {  	s17 =	sadd.s32 $0x40, s17;
	v8 =	vld [tilespmem:s15+$0x10];
	v4 =	vmov v13  }
0x6f2: {  	_ = 	snop  }
0x6f3: {  	v5 =	vadd.f32 v5, v9  }
0x6f4: {  	v6 =	vadd.f32 v10, v6  }
0x6f5: {  	[tilespmem:s14+$0x11000] =	vst v5;
	v3 =	vadd.f32 v7, v3  }
0x6f6: {  	[tilespmem:s12+$0xFFFFFFE0] =	vst v6;
	v4 =	vadd.f32 v8, v4  }
0x6f7: {  	[tilespmem:s12+$0xFFFFFFF0] =	vst v3  }
0x6f8: {  	[tilespmem:s12+$0x0] =	vst v4  }
0x6f9: {  	s12 =	sld [smem:$0x7A5];
	_ =	sdelay $0x2  }
0x6fa: {  	[tilespmem:s18], [sflag:$0x5] =	stream.linear.gather [spmem:s12], $0x800, $0x38;
	[tilespmem:$0x1C880] =	vst v63  }
0x6fb: {  	_ =	swait.ge [sflag:s11], $0x800  }
0x6fc: {  	[sflag:s11] =	ssyncset.done $0x0  }
0x6fd: {  	s12 =	simm.s32 $0x11830;
	[sflag:s11] =	ssyncadd.s32 $0xFFFFF800  }
0x6fe: {  	v6 =	vld [tilespmem:s12+$0xFFFFFFE0]  }
0x6ff: {  	v3 =	vld [tilespmem:s12+$0xFFFFFFF0]  }
0x700: {  	s13 =	simm.s32 $0x0;
	s15 =	simm.s32 $0x140A0;
	v4 =	vld [tilespmem:s12+$0x0]  }
0x701: {  	s14 =	sand.u32 $0x7C0, s13;
	v5 =	vld [tilespmem:s15+$0xFFFFFFE0]  }
0x702: {  	v9 =	vld [tilespmem:s14+$0x11800]  }
0x703: {  	v10 =	vld [tilespmem:s15+$0xFFFFFFF0]  }
0x704: {  	v7 =	vld [tilespmem:s15+$0x0]  }
0x705: {  	s16 =	simm.s32 $0x0;
	s17 =	simm.s32 $0x11870;
	v8 =	vld [tilespmem:s15+$0x10]  }
.LBB2_76:
0x706: {  	v11 =	vld [tilespmem:s17+$0xFFFFFFE0]  }
0x707: {  	s16 =	sadd.s32 $0x4, s16;
	v12 =	vld [tilespmem:s17+$0xFFFFFFF0];
	v9 =	vadd.f32 v5, v9  }
0x708: {  	s13 =	sadd.s32 $0x40, s13;
	s15 =	sadd.s32 $0x40, s15;
	p1 =	slt.u32 s16, $0x7C;
	v13 =	vld [tilespmem:s17+$0x0];
	v14 =	vadd.f32 v10, v6  }
.Ltmp39:
0x709: {  	v5 =	vld [tilespmem:s15+$0xFFFFFFE0];
	[tilespmem:s14+$0x11800] =	vst v9;
	s14 =	sand.u32 $0x7C0, s13;
	v15 =	vadd.f32 v7, v3;
	(pc) =	sbr.rel @p1 .LBB2_76-.Ltmp39, $4  }
0x70a: {  	v9 =	vld [tilespmem:s14+$0x11800];
	[tilespmem:s12+$0xFFFFFFE0] =	vst v14;
	v14 =	vadd.f32 v8, v4  }
0x70b: {  	v10 =	vld [tilespmem:s15+$0xFFFFFFF0];
	[tilespmem:s12+$0xFFFFFFF0] =	vst v15;
	v6 =	vmov v11  }
0x70c: {  	v7 =	vld [tilespmem:s15+$0x0];
	[tilespmem:s12+$0x0] =	vst v14;
	v3 =	vmov v12;
	s12 =	smov.u32 s17  }
0x70d: {  	s17 =	sadd.s32 $0x40, s17;
	v8 =	vld [tilespmem:s15+$0x10];
	v4 =	vmov v13  }
0x70e: {  	_ = 	snop  }
0x70f: {  	v5 =	vadd.f32 v5, v9  }
0x710: {  	v6 =	vadd.f32 v10, v6  }
0x711: {  	[tilespmem:s14+$0x11800] =	vst v5;
	v3 =	vadd.f32 v7, v3  }
0x712: {  	[tilespmem:s12+$0xFFFFFFE0] =	vst v6;
	v4 =	vadd.f32 v8, v4  }
0x713: {  	[tilespmem:s12+$0xFFFFFFF0] =	vst v3  }
0x714: {  	[tilespmem:s12+$0x0] =	vst v4  }
0x715: {  	s12 =	sld [smem:$0x7A6];
	_ =	sdelay $0x2  }
0x716: {  	[tilespmem:s18], [sflag:$0x5] =	stream.linear.gather [spmem:s12], $0x800, $0x38;
	[tilespmem:$0x1C880] =	vst v63  }
0x717: {  	_ =	swait.ge [sflag:s11], $0x800  }
0x718: {  	[sflag:s11] =	ssyncset.done $0x0  }
0x719: {  	s12 =	simm.s32 $0x12030;
	[sflag:s11] =	ssyncadd.s32 $0xFFFFF800  }
0x71a: {  	v6 =	vld [tilespmem:s12+$0xFFFFFFE0]  }
0x71b: {  	v3 =	vld [tilespmem:s12+$0xFFFFFFF0]  }
0x71c: {  	s13 =	simm.s32 $0x0;
	s15 =	simm.s32 $0x140A0;
	v4 =	vld [tilespmem:s12+$0x0]  }
0x71d: {  	s14 =	sand.u32 $0x7C0, s13;
	v5 =	vld [tilespmem:s15+$0xFFFFFFE0]  }
0x71e: {  	v9 =	vld [tilespmem:s14+$0x12000]  }
0x71f: {  	v10 =	vld [tilespmem:s15+$0xFFFFFFF0]  }
0x720: {  	v7 =	vld [tilespmem:s15+$0x0]  }
0x721: {  	s16 =	simm.s32 $0x0;
	s17 =	simm.s32 $0x12070;
	v8 =	vld [tilespmem:s15+$0x10]  }
.LBB2_78:
0x722: {  	v11 =	vld [tilespmem:s17+$0xFFFFFFE0]  }
0x723: {  	s16 =	sadd.s32 $0x4, s16;
	v12 =	vld [tilespmem:s17+$0xFFFFFFF0];
	v9 =	vadd.f32 v5, v9  }
0x724: {  	s13 =	sadd.s32 $0x40, s13;
	s15 =	sadd.s32 $0x40, s15;
	p1 =	slt.u32 s16, $0x7C;
	v13 =	vld [tilespmem:s17+$0x0];
	v14 =	vadd.f32 v10, v6  }
.Ltmp40:
0x725: {  	v5 =	vld [tilespmem:s15+$0xFFFFFFE0];
	[tilespmem:s14+$0x12000] =	vst v9;
	s14 =	sand.u32 $0x7C0, s13;
	v15 =	vadd.f32 v7, v3;
	(pc) =	sbr.rel @p1 .LBB2_78-.Ltmp40, $4  }
0x726: {  	v9 =	vld [tilespmem:s14+$0x12000];
	[tilespmem:s12+$0xFFFFFFE0] =	vst v14;
	v14 =	vadd.f32 v8, v4  }
0x727: {  	v10 =	vld [tilespmem:s15+$0xFFFFFFF0];
	[tilespmem:s12+$0xFFFFFFF0] =	vst v15;
	v6 =	vmov v11  }
0x728: {  	v7 =	vld [tilespmem:s15+$0x0];
	[tilespmem:s12+$0x0] =	vst v14;
	v3 =	vmov v12;
	s12 =	smov.u32 s17  }
0x729: {  	s17 =	sadd.s32 $0x40, s17;
	v8 =	vld [tilespmem:s15+$0x10];
	v4 =	vmov v13  }
0x72a: {  	_ = 	snop  }
0x72b: {  	v5 =	vadd.f32 v5, v9  }
0x72c: {  	v6 =	vadd.f32 v10, v6  }
0x72d: {  	[tilespmem:s14+$0x12000] =	vst v5;
	v3 =	vadd.f32 v7, v3  }
0x72e: {  	[tilespmem:s12+$0xFFFFFFE0] =	vst v6;
	v4 =	vadd.f32 v8, v4  }
0x72f: {  	[tilespmem:s12+$0xFFFFFFF0] =	vst v3  }
0x730: {  	[tilespmem:s12+$0x0] =	vst v4  }
0x731: {  	s12 =	sld [smem:$0x7A7];
	_ =	sdelay $0x2  }
0x732: {  	[tilespmem:s18], [sflag:$0x5] =	stream.linear.gather [spmem:s12], $0x800, $0x38;
	[tilespmem:$0x1C880] =	vst v63  }
0x733: {  	_ =	swait.ge [sflag:s11], $0x800  }
0x734: {  	[sflag:s11] =	ssyncset.done $0x0  }
0x735: {  	s12 =	simm.s32 $0x12830;
	[sflag:s11] =	ssyncadd.s32 $0xFFFFF800  }
0x736: {  	v6 =	vld [tilespmem:s12+$0xFFFFFFE0]  }
0x737: {  	v3 =	vld [tilespmem:s12+$0xFFFFFFF0]  }
0x738: {  	s13 =	simm.s32 $0x0;
	s15 =	simm.s32 $0x140A0;
	v4 =	vld [tilespmem:s12+$0x0]  }
0x739: {  	s14 =	sand.u32 $0x7C0, s13;
	v5 =	vld [tilespmem:s15+$0xFFFFFFE0]  }
0x73a: {  	v9 =	vld [tilespmem:s14+$0x12800]  }
0x73b: {  	v10 =	vld [tilespmem:s15+$0xFFFFFFF0]  }
0x73c: {  	v7 =	vld [tilespmem:s15+$0x0]  }
0x73d: {  	s16 =	simm.s32 $0x0;
	s17 =	simm.s32 $0x12870;
	v8 =	vld [tilespmem:s15+$0x10]  }
.LBB2_80:
0x73e: {  	v11 =	vld [tilespmem:s17+$0xFFFFFFE0]  }
0x73f: {  	s16 =	sadd.s32 $0x4, s16;
	v12 =	vld [tilespmem:s17+$0xFFFFFFF0];
	v9 =	vadd.f32 v5, v9  }
0x740: {  	s13 =	sadd.s32 $0x40, s13;
	s15 =	sadd.s32 $0x40, s15;
	p1 =	slt.u32 s16, $0x7C;
	v13 =	vld [tilespmem:s17+$0x0];
	v14 =	vadd.f32 v10, v6  }
.Ltmp41:
0x741: {  	v5 =	vld [tilespmem:s15+$0xFFFFFFE0];
	[tilespmem:s14+$0x12800] =	vst v9;
	s14 =	sand.u32 $0x7C0, s13;
	v15 =	vadd.f32 v7, v3;
	(pc) =	sbr.rel @p1 .LBB2_80-.Ltmp41, $4  }
0x742: {  	v9 =	vld [tilespmem:s14+$0x12800];
	[tilespmem:s12+$0xFFFFFFE0] =	vst v14;
	v14 =	vadd.f32 v8, v4  }
0x743: {  	v10 =	vld [tilespmem:s15+$0xFFFFFFF0];
	[tilespmem:s12+$0xFFFFFFF0] =	vst v15;
	v6 =	vmov v11  }
0x744: {  	v7 =	vld [tilespmem:s15+$0x0];
	[tilespmem:s12+$0x0] =	vst v14;
	v3 =	vmov v12;
	s12 =	smov.u32 s17  }
0x745: {  	s17 =	sadd.s32 $0x40, s17;
	v8 =	vld [tilespmem:s15+$0x10];
	v4 =	vmov v13  }
0x746: {  	_ = 	snop  }
0x747: {  	v5 =	vadd.f32 v5, v9  }
0x748: {  	v6 =	vadd.f32 v10, v6  }
0x749: {  	[tilespmem:s14+$0x12800] =	vst v5;
	v3 =	vadd.f32 v7, v3  }
0x74a: {  	[tilespmem:s12+$0xFFFFFFE0] =	vst v6;
	v4 =	vadd.f32 v8, v4  }
0x74b: {  	[tilespmem:s12+$0xFFFFFFF0] =	vst v3  }
0x74c: {  	[tilespmem:s12+$0x0] =	vst v4  }
0x74d: {  	s12 =	sld [smem:$0x7A8];
	_ =	sdelay $0x2  }
0x74e: {  	[tilespmem:s18], [sflag:$0x5] =	stream.linear.gather [spmem:s12], $0x800, $0x38;
	[tilespmem:$0x1C880] =	vst v63  }
0x74f: {  	_ =	swait.ge [sflag:s11], $0x800  }
0x750: {  	[sflag:s11] =	ssyncset.done $0x0  }
0x751: {  	s12 =	simm.s32 $0x13030;
	[sflag:s11] =	ssyncadd.s32 $0xFFFFF800  }
0x752: {  	v6 =	vld [tilespmem:s12+$0xFFFFFFE0]  }
0x753: {  	v3 =	vld [tilespmem:s12+$0xFFFFFFF0]  }
0x754: {  	s13 =	simm.s32 $0x0;
	s15 =	simm.s32 $0x140A0;
	v4 =	vld [tilespmem:s12+$0x0]  }
0x755: {  	s14 =	sand.u32 $0x7C0, s13;
	v5 =	vld [tilespmem:s15+$0xFFFFFFE0]  }
0x756: {  	v9 =	vld [tilespmem:s14+$0x13000]  }
0x757: {  	v10 =	vld [tilespmem:s15+$0xFFFFFFF0]  }
0x758: {  	v7 =	vld [tilespmem:s15+$0x0]  }
0x759: {  	s16 =	simm.s32 $0x0;
	s17 =	simm.s32 $0x13070;
	v8 =	vld [tilespmem:s15+$0x10]  }
.LBB2_82:
0x75a: {  	v11 =	vld [tilespmem:s17+$0xFFFFFFE0]  }
0x75b: {  	s16 =	sadd.s32 $0x4, s16;
	v12 =	vld [tilespmem:s17+$0xFFFFFFF0];
	v9 =	vadd.f32 v5, v9  }
0x75c: {  	s13 =	sadd.s32 $0x40, s13;
	s15 =	sadd.s32 $0x40, s15;
	p1 =	slt.u32 s16, $0x7C;
	v13 =	vld [tilespmem:s17+$0x0];
	v14 =	vadd.f32 v10, v6  }
.Ltmp42:
0x75d: {  	v5 =	vld [tilespmem:s15+$0xFFFFFFE0];
	[tilespmem:s14+$0x13000] =	vst v9;
	s14 =	sand.u32 $0x7C0, s13;
	v15 =	vadd.f32 v7, v3;
	(pc) =	sbr.rel @p1 .LBB2_82-.Ltmp42, $4  }
0x75e: {  	v9 =	vld [tilespmem:s14+$0x13000];
	[tilespmem:s12+$0xFFFFFFE0] =	vst v14;
	v14 =	vadd.f32 v8, v4  }
0x75f: {  	v10 =	vld [tilespmem:s15+$0xFFFFFFF0];
	[tilespmem:s12+$0xFFFFFFF0] =	vst v15;
	v6 =	vmov v11  }
0x760: {  	v7 =	vld [tilespmem:s15+$0x0];
	[tilespmem:s12+$0x0] =	vst v14;
	v3 =	vmov v12;
	s12 =	smov.u32 s17  }
0x761: {  	s17 =	sadd.s32 $0x40, s17;
	v8 =	vld [tilespmem:s15+$0x10];
	v4 =	vmov v13  }
0x762: {  	_ = 	snop  }
0x763: {  	v5 =	vadd.f32 v5, v9  }
0x764: {  	v6 =	vadd.f32 v10, v6  }
0x765: {  	[tilespmem:s14+$0x13000] =	vst v5;
	v3 =	vadd.f32 v7, v3  }
0x766: {  	[tilespmem:s12+$0xFFFFFFE0] =	vst v6;
	v4 =	vadd.f32 v8, v4  }
0x767: {  	[tilespmem:s12+$0xFFFFFFF0] =	vst v3  }
0x768: {  	[tilespmem:s12+$0x0] =	vst v4  }
0x769: {  	s12 =	sld [smem:$0x7A9];
	_ =	sdelay $0x2  }
0x76a: {  	[tilespmem:s18], [sflag:$0x5] =	stream.linear.gather [spmem:s12], $0x800, $0x38;
	[tilespmem:$0x1C880] =	vst v63  }
0x76b: {  	_ =	swait.ge [sflag:s11], $0x800  }
0x76c: {  	[sflag:s11] =	ssyncset.done $0x0  }
0x76d: {  	s12 =	simm.s32 $0x13830;
	[sflag:s11] =	ssyncadd.s32 $0xFFFFF800  }
0x76e: {  	v6 =	vld [tilespmem:s12+$0xFFFFFFE0]  }
0x76f: {  	v3 =	vld [tilespmem:s12+$0xFFFFFFF0]  }
0x770: {  	s13 =	simm.s32 $0x0;
	s15 =	simm.s32 $0x140A0;
	v4 =	vld [tilespmem:s12+$0x0]  }
0x771: {  	s14 =	sand.u32 $0x7C0, s13;
	v5 =	vld [tilespmem:s15+$0xFFFFFFE0]  }
0x772: {  	v9 =	vld [tilespmem:s14+$0x13800]  }
0x773: {  	v10 =	vld [tilespmem:s15+$0xFFFFFFF0]  }
0x774: {  	v7 =	vld [tilespmem:s15+$0x0]  }
0x775: {  	s16 =	simm.s32 $0x0;
	s17 =	simm.s32 $0x13870;
	s18 =	simm.s32 $0x0;
	v8 =	vld [tilespmem:s15+$0x10]  }
.LBB2_84:
0x776: {  	v11 =	vld [tilespmem:s17+$0xFFFFFFE0]  }
0x777: {  	s16 =	sadd.s32 $0x4, s16;
	v12 =	vld [tilespmem:s17+$0xFFFFFFF0];
	v9 =	vadd.f32 v5, v9  }
0x778: {  	s18 =	sadd.s32 $0x40, s18;
	s15 =	sadd.s32 $0x40, s15;
	p1 =	slt.u32 s16, $0x7C;
	v13 =	vld [tilespmem:s17+$0x0];
	v14 =	vadd.f32 v10, v6  }
.Ltmp43:
0x779: {  	v5 =	vld [tilespmem:s15+$0xFFFFFFE0];
	[tilespmem:s14+$0x13800] =	vst v9;
	s14 =	sand.u32 $0x7C0, s18;
	v15 =	vadd.f32 v7, v3;
	(pc) =	sbr.rel @p1 .LBB2_84-.Ltmp43, $4  }
0x77a: {  	v9 =	vld [tilespmem:s14+$0x13800];
	[tilespmem:s12+$0xFFFFFFE0] =	vst v14;
	v14 =	vadd.f32 v8, v4  }
0x77b: {  	v10 =	vld [tilespmem:s15+$0xFFFFFFF0];
	[tilespmem:s12+$0xFFFFFFF0] =	vst v15;
	v6 =	vmov v11  }
0x77c: {  	v7 =	vld [tilespmem:s15+$0x0];
	[tilespmem:s12+$0x0] =	vst v14;
	v3 =	vmov v12;
	s12 =	smov.u32 s17  }
0x77d: {  	s17 =	sadd.s32 $0x40, s17;
	v8 =	vld [tilespmem:s15+$0x10];
	v4 =	vmov v13  }
0x77e: {  	_ = 	snop  }
0x77f: {  	v5 =	vadd.f32 v5, v9  }
0x780: {  	v6 =	vadd.f32 v10, v6  }
0x781: {  	[tilespmem:s14+$0x13800] =	vst v5;
	v3 =	vadd.f32 v7, v3  }
0x782: {  	[tilespmem:s12+$0xFFFFFFE0] =	vst v6;
	v4 =	vadd.f32 v8, v4  }
0x783: {  	[tilespmem:s12+$0xFFFFFFF0] =	vst v3  }
0x784: {  	s29 =	sand.u32 $0x3FC0, s13;
	[tilespmem:s12+$0x0] =	vst v4  }
0x785: {  	v3 =	vld [tilespmem:s29+$0x8000]  }
0x786: {  	s12 =	simm.s32 $0x8030  }
0x787: {  	v5 =	vld [tilespmem:s12+$0xFFFFFFE0];
	_ =	sdelay $0x1  }
0x788: {  	v6 =	vimm.f32 $0.0e+00;
	v4 =	vld [tilespmem:s12+$0xFFFFFFF0]  }
0x789: {  	v6 =	vadd.f32 v3, v6  }
0x78a: {  	s13 =	simm.s32 $0x0;
	s14 =	simm.s32 $0x40;
	v3 =	vld [tilespmem:s12+$0x0]  }
.LBB2_86:
0x78b: {  	s15 =	sand.u32 $0x3FC0, s14;
	s13 =	sadd.s32 $0x4, s13;
	v5 =	vadd.f32 v5, v6  }
0x78c: {  	v6 =	vld [tilespmem:s15+$0x8000];
	p1 =	slt.u32 s13, $0x3FC  }
0x78d: {  	s12 =	sadd.s32 $0x40, s12;
	v4 =	vadd.f32 v4, v5  }
.Ltmp44:
0x78e: {  	v5 =	vld [tilespmem:s12+$0xFFFFFFE0];
	(pc) =	sbr.rel @p1 .LBB2_86-.Ltmp44, $4  }
0x78f: {  	v3 =	vadd.f32 v3, v4  }
0x790: {  	v4 =	vld [tilespmem:s12+$0xFFFFFFF0]  }
0x791: {  	v6 =	vadd.f32 v6, v3  }
0x792: {  	s14 =	sadd.s32 $0x40, s14;
	v3 =	vld [tilespmem:s12+$0x0]  }
0x793: {  	v5 =	vadd.f32 v5, v6;
	s12 =	simm.s32 $0x4000  }
0x794: {  	v7 =	vld [tilespmem:s12+$0x4000]  }
0x795: {  	v4 =	vadd.f32 v4, v5;
	v5 =	vld [tilespmem:s12+$0x0]  }
0x796: {  	v8 =	vld [tilespmem:s12+$0x4010]  }
0x797: {  	v3 =	vadd.f32 v3, v4;
	_ =	sdelay $0x1  }
0x798: {  	(xrf2) =	vadd.scan.msk.f32 $0xffff, v3;
	v3 =	vld [tilespmem:s12+$0x10]  }
0x799: {  	(xrf2) =	vadd.scan.msk.f32 $0xffff, v7;
	v5 =	vadd.f32 v7, v5  }
0x79a: {  	(xrf2) =	vadd.scan.msk.f32 $0xffff, v8  }
0x79b: {  	(xrf2) =	vadd.scan.msk.f32 $0xffff, v5;
	_ =	sdelay $0x1  }
0x79c: {  	s14 =	simm.s32 $0xC000;
	v9 =	vadd.f32 v8, v3  }
0x79d: {  	s29 =	simm.s32 $0x4020;
	v6 =	vld [tilespmem:s14+$0x4000]  }
0x79e: {  	v11 =	vld [tilespmem:s29+$0x4000];
	(xrf2) =	vadd.scan.msk.f32 $0xffff, v9  }
0x79f: {  	v13 =	vld [tilespmem:s29+$0x0]  }
0x7a0: {  	v15 =	vld [tilespmem:s29+$0x4010]  }
0x7a1: {  	v16 =	vld [tilespmem:s14+$0x0];
	v3, _, _ =	vpop (xrf2)  }
0x7a2: {  	v19 =	vld [tilespmem:s29+$0x10];
	v10, _, _ =	vpop (xrf2)  }
0x7a3: {  	v4 =	vimm.f32 $0.0e+00;
	v12, _, _ =	vpop (xrf2)  }
0x7a4: {  	v10 =	vadd.f32 v10, v4;
	v14, _, _ =	vpop (xrf2)  }
0x7a5: {  	v21 =	vadd.f32 v11, v13;
	(xrf2) =	vadd.scan.msk.f32 $0xffff, v11;
	v14 =	vadd.f32 v14, v4  }
0x7a6: {  	(xrf2) =	vadd.scan.msk.f32 $0xffff, v15;
	v3 =	vbroadcast v3, $0xF;
	v18 =	vperm.xlane v10, v2  }
0x7a7: {  	v6 =	vadd.f32 v6, v16;
	v24 =	vadd.f32 v15, v19;
	(xrf2) =	vadd.scan.msk.f32 $0xffff, v21;
	v17 =	vperm.xlane v14, v2  }
0x7a8: {  	s12 =	simm.s32 $0xC020;
	v22 =	vsub.f32 v3, v10;
	v12 =	vadd.f32 v12, v18;
	v20, _, _ =	vpop (xrf2)  }
0x7a9: {  	v10 =	vld [tilespmem:s12+$0x0];
	v14 =	vsub.f32 $2.621440000e+05, v14;
	v17 =	vadd.f32 v20, v17  }
0x7aa: {  	v18 =	vld [tilespmem:s12+$0x4000];
	v19 =	vadd.f32 v22, v7;
	v20 =	vsub.f32 v3, v12  }
0x7ab: {  	v23 =	vmax.f32 v5, $1.000000000e+00;
	v5 =	vadd.f32 v14, v5;
	v16 =	vsub.f32 $2.621440000e+05, v17  }
0x7ac: {  	(xrf2) =	vadd.scan.msk.f32 $0xffff, v24;
	v14 =	vadd.f32 v14, v3;
	v8 =	vadd.f32 v20, v8  }
0x7ad: {  	v32 =	vmax.f32 v24, $1.000000000e+00;
	v26 =	vadd.f32 v5, v3;
	v13 =	vadd.f32 v16, v9  }
0x7ae: {  	s13 =	simm.s32 $0x4040;
	v12 =	vperm.xlane v12, v2;
	v36 =	vsub.f32 v3, v20;
	v16 =	vadd.f32 v16, v3  }
0x7af: {  	v17 =	vperm.xlane v17, v2;
	v27, _, _ =	vpop (xrf2);
	v5 =	vadd.f32 v18, v10;
	v10 =	vld [tilespmem:s13+$0x4000];
	v25 =	vadd.f32 v13, v3  }
0x7b0: {  	v18, _, _ =	vpop (xrf2);
	v12 =	vadd.f32 v27, v12;
	v9 =	vmax.f32 v9, $1.000000000e+00;
	v16 =	vsub.f32 v16, v20  }
0x7b1: {  	(erf) = vrcp.f32 v9;
	v9 =	vsub.f32 v26, v19;
	v26, _, _ =	vpop (xrf2);
	v25 =	vsub.f32 v25, v8  }
0x7b2: {  	v17 =	vadd.f32 v26, v17;
	v26 =	vsub.f32 v3, v8;
	v8 =	vmax.f32 v16, $1.000000000e+00;
	v16 =	vld [tilespmem:s13+$0x0]  }
0x7b3: {  	v13 =	vsub.f32 v3, v19;
	v19 =	vmax.f32 v25, $1.000000000e+00;
	v25 =	vsub.f32 v14, v22;
	v14 =	vld [tilespmem:s13+$0x4010]  }
0x7b4: {  	v9 =	vmax.f32 v9, $1.000000000e+00;
	(xrf2) =	vadd.scan.msk.f32 $0xffff, v10;
	(erf) = vrcp.f32 v19;
	v19 =	vperm.xlane v12, v2  }
0x7b5: {  	v27 =	vld [tilespmem:s13+$0x10];
	v28 =	vsub.f32 $2.621440000e+05, v17;
	v17 =	vperm.xlane v17, v2;
	v22 =	vsub.f32 v3, v22  }
0x7b6: {  	v25 =	vmax.f32 v25, $1.000000000e+00;
	(erf) = vrcp.f32 v8;
	v19 =	vadd.f32 v18, v19;
	v18, _, _ =	vpop (xrf2)  }
0x7b7: {  	v12 =	vsub.f32 v3, v12;
	(erf) = vrcp.f32 v25;
	v30 =	vadd.f32 v18, v17  }
0x7b8: {  	s13 =	simm.s32 $0xC040;
	v29 =	vadd.f32 v28, v21;
	(erf) = vrcp.f32 v9;
	v17 =	vadd.f32 v10, v16;
	(xrf2) =	vadd.scan.msk.f32 $0xffff, v14  }
0x7b9: {  	v7 =	vmax.f32 v21, $1.000000000e+00;
	v33 =	vld [tilespmem:s13+$0x4000];
	v8 =	vsub.f32 v3, v19;
	v35 =	vsub.f32 $2.621440000e+05, v30  }
0x7ba: {  	v34 =	vld [tilespmem:s13+$0x0];
	v31 =	vadd.f32 v12, v11;
	v11 =	vpop (erf);
	v18 =	vadd.f32 v14, v27;
	(erf) = vrcp.f32 v23  }
0x7bb: {  	v37 =	vld [tilespmem:s14+$0x4010];
	v21 =	vperm.xlane v19, v2;
	(xrf2) =	vadd.scan.msk.f32 $0xffff, v17;
	v19 =	vadd.f32 v8, v15;
	v15 =	vadd.f32 v35, v24  }
0x7bc: {  	v38 =	vld [tilespmem:s14+$0x10];
	v25 =	vadd.f32 v28, v3;
	v16 =	vsub.f32 v3, v31;
	v9 =	vmax.f32 v17, $1.000000000e+00  }
0x7bd: {  	v23 =	vmax.f32 v18, $1.000000000e+00;
	v24 =	vperm.xlane v30, v2;
	v20 =	vpop (erf);
	v30 =	vadd.f32 v15, v3  }
0x7be: {  	v27, _, _ =	vpop (xrf2);
	v63 =	vadd.f32 v35, v3;
	v20 =	vmul.f32 v20, v26;
	v26 =	vadd.f32 v29, v3  }
0x7bf: {  	(xrf2) =	vadd.scan.msk.f32 $0xffff, v18;
	v15 =	vadd.f32 v33, v34;
	(erf) = vrcp.f32 v32;
	v29 =	vpop (erf);
	v30 =	vsub.f32 v30, v19  }
0x7c0: {  	v29 =	vmul.f32 v29, v36;
	v20 =	vsub.f32 $1.000000000e+00, v20;
	v28 =	vsub.f32 v26, v31;
	v31 =	vpop (erf)  }
0x7c1: {  	s15 =	simm.s32 $0xC060;
	s16 =	simm.s32 $0x4060;
	s14 =	simm.s32 $0x4;
	v26 =	vsub.f32 v63, v8;
	v31 =	vmul.f32 v31, v22;
	v22 =	vadd.f32 v37, v38;
	v32 =	vpop (erf)  }
.LBB2_88:
0x7c2: {  	v33 =	vld [tilespmem:s16+$0x4000];
	s14 =	sadd.s32 $0x2, s14;
	v34, _, _ =	vpop (xrf2);
	v25 =	vsub.f32 v25, v12;
	v30 =	vmax.f32 v30, $1.000000000e+00;
	v32 =	vmul.f32 v32, v13  }
0x7c3: {  	v27 =	vadd.f32 v27, v21;
	v28 =	vmax.f32 v28, $1.000000000e+00;
	v21 =	vadd.f32 $-1.000000000e+00, v29;
	v35 =	vld [tilespmem:s15+$0x4000];
	p1 =	slt.u32 s14, $0x3FE;
	v29 =	vpop (erf)  }
0x7c4: {  	v37 =	vsub.f32 v3, v19;
	v13 =	vmovc v16;
	v19 =	vadd.f32 $-1.000000000e+00, v31;
	v31 =	vmovc v23;
	v36 =	vld [tilespmem:s16+$0x4010];
	v25 =	vmax.f32 v25, $1.000000000e+00  }
0x7c5: {  	v39 =	vsub.f32 v3, v12;
	v16 =	vperm.xlane v27, v2;
	v12 =	vsub.f32 $1.000000000e+00, v32;
	v38 =	vld [tilespmem:s15+$0x0];
	v23, _, _ =	vpop (xrf2)  }
0x7c6: {  	v32 =	vld [tilespmem:s16+$0x10];
	v23 =	vadd.f32 v23, v24;
	v24 =	vmax.f32 v26, $1.000000000e+00;
	(erf) = vrcp.f32 v30  }
0x7c7: {  	v34 =	vadd.f32 v34, v16;
	v12 =	vadd.f32 v12, v19;
	(erf) = vrcp.f32 v24  }
0x7c8: {  	v20 =	vadd.f32 v20, v21;
	v19 =	vld [tilespmem:s16+$0x0];
	(xrf2) =	vadd.scan.msk.f32 $0xffff, v33;
	v24 =	vsub.f32 $2.621440000e+05, v23;
	v23 =	vperm.xlane v23, v2;
	v26 =	vpop (erf)  }
0x7c9: {  	v30 =	vsub.f32 v3, v34;
	v21 =	vperm.xlane v34, v2;
	v34 =	vmul.f32 v12, v6;
	v16, _, _ =	vpop (xrf2)  }
0x7ca: {  	v12 =	vsub.f32 v3, v27;
	v6 =	vmovc v5;
	v27 =	vadd.f32 v24, v17;
	v17 =	vmul.f32 v20, v22  }
0x7cb: {  	v5 =	vmovc v15;
	v20 =	vadd.f32 v16, v23;
	v22 =	vadd.f32 v36, v32;
	(erf) = vrcp.f32 v25  }
0x7cc: {  	v32 =	vadd.f32 v12, v10;
	v10 =	vmovc v33;
	(xrf2) =	vadd.scan.msk.f32 $0xffff, v36;
	(erf) = vrcp.f32 v28;
	v15 =	vmul.f32 v17, v11  }
0x7cd: {  	v23 =	vmul.f32 v34, v29;
	v28 =	vsub.f32 $2.621440000e+05, v20;
	v11 =	vmovc v26;
	v17 =	vadd.f32 v10, v19  }
0x7ce: {  	v26 =	vsub.f32 v3, v8;
	v8 =	vmovc v30;
	v16 =	vsub.f32 v3, v32;
	(erf) = vrcp.f32 v7;
	v7 =	vmovc v9  }
0x7cf: {  	v4 =	vadd.f32 v23, v4;
	v19 =	vadd.f32 v8, v14;
	v9 =	vmax.f32 v17, $1.000000000e+00;
	(xrf2) =	vadd.scan.msk.f32 $0xffff, v17;
	v33 =	vld [tilespmem:s12+$0x4010];
	v14 =	vpop (erf)  }
0x7d0: {  	v25 =	vadd.f32 v24, v3;
	v40 =	vadd.f32 v28, v18;
	v34 =	vld [tilespmem:s12+$0x10];
	v29 =	vmul.f32 v14, v37;
	v37 =	vpop (erf);
	s12 =	smov.u32 s13;
	s13 =	smov.u32 s15  }
.Ltmp45:
0x7d1: {  	v30 =	vadd.f32 v27, v3;
	v24 =	vperm.xlane v20, v2;
	v4 =	vadd.f32 v15, v4;
	v14 =	vmovc v36;
	(pc) =	sbr.rel @p1 .LBB2_88-.Ltmp45, $4  }
0x7d2: {  	v23 =	vmax.f32 v22, $1.000000000e+00;
	v36 =	vadd.f32 v40, v3;
	v27, _, _ =	vpop (xrf2);
	v20 =	vsub.f32 $1.000000000e+00, v29  }
0x7d3: {  	v15 =	vadd.f32 v35, v38;
	v35 =	vadd.f32 v28, v3;
	v18 =	vmovc v22;
	(xrf2) =	vadd.scan.msk.f32 $0xffff, v22;
	(erf) = vrcp.f32 v31  }
0x7d4: {  	v28 =	vsub.f32 v30, v32;
	v30 =	vsub.f32 v36, v19;
	v29 =	vmul.f32 v37, v26;
	v22 =	vpop (erf)  }
0x7d5: {  	s16 =	sadd.s32 $0x20, s16;
	s15 =	sadd.s32 $0x20, s15;
	v26 =	vsub.f32 v35, v8;
	v31 =	vmul.f32 v22, v39;
	v22 =	vadd.f32 v33, v34;
	v32 =	vpop (erf)  }
0x7d6: {  	_ =	sdelay $0x1  }
0x7d7: {  	v33, _, _ =	vpop (xrf2)  }
0x7d8: {  	v34, _, _ =	vpop (xrf2)  }
0x7d9: {  	v24 =	vadd.f32 v34, v24;
	_ =	sdelay $0x1  }
0x7da: {  	v21 =	vadd.f32 v27, v21;
	v59 =	vperm.xlane v24, v2  }
0x7db: {  	v25 =	vsub.f32 v25, v12;
	v60, _, _ =	vpop (xrf2)  }
0x7dc: {  	v13 =	vmul.f32 v32, v13;
	v61 =	vperm.xlane v21, v2;
	v27 =	vadd.f32 v60, v59  }
0x7dd: {  	v29 =	vadd.f32 $-1.000000000e+00, v29;
	v30 =	vmax.f32 v30, $1.000000000e+00;
	v31 =	vadd.f32 $-1.000000000e+00, v31  }
0x7de: {  	v28 =	vmax.f32 v28, $1.000000000e+00;
	v62 =	vadd.f32 v33, v61;
	v27 =	vsub.f32 $2.621440000e+05, v27  }
0x7df: {  	v26 =	vmax.f32 v26, $1.000000000e+00;
	v13 =	vsub.f32 $1.000000000e+00, v13;
	v21 =	vsub.f32 v3, v21  }
0x7e0: {  	(erf) = vrcp.f32 v30;
	v63 =	vsub.f32 v3, v62;
	v18 =	vadd.f32 v27, v18  }
0x7e1: {  	v25 =	vmax.f32 v25, $1.000000000e+00;
	v10 =	vadd.f32 v21, v10;
	v24 =	vsub.f32 $2.621440000e+05, v24  }
0x7e2: {  	(erf) = vrcp.f32 v26;
	v14 =	vadd.f32 v63, v14;
	v18 =	vadd.f32 v18, v3  }
0x7e3: {  	(erf) = vrcp.f32 v25;
	v17 =	vadd.f32 v24, v17;
	v32 =	vadd.f32 v27, v3  }
0x7e4: {  	(erf) = vrcp.f32 v28;
	v24 =	vadd.f32 v24, v3;
	v18 =	vsub.f32 v18, v14  }
0x7e5: {  	(erf) = vrcp.f32 v7;
	v33 =	vadd.f32 v17, v3;
	v34 =	vsub.f32 v32, v63  }
0x7e6: {  	(erf) = vrcp.f32 v23;
	v35 =	vsub.f32 v24, v21;
	v18 =	vmax.f32 v18, $1.000000000e+00  }
0x7e7: {  	v7 =	vsub.f32 v33, v10;
	v17 =	vmax.f32 v34, $1.000000000e+00;
	(erf) = vrcp.f32 v18  }
0x7e8: {  	v36 =	vpop (erf);
	v13 =	vadd.f32 v13, v31;
	v23 =	vmax.f32 v35, $1.000000000e+00;
	(erf) = vrcp.f32 v17  }
0x7e9: {  	v38 =	vld [tilespmem:s12+$0x4010];
	v37 =	vpop (erf);
	v7 =	vmax.f32 v7, $1.000000000e+00;
	(erf) = vrcp.f32 v23  }
0x7ea: {  	v41 =	vld [tilespmem:s12+$0x10];
	v20 =	vadd.f32 v20, v29;
	v6 =	vmul.f32 v13, v6;
	v39 =	vpop (erf);
	(erf) = vrcp.f32 v7  }
0x7eb: {  	v40 =	vpop (erf)  }
0x7ec: {  	v19 =	vsub.f32 v3, v19;
	v20 =	vmul.f32 v20, v22;
	v6 =	vmul.f32 v6, v36;
	v42 =	vpop (erf)  }
0x7ed: {  	v44 =	vsub.f32 v3, v12;
	v8 =	vsub.f32 v3, v8;
	v43 =	vpop (erf)  }
0x7ee: {  	v52 =	vsub.f32 v3, v21;
	v11 =	vmul.f32 v20, v11;
	v4 =	vadd.f32 v6, v4;
	v45 =	vpop (erf)  }
0x7ef: {  	v49 =	vadd.f32 v38, v41;
	v46 =	vmul.f32 v42, v44;
	v47 =	vmul.f32 v43, v16;
	v48 =	vpop (erf)  }
0x7f0: {  	v19 =	vmul.f32 v39, v19;
	v10 =	vsub.f32 v3, v10;
	v4 =	vadd.f32 v11, v4;
	v50 =	vpop (erf)  }
0x7f1: {  	v11 =	vadd.f32 $-1.000000000e+00, v46;
	v12 =	vsub.f32 $1.000000000e+00, v47;
	v7 =	vmul.f32 v40, v8;
	v51 =	vpop (erf)  }
0x7f2: {  	v19 =	vsub.f32 $1.000000000e+00, v19;
	v14 =	vsub.f32 v3, v14;
	(erf) = vrcp.f32 v9;
	v53 =	vpop (erf)  }
0x7f3: {  	v55 =	vld [tilespmem:s13+$0x4010];
	v11 =	vadd.f32 v12, v11;
	v7 =	vadd.f32 $-1.000000000e+00, v7;
	v54 =	vpop (erf)  }
0x7f4: {  	v56 =	vld [tilespmem:s13+$0x10];
	v3 =	vsub.f32 v3, v63;
	v9 =	vmul.f32 v53, v52;
	v10 =	vmul.f32 v54, v10  }
0x7f5: {  	v5 =	vmul.f32 v11, v5;
	v7 =	vadd.f32 v19, v7;
	v57 =	vmul.f32 v50, v14  }
0x7f6: {  	v3 =	vmul.f32 v51, v3;
	v9 =	vadd.f32 $-1.000000000e+00, v9;
	v10 =	vsub.f32 $1.000000000e+00, v10  }
0x7f7: {  	v5 =	vmul.f32 v5, v45;
	v58 =	vsub.f32 $1.000000000e+00, v57  }
0x7f8: {  	v7 =	vmul.f32 v7, v49;
	v3 =	vadd.f32 $-1.000000000e+00, v3;
	v59 =	vadd.f32 v10, v9  }
0x7f9: {  	v60 =	vadd.f32 v55, v56;
	v4 =	vadd.f32 v5, v4  }
0x7fa: {  	v7 =	vmul.f32 v7, v37;
	v3 =	vadd.f32 v58, v3;
	v61 =	vmul.f32 v59, v15  }
0x7fb: {  	v62 =	vpop (erf)  }
0x7fc: {  	v4 =	vadd.f32 v7, v4;
	v3 =	vmul.f32 v3, v60;
	v63 =	vmul.f32 v61, v62;
	_ =	sdelay $0x1  }
0x7fd: {  	v3 =	vmul.f32 v3, v48;
	v4 =	vadd.f32 v63, v4;
	_ =	sdelay $0x1  }
0x7fe: {  	v3 =	vadd.f32 v3, v4;
	_ =	sdelay $0x1  }
0x7ff: {  	(xrf2) =	vadd.scan.msk.f32 $0xffff, v3;
	_ =	sdelay $0x9  }
0x800: {  	v3, _, _ =	vpop (xrf2)  }
0x801: {  	v3 =	vbroadcast v3, $0xF;
	_ =	sdelay $0x1  }
.Ltmp46:
0x802: {  	s20 =	rddreg [dreg:$0x14];
	s29 =	simm.s32 $0x14000;
	[tilespmem:$0x14000] =	vst v3;
	(pc) =	sbr.rel .LBB2_90-.Ltmp46, $4  }
0x803: {  	[hbm4b:s20+s4] =	stream.linear.scatter [tilespmem:s29], [sflag:$0x5], $0x80, $0x38;
	[tilespmem:$0x1C880] =	vst v63  }
0x804: {  	_ =	swait.ge [sflag:s11], $0x80  }
0x805: {  	[sflag:s11] =	ssyncset.done $0x0  }
0x806: {  	s13 =	sld [smem:$0x793];
	[sflag:s11] =	ssyncadd.s32 $0xFFFFFF80  }
.LBB2_91:
0x807: {  	_ =	sfence.sel $0x180000  }
0x808: {  	[bflag:$0x0] =	sbarrier.arrive $0xFFFF  }
0x809: {  	_ =	strace $0x90000047  }
0x80a: {  	s0 =	stileid.u32;
	[bflag:$0x2] =	sbarrier.arrive $0xFFFF  }
0x80b: {  	p0 =	sne.s32 s0, $0x0;
	s0 =	rddreg [dreg:$0x4]  }
0x80c: {  	s0 =	sadd.s32 @!p0 $0x100000, s0  }
0x80d: {  	[sflag:s0] =	ssyncadd.tile.s32 @!p0 $0x1;
	_ =	shalt  }
.Lfunc_end2:
_tile_overlayer_lowered:
.L_overlay_start_2:
0x80e: {  	(tag) =	ssettag $0x2  }
0x80f: {  	s0 =	rddreg [dreg:$0x0];
	s2 =	stileid.u32  }
0x810: {  	s1 =	rddreg [dreg:$0x1];
	p0 =	sne.s32 s2, $0x0  }
0x811: {  	s3 =	rddreg [dreg:$0x2];
	[bflag:$0x3] =	sbarrier.arrive $0xFFFF;
	s2 =	simm.s32 @!p0 $0x1C05  }
0x812: {  	[timem:s3], [sflag:s2] =	dma.local @!p0 [hbm:s0], s1  }
0x813: {  	s0 =	simm.s32 @!p0 $0x5  }
0x814: {  	_ =	swait.ge @!p0 [sflag:s0], s1  }
0x815: {  	s1 =	ssub.s32 @!p0 $0x0, s1;
	[sflag:s0] =	ssyncset.done @!p0 $0x0  }
0x816: {  	[sflag:s0] =	ssyncadd.s32 @!p0 s1  }
0x817: {  	[bflag:$0x3] =	sbarrier.arrive $0xFFFF  }
0x818: {  	_ =	shalt  }

</sc_bundles>
